<compile_context>
chip_gen: v7x
topology: tpu7x:2x2x1
jax: 0.10.2.dev20260603
libtpu: 0.0.44.dev20260713+nightly
codegen_flags: <defaults>
</compile_context>

<pallas_src>
import functools

import jax
import jax.numpy as jnp
from jax import lax
from jax.experimental import pallas as pl
from jax.experimental.pallas import tpu as pltpu
from jax.experimental.pallas import tpu_sc as plsc

_SCALE = 3.1622776601683795

_NUM_WORKERS = 32
_CHUNK = 128
_ROWS_PER_IT = 8


def _emb_call(n_chunks, D, N):
    mesh = plsc.VectorSubcoreMesh(core_axis_name="c", subcore_axis_name="s")

    @functools.partial(
        pl.kernel,
        mesh=mesh,
        out_type=jax.ShapeDtypeStruct((N, D), jnp.float32),
        scratch_types=(
            [pltpu.VMEM((n_chunks, _CHUNK), jnp.int32)]
            + [pltpu.VMEM((_CHUNK, D), jnp.float32) for _ in range(4)]
            + [pltpu.SemaphoreType.DMA for _ in range(8)]
        ),
        compiler_params=pltpu.CompilerParams(use_tc_tiling_on_sc=False),
    )
    def emb(idx_hbm, table_hbm, out_hbm, idx_v,
            b0, b1, b2, b3, g0, g1, g2, g3, s0, s1, s2, s3):
        bufs = (b0, b1, b2, b3)
        gs = (g0, g1, g2, g3)
        ss = (s0, s1, s2, s3)
        wid = lax.axis_index("s") * 2 + lax.axis_index("c")
        crow = wid * n_chunks
        pltpu.sync_copy(idx_hbm.at[pl.ds(crow, n_chunks)], idx_v)

        def gather_start(j, b):
            pltpu.async_copy(table_hbm.at[idx_v.at[j]], bufs[b], gs[b])

        def gather_wait(j, b):
            pltpu.make_async_copy(table_hbm.at[idx_v.at[j]], bufs[b], gs[b]).wait()

        def store_start(j, b):
            pltpu.async_copy(bufs[b], out_hbm.at[pl.ds((crow + j) * _CHUNK, _CHUNK)], ss[b])

        def store_wait(b):
            pltpu.make_async_copy(bufs[b], out_hbm.at[pl.ds(crow * _CHUNK, _CHUNK)], ss[b]).wait()

        def scale(b):
            buf = bufs[b]

            def body(i, carry):
                r0 = i * _ROWS_PER_IT
                for rr in range(_ROWS_PER_IT):
                    for c in range(D // 16):
                        buf[r0 + rr, pl.ds(c * 16, 16)] = (
                            buf[r0 + rr, pl.ds(c * 16, 16)] * _SCALE)
                return carry

            lax.fori_loop(0, _CHUNK // _ROWS_PER_IT, body, 0)

        gather_start(0, 0)
        gather_start(1, 1)
        gather_start(2, 2)
        gather_wait(0, 0)
        scale(0)
        store_start(0, 0)
        gather_start(3, 3)
        gather_wait(1, 1)
        scale(1)
        store_start(1, 1)

        def step(jj, carry):
            j0 = 2 + jj * 4
            for t in range(4):
                j = j0 + t
                b = (2 + t) % 4
                bg = t % 4
                store_wait(bg)
                gather_start(j + 2, bg)
                gather_wait(j, b)
                scale(b)
                store_start(j, b)
            return carry

        lax.fori_loop(0, (n_chunks - 4) // 4, step, 0)

        gather_wait(n_chunks - 2, 2)
        scale(2)
        store_start(n_chunks - 2, 2)
        gather_wait(n_chunks - 1, 3)
        scale(3)
        store_start(n_chunks - 1, 3)
        for b in range(4):
            store_wait(b)

    return emb


def kernel(x, table):
    B, H = x.shape
    V, D = table.shape
    N = B * H
    assert N % (_NUM_WORKERS * _CHUNK) == 0 and D % 16 == 0
    n_chunks = N // (_NUM_WORKERS * _CHUNK)
    assert n_chunks % 4 == 0 and n_chunks >= 8
    idx = x.reshape(_NUM_WORKERS * n_chunks, _CHUNK).astype(jnp.int32)
    out = _emb_call(n_chunks, D, N)(idx, table)
    return out.reshape(B, H, D)

# --- scband reference (transcript-rebuilt; emitter-appended) ---
"""Pipeline reference for scband-embedding-layer-75514114998440 (READ-ONLY COPY).

The authoritative reference and input builder live on the scoring server;
editing this copy changes nothing except your own understanding.
"""

import jax, jax.numpy as jnp
import numpy as np

VOCAB = 1000000
EMBED_DIM = 64
BATCH = 4096
HIST = 200
# NOTE: the original module scales by sqrt of the GLOBAL d_model=10 (not the init arg),
# so the scale factor is sqrt(10.0) regardless of embedding dim.
SCALE = float(np.sqrt(10.0))

def setup_inputs(seed: int = 0) -> dict:
    key = jax.random.key(seed)
    k_idx, k_tab = jax.random.split(key)
    x = jax.random.randint(k_idx, (BATCH, HIST), 0, VOCAB, dtype=jnp.int64 if jax.config.jax_enable_x64 else jnp.int32)
    table = jax.random.normal(k_tab, (VOCAB, EMBED_DIM), dtype=jnp.float32) * 0.05
    return {"x": x, "table": table}

def reference(x, table):
    # embedding lookup
    emb = jnp.take(table, x, axis=0)  # [B, L, D]
    # scale by sqrt(global d_model=10)
    return emb * SCALE

if __name__ == "__main__":
    import jax
    _d = setup_inputs()
    print(jax.jit(kernel)(*tuple(_d.values())))

</pallas_src>

<mosaic_0001>
#map = affine_map<(d0, d1) -> (0, 0)>
module attributes {stable_mosaic.version = 14 : i64} {
  func.func @emb(%arg0: i32, %arg1: i32, %arg2: memref<6400x128xi32, #tpu.memory_space<hbm>>, %arg3: memref<1000000x64xf32, #tpu.memory_space<hbm>>, %arg4: memref<819200x64xf32, #tpu.memory_space<hbm>>, %arg5: memref<200x128xi32, #tpu.memory_space<vmem>>, %arg6: memref<128x64xf32, #tpu.memory_space<vmem>>, %arg7: memref<128x64xf32, #tpu.memory_space<vmem>>, %arg8: memref<128x64xf32, #tpu.memory_space<vmem>>, %arg9: memref<128x64xf32, #tpu.memory_space<vmem>>, %arg10: memref<!tpu.dma_semaphore, #tpu.memory_space<semaphore_mem>>, %arg11: memref<!tpu.dma_semaphore, #tpu.memory_space<semaphore_mem>>, %arg12: memref<!tpu.dma_semaphore, #tpu.memory_space<semaphore_mem>>, %arg13: memref<!tpu.dma_semaphore, #tpu.memory_space<semaphore_mem>>, %arg14: memref<!tpu.dma_semaphore, #tpu.memory_space<semaphore_mem>>, %arg15: memref<!tpu.dma_semaphore, #tpu.memory_space<semaphore_mem>>, %arg16: memref<!tpu.dma_semaphore, #tpu.memory_space<semaphore_mem>>, %arg17: memref<!tpu.dma_semaphore, #tpu.memory_space<semaphore_mem>>) attributes {dimension_semantics = [#tpu.dimension_semantics<core_parallel>, #tpu.dimension_semantics<subcore_parallel>], iteration_bounds = array<i64: 2, 16>, scalar_prefetch = 0 : i64, scratch_operands = 13 : i64, tpu.core_type = #tpu.core_type<sc_vector_subcore>, window_params = [{transform_indices = #map}, {transform_indices = #map}, {transform_indices = #map}]} {
    %mul3A = arith.constant 2 : i32
    %mul3A_0 = arith.muli %arg1, %mul3A : i32
    %add3A = arith.addi %mul3A_0, %arg0 : i32
    %mul3A_1 = arith.constant 200 : i32
    %mul3A_2 = arith.muli %add3A, %mul3A_1 : i32
    "tpu.region"() ({
      %run_scoped3A = tpu.sem_alloc : memref<!tpu.dma_semaphore, #tpu.memory_space<semaphore_mem>>
      %dma_start3A_142 = arith.constant 0 : i32
      %dma_start3A_143 = tpu.memref_slice %arg2[%mul3A_2, %dma_start3A_142] : memref<6400x128xi32, #tpu.memory_space<hbm>> -> memref<200x128xi32, #tpu.memory_space<hbm>>
      %dma_start3A_144 = arith.constant 0 : i32
      %dma_start3A_145 = tpu.memref_slice %arg2[%mul3A_2, %dma_start3A_144] : memref<6400x128xi32, #tpu.memory_space<hbm>> -> memref<200x128xi32, #tpu.memory_space<hbm>>
      tpu.enqueue_dma source(%dma_start3A_145 : memref<200x128xi32, #tpu.memory_space<hbm>>) target(%arg5 : memref<200x128xi32, #tpu.memory_space<vmem>>) target_semaphore(%run_scoped3A : memref<!tpu.dma_semaphore, #tpu.memory_space<semaphore_mem>>)
      %dma_wait3A_146 = arith.constant 0 : i32
      %dma_wait3A_147 = tpu.memref_slice %arg2[%mul3A_2, %dma_wait3A_146] : memref<6400x128xi32, #tpu.memory_space<hbm>> -> memref<200x128xi32, #tpu.memory_space<hbm>>
      %dma_wait3A_148 = arith.constant 0 : i32
      %dma_wait3A_149 = tpu.memref_slice %arg2[%mul3A_2, %dma_wait3A_148] : memref<6400x128xi32, #tpu.memory_space<hbm>> -> memref<200x128xi32, #tpu.memory_space<hbm>>
      tpu.wait_dma2 semaphore(%run_scoped3A : memref<!tpu.dma_semaphore, #tpu.memory_space<semaphore_mem>>) src(%dma_wait3A_149 : memref<200x128xi32, #tpu.memory_space<hbm>>) dst(%arg5 : memref<200x128xi32, #tpu.memory_space<vmem>>)
      tpu.yield
    }) : () -> ()
    %dma_start3A = arith.constant 0 : i32
    %dma_start3A_3 = arith.constant 0 : i32
    %dma_start3A_4 = tpu.memref_slice %arg5[%dma_start3A, %dma_start3A_3] : memref<200x128xi32, #tpu.memory_space<vmem>> -> memref<1x128xi32, #tpu.memory_space<vmem>>
    %dma_start3A_5 = tpu.memref_squeeze %dma_start3A_4 : memref<1x128xi32, #tpu.memory_space<vmem>> -> memref<128xi32, #tpu.memory_space<vmem>>
    %dma_start3A_6 = arith.constant 0 : i32
    %dma_start3A_7 = arith.constant 0 : i32
    %dma_start3A_8 = tpu.memref_slice %arg3[%dma_start3A_6, %dma_start3A_7] : memref<1000000x64xf32, #tpu.memory_space<hbm>> -> memref<1000000x64xf32, #tpu.memory_space<hbm>>
    tpu.enqueue_indirect_dma source(%dma_start3A_8 : memref<1000000x64xf32, #tpu.memory_space<hbm>>) target(%arg6 : memref<128x64xf32, #tpu.memory_space<vmem>>) offsets(%dma_start3A_5 : memref<128xi32, #tpu.memory_space<vmem>>) semaphore(%arg10 : memref<!tpu.dma_semaphore, #tpu.memory_space<semaphore_mem>>)
    %dma_start3A_9 = arith.constant 1 : i32
    %dma_start3A_10 = arith.constant 0 : i32
    %dma_start3A_11 = tpu.memref_slice %arg5[%dma_start3A_9, %dma_start3A_10] : memref<200x128xi32, #tpu.memory_space<vmem>> -> memref<1x128xi32, #tpu.memory_space<vmem>>
    %dma_start3A_12 = tpu.memref_squeeze %dma_start3A_11 : memref<1x128xi32, #tpu.memory_space<vmem>> -> memref<128xi32, #tpu.memory_space<vmem>>
    %dma_start3A_13 = arith.constant 0 : i32
    %dma_start3A_14 = arith.constant 0 : i32
    %dma_start3A_15 = tpu.memref_slice %arg3[%dma_start3A_13, %dma_start3A_14] : memref<1000000x64xf32, #tpu.memory_space<hbm>> -> memref<1000000x64xf32, #tpu.memory_space<hbm>>
    tpu.enqueue_indirect_dma source(%dma_start3A_15 : memref<1000000x64xf32, #tpu.memory_space<hbm>>) target(%arg7 : memref<128x64xf32, #tpu.memory_space<vmem>>) offsets(%dma_start3A_12 : memref<128xi32, #tpu.memory_space<vmem>>) semaphore(%arg11 : memref<!tpu.dma_semaphore, #tpu.memory_space<semaphore_mem>>)
    %dma_start3A_16 = arith.constant 2 : i32
    %dma_start3A_17 = arith.constant 0 : i32
    %dma_start3A_18 = tpu.memref_slice %arg5[%dma_start3A_16, %dma_start3A_17] : memref<200x128xi32, #tpu.memory_space<vmem>> -> memref<1x128xi32, #tpu.memory_space<vmem>>
    %dma_start3A_19 = tpu.memref_squeeze %dma_start3A_18 : memref<1x128xi32, #tpu.memory_space<vmem>> -> memref<128xi32, #tpu.memory_space<vmem>>
    %dma_start3A_20 = arith.constant 0 : i32
    %dma_start3A_21 = arith.constant 0 : i32
    %dma_start3A_22 = tpu.memref_slice %arg3[%dma_start3A_20, %dma_start3A_21] : memref<1000000x64xf32, #tpu.memory_space<hbm>> -> memref<1000000x64xf32, #tpu.memory_space<hbm>>
    tpu.enqueue_indirect_dma source(%dma_start3A_22 : memref<1000000x64xf32, #tpu.memory_space<hbm>>) target(%arg8 : memref<128x64xf32, #tpu.memory_space<vmem>>) offsets(%dma_start3A_19 : memref<128xi32, #tpu.memory_space<vmem>>) semaphore(%arg12 : memref<!tpu.dma_semaphore, #tpu.memory_space<semaphore_mem>>)
    %dma_wait3A = arith.constant 0 : i32
    %dma_wait3A_23 = arith.constant 0 : i32
    %dma_wait3A_24 = tpu.memref_slice %arg5[%dma_wait3A, %dma_wait3A_23] : memref<200x128xi32, #tpu.memory_space<vmem>> -> memref<1x128xi32, #tpu.memory_space<vmem>>
    %dma_wait3A_25 = tpu.memref_squeeze %dma_wait3A_24 : memref<1x128xi32, #tpu.memory_space<vmem>> -> memref<128xi32, #tpu.memory_space<vmem>>
    %dma_wait3A_26 = arith.constant 0 : i32
    %dma_wait3A_27 = arith.constant 0 : i32
    %dma_wait3A_28 = tpu.memref_slice %arg3[%dma_wait3A_26, %dma_wait3A_27] : memref<1000000x64xf32, #tpu.memory_space<hbm>> -> memref<1000000x64xf32, #tpu.memory_space<hbm>>
    tpu.wait_indirect_dma semaphore(%arg10 : memref<!tpu.dma_semaphore, #tpu.memory_space<semaphore_mem>>) src(%dma_wait3A_28 : memref<1000000x64xf32, #tpu.memory_space<hbm>>) dst(%arg6 : memref<128x64xf32, #tpu.memory_space<vmem>>)
    %scan3A = arith.constant 0 : i32
    %scan3A_29 = arith.constant 0 : i32
    %scan3A_30 = arith.constant 16 : i32
    %scan3A_31 = arith.addi %scan3A_29, %scan3A_30 : i32
    %scan3A_32 = arith.constant 1 : i32
    scf.for %scan3A_142 = %scan3A_29 to %scan3A_31 step %scan3A_32  : i32 {
      %mul3A_143 = arith.constant 8 : i32
      %mul3A_144 = arith.muli %scan3A_142, %mul3A_143 : i32
      %add3A_145 = arith.constant 0 : i32
      %add3A_146 = arith.addi %mul3A_144, %add3A_145 : i32
      %get3A = arith.index_cast %add3A_146 : i32 to index
      %get3A_147 = arith.constant 0 : index
      %get3A_148 = tpu.vector_load %arg6[%get3A, %get3A_147] {strides = array<i32>} : memref<128x64xf32, #tpu.memory_space<vmem>>, vector<1x16xf32>,
      %get3A_149 = vector.shape_cast %get3A_148 : vector<1x16xf32> to vector<16xf32>
      %mul3A_150 = arith.constant 3.1622777 : f32
      %mul3A_151 = vector.broadcast %mul3A_150 : f32 to vector<16xf32>
      %mul3A_152 = arith.mulf %get3A_149, %mul3A_151 : vector<16xf32>
      %add3A_153 = arith.constant 0 : i32
      %add3A_154 = arith.addi %mul3A_144, %add3A_153 : i32
      %swap3A = arith.index_cast %add3A_154 : i32 to index
      %swap3A_155 = arith.constant 0 : index
      %swap3A_156 = tpu.vector_load %arg6[%swap3A, %swap3A_155] {strides = array<i32>} : memref<128x64xf32, #tpu.memory_space<vmem>>, vector<1x16xf32>,
      %swap3A_157 = vector.shape_cast %swap3A_156 : vector<1x16xf32> to vector<16xf32>
      %swap3A_158 = vector.shape_cast %mul3A_152 : vector<16xf32> to vector<1x16xf32>
      tpu.vector_store %arg6[%swap3A, %swap3A_155], %swap3A_158 {strides = array<i32>} : memref<128x64xf32, #tpu.memory_space<vmem>>, vector<1x16xf32>,
      %add3A_159 = arith.constant 0 : i32
      %add3A_160 = arith.addi %mul3A_144, %add3A_159 : i32
      %get3A_161 = arith.index_cast %add3A_160 : i32 to index
      %get3A_162 = arith.constant 16 : index
      %get3A_163 = tpu.vector_load %arg6[%get3A_161, %get3A_162] {strides = array<i32>} : memref<128x64xf32, #tpu.memory_space<vmem>>, vector<1x16xf32>,
      %get3A_164 = vector.shape_cast %get3A_163 : vector<1x16xf32> to vector<16xf32>
      %mul3A_165 = arith.constant 3.1622777 : f32
      %mul3A_166 = vector.broadcast %mul3A_165 : f32 to vector<16xf32>
      %mul3A_167 = arith.mulf %get3A_164, %mul3A_166 : vector<16xf32>
      %add3A_168 = arith.constant 0 : i32
      %add3A_169 = arith.addi %mul3A_144, %add3A_168 : i32
      %swap3A_170 = arith.index_cast %add3A_169 : i32 to index
      %swap3A_171 = arith.constant 16 : index
      %swap3A_172 = tpu.vector_load %arg6[%swap3A_170, %swap3A_171] {strides = array<i32>} : memref<128x64xf32, #tpu.memory_space<vmem>>, vector<1x16xf32>,
      %swap3A_173 = vector.shape_cast %swap3A_172 : vector<1x16xf32> to vector<16xf32>
      %swap3A_174 = vector.shape_cast %mul3A_167 : vector<16xf32> to vector<1x16xf32>
      tpu.vector_store %arg6[%swap3A_170, %swap3A_171], %swap3A_174 {strides = array<i32>} : memref<128x64xf32, #tpu.memory_space<vmem>>, vector<1x16xf32>,
      %add3A_175 = arith.constant 0 : i32
      %add3A_176 = arith.addi %mul3A_144, %add3A_175 : i32
      %get3A_177 = arith.index_cast %add3A_176 : i32 to index
      %get3A_178 = arith.constant 32 : index
      %get3A_179 = tpu.vector_load %arg6[%get3A_177, %get3A_178] {strides = array<i32>} : memref<128x64xf32, #tpu.memory_space<vmem>>, vector<1x16xf32>,
      %get3A_180 = vector.shape_cast %get3A_179 : vector<1x16xf32> to vector<16xf32>
      %mul3A_181 = arith.constant 3.1622777 : f32
      %mul3A_182 = vector.broadcast %mul3A_181 : f32 to vector<16xf32>
      %mul3A_183 = arith.mulf %get3A_180, %mul3A_182 : vector<16xf32>
      %add3A_184 = arith.constant 0 : i32
      %add3A_185 = arith.addi %mul3A_144, %add3A_184 : i32
      %swap3A_186 = arith.index_cast %add3A_185 : i32 to index
      %swap3A_187 = arith.constant 32 : index
      %swap3A_188 = tpu.vector_load %arg6[%swap3A_186, %swap3A_187] {strides = array<i32>} : memref<128x64xf32, #tpu.memory_space<vmem>>, vector<1x16xf32>,
      %swap3A_189 = vector.shape_cast %swap3A_188 : vector<1x16xf32> to vector<16xf32>
      %swap3A_190 = vector.shape_cast %mul3A_183 : vector<16xf32> to vector<1x16xf32>
      tpu.vector_store %arg6[%swap3A_186, %swap3A_187], %swap3A_190 {strides = array<i32>} : memref<128x64xf32, #tpu.memory_space<vmem>>, vector<1x16xf32>,
      %add3A_191 = arith.constant 0 : i32
      %add3A_192 = arith.addi %mul3A_144, %add3A_191 : i32
      %get3A_193 = arith.index_cast %add3A_192 : i32 to index
      %get3A_194 = arith.constant 48 : index
      %get3A_195 = tpu.vector_load %arg6[%get3A_193, %get3A_194] {strides = array<i32>} : memref<128x64xf32, #tpu.memory_space<vmem>>, vector<1x16xf32>,
      %get3A_196 = vector.shape_cast %get3A_195 : vector<1x16xf32> to vector<16xf32>
      %mul3A_197 = arith.constant 3.1622777 : f32
      %mul3A_198 = vector.broadcast %mul3A_197 : f32 to vector<16xf32>
      %mul3A_199 = arith.mulf %get3A_196, %mul3A_198 : vector<16xf32>
      %add3A_200 = arith.constant 0 : i32
      %add3A_201 = arith.addi %mul3A_144, %add3A_200 : i32
      %swap3A_202 = arith.index_cast %add3A_201 : i32 to index
      %swap3A_203 = arith.constant 48 : index
      %swap3A_204 = tpu.vector_load %arg6[%swap3A_202, %swap3A_203] {strides = array<i32>} : memref<128x64xf32, #tpu.memory_space<vmem>>, vector<1x16xf32>,
      %swap3A_205 = vector.shape_cast %swap3A_204 : vector<1x16xf32> to vector<16xf32>
      %swap3A_206 = vector.shape_cast %mul3A_199 : vector<16xf32> to vector<1x16xf32>
      tpu.vector_store %arg6[%swap3A_202, %swap3A_203], %swap3A_206 {strides = array<i32>} : memref<128x64xf32, #tpu.memory_space<vmem>>, vector<1x16xf32>,
      %add3A_207 = arith.constant 1 : i32
      %add3A_208 = arith.addi %mul3A_144, %add3A_207 : i32
      %get3A_209 = arith.index_cast %add3A_208 : i32 to index
      %get3A_210 = arith.constant 0 : index
      %get3A_211 = tpu.vector_load %arg6[%get3A_209, %get3A_210] {strides = array<i32>} : memref<128x64xf32, #tpu.memory_space<vmem>>, vector<1x16xf32>,
      %get3A_212 = vector.shape_cast %get3A_211 : vector<1x16xf32> to vector<16xf32>
      %mul3A_213 = arith.constant 3.1622777 : f32
      %mul3A_214 = vector.broadcast %mul3A_213 : f32 to vector<16xf32>
      %mul3A_215 = arith.mulf %get3A_212, %mul3A_214 : vector<16xf32>
      %add3A_216 = arith.constant 1 : i32
      %add3A_217 = arith.addi %mul3A_144, %add3A_216 : i32
      %swap3A_218 = arith.index_cast %add3A_217 : i32 to index
      %swap3A_219 = arith.constant 0 : index
      %swap3A_220 = tpu.vector_load %arg6[%swap3A_218, %swap3A_219] {strides = array<i32>} : memref<128x64xf32, #tpu.memory_space<vmem>>, vector<1x16xf32>,
      %swap3A_221 = vector.shape_cast %swap3A_220 : vector<1x16xf32> to vector<16xf32>
      %swap3A_222 = vector.shape_cast %mul3A_215 : vector<16xf32> to vector<1x16xf32>
      tpu.vector_store %arg6[%swap3A_218, %swap3A_219], %swap3A_222 {strides = array<i32>} : memref<128x64xf32, #tpu.memory_space<vmem>>, vector<1x16xf32>,
      %add3A_223 = arith.constant 1 : i32
      %add3A_224 = arith.addi %mul3A_144, %add3A_223 : i32
      %get3A_225 = arith.index_cast %add3A_224 : i32 to index
      %get3A_226 = arith.constant 16 : index
      %get3A_227 = tpu.vector_load %arg6[%get3A_225, %get3A_226] {strides = array<i32>} : memref<128x64xf32, #tpu.memory_space<vmem>>, vector<1x16xf32>,
      %get3A_228 = vector.shape_cast %get3A_227 : vector<1x16xf32> to vector<16xf32>
      %mul3A_229 = arith.constant 3.1622777 : f32
      %mul3A_230 = vector.broadcast %mul3A_229 : f32 to vector<16xf32>
      %mul3A_231 = arith.mulf %get3A_228, %mul3A_230 : vector<16xf32>
      %add3A_232 = arith.constant 1 : i32
      %add3A_233 = arith.addi %mul3A_144, %add3A_232 : i32
      %swap3A_234 = arith.index_cast %add3A_233 : i32 to index
      %swap3A_235 = arith.constant 16 : index
      %swap3A_236 = tpu.vector_load %arg6[%swap3A_234, %swap3A_235] {strides = array<i32>} : memref<128x64xf32, #tpu.memory_space<vmem>>, vector<1x16xf32>,
      %swap3A_237 = vector.shape_cast %swap3A_236 : vector<1x16xf32> to vector<16xf32>
      %swap3A_238 = vector.shape_cast %mul3A_231 : vector<16xf32> to vector<1x16xf32>
      tpu.vector_store %arg6[%swap3A_234, %swap3A_235], %swap3A_238 {strides = array<i32>} : memref<128x64xf32, #tpu.memory_space<vmem>>, vector<1x16xf32>,
      %add3A_239 = arith.constant 1 : i32
      %add3A_240 = arith.addi %mul3A_144, %add3A_239 : i32
      %get3A_241 = arith.index_cast %add3A_240 : i32 to index
      %get3A_242 = arith.constant 32 : index
      %get3A_243 = tpu.vector_load %arg6[%get3A_241, %get3A_242] {strides = array<i32>} : memref<128x64xf32, #tpu.memory_space<vmem>>, vector<1x16xf32>,
      %get3A_244 = vector.shape_cast %get3A_243 : vector<1x16xf32> to vector<16xf32>
      %mul3A_245 = arith.constant 3.1622777 : f32
      %mul3A_246 = vector.broadcast %mul3A_245 : f32 to vector<16xf32>
      %mul3A_247 = arith.mulf %get3A_244, %mul3A_246 : vector<16xf32>
      %add3A_248 = arith.constant 1 : i32
      %add3A_249 = arith.addi %mul3A_144, %add3A_248 : i32
      %swap3A_250 = arith.index_cast %add3A_249 : i32 to index
      %swap3A_251 = arith.constant 32 : index
      %swap3A_252 = tpu.vector_load %arg6[%swap3A_250, %swap3A_251] {strides = array<i32>} : memref<128x64xf32, #tpu.memory_space<vmem>>, vector<1x16xf32>,
      %swap3A_253 = vector.shape_cast %swap3A_252 : vector<1x16xf32> to vector<16xf32>
      %swap3A_254 = vector.shape_cast %mul3A_247 : vector<16xf32> to vector<1x16xf32>
      tpu.vector_store %arg6[%swap3A_250, %swap3A_251], %swap3A_254 {strides = array<i32>} : memref<128x64xf32, #tpu.memory_space<vmem>>, vector<1x16xf32>,
      %add3A_255 = arith.constant 1 : i32
      %add3A_256 = arith.addi %mul3A_144, %add3A_255 : i32
      %get3A_257 = arith.index_cast %add3A_256 : i32 to index
      %get3A_258 = arith.constant 48 : index
      %get3A_259 = tpu.vector_load %arg6[%get3A_257, %get3A_258] {strides = array<i32>} : memref<128x64xf32, #tpu.memory_space<vmem>>, vector<1x16xf32>,
      %get3A_260 = vector.shape_cast %get3A_259 : vector<1x16xf32> to vector<16xf32>
      %mul3A_261 = arith.constant 3.1622777 : f32
      %mul3A_262 = vector.broadcast %mul3A_261 : f32 to vector<16xf32>
      %mul3A_263 = arith.mulf %get3A_260, %mul3A_262 : vector<16xf32>
      %add3A_264 = arith.constant 1 : i32
      %add3A_265 = arith.addi %mul3A_144, %add3A_264 : i32
      %swap3A_266 = arith.index_cast %add3A_265 : i32 to index
      %swap3A_267 = arith.constant 48 : index
      %swap3A_268 = tpu.vector_load %arg6[%swap3A_266, %swap3A_267] {strides = array<i32>} : memref<128x64xf32, #tpu.memory_space<vmem>>, vector<1x16xf32>,
      %swap3A_269 = vector.shape_cast %swap3A_268 : vector<1x16xf32> to vector<16xf32>
      %swap3A_270 = vector.shape_cast %mul3A_263 : vector<16xf32> to vector<1x16xf32>
      tpu.vector_store %arg6[%swap3A_266, %swap3A_267], %swap3A_270 {strides = array<i32>} : memref<128x64xf32, #tpu.memory_space<vmem>>, vector<1x16xf32>,
      %add3A_271 = arith.constant 2 : i32
      %add3A_272 = arith.addi %mul3A_144, %add3A_271 : i32
      %get3A_273 = arith.index_cast %add3A_272 : i32 to index
      %get3A_274 = arith.constant 0 : index
      %get3A_275 = tpu.vector_load %arg6[%get3A_273, %get3A_274] {strides = array<i32>} : memref<128x64xf32, #tpu.memory_space<vmem>>, vector<1x16xf32>,
      %get3A_276 = vector.shape_cast %get3A_275 : vector<1x16xf32> to vector<16xf32>
      %mul3A_277 = arith.constant 3.1622777 : f32
      %mul3A_278 = vector.broadcast %mul3A_277 : f32 to vector<16xf32>
      %mul3A_279 = arith.mulf %get3A_276, %mul3A_278 : vector<16xf32>
      %add3A_280 = arith.constant 2 : i32
      %add3A_281 = arith.addi %mul3A_144, %add3A_280 : i32
      %swap3A_282 = arith.index_cast %add3A_281 : i32 to index
      %swap3A_283 = arith.constant 0 : index
      %swap3A_284 = tpu.vector_load %arg6[%swap3A_282, %swap3A_283] {strides = array<i32>} : memref<128x64xf32, #tpu.memory_space<vmem>>, vector<1x16xf32>,
      %swap3A_285 = vector.shape_cast %swap3A_284 : vector<1x16xf32> to vector<16xf32>
      %swap3A_286 = vector.shape_cast %mul3A_279 : vector<16xf32> to vector<1x16xf32>
      tpu.vector_store %arg6[%swap3A_282, %swap3A_283], %swap3A_286 {strides = array<i32>} : memref<128x64xf32, #tpu.memory_space<vmem>>, vector<1x16xf32>,
      %add3A_287 = arith.constant 2 : i32
      %add3A_288 = arith.addi %mul3A_144, %add3A_287 : i32
      %get3A_289 = arith.index_cast %add3A_288 : i32 to index
      %get3A_290 = arith.constant 16 : index
      %get3A_291 = tpu.vector_load %arg6[%get3A_289, %get3A_290] {strides = array<i32>} : memref<128x64xf32, #tpu.memory_space<vmem>>, vector<1x16xf32>,
      %get3A_292 = vector.shape_cast %get3A_291 : vector<1x16xf32> to vector<16xf32>
      %mul3A_293 = arith.constant 3.1622777 : f32
      %mul3A_294 = vector.broadcast %mul3A_293 : f32 to vector<16xf32>
      %mul3A_295 = arith.mulf %get3A_292, %mul3A_294 : vector<16xf32>
      %add3A_296 = arith.constant 2 : i32
      %add3A_297 = arith.addi %mul3A_144, %add3A_296 : i32
      %swap3A_298 = arith.index_cast %add3A_297 : i32 to index
      %swap3A_299 = arith.constant 16 : index
      %swap3A_300 = tpu.vector_load %arg6[%swap3A_298, %swap3A_299] {strides = array<i32>} : memref<128x64xf32, #tpu.memory_space<vmem>>, vector<1x16xf32>,
      %swap3A_301 = vector.shape_cast %swap3A_300 : vector<1x16xf32> to vector<16xf32>
      %swap3A_302 = vector.shape_cast %mul3A_295 : vector<16xf32> to vector<1x16xf32>
      tpu.vector_store %arg6[%swap3A_298, %swap3A_299], %swap3A_302 {strides = array<i32>} : memref<128x64xf32, #tpu.memory_space<vmem>>, vector<1x16xf32>,
      %add3A_303 = arith.constant 2 : i32
      %add3A_304 = arith.addi %mul3A_144, %add3A_303 : i32
      %get3A_305 = arith.index_cast %add3A_304 : i32 to index
      %get3A_306 = arith.constant 32 : index
      %get3A_307 = tpu.vector_load %arg6[%get3A_305, %get3A_306] {strides = array<i32>} : memref<128x64xf32, #tpu.memory_space<vmem>>, vector<1x16xf32>,
      %get3A_308 = vector.shape_cast %get3A_307 : vector<1x16xf32> to vector<16xf32>
      %mul3A_309 = arith.constant 3.1622777 : f32
      %mul3A_310 = vector.broadcast %mul3A_309 : f32 to vector<16xf32>
      %mul3A_311 = arith.mulf %get3A_308, %mul3A_310 : vector<16xf32>
      %add3A_312 = arith.constant 2 : i32
      %add3A_313 = arith.addi %mul3A_144, %add3A_312 : i32
      %swap3A_314 = arith.index_cast %add3A_313 : i32 to index
      %swap3A_315 = arith.constant 32 : index
      %swap3A_316 = tpu.vector_load %arg6[%swap3A_314, %swap3A_315] {strides = array<i32>} : memref<128x64xf32, #tpu.memory_space<vmem>>, vector<1x16xf32>,
      %swap3A_317 = vector.shape_cast %swap3A_316 : vector<1x16xf32> to vector<16xf32>
      %swap3A_318 = vector.shape_cast %mul3A_311 : vector<16xf32> to vector<1x16xf32>
      tpu.vector_store %arg6[%swap3A_314, %swap3A_315], %swap3A_318 {strides = array<i32>} : memref<128x64xf32, #tpu.memory_space<vmem>>, vector<1x16xf32>,
      %add3A_319 = arith.constant 2 : i32
      %add3A_320 = arith.addi %mul3A_144, %add3A_319 : i32
      %get3A_321 = arith.index_cast %add3A_320 : i32 to index
      %get3A_322 = arith.constant 48 : index
      %get3A_323 = tpu.vector_load %arg6[%get3A_321, %get3A_322] {strides = array<i32>} : memref<128x64xf32, #tpu.memory_space<vmem>>, vector<1x16xf32>,
      %get3A_324 = vector.shape_cast %get3A_323 : vector<1x16xf32> to vector<16xf32>
      %mul3A_325 = arith.constant 3.1622777 : f32
      %mul3A_326 = vector.broadcast %mul3A_325 : f32 to vector<16xf32>
      %mul3A_327 = arith.mulf %get3A_324, %mul3A_326 : vector<16xf32>
      %add3A_328 = arith.constant 2 : i32
      %add3A_329 = arith.addi %mul3A_144, %add3A_328 : i32
      %swap3A_330 = arith.index_cast %add3A_329 : i32 to index
      %swap3A_331 = arith.constant 48 : index
      %swap3A_332 = tpu.vector_load %arg6[%swap3A_330, %swap3A_331] {strides = array<i32>} : memref<128x64xf32, #tpu.memory_space<vmem>>, vector<1x16xf32>,
      %swap3A_333 = vector.shape_cast %swap3A_332 : vector<1x16xf32> to vector<16xf32>
      %swap3A_334 = vector.shape_cast %mul3A_327 : vector<16xf32> to vector<1x16xf32>
      tpu.vector_store %arg6[%swap3A_330, %swap3A_331], %swap3A_334 {strides = array<i32>} : memref<128x64xf32, #tpu.memory_space<vmem>>, vector<1x16xf32>,
      %add3A_335 = arith.constant 3 : i32
      %add3A_336 = arith.addi %mul3A_144, %add3A_335 : i32
      %get3A_337 = arith.index_cast %add3A_336 : i32 to index
      %get3A_338 = arith.constant 0 : index
      %get3A_339 = tpu.vector_load %arg6[%get3A_337, %get3A_338] {strides = array<i32>} : memref<128x64xf32, #tpu.memory_space<vmem>>, vector<1x16xf32>,
      %get3A_340 = vector.shape_cast %get3A_339 : vector<1x16xf32> to vector<16xf32>
      %mul3A_341 = arith.constant 3.1622777 : f32
      %mul3A_342 = vector.broadcast %mul3A_341 : f32 to vector<16xf32>
      %mul3A_343 = arith.mulf %get3A_340, %mul3A_342 : vector<16xf32>
      %add3A_344 = arith.constant 3 : i32
      %add3A_345 = arith.addi %mul3A_144, %add3A_344 : i32
      %swap3A_346 = arith.index_cast %add3A_345 : i32 to index
      %swap3A_347 = arith.constant 0 : index
      %swap3A_348 = tpu.vector_load %arg6[%swap3A_346, %swap3A_347] {strides = array<i32>} : memref<128x64xf32, #tpu.memory_space<vmem>>, vector<1x16xf32>,
      %swap3A_349 = vector.shape_cast %swap3A_348 : vector<1x16xf32> to vector<16xf32>
      %swap3A_350 = vector.shape_cast %mul3A_343 : vector<16xf32> to vector<1x16xf32>
      tpu.vector_store %arg6[%swap3A_346, %swap3A_347], %swap3A_350 {strides = array<i32>} : memref<128x64xf32, #tpu.memory_space<vmem>>, vector<1x16xf32>,
      %add3A_351 = arith.constant 3 : i32
      %add3A_352 = arith.addi %mul3A_144, %add3A_351 : i32
      %get3A_353 = arith.index_cast %add3A_352 : i32 to index
      %get3A_354 = arith.constant 16 : index
      %get3A_355 = tpu.vector_load %arg6[%get3A_353, %get3A_354] {strides = array<i32>} : memref<128x64xf32, #tpu.memory_space<vmem>>, vector<1x16xf32>,
      %get3A_356 = vector.shape_cast %get3A_355 : vector<1x16xf32> to vector<16xf32>
      %mul3A_357 = arith.constant 3.1622777 : f32
      %mul3A_358 = vector.broadcast %mul3A_357 : f32 to vector<16xf32>
      %mul3A_359 = arith.mulf %get3A_356, %mul3A_358 : vector<16xf32>
      %add3A_360 = arith.constant 3 : i32
      %add3A_361 = arith.addi %mul3A_144, %add3A_360 : i32
      %swap3A_362 = arith.index_cast %add3A_361 : i32 to index
      %swap3A_363 = arith.constant 16 : index
      %swap3A_364 = tpu.vector_load %arg6[%swap3A_362, %swap3A_363] {strides = array<i32>} : memref<128x64xf32, #tpu.memory_space<vmem>>, vector<1x16xf32>,
      %swap3A_365 = vector.shape_cast %swap3A_364 : vector<1x16xf32> to vector<16xf32>
      %swap3A_366 = vector.shape_cast %mul3A_359 : vector<16xf32> to vector<1x16xf32>
      tpu.vector_store %arg6[%swap3A_362, %swap3A_363], %swap3A_366 {strides = array<i32>} : memref<128x64xf32, #tpu.memory_space<vmem>>, vector<1x16xf32>,
      %add3A_367 = arith.constant 3 : i32
      %add3A_368 = arith.addi %mul3A_144, %add3A_367 : i32
      %get3A_369 = arith.index_cast %add3A_368 : i32 to index
      %get3A_370 = arith.constant 32 : index
      %get3A_371 = tpu.vector_load %arg6[%get3A_369, %get3A_370] {strides = array<i32>} : memref<128x64xf32, #tpu.memory_space<vmem>>, vector<1x16xf32>,
      %get3A_372 = vector.shape_cast %get3A_371 : vector<1x16xf32> to vector<16xf32>
      %mul3A_373 = arith.constant 3.1622777 : f32
      %mul3A_374 = vector.broadcast %mul3A_373 : f32 to vector<16xf32>
      %mul3A_375 = arith.mulf %get3A_372, %mul3A_374 : vector<16xf32>
      %add3A_376 = arith.constant 3 : i32
      %add3A_377 = arith.addi %mul3A_144, %add3A_376 : i32
      %swap3A_378 = arith.index_cast %add3A_377 : i32 to index
      %swap3A_379 = arith.constant 32 : index
      %swap3A_380 = tpu.vector_load %arg6[%swap3A_378, %swap3A_379] {strides = array<i32>} : memref<128x64xf32, #tpu.memory_space<vmem>>, vector<1x16xf32>,
      %swap3A_381 = vector.shape_cast %swap3A_380 : vector<1x16xf32> to vector<16xf32>
      %swap3A_382 = vector.shape_cast %mul3A_375 : vector<16xf32> to vector<1x16xf32>
      tpu.vector_store %arg6[%swap3A_378, %swap3A_379], %swap3A_382 {strides = array<i32>} : memref<128x64xf32, #tpu.memory_space<vmem>>, vector<1x16xf32>,
      %add3A_383 = arith.constant 3 : i32
      %add3A_384 = arith.addi %mul3A_144, %add3A_383 : i32
      %get3A_385 = arith.index_cast %add3A_384 : i32 to index
      %get3A_386 = arith.constant 48 : index
      %get3A_387 = tpu.vector_load %arg6[%get3A_385, %get3A_386] {strides = array<i32>} : memref<128x64xf32, #tpu.memory_space<vmem>>, vector<1x16xf32>,
      %get3A_388 = vector.shape_cast %get3A_387 : vector<1x16xf32> to vector<16xf32>
      %mul3A_389 = arith.constant 3.1622777 : f32
      %mul3A_390 = vector.broadcast %mul3A_389 : f32 to vector<16xf32>
      %mul3A_391 = arith.mulf %get3A_388, %mul3A_390 : vector<16xf32>
      %add3A_392 = arith.constant 3 : i32
      %add3A_393 = arith.addi %mul3A_144, %add3A_392 : i32
      %swap3A_394 = arith.index_cast %add3A_393 : i32 to index
      %swap3A_395 = arith.constant 48 : index
      %swap3A_396 = tpu.vector_load %arg6[%swap3A_394, %swap3A_395] {strides = array<i32>} : memref<128x64xf32, #tpu.memory_space<vmem>>, vector<1x16xf32>,
      %swap3A_397 = vector.shape_cast %swap3A_396 : vector<1x16xf32> to vector<16xf32>
      %swap3A_398 = vector.shape_cast %mul3A_391 : vector<16xf32> to vector<1x16xf32>
      tpu.vector_store %arg6[%swap3A_394, %swap3A_395], %swap3A_398 {strides = array<i32>} : memref<128x64xf32, #tpu.memory_space<vmem>>, vector<1x16xf32>,
      %add3A_399 = arith.constant 4 : i32
      %add3A_400 = arith.addi %mul3A_144, %add3A_399 : i32
      %get3A_401 = arith.index_cast %add3A_400 : i32 to index
      %get3A_402 = arith.constant 0 : index
      %get3A_403 = tpu.vector_load %arg6[%get3A_401, %get3A_402] {strides = array<i32>} : memref<128x64xf32, #tpu.memory_space<vmem>>, vector<1x16xf32>,
      %get3A_404 = vector.shape_cast %get3A_403 : vector<1x16xf32> to vector<16xf32>
      %mul3A_405 = arith.constant 3.1622777 : f32
      %mul3A_406 = vector.broadcast %mul3A_405 : f32 to vector<16xf32>
      %mul3A_407 = arith.mulf %get3A_404, %mul3A_406 : vector<16xf32>
      %add3A_408 = arith.constant 4 : i32
      %add3A_409 = arith.addi %mul3A_144, %add3A_408 : i32
      %swap3A_410 = arith.index_cast %add3A_409 : i32 to index
      %swap3A_411 = arith.constant 0 : index
      %swap3A_412 = tpu.vector_load %arg6[%swap3A_410, %swap3A_411] {strides = array<i32>} : memref<128x64xf32, #tpu.memory_space<vmem>>, vector<1x16xf32>,
      %swap3A_413 = vector.shape_cast %swap3A_412 : vector<1x16xf32> to vector<16xf32>
      %swap3A_414 = vector.shape_cast %mul3A_407 : vector<16xf32> to vector<1x16xf32>
      tpu.vector_store %arg6[%swap3A_410, %swap3A_411], %swap3A_414 {strides = array<i32>} : memref<128x64xf32, #tpu.memory_space<vmem>>, vector<1x16xf32>,
      %add3A_415 = arith.constant 4 : i32
      %add3A_416 = arith.addi %mul3A_144, %add3A_415 : i32
      %get3A_417 = arith.index_cast %add3A_416 : i32 to index
      %get3A_418 = arith.constant 16 : index
      %get3A_419 = tpu.vector_load %arg6[%get3A_417, %get3A_418] {strides = array<i32>} : memref<128x64xf32, #tpu.memory_space<vmem>>, vector<1x16xf32>,
      %get3A_420 = vector.shape_cast %get3A_419 : vector<1x16xf32> to vector<16xf32>
      %mul3A_421 = arith.constant 3.1622777 : f32
      %mul3A_422 = vector.broadcast %mul3A_421 : f32 to vector<16xf32>
      %mul3A_423 = arith.mulf %get3A_420, %mul3A_422 : vector<16xf32>
      %add3A_424 = arith.constant 4 : i32
      %add3A_425 = arith.addi %mul3A_144, %add3A_424 : i32
      %swap3A_426 = arith.index_cast %add3A_425 : i32 to index
      %swap3A_427 = arith.constant 16 : index
      %swap3A_428 = tpu.vector_load %arg6[%swap3A_426, %swap3A_427] {strides = array<i32>} : memref<128x64xf32, #tpu.memory_space<vmem>>, vector<1x16xf32>,
      %swap3A_429 = vector.shape_cast %swap3A_428 : vector<1x16xf32> to vector<16xf32>
      %swap3A_430 = vector.shape_cast %mul3A_423 : vector<16xf32> to vector<1x16xf32>
      tpu.vector_store %arg6[%swap3A_426, %swap3A_427], %swap3A_430 {strides = array<i32>} : memref<128x64xf32, #tpu.memory_space<vmem>>, vector<1x16xf32>,
      %add3A_431 = arith.constant 4 : i32
      %add3A_432 = arith.addi %mul3A_144, %add3A_431 : i32
      %get3A_433 = arith.index_cast %add3A_432 : i32 to index
      %get3A_434 = arith.constant 32 : index
      %get3A_435 = tpu.vector_load %arg6[%get3A_433, %get3A_434] {strides = array<i32>} : memref<128x64xf32, #tpu.memory_space<vmem>>, vector<1x16xf32>,
      %get3A_436 = vector.shape_cast %get3A_435 : vector<1x16xf32> to vector<16xf32>
      %mul3A_437 = arith.constant 3.1622777 : f32
      %mul3A_438 = vector.broadcast %mul3A_437 : f32 to vector<16xf32>
      %mul3A_439 = arith.mulf %get3A_436, %mul3A_438 : vector<16xf32>
      %add3A_440 = arith.constant 4 : i32
      %add3A_441 = arith.addi %mul3A_144, %add3A_440 : i32
      %swap3A_442 = arith.index_cast %add3A_441 : i32 to index
      %swap3A_443 = arith.constant 32 : index
      %swap3A_444 = tpu.vector_load %arg6[%swap3A_442, %swap3A_443] {strides = array<i32>} : memref<128x64xf32, #tpu.memory_space<vmem>>, vector<1x16xf32>,
      %swap3A_445 = vector.shape_cast %swap3A_444 : vector<1x16xf32> to vector<16xf32>
      %swap3A_446 = vector.shape_cast %mul3A_439 : vector<16xf32> to vector<1x16xf32>
      tpu.vector_store %arg6[%swap3A_442, %swap3A_443], %swap3A_446 {strides = array<i32>} : memref<128x64xf32, #tpu.memory_space<vmem>>, vector<1x16xf32>,
      %add3A_447 = arith.constant 4 : i32
      %add3A_448 = arith.addi %mul3A_144, %add3A_447 : i32
      %get3A_449 = arith.index_cast %add3A_448 : i32 to index
      %get3A_450 = arith.constant 48 : index
      %get3A_451 = tpu.vector_load %arg6[%get3A_449, %get3A_450] {strides = array<i32>} : memref<128x64xf32, #tpu.memory_space<vmem>>, vector<1x16xf32>,
      %get3A_452 = vector.shape_cast %get3A_451 : vector<1x16xf32> to vector<16xf32>
      %mul3A_453 = arith.constant 3.1622777 : f32
      %mul3A_454 = vector.broadcast %mul3A_453 : f32 to vector<16xf32>
      %mul3A_455 = arith.mulf %get3A_452, %mul3A_454 : vector<16xf32>
      %add3A_456 = arith.constant 4 : i32
      %add3A_457 = arith.addi %mul3A_144, %add3A_456 : i32
      %swap3A_458 = arith.index_cast %add3A_457 : i32 to index
      %swap3A_459 = arith.constant 48 : index
      %swap3A_460 = tpu.vector_load %arg6[%swap3A_458, %swap3A_459] {strides = array<i32>} : memref<128x64xf32, #tpu.memory_space<vmem>>, vector<1x16xf32>,
      %swap3A_461 = vector.shape_cast %swap3A_460 : vector<1x16xf32> to vector<16xf32>
      %swap3A_462 = vector.shape_cast %mul3A_455 : vector<16xf32> to vector<1x16xf32>
      tpu.vector_store %arg6[%swap3A_458, %swap3A_459], %swap3A_462 {strides = array<i32>} : memref<128x64xf32, #tpu.memory_space<vmem>>, vector<1x16xf32>,
      %add3A_463 = arith.constant 5 : i32
      %add3A_464 = arith.addi %mul3A_144, %add3A_463 : i32
      %get3A_465 = arith.index_cast %add3A_464 : i32 to index
      %get3A_466 = arith.constant 0 : index
      %get3A_467 = tpu.vector_load %arg6[%get3A_465, %get3A_466] {strides = array<i32>} : memref<128x64xf32, #tpu.memory_space<vmem>>, vector<1x16xf32>,
      %get3A_468 = vector.shape_cast %get3A_467 : vector<1x16xf32> to vector<16xf32>
      %mul3A_469 = arith.constant 3.1622777 : f32
      %mul3A_470 = vector.broadcast %mul3A_469 : f32 to vector<16xf32>
      %mul3A_471 = arith.mulf %get3A_468, %mul3A_470 : vector<16xf32>
      %add3A_472 = arith.constant 5 : i32
      %add3A_473 = arith.addi %mul3A_144, %add3A_472 : i32
      %swap3A_474 = arith.index_cast %add3A_473 : i32 to index
      %swap3A_475 = arith.constant 0 : index
      %swap3A_476 = tpu.vector_load %arg6[%swap3A_474, %swap3A_475] {strides = array<i32>} : memref<128x64xf32, #tpu.memory_space<vmem>>, vector<1x16xf32>,
      %swap3A_477 = vector.shape_cast %swap3A_476 : vector<1x16xf32> to vector<16xf32>
      %swap3A_478 = vector.shape_cast %mul3A_471 : vector<16xf32> to vector<1x16xf32>
      tpu.vector_store %arg6[%swap3A_474, %swap3A_475], %swap3A_478 {strides = array<i32>} : memref<128x64xf32, #tpu.memory_space<vmem>>, vector<1x16xf32>,
      %add3A_479 = arith.constant 5 : i32
      %add3A_480 = arith.addi %mul3A_144, %add3A_479 : i32
      %get3A_481 = arith.index_cast %add3A_480 : i32 to index
      %get3A_482 = arith.constant 16 : index
      %get3A_483 = tpu.vector_load %arg6[%get3A_481, %get3A_482] {strides = array<i32>} : memref<128x64xf32, #tpu.memory_space<vmem>>, vector<1x16xf32>,
      %get3A_484 = vector.shape_cast %get3A_483 : vector<1x16xf32> to vector<16xf32>
      %mul3A_485 = arith.constant 3.1622777 : f32
      %mul3A_486 = vector.broadcast %mul3A_485 : f32 to vector<16xf32>
      %mul3A_487 = arith.mulf %get3A_484, %mul3A_486 : vector<16xf32>
      %add3A_488 = arith.constant 5 : i32
      %add3A_489 = arith.addi %mul3A_144, %add3A_488 : i32
      %swap3A_490 = arith.index_cast %add3A_489 : i32 to index
      %swap3A_491 = arith.constant 16 : index
      %swap3A_492 = tpu.vector_load %arg6[%swap3A_490, %swap3A_491] {strides = array<i32>} : memref<128x64xf32, #tpu.memory_space<vmem>>, vector<1x16xf32>,
      %swap3A_493 = vector.shape_cast %swap3A_492 : vector<1x16xf32> to vector<16xf32>
      %swap3A_494 = vector.shape_cast %mul3A_487 : vector<16xf32> to vector<1x16xf32>
      tpu.vector_store %arg6[%swap3A_490, %swap3A_491], %swap3A_494 {strides = array<i32>} : memref<128x64xf32, #tpu.memory_space<vmem>>, vector<1x16xf32>,
      %add3A_495 = arith.constant 5 : i32
      %add3A_496 = arith.addi %mul3A_144, %add3A_495 : i32
      %get3A_497 = arith.index_cast %add3A_496 : i32 to index
      %get3A_498 = arith.constant 32 : index
      %get3A_499 = tpu.vector_load %arg6[%get3A_497, %get3A_498] {strides = array<i32>} : memref<128x64xf32, #tpu.memory_space<vmem>>, vector<1x16xf32>,
      %get3A_500 = vector.shape_cast %get3A_499 : vector<1x16xf32> to vector<16xf32>
      %mul3A_501 = arith.constant 3.1622777 : f32
      %mul3A_502 = vector.broadcast %mul3A_501 : f32 to vector<16xf32>
      %mul3A_503 = arith.mulf %get3A_500, %mul3A_502 : vector<16xf32>
      %add3A_504 = arith.constant 5 : i32
      %add3A_505 = arith.addi %mul3A_144, %add3A_504 : i32
      %swap3A_506 = arith.index_cast %add3A_505 : i32 to index
      %swap3A_507 = arith.constant 32 : index
      %swap3A_508 = tpu.vector_load %arg6[%swap3A_506, %swap3A_507] {strides = array<i32>} : memref<128x64xf32, #tpu.memory_space<vmem>>, vector<1x16xf32>,
      %swap3A_509 = vector.shape_cast %swap3A_508 : vector<1x16xf32> to vector<16xf32>
      %swap3A_510 = vector.shape_cast %mul3A_503 : vector<16xf32> to vector<1x16xf32>
      tpu.vector_store %arg6[%swap3A_506, %swap3A_507], %swap3A_510 {strides = array<i32>} : memref<128x64xf32, #tpu.memory_space<vmem>>, vector<1x16xf32>,
      %add3A_511 = arith.constant 5 : i32
      %add3A_512 = arith.addi %mul3A_144, %add3A_511 : i32
      %get3A_513 = arith.index_cast %add3A_512 : i32 to index
      %get3A_514 = arith.constant 48 : index
      %get3A_515 = tpu.vector_load %arg6[%get3A_513, %get3A_514] {strides = array<i32>} : memref<128x64xf32, #tpu.memory_space<vmem>>, vector<1x16xf32>,
      %get3A_516 = vector.shape_cast %get3A_515 : vector<1x16xf32> to vector<16xf32>
      %mul3A_517 = arith.constant 3.1622777 : f32
      %mul3A_518 = vector.broadcast %mul3A_517 : f32 to vector<16xf32>
      %mul3A_519 = arith.mulf %get3A_516, %mul3A_518 : vector<16xf32>
      %add3A_520 = arith.constant 5 : i32
      %add3A_521 = arith.addi %mul3A_144, %add3A_520 : i32
      %swap3A_522 = arith.index_cast %add3A_521 : i32 to index
      %swap3A_523 = arith.constant 48 : index
      %swap3A_524 = tpu.vector_load %arg6[%swap3A_522, %swap3A_523] {strides = array<i32>} : memref<128x64xf32, #tpu.memory_space<vmem>>, vector<1x16xf32>,
      %swap3A_525 = vector.shape_cast %swap3A_524 : vector<1x16xf32> to vector<16xf32>
      %swap3A_526 = vector.shape_cast %mul3A_519 : vector<16xf32> to vector<1x16xf32>
      tpu.vector_store %arg6[%swap3A_522, %swap3A_523], %swap3A_526 {strides = array<i32>} : memref<128x64xf32, #tpu.memory_space<vmem>>, vector<1x16xf32>,
      %add3A_527 = arith.constant 6 : i32
      %add3A_528 = arith.addi %mul3A_144, %add3A_527 : i32
      %get3A_529 = arith.index_cast %add3A_528 : i32 to index
      %get3A_530 = arith.constant 0 : index
      %get3A_531 = tpu.vector_load %arg6[%get3A_529, %get3A_530] {strides = array<i32>} : memref<128x64xf32, #tpu.memory_space<vmem>>, vector<1x16xf32>,
      %get3A_532 = vector.shape_cast %get3A_531 : vector<1x16xf32> to vector<16xf32>
      %mul3A_533 = arith.constant 3.1622777 : f32
      %mul3A_534 = vector.broadcast %mul3A_533 : f32 to vector<16xf32>
      %mul3A_535 = arith.mulf %get3A_532, %mul3A_534 : vector<16xf32>
      %add3A_536 = arith.constant 6 : i32
      %add3A_537 = arith.addi %mul3A_144, %add3A_536 : i32
      %swap3A_538 = arith.index_cast %add3A_537 : i32 to index
      %swap3A_539 = arith.constant 0 : index
      %swap3A_540 = tpu.vector_load %arg6[%swap3A_538, %swap3A_539] {strides = array<i32>} : memref<128x64xf32, #tpu.memory_space<vmem>>, vector<1x16xf32>,
      %swap3A_541 = vector.shape_cast %swap3A_540 : vector<1x16xf32> to vector<16xf32>
      %swap3A_542 = vector.shape_cast %mul3A_535 : vector<16xf32> to vector<1x16xf32>
      tpu.vector_store %arg6[%swap3A_538, %swap3A_539], %swap3A_542 {strides = array<i32>} : memref<128x64xf32, #tpu.memory_space<vmem>>, vector<1x16xf32>,
      %add3A_543 = arith.constant 6 : i32
      %add3A_544 = arith.addi %mul3A_144, %add3A_543 : i32
      %get3A_545 = arith.index_cast %add3A_544 : i32 to index
      %get3A_546 = arith.constant 16 : index
      %get3A_547 = tpu.vector_load %arg6[%get3A_545, %get3A_546] {strides = array<i32>} : memref<128x64xf32, #tpu.memory_space<vmem>>, vector<1x16xf32>,
      %get3A_548 = vector.shape_cast %get3A_547 : vector<1x16xf32> to vector<16xf32>
      %mul3A_549 = arith.constant 3.1622777 : f32
      %mul3A_550 = vector.broadcast %mul3A_549 : f32 to vector<16xf32>
      %mul3A_551 = arith.mulf %get3A_548, %mul3A_550 : vector<16xf32>
      %add3A_552 = arith.constant 6 : i32
      %add3A_553 = arith.addi %mul3A_144, %add3A_552 : i32
      %swap3A_554 = arith.index_cast %add3A_553 : i32 to index
      %swap3A_555 = arith.constant 16 : index
      %swap3A_556 = tpu.vector_load %arg6[%swap3A_554, %swap3A_555] {strides = array<i32>} : memref<128x64xf32, #tpu.memory_space<vmem>>, vector<1x16xf32>,
      %swap3A_557 = vector.shape_cast %swap3A_556 : vector<1x16xf32> to vector<16xf32>
      %swap3A_558 = vector.shape_cast %mul3A_551 : vector<16xf32> to vector<1x16xf32>
      tpu.vector_store %arg6[%swap3A_554, %swap3A_555], %swap3A_558 {strides = array<i32>} : memref<128x64xf32, #tpu.memory_space<vmem>>, vector<1x16xf32>,
      %add3A_559 = arith.constant 6 : i32
      %add3A_560 = arith.addi %mul3A_144, %add3A_559 : i32
      %get3A_561 = arith.index_cast %add3A_560 : i32 to index
      %get3A_562 = arith.constant 32 : index
      %get3A_563 = tpu.vector_load %arg6[%get3A_561, %get3A_562] {strides = array<i32>} : memref<128x64xf32, #tpu.memory_space<vmem>>, vector<1x16xf32>,
      %get3A_564 = vector.shape_cast %get3A_563 : vector<1x16xf32> to vector<16xf32>
      %mul3A_565 = arith.constant 3.1622777 : f32
      %mul3A_566 = vector.broadcast %mul3A_565 : f32 to vector<16xf32>
      %mul3A_567 = arith.mulf %get3A_564, %mul3A_566 : vector<16xf32>
      %add3A_568 = arith.constant 6 : i32
      %add3A_569 = arith.addi %mul3A_144, %add3A_568 : i32
      %swap3A_570 = arith.index_cast %add3A_569 : i32 to index
      %swap3A_571 = arith.constant 32 : index
      %swap3A_572 = tpu.vector_load %arg6[%swap3A_570, %swap3A_571] {strides = array<i32>} : memref<128x64xf32, #tpu.memory_space<vmem>>, vector<1x16xf32>,
      %swap3A_573 = vector.shape_cast %swap3A_572 : vector<1x16xf32> to vector<16xf32>
      %swap3A_574 = vector.shape_cast %mul3A_567 : vector<16xf32> to vector<1x16xf32>
      tpu.vector_store %arg6[%swap3A_570, %swap3A_571], %swap3A_574 {strides = array<i32>} : memref<128x64xf32, #tpu.memory_space<vmem>>, vector<1x16xf32>,
      %add3A_575 = arith.constant 6 : i32
      %add3A_576 = arith.addi %mul3A_144, %add3A_575 : i32
      %get3A_577 = arith.index_cast %add3A_576 : i32 to index
      %get3A_578 = arith.constant 48 : index
      %get3A_579 = tpu.vector_load %arg6[%get3A_577, %get3A_578] {strides = array<i32>} : memref<128x64xf32, #tpu.memory_space<vmem>>, vector<1x16xf32>,
      %get3A_580 = vector.shape_cast %get3A_579 : vector<1x16xf32> to vector<16xf32>
      %mul3A_581 = arith.constant 3.1622777 : f32
      %mul3A_582 = vector.broadcast %mul3A_581 : f32 to vector<16xf32>
      %mul3A_583 = arith.mulf %get3A_580, %mul3A_582 : vector<16xf32>
      %add3A_584 = arith.constant 6 : i32
      %add3A_585 = arith.addi %mul3A_144, %add3A_584 : i32
      %swap3A_586 = arith.index_cast %add3A_585 : i32 to index
      %swap3A_587 = arith.constant 48 : index
      %swap3A_588 = tpu.vector_load %arg6[%swap3A_586, %swap3A_587] {strides = array<i32>} : memref<128x64xf32, #tpu.memory_space<vmem>>, vector<1x16xf32>,
      %swap3A_589 = vector.shape_cast %swap3A_588 : vector<1x16xf32> to vector<16xf32>
      %swap3A_590 = vector.shape_cast %mul3A_583 : vector<16xf32> to vector<1x16xf32>
      tpu.vector_store %arg6[%swap3A_586, %swap3A_587], %swap3A_590 {strides = array<i32>} : memref<128x64xf32, #tpu.memory_space<vmem>>, vector<1x16xf32>,
      %add3A_591 = arith.constant 7 : i32
      %add3A_592 = arith.addi %mul3A_144, %add3A_591 : i32
      %get3A_593 = arith.index_cast %add3A_592 : i32 to index
      %get3A_594 = arith.constant 0 : index
      %get3A_595 = tpu.vector_load %arg6[%get3A_593, %get3A_594] {strides = array<i32>} : memref<128x64xf32, #tpu.memory_space<vmem>>, vector<1x16xf32>,
      %get3A_596 = vector.shape_cast %get3A_595 : vector<1x16xf32> to vector<16xf32>
      %mul3A_597 = arith.constant 3.1622777 : f32
      %mul3A_598 = vector.broadcast %mul3A_597 : f32 to vector<16xf32>
      %mul3A_599 = arith.mulf %get3A_596, %mul3A_598 : vector<16xf32>
      %add3A_600 = arith.constant 7 : i32
      %add3A_601 = arith.addi %mul3A_144, %add3A_600 : i32
      %swap3A_602 = arith.index_cast %add3A_601 : i32 to index
      %swap3A_603 = arith.constant 0 : index
      %swap3A_604 = tpu.vector_load %arg6[%swap3A_602, %swap3A_603] {strides = array<i32>} : memref<128x64xf32, #tpu.memory_space<vmem>>, vector<1x16xf32>,
      %swap3A_605 = vector.shape_cast %swap3A_604 : vector<1x16xf32> to vector<16xf32>
      %swap3A_606 = vector.shape_cast %mul3A_599 : vector<16xf32> to vector<1x16xf32>
      tpu.vector_store %arg6[%swap3A_602, %swap3A_603], %swap3A_606 {strides = array<i32>} : memref<128x64xf32, #tpu.memory_space<vmem>>, vector<1x16xf32>,
      %add3A_607 = arith.constant 7 : i32
      %add3A_608 = arith.addi %mul3A_144, %add3A_607 : i32
      %get3A_609 = arith.index_cast %add3A_608 : i32 to index
      %get3A_610 = arith.constant 16 : index
      %get3A_611 = tpu.vector_load %arg6[%get3A_609, %get3A_610] {strides = array<i32>} : memref<128x64xf32, #tpu.memory_space<vmem>>, vector<1x16xf32>,
      %get3A_612 = vector.shape_cast %get3A_611 : vector<1x16xf32> to vector<16xf32>
      %mul3A_613 = arith.constant 3.1622777 : f32
      %mul3A_614 = vector.broadcast %mul3A_613 : f32 to vector<16xf32>
      %mul3A_615 = arith.mulf %get3A_612, %mul3A_614 : vector<16xf32>
      %add3A_616 = arith.constant 7 : i32
      %add3A_617 = arith.addi %mul3A_144, %add3A_616 : i32
      %swap3A_618 = arith.index_cast %add3A_617 : i32 to index
      %swap3A_619 = arith.constant 16 : index
      %swap3A_620 = tpu.vector_load %arg6[%swap3A_618, %swap3A_619] {strides = array<i32>} : memref<128x64xf32, #tpu.memory_space<vmem>>, vector<1x16xf32>,
      %swap3A_621 = vector.shape_cast %swap3A_620 : vector<1x16xf32> to vector<16xf32>
      %swap3A_622 = vector.shape_cast %mul3A_615 : vector<16xf32> to vector<1x16xf32>
      tpu.vector_store %arg6[%swap3A_618, %swap3A_619], %swap3A_622 {strides = array<i32>} : memref<128x64xf32, #tpu.memory_space<vmem>>, vector<1x16xf32>,
      %add3A_623 = arith.constant 7 : i32
      %add3A_624 = arith.addi %mul3A_144, %add3A_623 : i32
      %get3A_625 = arith.index_cast %add3A_624 : i32 to index
      %get3A_626 = arith.constant 32 : index
      %get3A_627 = tpu.vector_load %arg6[%get3A_625, %get3A_626] {strides = array<i32>} : memref<128x64xf32, #tpu.memory_space<vmem>>, vector<1x16xf32>,
      %get3A_628 = vector.shape_cast %get3A_627 : vector<1x16xf32> to vector<16xf32>
      %mul3A_629 = arith.constant 3.1622777 : f32
      %mul3A_630 = vector.broadcast %mul3A_629 : f32 to vector<16xf32>
      %mul3A_631 = arith.mulf %get3A_628, %mul3A_630 : vector<16xf32>
      %add3A_632 = arith.constant 7 : i32
      %add3A_633 = arith.addi %mul3A_144, %add3A_632 : i32
      %swap3A_634 = arith.index_cast %add3A_633 : i32 to index
      %swap3A_635 = arith.constant 32 : index
      %swap3A_636 = tpu.vector_load %arg6[%swap3A_634, %swap3A_635] {strides = array<i32>} : memref<128x64xf32, #tpu.memory_space<vmem>>, vector<1x16xf32>,
      %swap3A_637 = vector.shape_cast %swap3A_636 : vector<1x16xf32> to vector<16xf32>
      %swap3A_638 = vector.shape_cast %mul3A_631 : vector<16xf32> to vector<1x16xf32>
      tpu.vector_store %arg6[%swap3A_634, %swap3A_635], %swap3A_638 {strides = array<i32>} : memref<128x64xf32, #tpu.memory_space<vmem>>, vector<1x16xf32>,
      %add3A_639 = arith.constant 7 : i32
      %add3A_640 = arith.addi %mul3A_144, %add3A_639 : i32
      %get3A_641 = arith.index_cast %add3A_640 : i32 to index
      %get3A_642 = arith.constant 48 : index
      %get3A_643 = tpu.vector_load %arg6[%get3A_641, %get3A_642] {strides = array<i32>} : memref<128x64xf32, #tpu.memory_space<vmem>>, vector<1x16xf32>,
      %get3A_644 = vector.shape_cast %get3A_643 : vector<1x16xf32> to vector<16xf32>
      %mul3A_645 = arith.constant 3.1622777 : f32
      %mul3A_646 = vector.broadcast %mul3A_645 : f32 to vector<16xf32>
      %mul3A_647 = arith.mulf %get3A_644, %mul3A_646 : vector<16xf32>
      %add3A_648 = arith.constant 7 : i32
      %add3A_649 = arith.addi %mul3A_144, %add3A_648 : i32
      %swap3A_650 = arith.index_cast %add3A_649 : i32 to index
      %swap3A_651 = arith.constant 48 : index
      %swap3A_652 = tpu.vector_load %arg6[%swap3A_650, %swap3A_651] {strides = array<i32>} : memref<128x64xf32, #tpu.memory_space<vmem>>, vector<1x16xf32>,
      %swap3A_653 = vector.shape_cast %swap3A_652 : vector<1x16xf32> to vector<16xf32>
      %swap3A_654 = vector.shape_cast %mul3A_647 : vector<16xf32> to vector<1x16xf32>
      tpu.vector_store %arg6[%swap3A_650, %swap3A_651], %swap3A_654 {strides = array<i32>} : memref<128x64xf32, #tpu.memory_space<vmem>>, vector<1x16xf32>,
    }
    %scan3A_33 = arith.constant 16 : i32
    %add3A_34 = arith.constant 0 : i32
    %add3A_35 = arith.addi %mul3A_2, %add3A_34 : i32
    %mul3A_36 = arith.constant 128 : i32
    %mul3A_37 = arith.muli %add3A_35, %mul3A_36 : i32
    %dma_start3A_38 = arith.constant 0 : i32
    %dma_start3A_39 = tpu.memref_slice %arg4[%mul3A_37, %dma_start3A_38] : memref<819200x64xf32, #tpu.memory_space<hbm>> -> memref<128x64xf32, #tpu.memory_space<hbm>>
    %dma_start3A_40 = arith.constant 0 : i32
    %dma_start3A_41 = tpu.memref_slice %arg4[%mul3A_37, %dma_start3A_40] : memref<819200x64xf32, #tpu.memory_space<hbm>> -> memref<128x64xf32, #tpu.memory_space<hbm>>
    tpu.enqueue_dma source(%arg6 : memref<128x64xf32, #tpu.memory_space<vmem>>) target(%dma_start3A_41 : memref<128x64xf32, #tpu.memory_space<hbm>>) target_semaphore(%arg14 : memref<!tpu.dma_semaphore, #tpu.memory_space<semaphore_mem>>)
    %dma_start3A_42 = arith.constant 3 : i32
    %dma_start3A_43 = arith.constant 0 : i32
    %dma_start3A_44 = tpu.memref_slice %arg5[%dma_start3A_42, %dma_start3A_43] : memref<200x128xi32, #tpu.memory_space<vmem>> -> memref<1x128xi32, #tpu.memory_space<vmem>>
    %dma_start3A_45 = tpu.memref_squeeze %dma_start3A_44 : memref<1x128xi32, #tpu.memory_space<vmem>> -> memref<128xi32, #tpu.memory_space<vmem>>
    %dma_start3A_46 = arith.constant 0 : i32
    %dma_start3A_47 = arith.constant 0 : i32
    %dma_start3A_48 = tpu.memref_slice %arg3[%dma_start3A_46, %dma_start3A_47] : memref<1000000x64xf32, #tpu.memory_space<hbm>> -> memref<1000000x64xf32, #tpu.memory_space<hbm>>
    tpu.enqueue_indirect_dma source(%dma_start3A_48 : memref<1000000x64xf32, #tpu.memory_space<hbm>>) target(%arg9 : memref<128x64xf32, #tpu.memory_space<vmem>>) offsets(%dma_start3A_45 : memref<128xi32, #tpu.memory_space<vmem>>) semaphore(%arg13 : memref<!tpu.dma_semaphore, #tpu.memory_space<semaphore_mem>>)
    %dma_wait3A_49 = arith.constant 1 : i32
    %dma_wait3A_50 = arith.constant 0 : i32
    %dma_wait3A_51 = tpu.memref_slice %arg5[%dma_wait3A_49, %dma_wait3A_50] : memref<200x128xi32, #tpu.memory_space<vmem>> -> memref<1x128xi32, #tpu.memory_space<vmem>>
    %dma_wait3A_52 = tpu.memref_squeeze %dma_wait3A_51 : memref<1x128xi32, #tpu.memory_space<vmem>> -> memref<128xi32, #tpu.memory_space<vmem>>
    %dma_wait3A_53 = arith.constant 0 : i32
    %dma_wait3A_54 = arith.constant 0 : i32
    %dma_wait3A_55 = tpu.memref_slice %arg3[%dma_wait3A_53, %dma_wait3A_54] : memref<1000000x64xf32, #tpu.memory_space<hbm>> -> memref<1000000x64xf32, #tpu.memory_space<hbm>>
    tpu.wait_indirect_dma semaphore(%arg11 : memref<!tpu.dma_semaphore, #tpu.memory_space<semaphore_mem>>) src(%dma_wait3A_55 : memref<1000000x64xf32, #tpu.memory_space<hbm>>) dst(%arg7 : memref<128x64xf32, #tpu.memory_space<vmem>>)
    %scan3A_56 = arith.constant 0 : i32
    %scan3A_57 = arith.constant 0 : i32
    %scan3A_58 = arith.constant 16 : i32
    %scan3A_59 = arith.addi %scan3A_57, %scan3A_58 : i32
    %scan3A_60 = arith.constant 1 : i32
    scf.for %scan3A_142 = %scan3A_57 to %scan3A_59 step %scan3A_60  : i32 {
      %mul3A_143 = arith.constant 8 : i32
      %mul3A_144 = arith.muli %scan3A_142, %mul3A_143 : i32
      %add3A_145 = arith.constant 0 : i32
      %add3A_146 = arith.addi %mul3A_144, %add3A_145 : i32
      %get3A = arith.index_cast %add3A_146 : i32 to index
      %get3A_147 = arith.constant 0 : index
      %get3A_148 = tpu.vector_load %arg7[%get3A, %get3A_147] {strides = array<i32>} : memref<128x64xf32, #tpu.memory_space<vmem>>, vector<1x16xf32>,
      %get3A_149 = vector.shape_cast %get3A_148 : vector<1x16xf32> to vector<16xf32>
      %mul3A_150 = arith.constant 3.1622777 : f32
      %mul3A_151 = vector.broadcast %mul3A_150 : f32 to vector<16xf32>
      %mul3A_152 = arith.mulf %get3A_149, %mul3A_151 : vector<16xf32>
      %add3A_153 = arith.constant 0 : i32
      %add3A_154 = arith.addi %mul3A_144, %add3A_153 : i32
      %swap3A = arith.index_cast %add3A_154 : i32 to index
      %swap3A_155 = arith.constant 0 : index
      %swap3A_156 = tpu.vector_load %arg7[%swap3A, %swap3A_155] {strides = array<i32>} : memref<128x64xf32, #tpu.memory_space<vmem>>, vector<1x16xf32>,
      %swap3A_157 = vector.shape_cast %swap3A_156 : vector<1x16xf32> to vector<16xf32>
      %swap3A_158 = vector.shape_cast %mul3A_152 : vector<16xf32> to vector<1x16xf32>
      tpu.vector_store %arg7[%swap3A, %swap3A_155], %swap3A_158 {strides = array<i32>} : memref<128x64xf32, #tpu.memory_space<vmem>>, vector<1x16xf32>,
      %add3A_159 = arith.constant 0 : i32
      %add3A_160 = arith.addi %mul3A_144, %add3A_159 : i32
      %get3A_161 = arith.index_cast %add3A_160 : i32 to index
      %get3A_162 = arith.constant 16 : index
      %get3A_163 = tpu.vector_load %arg7[%get3A_161, %get3A_162] {strides = array<i32>} : memref<128x64xf32, #tpu.memory_space<vmem>>, vector<1x16xf32>,
      %get3A_164 = vector.shape_cast %get3A_163 : vector<1x16xf32> to vector<16xf32>
      %mul3A_165 = arith.constant 3.1622777 : f32
      %mul3A_166 = vector.broadcast %mul3A_165 : f32 to vector<16xf32>
      %mul3A_167 = arith.mulf %get3A_164, %mul3A_166 : vector<16xf32>
      %add3A_168 = arith.constant 0 : i32
      %add3A_169 = arith.addi %mul3A_144, %add3A_168 : i32
      %swap3A_170 = arith.index_cast %add3A_169 : i32 to index
      %swap3A_171 = arith.constant 16 : index
      %swap3A_172 = tpu.vector_load %arg7[%swap3A_170, %swap3A_171] {strides = array<i32>} : memref<128x64xf32, #tpu.memory_space<vmem>>, vector<1x16xf32>,
      %swap3A_173 = vector.shape_cast %swap3A_172 : vector<1x16xf32> to vector<16xf32>
      %swap3A_174 = vector.shape_cast %mul3A_167 : vector<16xf32> to vector<1x16xf32>
      tpu.vector_store %arg7[%swap3A_170, %swap3A_171], %swap3A_174 {strides = array<i32>} : memref<128x64xf32, #tpu.memory_space<vmem>>, vector<1x16xf32>,
      %add3A_175 = arith.constant 0 : i32
      %add3A_176 = arith.addi %mul3A_144, %add3A_175 : i32
      %get3A_177 = arith.index_cast %add3A_176 : i32 to index
      %get3A_178 = arith.constant 32 : index
      %get3A_179 = tpu.vector_load %arg7[%get3A_177, %get3A_178] {strides = array<i32>} : memref<128x64xf32, #tpu.memory_space<vmem>>, vector<1x16xf32>,
      %get3A_180 = vector.shape_cast %get3A_179 : vector<1x16xf32> to vector<16xf32>
      %mul3A_181 = arith.constant 3.1622777 : f32
      %mul3A_182 = vector.broadcast %mul3A_181 : f32 to vector<16xf32>
      %mul3A_183 = arith.mulf %get3A_180, %mul3A_182 : vector<16xf32>
      %add3A_184 = arith.constant 0 : i32
      %add3A_185 = arith.addi %mul3A_144, %add3A_184 : i32
      %swap3A_186 = arith.index_cast %add3A_185 : i32 to index
      %swap3A_187 = arith.constant 32 : index
      %swap3A_188 = tpu.vector_load %arg7[%swap3A_186, %swap3A_187] {strides = array<i32>} : memref<128x64xf32, #tpu.memory_space<vmem>>, vector<1x16xf32>,
      %swap3A_189 = vector.shape_cast %swap3A_188 : vector<1x16xf32> to vector<16xf32>
      %swap3A_190 = vector.shape_cast %mul3A_183 : vector<16xf32> to vector<1x16xf32>
      tpu.vector_store %arg7[%swap3A_186, %swap3A_187], %swap3A_190 {strides = array<i32>} : memref<128x64xf32, #tpu.memory_space<vmem>>, vector<1x16xf32>,
      %add3A_191 = arith.constant 0 : i32
      %add3A_192 = arith.addi %mul3A_144, %add3A_191 : i32
      %get3A_193 = arith.index_cast %add3A_192 : i32 to index
      %get3A_194 = arith.constant 48 : index
      %get3A_195 = tpu.vector_load %arg7[%get3A_193, %get3A_194] {strides = array<i32>} : memref<128x64xf32, #tpu.memory_space<vmem>>, vector<1x16xf32>,
      %get3A_196 = vector.shape_cast %get3A_195 : vector<1x16xf32> to vector<16xf32>
      %mul3A_197 = arith.constant 3.1622777 : f32
      %mul3A_198 = vector.broadcast %mul3A_197 : f32 to vector<16xf32>
      %mul3A_199 = arith.mulf %get3A_196, %mul3A_198 : vector<16xf32>
      %add3A_200 = arith.constant 0 : i32
      %add3A_201 = arith.addi %mul3A_144, %add3A_200 : i32
      %swap3A_202 = arith.index_cast %add3A_201 : i32 to index
      %swap3A_203 = arith.constant 48 : index
      %swap3A_204 = tpu.vector_load %arg7[%swap3A_202, %swap3A_203] {strides = array<i32>} : memref<128x64xf32, #tpu.memory_space<vmem>>, vector<1x16xf32>,
      %swap3A_205 = vector.shape_cast %swap3A_204 : vector<1x16xf32> to vector<16xf32>
      %swap3A_206 = vector.shape_cast %mul3A_199 : vector<16xf32> to vector<1x16xf32>
      tpu.vector_store %arg7[%swap3A_202, %swap3A_203], %swap3A_206 {strides = array<i32>} : memref<128x64xf32, #tpu.memory_space<vmem>>, vector<1x16xf32>,
      %add3A_207 = arith.constant 1 : i32
      %add3A_208 = arith.addi %mul3A_144, %add3A_207 : i32
      %get3A_209 = arith.index_cast %add3A_208 : i32 to index
      %get3A_210 = arith.constant 0 : index
      %get3A_211 = tpu.vector_load %arg7[%get3A_209, %get3A_210] {strides = array<i32>} : memref<128x64xf32, #tpu.memory_space<vmem>>, vector<1x16xf32>,
      %get3A_212 = vector.shape_cast %get3A_211 : vector<1x16xf32> to vector<16xf32>
      %mul3A_213 = arith.constant 3.1622777 : f32
      %mul3A_214 = vector.broadcast %mul3A_213 : f32 to vector<16xf32>
      %mul3A_215 = arith.mulf %get3A_212, %mul3A_214 : vector<16xf32>
      %add3A_216 = arith.constant 1 : i32
      %add3A_217 = arith.addi %mul3A_144, %add3A_216 : i32
      %swap3A_218 = arith.index_cast %add3A_217 : i32 to index
      %swap3A_219 = arith.constant 0 : index
      %swap3A_220 = tpu.vector_load %arg7[%swap3A_218, %swap3A_219] {strides = array<i32>} : memref<128x64xf32, #tpu.memory_space<vmem>>, vector<1x16xf32>,
      %swap3A_221 = vector.shape_cast %swap3A_220 : vector<1x16xf32> to vector<16xf32>
      %swap3A_222 = vector.shape_cast %mul3A_215 : vector<16xf32> to vector<1x16xf32>
      tpu.vector_store %arg7[%swap3A_218, %swap3A_219], %swap3A_222 {strides = array<i32>} : memref<128x64xf32, #tpu.memory_space<vmem>>, vector<1x16xf32>,
      %add3A_223 = arith.constant 1 : i32
      %add3A_224 = arith.addi %mul3A_144, %add3A_223 : i32
      %get3A_225 = arith.index_cast %add3A_224 : i32 to index
      %get3A_226 = arith.constant 16 : index
      %get3A_227 = tpu.vector_load %arg7[%get3A_225, %get3A_226] {strides = array<i32>} : memref<128x64xf32, #tpu.memory_space<vmem>>, vector<1x16xf32>,
      %get3A_228 = vector.shape_cast %get3A_227 : vector<1x16xf32> to vector<16xf32>
      %mul3A_229 = arith.constant 3.1622777 : f32
      %mul3A_230 = vector.broadcast %mul3A_229 : f32 to vector<16xf32>
      %mul3A_231 = arith.mulf %get3A_228, %mul3A_230 : vector<16xf32>
      %add3A_232 = arith.constant 1 : i32
      %add3A_233 = arith.addi %mul3A_144, %add3A_232 : i32
      %swap3A_234 = arith.index_cast %add3A_233 : i32 to index
      %swap3A_235 = arith.constant 16 : index
      %swap3A_236 = tpu.vector_load %arg7[%swap3A_234, %swap3A_235] {strides = array<i32>} : memref<128x64xf32, #tpu.memory_space<vmem>>, vector<1x16xf32>,
      %swap3A_237 = vector.shape_cast %swap3A_236 : vector<1x16xf32> to vector<16xf32>
      %swap3A_238 = vector.shape_cast %mul3A_231 : vector<16xf32> to vector<1x16xf32>
      tpu.vector_store %arg7[%swap3A_234, %swap3A_235], %swap3A_238 {strides = array<i32>} : memref<128x64xf32, #tpu.memory_space<vmem>>, vector<1x16xf32>,
      %add3A_239 = arith.constant 1 : i32
      %add3A_240 = arith.addi %mul3A_144, %add3A_239 : i32
      %get3A_241 = arith.index_cast %add3A_240 : i32 to index
      %get3A_242 = arith.constant 32 : index
      %get3A_243 = tpu.vector_load %arg7[%get3A_241, %get3A_242] {strides = array<i32>} : memref<128x64xf32, #tpu.memory_space<vmem>>, vector<1x16xf32>,
      %get3A_244 = vector.shape_cast %get3A_243 : vector<1x16xf32> to vector<16xf32>
      %mul3A_245 = arith.constant 3.1622777 : f32
      %mul3A_246 = vector.broadcast %mul3A_245 : f32 to vector<16xf32>
      %mul3A_247 = arith.mulf %get3A_244, %mul3A_246 : vector<16xf32>
      %add3A_248 = arith.constant 1 : i32
      %add3A_249 = arith.addi %mul3A_144, %add3A_248 : i32
      %swap3A_250 = arith.index_cast %add3A_249 : i32 to index
      %swap3A_251 = arith.constant 32 : index
      %swap3A_252 = tpu.vector_load %arg7[%swap3A_250, %swap3A_251] {strides = array<i32>} : memref<128x64xf32, #tpu.memory_space<vmem>>, vector<1x16xf32>,
      %swap3A_253 = vector.shape_cast %swap3A_252 : vector<1x16xf32> to vector<16xf32>
      %swap3A_254 = vector.shape_cast %mul3A_247 : vector<16xf32> to vector<1x16xf32>
      tpu.vector_store %arg7[%swap3A_250, %swap3A_251], %swap3A_254 {strides = array<i32>} : memref<128x64xf32, #tpu.memory_space<vmem>>, vector<1x16xf32>,
      %add3A_255 = arith.constant 1 : i32
      %add3A_256 = arith.addi %mul3A_144, %add3A_255 : i32
      %get3A_257 = arith.index_cast %add3A_256 : i32 to index
      %get3A_258 = arith.constant 48 : index
      %get3A_259 = tpu.vector_load %arg7[%get3A_257, %get3A_258] {strides = array<i32>} : memref<128x64xf32, #tpu.memory_space<vmem>>, vector<1x16xf32>,
      %get3A_260 = vector.shape_cast %get3A_259 : vector<1x16xf32> to vector<16xf32>
      %mul3A_261 = arith.constant 3.1622777 : f32
      %mul3A_262 = vector.broadcast %mul3A_261 : f32 to vector<16xf32>
      %mul3A_263 = arith.mulf %get3A_260, %mul3A_262 : vector<16xf32>
      %add3A_264 = arith.constant 1 : i32
      %add3A_265 = arith.addi %mul3A_144, %add3A_264 : i32
      %swap3A_266 = arith.index_cast %add3A_265 : i32 to index
      %swap3A_267 = arith.constant 48 : index
      %swap3A_268 = tpu.vector_load %arg7[%swap3A_266, %swap3A_267] {strides = array<i32>} : memref<128x64xf32, #tpu.memory_space<vmem>>, vector<1x16xf32>,
      %swap3A_269 = vector.shape_cast %swap3A_268 : vector<1x16xf32> to vector<16xf32>
      %swap3A_270 = vector.shape_cast %mul3A_263 : vector<16xf32> to vector<1x16xf32>
      tpu.vector_store %arg7[%swap3A_266, %swap3A_267], %swap3A_270 {strides = array<i32>} : memref<128x64xf32, #tpu.memory_space<vmem>>, vector<1x16xf32>,
      %add3A_271 = arith.constant 2 : i32
      %add3A_272 = arith.addi %mul3A_144, %add3A_271 : i32
      %get3A_273 = arith.index_cast %add3A_272 : i32 to index
      %get3A_274 = arith.constant 0 : index
      %get3A_275 = tpu.vector_load %arg7[%get3A_273, %get3A_274] {strides = array<i32>} : memref<128x64xf32, #tpu.memory_space<vmem>>, vector<1x16xf32>,
      %get3A_276 = vector.shape_cast %get3A_275 : vector<1x16xf32> to vector<16xf32>
      %mul3A_277 = arith.constant 3.1622777 : f32
      %mul3A_278 = vector.broadcast %mul3A_277 : f32 to vector<16xf32>
      %mul3A_279 = arith.mulf %get3A_276, %mul3A_278 : vector<16xf32>
      %add3A_280 = arith.constant 2 : i32
      %add3A_281 = arith.addi %mul3A_144, %add3A_280 : i32
      %swap3A_282 = arith.index_cast %add3A_281 : i32 to index
      %swap3A_283 = arith.constant 0 : index
      %swap3A_284 = tpu.vector_load %arg7[%swap3A_282, %swap3A_283] {strides = array<i32>} : memref<128x64xf32, #tpu.memory_space<vmem>>, vector<1x16xf32>,
      %swap3A_285 = vector.shape_cast %swap3A_284 : vector<1x16xf32> to vector<16xf32>
      %swap3A_286 = vector.shape_cast %mul3A_279 : vector<16xf32> to vector<1x16xf32>
      tpu.vector_store %arg7[%swap3A_282, %swap3A_283], %swap3A_286 {strides = array<i32>} : memref<128x64xf32, #tpu.memory_space<vmem>>, vector<1x16xf32>,
      %add3A_287 = arith.constant 2 : i32
      %add3A_288 = arith.addi %mul3A_144, %add3A_287 : i32
      %get3A_289 = arith.index_cast %add3A_288 : i32 to index
      %get3A_290 = arith.constant 16 : index
      %get3A_291 = tpu.vector_load %arg7[%get3A_289, %get3A_290] {strides = array<i32>} : memref<128x64xf32, #tpu.memory_space<vmem>>, vector<1x16xf32>,
      %get3A_292 = vector.shape_cast %get3A_291 : vector<1x16xf32> to vector<16xf32>
      %mul3A_293 = arith.constant 3.1622777 : f32
      %mul3A_294 = vector.broadcast %mul3A_293 : f32 to vector<16xf32>
      %mul3A_295 = arith.mulf %get3A_292, %mul3A_294 : vector<16xf32>
      %add3A_296 = arith.constant 2 : i32
      %add3A_297 = arith.addi %mul3A_144, %add3A_296 : i32
      %swap3A_298 = arith.index_cast %add3A_297 : i32 to index
      %swap3A_299 = arith.constant 16 : index
      %swap3A_300 = tpu.vector_load %arg7[%swap3A_298, %swap3A_299] {strides = array<i32>} : memref<128x64xf32, #tpu.memory_space<vmem>>, vector<1x16xf32>,
      %swap3A_301 = vector.shape_cast %swap3A_300 : vector<1x16xf32> to vector<16xf32>
      %swap3A_302 = vector.shape_cast %mul3A_295 : vector<16xf32> to vector<1x16xf32>
      tpu.vector_store %arg7[%swap3A_298, %swap3A_299], %swap3A_302 {strides = array<i32>} : memref<128x64xf32, #tpu.memory_space<vmem>>, vector<1x16xf32>,
      %add3A_303 = arith.constant 2 : i32
      %add3A_304 = arith.addi %mul3A_144, %add3A_303 : i32
      %get3A_305 = arith.index_cast %add3A_304 : i32 to index
      %get3A_306 = arith.constant 32 : index
      %get3A_307 = tpu.vector_load %arg7[%get3A_305, %get3A_306] {strides = array<i32>} : memref<128x64xf32, #tpu.memory_space<vmem>>, vector<1x16xf32>,
      %get3A_308 = vector.shape_cast %get3A_307 : vector<1x16xf32> to vector<16xf32>
      %mul3A_309 = arith.constant 3.1622777 : f32
      %mul3A_310 = vector.broadcast %mul3A_309 : f32 to vector<16xf32>
      %mul3A_311 = arith.mulf %get3A_308, %mul3A_310 : vector<16xf32>
      %add3A_312 = arith.constant 2 : i32
      %add3A_313 = arith.addi %mul3A_144, %add3A_312 : i32
      %swap3A_314 = arith.index_cast %add3A_313 : i32 to index
      %swap3A_315 = arith.constant 32 : index
      %swap3A_316 = tpu.vector_load %arg7[%swap3A_314, %swap3A_315] {strides = array<i32>} : memref<128x64xf32, #tpu.memory_space<vmem>>, vector<1x16xf32>,
      %swap3A_317 = vector.shape_cast %swap3A_316 : vector<1x16xf32> to vector<16xf32>
      %swap3A_318 = vector.shape_cast %mul3A_311 : vector<16xf32> to vector<1x16xf32>
      tpu.vector_store %arg7[%swap3A_314, %swap3A_315], %swap3A_318 {strides = array<i32>} : memref<128x64xf32, #tpu.memory_space<vmem>>, vector<1x16xf32>,
      %add3A_319 = arith.constant 2 : i32
      %add3A_320 = arith.addi %mul3A_144, %add3A_319 : i32
      %get3A_321 = arith.index_cast %add3A_320 : i32 to index
      %get3A_322 = arith.constant 48 : index
      %get3A_323 = tpu.vector_load %arg7[%get3A_321, %get3A_322] {strides = array<i32>} : memref<128x64xf32, #tpu.memory_space<vmem>>, vector<1x16xf32>,
      %get3A_324 = vector.shape_cast %get3A_323 : vector<1x16xf32> to vector<16xf32>
      %mul3A_325 = arith.constant 3.1622777 : f32
      %mul3A_326 = vector.broadcast %mul3A_325 : f32 to vector<16xf32>
      %mul3A_327 = arith.mulf %get3A_324, %mul3A_326 : vector<16xf32>
      %add3A_328 = arith.constant 2 : i32
      %add3A_329 = arith.addi %mul3A_144, %add3A_328 : i32
      %swap3A_330 = arith.index_cast %add3A_329 : i32 to index
      %swap3A_331 = arith.constant 48 : index
      %swap3A_332 = tpu.vector_load %arg7[%swap3A_330, %swap3A_331] {strides = array<i32>} : memref<128x64xf32, #tpu.memory_space<vmem>>, vector<1x16xf32>,
      %swap3A_333 = vector.shape_cast %swap3A_332 : vector<1x16xf32> to vector<16xf32>
      %swap3A_334 = vector.shape_cast %mul3A_327 : vector<16xf32> to vector<1x16xf32>
      tpu.vector_store %arg7[%swap3A_330, %swap3A_331], %swap3A_334 {strides = array<i32>} : memref<128x64xf32, #tpu.memory_space<vmem>>, vector<1x16xf32>,
      %add3A_335 = arith.constant 3 : i32
      %add3A_336 = arith.addi %mul3A_144, %add3A_335 : i32
      %get3A_337 = arith.index_cast %add3A_336 : i32 to index
      %get3A_338 = arith.constant 0 : index
      %get3A_339 = tpu.vector_load %arg7[%get3A_337, %get3A_338] {strides = array<i32>} : memref<128x64xf32, #tpu.memory_space<vmem>>, vector<1x16xf32>,
      %get3A_340 = vector.shape_cast %get3A_339 : vector<1x16xf32> to vector<16xf32>
      %mul3A_341 = arith.constant 3.1622777 : f32
      %mul3A_342 = vector.broadcast %mul3A_341 : f32 to vector<16xf32>
      %mul3A_343 = arith.mulf %get3A_340, %mul3A_342 : vector<16xf32>
      %add3A_344 = arith.constant 3 : i32
      %add3A_345 = arith.addi %mul3A_144, %add3A_344 : i32
      %swap3A_346 = arith.index_cast %add3A_345 : i32 to index
      %swap3A_347 = arith.constant 0 : index
      %swap3A_348 = tpu.vector_load %arg7[%swap3A_346, %swap3A_347] {strides = array<i32>} : memref<128x64xf32, #tpu.memory_space<vmem>>, vector<1x16xf32>,
      %swap3A_349 = vector.shape_cast %swap3A_348 : vector<1x16xf32> to vector<16xf32>
      %swap3A_350 = vector.shape_cast %mul3A_343 : vector<16xf32> to vector<1x16xf32>
      tpu.vector_store %arg7[%swap3A_346, %swap3A_347], %swap3A_350 {strides = array<i32>} : memref<128x64xf32, #tpu.memory_space<vmem>>, vector<1x16xf32>,
      %add3A_351 = arith.constant 3 : i32
      %add3A_352 = arith.addi %mul3A_144, %add3A_351 : i32
      %get3A_353 = arith.index_cast %add3A_352 : i32 to index
      %get3A_354 = arith.constant 16 : index
      %get3A_355 = tpu.vector_load %arg7[%get3A_353, %get3A_354] {strides = array<i32>} : memref<128x64xf32, #tpu.memory_space<vmem>>, vector<1x16xf32>,
      %get3A_356 = vector.shape_cast %get3A_355 : vector<1x16xf32> to vector<16xf32>
      %mul3A_357 = arith.constant 3.1622777 : f32
      %mul3A_358 = vector.broadcast %mul3A_357 : f32 to vector<16xf32>
      %mul3A_359 = arith.mulf %get3A_356, %mul3A_358 : vector<16xf32>
      %add3A_360 = arith.constant 3 : i32
      %add3A_361 = arith.addi %mul3A_144, %add3A_360 : i32
      %swap3A_362 = arith.index_cast %add3A_361 : i32 to index
      %swap3A_363 = arith.constant 16 : index
      %swap3A_364 = tpu.vector_load %arg7[%swap3A_362, %swap3A_363] {strides = array<i32>} : memref<128x64xf32, #tpu.memory_space<vmem>>, vector<1x16xf32>,
      %swap3A_365 = vector.shape_cast %swap3A_364 : vector<1x16xf32> to vector<16xf32>
      %swap3A_366 = vector.shape_cast %mul3A_359 : vector<16xf32> to vector<1x16xf32>
      tpu.vector_store %arg7[%swap3A_362, %swap3A_363], %swap3A_366 {strides = array<i32>} : memref<128x64xf32, #tpu.memory_space<vmem>>, vector<1x16xf32>,
      %add3A_367 = arith.constant 3 : i32
      %add3A_368 = arith.addi %mul3A_144, %add3A_367 : i32
      %get3A_369 = arith.index_cast %add3A_368 : i32 to index
      %get3A_370 = arith.constant 32 : index
      %get3A_371 = tpu.vector_load %arg7[%get3A_369, %get3A_370] {strides = array<i32>} : memref<128x64xf32, #tpu.memory_space<vmem>>, vector<1x16xf32>,
      %get3A_372 = vector.shape_cast %get3A_371 : vector<1x16xf32> to vector<16xf32>
      %mul3A_373 = arith.constant 3.1622777 : f32
      %mul3A_374 = vector.broadcast %mul3A_373 : f32 to vector<16xf32>
      %mul3A_375 = arith.mulf %get3A_372, %mul3A_374 : vector<16xf32>
      %add3A_376 = arith.constant 3 : i32
      %add3A_377 = arith.addi %mul3A_144, %add3A_376 : i32
      %swap3A_378 = arith.index_cast %add3A_377 : i32 to index
      %swap3A_379 = arith.constant 32 : index
      %swap3A_380 = tpu.vector_load %arg7[%swap3A_378, %swap3A_379] {strides = array<i32>} : memref<128x64xf32, #tpu.memory_space<vmem>>, vector<1x16xf32>,
      %swap3A_381 = vector.shape_cast %swap3A_380 : vector<1x16xf32> to vector<16xf32>
      %swap3A_382 = vector.shape_cast %mul3A_375 : vector<16xf32> to vector<1x16xf32>
      tpu.vector_store %arg7[%swap3A_378, %swap3A_379], %swap3A_382 {strides = array<i32>} : memref<128x64xf32, #tpu.memory_space<vmem>>, vector<1x16xf32>,
      %add3A_383 = arith.constant 3 : i32
      %add3A_384 = arith.addi %mul3A_144, %add3A_383 : i32
      %get3A_385 = arith.index_cast %add3A_384 : i32 to index
      %get3A_386 = arith.constant 48 : index
      %get3A_387 = tpu.vector_load %arg7[%get3A_385, %get3A_386] {strides = array<i32>} : memref<128x64xf32, #tpu.memory_space<vmem>>, vector<1x16xf32>,
      %get3A_388 = vector.shape_cast %get3A_387 : vector<1x16xf32> to vector<16xf32>
      %mul3A_389 = arith.constant 3.1622777 : f32
      %mul3A_390 = vector.broadcast %mul3A_389 : f32 to vector<16xf32>
      %mul3A_391 = arith.mulf %get3A_388, %mul3A_390 : vector<16xf32>
      %add3A_392 = arith.constant 3 : i32
      %add3A_393 = arith.addi %mul3A_144, %add3A_392 : i32
      %swap3A_394 = arith.index_cast %add3A_393 : i32 to index
      %swap3A_395 = arith.constant 48 : index
      %swap3A_396 = tpu.vector_load %arg7[%swap3A_394, %swap3A_395] {strides = array<i32>} : memref<128x64xf32, #tpu.memory_space<vmem>>, vector<1x16xf32>,
      %swap3A_397 = vector.shape_cast %swap3A_396 : vector<1x16xf32> to vector<16xf32>
      %swap3A_398 = vector.shape_cast %mul3A_391 : vector<16xf32> to vector<1x16xf32>
      tpu.vector_store %arg7[%swap3A_394, %swap3A_395], %swap3A_398 {strides = array<i32>} : memref<128x64xf32, #tpu.memory_space<vmem>>, vector<1x16xf32>,
      %add3A_399 = arith.constant 4 : i32
      %add3A_400 = arith.addi %mul3A_144, %add3A_399 : i32
      %get3A_401 = arith.index_cast %add3A_400 : i32 to index
      %get3A_402 = arith.constant 0 : index
      %get3A_403 = tpu.vector_load %arg7[%get3A_401, %get3A_402] {strides = array<i32>} : memref<128x64xf32, #tpu.memory_space<vmem>>, vector<1x16xf32>,
      %get3A_404 = vector.shape_cast %get3A_403 : vector<1x16xf32> to vector<16xf32>
      %mul3A_405 = arith.constant 3.1622777 : f32
      %mul3A_406 = vector.broadcast %mul3A_405 : f32 to vector<16xf32>
      %mul3A_407 = arith.mulf %get3A_404, %mul3A_406 : vector<16xf32>
      %add3A_408 = arith.constant 4 : i32
      %add3A_409 = arith.addi %mul3A_144, %add3A_408 : i32
      %swap3A_410 = arith.index_cast %add3A_409 : i32 to index
      %swap3A_411 = arith.constant 0 : index
      %swap3A_412 = tpu.vector_load %arg7[%swap3A_410, %swap3A_411] {strides = array<i32>} : memref<128x64xf32, #tpu.memory_space<vmem>>, vector<1x16xf32>,
      %swap3A_413 = vector.shape_cast %swap3A_412 : vector<1x16xf32> to vector<16xf32>
      %swap3A_414 = vector.shape_cast %mul3A_407 : vector<16xf32> to vector<1x16xf32>
      tpu.vector_store %arg7[%swap3A_410, %swap3A_411], %swap3A_414 {strides = array<i32>} : memref<128x64xf32, #tpu.memory_space<vmem>>, vector<1x16xf32>,
      %add3A_415 = arith.constant 4 : i32
      %add3A_416 = arith.addi %mul3A_144, %add3A_415 : i32
      %get3A_417 = arith.index_cast %add3A_416 : i32 to index
      %get3A_418 = arith.constant 16 : index
      %get3A_419 = tpu.vector_load %arg7[%get3A_417, %get3A_418] {strides = array<i32>} : memref<128x64xf32, #tpu.memory_space<vmem>>, vector<1x16xf32>,
      %get3A_420 = vector.shape_cast %get3A_419 : vector<1x16xf32> to vector<16xf32>
      %mul3A_421 = arith.constant 3.1622777 : f32
      %mul3A_422 = vector.broadcast %mul3A_421 : f32 to vector<16xf32>
      %mul3A_423 = arith.mulf %get3A_420, %mul3A_422 : vector<16xf32>
      %add3A_424 = arith.constant 4 : i32
      %add3A_425 = arith.addi %mul3A_144, %add3A_424 : i32
      %swap3A_426 = arith.index_cast %add3A_425 : i32 to index
      %swap3A_427 = arith.constant 16 : index
      %swap3A_428 = tpu.vector_load %arg7[%swap3A_426, %swap3A_427] {strides = array<i32>} : memref<128x64xf32, #tpu.memory_space<vmem>>, vector<1x16xf32>,
      %swap3A_429 = vector.shape_cast %swap3A_428 : vector<1x16xf32> to vector<16xf32>
      %swap3A_430 = vector.shape_cast %mul3A_423 : vector<16xf32> to vector<1x16xf32>
      tpu.vector_store %arg7[%swap3A_426, %swap3A_427], %swap3A_430 {strides = array<i32>} : memref<128x64xf32, #tpu.memory_space<vmem>>, vector<1x16xf32>,
      %add3A_431 = arith.constant 4 : i32
      %add3A_432 = arith.addi %mul3A_144, %add3A_431 : i32
      %get3A_433 = arith.index_cast %add3A_432 : i32 to index
      %get3A_434 = arith.constant 32 : index
      %get3A_435 = tpu.vector_load %arg7[%get3A_433, %get3A_434] {strides = array<i32>} : memref<128x64xf32, #tpu.memory_space<vmem>>, vector<1x16xf32>,
      %get3A_436 = vector.shape_cast %get3A_435 : vector<1x16xf32> to vector<16xf32>
      %mul3A_437 = arith.constant 3.1622777 : f32
      %mul3A_438 = vector.broadcast %mul3A_437 : f32 to vector<16xf32>
      %mul3A_439 = arith.mulf %get3A_436, %mul3A_438 : vector<16xf32>
      %add3A_440 = arith.constant 4 : i32
      %add3A_441 = arith.addi %mul3A_144, %add3A_440 : i32
      %swap3A_442 = arith.index_cast %add3A_441 : i32 to index
      %swap3A_443 = arith.constant 32 : index
      %swap3A_444 = tpu.vector_load %arg7[%swap3A_442, %swap3A_443] {strides = array<i32>} : memref<128x64xf32, #tpu.memory_space<vmem>>, vector<1x16xf32>,
      %swap3A_445 = vector.shape_cast %swap3A_444 : vector<1x16xf32> to vector<16xf32>
      %swap3A_446 = vector.shape_cast %mul3A_439 : vector<16xf32> to vector<1x16xf32>
      tpu.vector_store %arg7[%swap3A_442, %swap3A_443], %swap3A_446 {strides = array<i32>} : memref<128x64xf32, #tpu.memory_space<vmem>>, vector<1x16xf32>,
      %add3A_447 = arith.constant 4 : i32
      %add3A_448 = arith.addi %mul3A_144, %add3A_447 : i32
      %get3A_449 = arith.index_cast %add3A_448 : i32 to index
      %get3A_450 = arith.constant 48 : index
      %get3A_451 = tpu.vector_load %arg7[%get3A_449, %get3A_450] {strides = array<i32>} : memref<128x64xf32, #tpu.memory_space<vmem>>, vector<1x16xf32>,
      %get3A_452 = vector.shape_cast %get3A_451 : vector<1x16xf32> to vector<16xf32>
      %mul3A_453 = arith.constant 3.1622777 : f32
      %mul3A_454 = vector.broadcast %mul3A_453 : f32 to vector<16xf32>
      %mul3A_455 = arith.mulf %get3A_452, %mul3A_454 : vector<16xf32>
      %add3A_456 = arith.constant 4 : i32
      %add3A_457 = arith.addi %mul3A_144, %add3A_456 : i32
      %swap3A_458 = arith.index_cast %add3A_457 : i32 to index
      %swap3A_459 = arith.constant 48 : index
      %swap3A_460 = tpu.vector_load %arg7[%swap3A_458, %swap3A_459] {strides = array<i32>} : memref<128x64xf32, #tpu.memory_space<vmem>>, vector<1x16xf32>,
      %swap3A_461 = vector.shape_cast %swap3A_460 : vector<1x16xf32> to vector<16xf32>
      %swap3A_462 = vector.shape_cast %mul3A_455 : vector<16xf32> to vector<1x16xf32>
      tpu.vector_store %arg7[%swap3A_458, %swap3A_459], %swap3A_462 {strides = array<i32>} : memref<128x64xf32, #tpu.memory_space<vmem>>, vector<1x16xf32>,
      %add3A_463 = arith.constant 5 : i32
      %add3A_464 = arith.addi %mul3A_144, %add3A_463 : i32
      %get3A_465 = arith.index_cast %add3A_464 : i32 to index
      %get3A_466 = arith.constant 0 : index
      %get3A_467 = tpu.vector_load %arg7[%get3A_465, %get3A_466] {strides = array<i32>} : memref<128x64xf32, #tpu.memory_space<vmem>>, vector<1x16xf32>,
      %get3A_468 = vector.shape_cast %get3A_467 : vector<1x16xf32> to vector<16xf32>
      %mul3A_469 = arith.constant 3.1622777 : f32
      %mul3A_470 = vector.broadcast %mul3A_469 : f32 to vector<16xf32>
      %mul3A_471 = arith.mulf %get3A_468, %mul3A_470 : vector<16xf32>
      %add3A_472 = arith.constant 5 : i32
      %add3A_473 = arith.addi %mul3A_144, %add3A_472 : i32
      %swap3A_474 = arith.index_cast %add3A_473 : i32 to index
      %swap3A_475 = arith.constant 0 : index
      %swap3A_476 = tpu.vector_load %arg7[%swap3A_474, %swap3A_475] {strides = array<i32>} : memref<128x64xf32, #tpu.memory_space<vmem>>, vector<1x16xf32>,
      %swap3A_477 = vector.shape_cast %swap3A_476 : vector<1x16xf32> to vector<16xf32>
      %swap3A_478 = vector.shape_cast %mul3A_471 : vector<16xf32> to vector<1x16xf32>
      tpu.vector_store %arg7[%swap3A_474, %swap3A_475], %swap3A_478 {strides = array<i32>} : memref<128x64xf32, #tpu.memory_space<vmem>>, vector<1x16xf32>,
      %add3A_479 = arith.constant 5 : i32
      %add3A_480 = arith.addi %mul3A_144, %add3A_479 : i32
      %get3A_481 = arith.index_cast %add3A_480 : i32 to index
      %get3A_482 = arith.constant 16 : index
      %get3A_483 = tpu.vector_load %arg7[%get3A_481, %get3A_482] {strides = array<i32>} : memref<128x64xf32, #tpu.memory_space<vmem>>, vector<1x16xf32>,
      %get3A_484 = vector.shape_cast %get3A_483 : vector<1x16xf32> to vector<16xf32>
      %mul3A_485 = arith.constant 3.1622777 : f32
      %mul3A_486 = vector.broadcast %mul3A_485 : f32 to vector<16xf32>
      %mul3A_487 = arith.mulf %get3A_484, %mul3A_486 : vector<16xf32>
      %add3A_488 = arith.constant 5 : i32
      %add3A_489 = arith.addi %mul3A_144, %add3A_488 : i32
      %swap3A_490 = arith.index_cast %add3A_489 : i32 to index
      %swap3A_491 = arith.constant 16 : index
      %swap3A_492 = tpu.vector_load %arg7[%swap3A_490, %swap3A_491] {strides = array<i32>} : memref<128x64xf32, #tpu.memory_space<vmem>>, vector<1x16xf32>,
      %swap3A_493 = vector.shape_cast %swap3A_492 : vector<1x16xf32> to vector<16xf32>
      %swap3A_494 = vector.shape_cast %mul3A_487 : vector<16xf32> to vector<1x16xf32>
      tpu.vector_store %arg7[%swap3A_490, %swap3A_491], %swap3A_494 {strides = array<i32>} : memref<128x64xf32, #tpu.memory_space<vmem>>, vector<1x16xf32>,
      %add3A_495 = arith.constant 5 : i32
      %add3A_496 = arith.addi %mul3A_144, %add3A_495 : i32
      %get3A_497 = arith.index_cast %add3A_496 : i32 to index
      %get3A_498 = arith.constant 32 : index
      %get3A_499 = tpu.vector_load %arg7[%get3A_497, %get3A_498] {strides = array<i32>} : memref<128x64xf32, #tpu.memory_space<vmem>>, vector<1x16xf32>,
      %get3A_500 = vector.shape_cast %get3A_499 : vector<1x16xf32> to vector<16xf32>
      %mul3A_501 = arith.constant 3.1622777 : f32
      %mul3A_502 = vector.broadcast %mul3A_501 : f32 to vector<16xf32>
      %mul3A_503 = arith.mulf %get3A_500, %mul3A_502 : vector<16xf32>
      %add3A_504 = arith.constant 5 : i32
      %add3A_505 = arith.addi %mul3A_144, %add3A_504 : i32
      %swap3A_506 = arith.index_cast %add3A_505 : i32 to index
      %swap3A_507 = arith.constant 32 : index
      %swap3A_508 = tpu.vector_load %arg7[%swap3A_506, %swap3A_507] {strides = array<i32>} : memref<128x64xf32, #tpu.memory_space<vmem>>, vector<1x16xf32>,
      %swap3A_509 = vector.shape_cast %swap3A_508 : vector<1x16xf32> to vector<16xf32>
      %swap3A_510 = vector.shape_cast %mul3A_503 : vector<16xf32> to vector<1x16xf32>
      tpu.vector_store %arg7[%swap3A_506, %swap3A_507], %swap3A_510 {strides = array<i32>} : memref<128x64xf32, #tpu.memory_space<vmem>>, vector<1x16xf32>,
      %add3A_511 = arith.constant 5 : i32
      %add3A_512 = arith.addi %mul3A_144, %add3A_511 : i32
      %get3A_513 = arith.index_cast %add3A_512 : i32 to index
      %get3A_514 = arith.constant 48 : index
      %get3A_515 = tpu.vector_load %arg7[%get3A_513, %get3A_514] {strides = array<i32>} : memref<128x64xf32, #tpu.memory_space<vmem>>, vector<1x16xf32>,
      %get3A_516 = vector.shape_cast %get3A_515 : vector<1x16xf32> to vector<16xf32>
      %mul3A_517 = arith.constant 3.1622777 : f32
      %mul3A_518 = vector.broadcast %mul3A_517 : f32 to vector<16xf32>
      %mul3A_519 = arith.mulf %get3A_516, %mul3A_518 : vector<16xf32>
      %add3A_520 = arith.constant 5 : i32
      %add3A_521 = arith.addi %mul3A_144, %add3A_520 : i32
      %swap3A_522 = arith.index_cast %add3A_521 : i32 to index
      %swap3A_523 = arith.constant 48 : index
      %swap3A_524 = tpu.vector_load %arg7[%swap3A_522, %swap3A_523] {strides = array<i32>} : memref<128x64xf32, #tpu.memory_space<vmem>>, vector<1x16xf32>,
      %swap3A_525 = vector.shape_cast %swap3A_524 : vector<1x16xf32> to vector<16xf32>
      %swap3A_526 = vector.shape_cast %mul3A_519 : vector<16xf32> to vector<1x16xf32>
      tpu.vector_store %arg7[%swap3A_522, %swap3A_523], %swap3A_526 {strides = array<i32>} : memref<128x64xf32, #tpu.memory_space<vmem>>, vector<1x16xf32>,
      %add3A_527 = arith.constant 6 : i32
      %add3A_528 = arith.addi %mul3A_144, %add3A_527 : i32
      %get3A_529 = arith.index_cast %add3A_528 : i32 to index
      %get3A_530 = arith.constant 0 : index
      %get3A_531 = tpu.vector_load %arg7[%get3A_529, %get3A_530] {strides = array<i32>} : memref<128x64xf32, #tpu.memory_space<vmem>>, vector<1x16xf32>,
      %get3A_532 = vector.shape_cast %get3A_531 : vector<1x16xf32> to vector<16xf32>
      %mul3A_533 = arith.constant 3.1622777 : f32
      %mul3A_534 = vector.broadcast %mul3A_533 : f32 to vector<16xf32>
      %mul3A_535 = arith.mulf %get3A_532, %mul3A_534 : vector<16xf32>
      %add3A_536 = arith.constant 6 : i32
      %add3A_537 = arith.addi %mul3A_144, %add3A_536 : i32
      %swap3A_538 = arith.index_cast %add3A_537 : i32 to index
      %swap3A_539 = arith.constant 0 : index
      %swap3A_540 = tpu.vector_load %arg7[%swap3A_538, %swap3A_539] {strides = array<i32>} : memref<128x64xf32, #tpu.memory_space<vmem>>, vector<1x16xf32>,
      %swap3A_541 = vector.shape_cast %swap3A_540 : vector<1x16xf32> to vector<16xf32>
      %swap3A_542 = vector.shape_cast %mul3A_535 : vector<16xf32> to vector<1x16xf32>
      tpu.vector_store %arg7[%swap3A_538, %swap3A_539], %swap3A_542 {strides = array<i32>} : memref<128x64xf32, #tpu.memory_space<vmem>>, vector<1x16xf32>,
      %add3A_543 = arith.constant 6 : i32
      %add3A_544 = arith.addi %mul3A_144, %add3A_543 : i32
      %get3A_545 = arith.index_cast %add3A_544 : i32 to index
      %get3A_546 = arith.constant 16 : index
      %get3A_547 = tpu.vector_load %arg7[%get3A_545, %get3A_546] {strides = array<i32>} : memref<128x64xf32, #tpu.memory_space<vmem>>, vector<1x16xf32>,
      %get3A_548 = vector.shape_cast %get3A_547 : vector<1x16xf32> to vector<16xf32>
      %mul3A_549 = arith.constant 3.1622777 : f32
      %mul3A_550 = vector.broadcast %mul3A_549 : f32 to vector<16xf32>
      %mul3A_551 = arith.mulf %get3A_548, %mul3A_550 : vector<16xf32>
      %add3A_552 = arith.constant 6 : i32
      %add3A_553 = arith.addi %mul3A_144, %add3A_552 : i32
      %swap3A_554 = arith.index_cast %add3A_553 : i32 to index
      %swap3A_555 = arith.constant 16 : index
      %swap3A_556 = tpu.vector_load %arg7[%swap3A_554, %swap3A_555] {strides = array<i32>} : memref<128x64xf32, #tpu.memory_space<vmem>>, vector<1x16xf32>,
      %swap3A_557 = vector.shape_cast %swap3A_556 : vector<1x16xf32> to vector<16xf32>
      %swap3A_558 = vector.shape_cast %mul3A_551 : vector<16xf32> to vector<1x16xf32>
      tpu.vector_store %arg7[%swap3A_554, %swap3A_555], %swap3A_558 {strides = array<i32>} : memref<128x64xf32, #tpu.memory_space<vmem>>, vector<1x16xf32>,
      %add3A_559 = arith.constant 6 : i32
      %add3A_560 = arith.addi %mul3A_144, %add3A_559 : i32
      %get3A_561 = arith.index_cast %add3A_560 : i32 to index
      %get3A_562 = arith.constant 32 : index
      %get3A_563 = tpu.vector_load %arg7[%get3A_561, %get3A_562] {strides = array<i32>} : memref<128x64xf32, #tpu.memory_space<vmem>>, vector<1x16xf32>,
      %get3A_564 = vector.shape_cast %get3A_563 : vector<1x16xf32> to vector<16xf32>
      %mul3A_565 = arith.constant 3.1622777 : f32
      %mul3A_566 = vector.broadcast %mul3A_565 : f32 to vector<16xf32>
      %mul3A_567 = arith.mulf %get3A_564, %mul3A_566 : vector<16xf32>
      %add3A_568 = arith.constant 6 : i32
      %add3A_569 = arith.addi %mul3A_144, %add3A_568 : i32
      %swap3A_570 = arith.index_cast %add3A_569 : i32 to index
      %swap3A_571 = arith.constant 32 : index
      %swap3A_572 = tpu.vector_load %arg7[%swap3A_570, %swap3A_571] {strides = array<i32>} : memref<128x64xf32, #tpu.memory_space<vmem>>, vector<1x16xf32>,
      %swap3A_573 = vector.shape_cast %swap3A_572 : vector<1x16xf32> to vector<16xf32>
      %swap3A_574 = vector.shape_cast %mul3A_567 : vector<16xf32> to vector<1x16xf32>
      tpu.vector_store %arg7[%swap3A_570, %swap3A_571], %swap3A_574 {strides = array<i32>} : memref<128x64xf32, #tpu.memory_space<vmem>>, vector<1x16xf32>,
      %add3A_575 = arith.constant 6 : i32
      %add3A_576 = arith.addi %mul3A_144, %add3A_575 : i32
      %get3A_577 = arith.index_cast %add3A_576 : i32 to index
      %get3A_578 = arith.constant 48 : index
      %get3A_579 = tpu.vector_load %arg7[%get3A_577, %get3A_578] {strides = array<i32>} : memref<128x64xf32, #tpu.memory_space<vmem>>, vector<1x16xf32>,
      %get3A_580 = vector.shape_cast %get3A_579 : vector<1x16xf32> to vector<16xf32>
      %mul3A_581 = arith.constant 3.1622777 : f32
      %mul3A_582 = vector.broadcast %mul3A_581 : f32 to vector<16xf32>
      %mul3A_583 = arith.mulf %get3A_580, %mul3A_582 : vector<16xf32>
      %add3A_584 = arith.constant 6 : i32
      %add3A_585 = arith.addi %mul3A_144, %add3A_584 : i32
      %swap3A_586 = arith.index_cast %add3A_585 : i32 to index
      %swap3A_587 = arith.constant 48 : index
      %swap3A_588 = tpu.vector_load %arg7[%swap3A_586, %swap3A_587] {strides = array<i32>} : memref<128x64xf32, #tpu.memory_space<vmem>>, vector<1x16xf32>,
      %swap3A_589 = vector.shape_cast %swap3A_588 : vector<1x16xf32> to vector<16xf32>
      %swap3A_590 = vector.shape_cast %mul3A_583 : vector<16xf32> to vector<1x16xf32>
      tpu.vector_store %arg7[%swap3A_586, %swap3A_587], %swap3A_590 {strides = array<i32>} : memref<128x64xf32, #tpu.memory_space<vmem>>, vector<1x16xf32>,
      %add3A_591 = arith.constant 7 : i32
      %add3A_592 = arith.addi %mul3A_144, %add3A_591 : i32
      %get3A_593 = arith.index_cast %add3A_592 : i32 to index
      %get3A_594 = arith.constant 0 : index
      %get3A_595 = tpu.vector_load %arg7[%get3A_593, %get3A_594] {strides = array<i32>} : memref<128x64xf32, #tpu.memory_space<vmem>>, vector<1x16xf32>,
      %get3A_596 = vector.shape_cast %get3A_595 : vector<1x16xf32> to vector<16xf32>
      %mul3A_597 = arith.constant 3.1622777 : f32
      %mul3A_598 = vector.broadcast %mul3A_597 : f32 to vector<16xf32>
      %mul3A_599 = arith.mulf %get3A_596, %mul3A_598 : vector<16xf32>
      %add3A_600 = arith.constant 7 : i32
      %add3A_601 = arith.addi %mul3A_144, %add3A_600 : i32
      %swap3A_602 = arith.index_cast %add3A_601 : i32 to index
      %swap3A_603 = arith.constant 0 : index
      %swap3A_604 = tpu.vector_load %arg7[%swap3A_602, %swap3A_603] {strides = array<i32>} : memref<128x64xf32, #tpu.memory_space<vmem>>, vector<1x16xf32>,
      %swap3A_605 = vector.shape_cast %swap3A_604 : vector<1x16xf32> to vector<16xf32>
      %swap3A_606 = vector.shape_cast %mul3A_599 : vector<16xf32> to vector<1x16xf32>
      tpu.vector_store %arg7[%swap3A_602, %swap3A_603], %swap3A_606 {strides = array<i32>} : memref<128x64xf32, #tpu.memory_space<vmem>>, vector<1x16xf32>,
      %add3A_607 = arith.constant 7 : i32
      %add3A_608 = arith.addi %mul3A_144, %add3A_607 : i32
      %get3A_609 = arith.index_cast %add3A_608 : i32 to index
      %get3A_610 = arith.constant 16 : index
      %get3A_611 = tpu.vector_load %arg7[%get3A_609, %get3A_610] {strides = array<i32>} : memref<128x64xf32, #tpu.memory_space<vmem>>, vector<1x16xf32>,
      %get3A_612 = vector.shape_cast %get3A_611 : vector<1x16xf32> to vector<16xf32>
      %mul3A_613 = arith.constant 3.1622777 : f32
      %mul3A_614 = vector.broadcast %mul3A_613 : f32 to vector<16xf32>
      %mul3A_615 = arith.mulf %get3A_612, %mul3A_614 : vector<16xf32>
      %add3A_616 = arith.constant 7 : i32
      %add3A_617 = arith.addi %mul3A_144, %add3A_616 : i32
      %swap3A_618 = arith.index_cast %add3A_617 : i32 to index
      %swap3A_619 = arith.constant 16 : index
      %swap3A_620 = tpu.vector_load %arg7[%swap3A_618, %swap3A_619] {strides = array<i32>} : memref<128x64xf32, #tpu.memory_space<vmem>>, vector<1x16xf32>,
      %swap3A_621 = vector.shape_cast %swap3A_620 : vector<1x16xf32> to vector<16xf32>
      %swap3A_622 = vector.shape_cast %mul3A_615 : vector<16xf32> to vector<1x16xf32>
      tpu.vector_store %arg7[%swap3A_618, %swap3A_619], %swap3A_622 {strides = array<i32>} : memref<128x64xf32, #tpu.memory_space<vmem>>, vector<1x16xf32>,
      %add3A_623 = arith.constant 7 : i32
      %add3A_624 = arith.addi %mul3A_144, %add3A_623 : i32
      %get3A_625 = arith.index_cast %add3A_624 : i32 to index
      %get3A_626 = arith.constant 32 : index
      %get3A_627 = tpu.vector_load %arg7[%get3A_625, %get3A_626] {strides = array<i32>} : memref<128x64xf32, #tpu.memory_space<vmem>>, vector<1x16xf32>,
      %get3A_628 = vector.shape_cast %get3A_627 : vector<1x16xf32> to vector<16xf32>
      %mul3A_629 = arith.constant 3.1622777 : f32
      %mul3A_630 = vector.broadcast %mul3A_629 : f32 to vector<16xf32>
      %mul3A_631 = arith.mulf %get3A_628, %mul3A_630 : vector<16xf32>
      %add3A_632 = arith.constant 7 : i32
      %add3A_633 = arith.addi %mul3A_144, %add3A_632 : i32
      %swap3A_634 = arith.index_cast %add3A_633 : i32 to index
      %swap3A_635 = arith.constant 32 : index
      %swap3A_636 = tpu.vector_load %arg7[%swap3A_634, %swap3A_635] {strides = array<i32>} : memref<128x64xf32, #tpu.memory_space<vmem>>, vector<1x16xf32>,
      %swap3A_637 = vector.shape_cast %swap3A_636 : vector<1x16xf32> to vector<16xf32>
      %swap3A_638 = vector.shape_cast %mul3A_631 : vector<16xf32> to vector<1x16xf32>
      tpu.vector_store %arg7[%swap3A_634, %swap3A_635], %swap3A_638 {strides = array<i32>} : memref<128x64xf32, #tpu.memory_space<vmem>>, vector<1x16xf32>,
      %add3A_639 = arith.constant 7 : i32
      %add3A_640 = arith.addi %mul3A_144, %add3A_639 : i32
      %get3A_641 = arith.index_cast %add3A_640 : i32 to index
      %get3A_642 = arith.constant 48 : index
      %get3A_643 = tpu.vector_load %arg7[%get3A_641, %get3A_642] {strides = array<i32>} : memref<128x64xf32, #tpu.memory_space<vmem>>, vector<1x16xf32>,
      %get3A_644 = vector.shape_cast %get3A_643 : vector<1x16xf32> to vector<16xf32>
      %mul3A_645 = arith.constant 3.1622777 : f32
      %mul3A_646 = vector.broadcast %mul3A_645 : f32 to vector<16xf32>
      %mul3A_647 = arith.mulf %get3A_644, %mul3A_646 : vector<16xf32>
      %add3A_648 = arith.constant 7 : i32
      %add3A_649 = arith.addi %mul3A_144, %add3A_648 : i32
      %swap3A_650 = arith.index_cast %add3A_649 : i32 to index
      %swap3A_651 = arith.constant 48 : index
      %swap3A_652 = tpu.vector_load %arg7[%swap3A_650, %swap3A_651] {strides = array<i32>} : memref<128x64xf32, #tpu.memory_space<vmem>>, vector<1x16xf32>,
      %swap3A_653 = vector.shape_cast %swap3A_652 : vector<1x16xf32> to vector<16xf32>
      %swap3A_654 = vector.shape_cast %mul3A_647 : vector<16xf32> to vector<1x16xf32>
      tpu.vector_store %arg7[%swap3A_650, %swap3A_651], %swap3A_654 {strides = array<i32>} : memref<128x64xf32, #tpu.memory_space<vmem>>, vector<1x16xf32>,
    }
    %scan3A_61 = arith.constant 16 : i32
    %add3A_62 = arith.constant 1 : i32
    %add3A_63 = arith.addi %mul3A_2, %add3A_62 : i32
    %mul3A_64 = arith.constant 128 : i32
    %mul3A_65 = arith.muli %add3A_63, %mul3A_64 : i32
    %dma_start3A_66 = arith.constant 0 : i32
    %dma_start3A_67 = tpu.memref_slice %arg4[%mul3A_65, %dma_start3A_66] : memref<819200x64xf32, #tpu.memory_space<hbm>> -> memref<128x64xf32, #tpu.memory_space<hbm>>
    %dma_start3A_68 = arith.constant 0 : i32
    %dma_start3A_69 = tpu.memref_slice %arg4[%mul3A_65, %dma_start3A_68] : memref<819200x64xf32, #tpu.memory_space<hbm>> -> memref<128x64xf32, #tpu.memory_space<hbm>>
    tpu.enqueue_dma source(%arg7 : memref<128x64xf32, #tpu.memory_space<vmem>>) target(%dma_start3A_69 : memref<128x64xf32, #tpu.memory_space<hbm>>) target_semaphore(%arg15 : memref<!tpu.dma_semaphore, #tpu.memory_space<semaphore_mem>>)
    %scan3A_70 = arith.constant 0 : i32
    %scan3A_71 = arith.constant 0 : i32
    %scan3A_72 = arith.constant 49 : i32
    %scan3A_73 = arith.addi %scan3A_71, %scan3A_72 : i32
    %scan3A_74 = arith.constant 1 : i32
    scf.for %scan3A_142 = %scan3A_71 to %scan3A_73 step %scan3A_74  : i32 {
      %mul3A_143 = arith.constant 4 : i32
      %mul3A_144 = arith.muli %scan3A_142, %mul3A_143 : i32
      %add3A_145 = arith.constant 2 : i32
      %add3A_146 = arith.addi %add3A_145, %mul3A_144 : i32
      %add3A_147 = arith.constant 0 : i32
      %add3A_148 = arith.addi %add3A_146, %add3A_147 : i32
      %mul3A_149 = arith.constant 128 : i32
      %mul3A_150 = arith.muli %mul3A_2, %mul3A_149 : i32
      %dma_wait3A_151 = arith.constant 0 : i32
      %dma_wait3A_152 = tpu.memref_slice %arg4[%mul3A_150, %dma_wait3A_151] : memref<819200x64xf32, #tpu.memory_space<hbm>> -> memref<128x64xf32, #tpu.memory_space<hbm>>
      %dma_wait3A_153 = arith.constant 0 : i32
      %dma_wait3A_154 = tpu.memref_slice %arg4[%mul3A_150, %dma_wait3A_153] : memref<819200x64xf32, #tpu.memory_space<hbm>> -> memref<128x64xf32, #tpu.memory_space<hbm>>
      tpu.wait_dma2 semaphore(%arg14 : memref<!tpu.dma_semaphore, #tpu.memory_space<semaphore_mem>>) src(%arg6 : memref<128x64xf32, #tpu.memory_space<vmem>>) dst(%dma_wait3A_154 : memref<128x64xf32, #tpu.memory_space<hbm>>)
      %add3A_155 = arith.constant 2 : i32
      %add3A_156 = arith.addi %add3A_148, %add3A_155 : i32
      %dma_start3A_157 = arith.constant 0 : i32
      %dma_start3A_158 = tpu.memref_slice %arg5[%add3A_156, %dma_start3A_157] : memref<200x128xi32, #tpu.memory_space<vmem>> -> memref<1x128xi32, #tpu.memory_space<vmem>>
      %dma_start3A_159 = tpu.memref_squeeze %dma_start3A_158 : memref<1x128xi32, #tpu.memory_space<vmem>> -> memref<128xi32, #tpu.memory_space<vmem>>
      %dma_start3A_160 = arith.constant 0 : i32
      %dma_start3A_161 = arith.constant 0 : i32
      %dma_start3A_162 = tpu.memref_slice %arg3[%dma_start3A_160, %dma_start3A_161] : memref<1000000x64xf32, #tpu.memory_space<hbm>> -> memref<1000000x64xf32, #tpu.memory_space<hbm>>
      tpu.enqueue_indirect_dma source(%dma_start3A_162 : memref<1000000x64xf32, #tpu.memory_space<hbm>>) target(%arg6 : memref<128x64xf32, #tpu.memory_space<vmem>>) offsets(%dma_start3A_159 : memref<128xi32, #tpu.memory_space<vmem>>) semaphore(%arg10 : memref<!tpu.dma_semaphore, #tpu.memory_space<semaphore_mem>>)
      %dma_wait3A_163 = arith.constant 0 : i32
      %dma_wait3A_164 = tpu.memref_slice %arg5[%add3A_148, %dma_wait3A_163] : memref<200x128xi32, #tpu.memory_space<vmem>> -> memref<1x128xi32, #tpu.memory_space<vmem>>
      %dma_wait3A_165 = tpu.memref_squeeze %dma_wait3A_164 : memref<1x128xi32, #tpu.memory_space<vmem>> -> memref<128xi32, #tpu.memory_space<vmem>>
      %dma_wait3A_166 = arith.constant 0 : i32
      %dma_wait3A_167 = arith.constant 0 : i32
      %dma_wait3A_168 = tpu.memref_slice %arg3[%dma_wait3A_166, %dma_wait3A_167] : memref<1000000x64xf32, #tpu.memory_space<hbm>> -> memref<1000000x64xf32, #tpu.memory_space<hbm>>
      tpu.wait_indirect_dma semaphore(%arg12 : memref<!tpu.dma_semaphore, #tpu.memory_space<semaphore_mem>>) src(%dma_wait3A_168 : memref<1000000x64xf32, #tpu.memory_space<hbm>>) dst(%arg8 : memref<128x64xf32, #tpu.memory_space<vmem>>)
      %scan3A_169 = arith.constant 0 : i32
      %scan3A_170 = arith.constant 0 : i32
      %scan3A_171 = arith.constant 16 : i32
      %scan3A_172 = arith.addi %scan3A_170, %scan3A_171 : i32
      %scan3A_173 = arith.constant 1 : i32
      scf.for %scan3A_287 = %scan3A_170 to %scan3A_172 step %scan3A_173  : i32 {
        %mul3A_288 = arith.constant 8 : i32
        %mul3A_289 = arith.muli %scan3A_287, %mul3A_288 : i32
        %add3A_290 = arith.constant 0 : i32
        %add3A_291 = arith.addi %mul3A_289, %add3A_290 : i32
        %get3A = arith.index_cast %add3A_291 : i32 to index
        %get3A_292 = arith.constant 0 : index
        %get3A_293 = tpu.vector_load %arg8[%get3A, %get3A_292] {strides = array<i32>} : memref<128x64xf32, #tpu.memory_space<vmem>>, vector<1x16xf32>,
        %get3A_294 = vector.shape_cast %get3A_293 : vector<1x16xf32> to vector<16xf32>
        %mul3A_295 = arith.constant 3.1622777 : f32
        %mul3A_296 = vector.broadcast %mul3A_295 : f32 to vector<16xf32>
        %mul3A_297 = arith.mulf %get3A_294, %mul3A_296 : vector<16xf32>
        %add3A_298 = arith.constant 0 : i32
        %add3A_299 = arith.addi %mul3A_289, %add3A_298 : i32
        %swap3A = arith.index_cast %add3A_299 : i32 to index
        %swap3A_300 = arith.constant 0 : index
        %swap3A_301 = tpu.vector_load %arg8[%swap3A, %swap3A_300] {strides = array<i32>} : memref<128x64xf32, #tpu.memory_space<vmem>>, vector<1x16xf32>,
        %swap3A_302 = vector.shape_cast %swap3A_301 : vector<1x16xf32> to vector<16xf32>
        %swap3A_303 = vector.shape_cast %mul3A_297 : vector<16xf32> to vector<1x16xf32>
        tpu.vector_store %arg8[%swap3A, %swap3A_300], %swap3A_303 {strides = array<i32>} : memref<128x64xf32, #tpu.memory_space<vmem>>, vector<1x16xf32>,
        %add3A_304 = arith.constant 0 : i32
        %add3A_305 = arith.addi %mul3A_289, %add3A_304 : i32
        %get3A_306 = arith.index_cast %add3A_305 : i32 to index
        %get3A_307 = arith.constant 16 : index
        %get3A_308 = tpu.vector_load %arg8[%get3A_306, %get3A_307] {strides = array<i32>} : memref<128x64xf32, #tpu.memory_space<vmem>>, vector<1x16xf32>,
        %get3A_309 = vector.shape_cast %get3A_308 : vector<1x16xf32> to vector<16xf32>
        %mul3A_310 = arith.constant 3.1622777 : f32
        %mul3A_311 = vector.broadcast %mul3A_310 : f32 to vector<16xf32>
        %mul3A_312 = arith.mulf %get3A_309, %mul3A_311 : vector<16xf32>
        %add3A_313 = arith.constant 0 : i32
        %add3A_314 = arith.addi %mul3A_289, %add3A_313 : i32
        %swap3A_315 = arith.index_cast %add3A_314 : i32 to index
        %swap3A_316 = arith.constant 16 : index
        %swap3A_317 = tpu.vector_load %arg8[%swap3A_315, %swap3A_316] {strides = array<i32>} : memref<128x64xf32, #tpu.memory_space<vmem>>, vector<1x16xf32>,
        %swap3A_318 = vector.shape_cast %swap3A_317 : vector<1x16xf32> to vector<16xf32>
        %swap3A_319 = vector.shape_cast %mul3A_312 : vector<16xf32> to vector<1x16xf32>
        tpu.vector_store %arg8[%swap3A_315, %swap3A_316], %swap3A_319 {strides = array<i32>} : memref<128x64xf32, #tpu.memory_space<vmem>>, vector<1x16xf32>,
        %add3A_320 = arith.constant 0 : i32
        %add3A_321 = arith.addi %mul3A_289, %add3A_320 : i32
        %get3A_322 = arith.index_cast %add3A_321 : i32 to index
        %get3A_323 = arith.constant 32 : index
        %get3A_324 = tpu.vector_load %arg8[%get3A_322, %get3A_323] {strides = array<i32>} : memref<128x64xf32, #tpu.memory_space<vmem>>, vector<1x16xf32>,
        %get3A_325 = vector.shape_cast %get3A_324 : vector<1x16xf32> to vector<16xf32>
        %mul3A_326 = arith.constant 3.1622777 : f32
        %mul3A_327 = vector.broadcast %mul3A_326 : f32 to vector<16xf32>
        %mul3A_328 = arith.mulf %get3A_325, %mul3A_327 : vector<16xf32>
        %add3A_329 = arith.constant 0 : i32
        %add3A_330 = arith.addi %mul3A_289, %add3A_329 : i32
        %swap3A_331 = arith.index_cast %add3A_330 : i32 to index
        %swap3A_332 = arith.constant 32 : index
        %swap3A_333 = tpu.vector_load %arg8[%swap3A_331, %swap3A_332] {strides = array<i32>} : memref<128x64xf32, #tpu.memory_space<vmem>>, vector<1x16xf32>,
        %swap3A_334 = vector.shape_cast %swap3A_333 : vector<1x16xf32> to vector<16xf32>
        %swap3A_335 = vector.shape_cast %mul3A_328 : vector<16xf32> to vector<1x16xf32>
        tpu.vector_store %arg8[%swap3A_331, %swap3A_332], %swap3A_335 {strides = array<i32>} : memref<128x64xf32, #tpu.memory_space<vmem>>, vector<1x16xf32>,
        %add3A_336 = arith.constant 0 : i32
        %add3A_337 = arith.addi %mul3A_289, %add3A_336 : i32
        %get3A_338 = arith.index_cast %add3A_337 : i32 to index
        %get3A_339 = arith.constant 48 : index
        %get3A_340 = tpu.vector_load %arg8[%get3A_338, %get3A_339] {strides = array<i32>} : memref<128x64xf32, #tpu.memory_space<vmem>>, vector<1x16xf32>,
        %get3A_341 = vector.shape_cast %get3A_340 : vector<1x16xf32> to vector<16xf32>
        %mul3A_342 = arith.constant 3.1622777 : f32
        %mul3A_343 = vector.broadcast %mul3A_342 : f32 to vector<16xf32>
        %mul3A_344 = arith.mulf %get3A_341, %mul3A_343 : vector<16xf32>
        %add3A_345 = arith.constant 0 : i32
        %add3A_346 = arith.addi %mul3A_289, %add3A_345 : i32
        %swap3A_347 = arith.index_cast %add3A_346 : i32 to index
        %swap3A_348 = arith.constant 48 : index
        %swap3A_349 = tpu.vector_load %arg8[%swap3A_347, %swap3A_348] {strides = array<i32>} : memref<128x64xf32, #tpu.memory_space<vmem>>, vector<1x16xf32>,
        %swap3A_350 = vector.shape_cast %swap3A_349 : vector<1x16xf32> to vector<16xf32>
        %swap3A_351 = vector.shape_cast %mul3A_344 : vector<16xf32> to vector<1x16xf32>
        tpu.vector_store %arg8[%swap3A_347, %swap3A_348], %swap3A_351 {strides = array<i32>} : memref<128x64xf32, #tpu.memory_space<vmem>>, vector<1x16xf32>,
        %add3A_352 = arith.constant 1 : i32
        %add3A_353 = arith.addi %mul3A_289, %add3A_352 : i32
        %get3A_354 = arith.index_cast %add3A_353 : i32 to index
        %get3A_355 = arith.constant 0 : index
        %get3A_356 = tpu.vector_load %arg8[%get3A_354, %get3A_355] {strides = array<i32>} : memref<128x64xf32, #tpu.memory_space<vmem>>, vector<1x16xf32>,
        %get3A_357 = vector.shape_cast %get3A_356 : vector<1x16xf32> to vector<16xf32>
        %mul3A_358 = arith.constant 3.1622777 : f32
        %mul3A_359 = vector.broadcast %mul3A_358 : f32 to vector<16xf32>
        %mul3A_360 = arith.mulf %get3A_357, %mul3A_359 : vector<16xf32>
        %add3A_361 = arith.constant 1 : i32
        %add3A_362 = arith.addi %mul3A_289, %add3A_361 : i32
        %swap3A_363 = arith.index_cast %add3A_362 : i32 to index
        %swap3A_364 = arith.constant 0 : index
        %swap3A_365 = tpu.vector_load %arg8[%swap3A_363, %swap3A_364] {strides = array<i32>} : memref<128x64xf32, #tpu.memory_space<vmem>>, vector<1x16xf32>,
        %swap3A_366 = vector.shape_cast %swap3A_365 : vector<1x16xf32> to vector<16xf32>
        %swap3A_367 = vector.shape_cast %mul3A_360 : vector<16xf32> to vector<1x16xf32>
        tpu.vector_store %arg8[%swap3A_363, %swap3A_364], %swap3A_367 {strides = array<i32>} : memref<128x64xf32, #tpu.memory_space<vmem>>, vector<1x16xf32>,
        %add3A_368 = arith.constant 1 : i32
        %add3A_369 = arith.addi %mul3A_289, %add3A_368 : i32
        %get3A_370 = arith.index_cast %add3A_369 : i32 to index
        %get3A_371 = arith.constant 16 : index
        %get3A_372 = tpu.vector_load %arg8[%get3A_370, %get3A_371] {strides = array<i32>} : memref<128x64xf32, #tpu.memory_space<vmem>>, vector<1x16xf32>,
        %get3A_373 = vector.shape_cast %get3A_372 : vector<1x16xf32> to vector<16xf32>
        %mul3A_374 = arith.constant 3.1622777 : f32
        %mul3A_375 = vector.broadcast %mul3A_374 : f32 to vector<16xf32>
        %mul3A_376 = arith.mulf %get3A_373, %mul3A_375 : vector<16xf32>
        %add3A_377 = arith.constant 1 : i32
        %add3A_378 = arith.addi %mul3A_289, %add3A_377 : i32
        %swap3A_379 = arith.index_cast %add3A_378 : i32 to index
        %swap3A_380 = arith.constant 16 : index
        %swap3A_381 = tpu.vector_load %arg8[%swap3A_379, %swap3A_380] {strides = array<i32>} : memref<128x64xf32, #tpu.memory_space<vmem>>, vector<1x16xf32>,
        %swap3A_382 = vector.shape_cast %swap3A_381 : vector<1x16xf32> to vector<16xf32>
        %swap3A_383 = vector.shape_cast %mul3A_376 : vector<16xf32> to vector<1x16xf32>
        tpu.vector_store %arg8[%swap3A_379, %swap3A_380], %swap3A_383 {strides = array<i32>} : memref<128x64xf32, #tpu.memory_space<vmem>>, vector<1x16xf32>,
        %add3A_384 = arith.constant 1 : i32
        %add3A_385 = arith.addi %mul3A_289, %add3A_384 : i32
        %get3A_386 = arith.index_cast %add3A_385 : i32 to index
        %get3A_387 = arith.constant 32 : index
        %get3A_388 = tpu.vector_load %arg8[%get3A_386, %get3A_387] {strides = array<i32>} : memref<128x64xf32, #tpu.memory_space<vmem>>, vector<1x16xf32>,
        %get3A_389 = vector.shape_cast %get3A_388 : vector<1x16xf32> to vector<16xf32>
        %mul3A_390 = arith.constant 3.1622777 : f32
        %mul3A_391 = vector.broadcast %mul3A_390 : f32 to vector<16xf32>
        %mul3A_392 = arith.mulf %get3A_389, %mul3A_391 : vector<16xf32>
        %add3A_393 = arith.constant 1 : i32
        %add3A_394 = arith.addi %mul3A_289, %add3A_393 : i32
        %swap3A_395 = arith.index_cast %add3A_394 : i32 to index
        %swap3A_396 = arith.constant 32 : index
        %swap3A_397 = tpu.vector_load %arg8[%swap3A_395, %swap3A_396] {strides = array<i32>} : memref<128x64xf32, #tpu.memory_space<vmem>>, vector<1x16xf32>,
        %swap3A_398 = vector.shape_cast %swap3A_397 : vector<1x16xf32> to vector<16xf32>
        %swap3A_399 = vector.shape_cast %mul3A_392 : vector<16xf32> to vector<1x16xf32>
        tpu.vector_store %arg8[%swap3A_395, %swap3A_396], %swap3A_399 {strides = array<i32>} : memref<128x64xf32, #tpu.memory_space<vmem>>, vector<1x16xf32>,
        %add3A_400 = arith.constant 1 : i32
        %add3A_401 = arith.addi %mul3A_289, %add3A_400 : i32
        %get3A_402 = arith.index_cast %add3A_401 : i32 to index
        %get3A_403 = arith.constant 48 : index
        %get3A_404 = tpu.vector_load %arg8[%get3A_402, %get3A_403] {strides = array<i32>} : memref<128x64xf32, #tpu.memory_space<vmem>>, vector<1x16xf32>,
        %get3A_405 = vector.shape_cast %get3A_404 : vector<1x16xf32> to vector<16xf32>
        %mul3A_406 = arith.constant 3.1622777 : f32
        %mul3A_407 = vector.broadcast %mul3A_406 : f32 to vector<16xf32>
        %mul3A_408 = arith.mulf %get3A_405, %mul3A_407 : vector<16xf32>
        %add3A_409 = arith.constant 1 : i32
        %add3A_410 = arith.addi %mul3A_289, %add3A_409 : i32
        %swap3A_411 = arith.index_cast %add3A_410 : i32 to index
        %swap3A_412 = arith.constant 48 : index
        %swap3A_413 = tpu.vector_load %arg8[%swap3A_411, %swap3A_412] {strides = array<i32>} : memref<128x64xf32, #tpu.memory_space<vmem>>, vector<1x16xf32>,
        %swap3A_414 = vector.shape_cast %swap3A_413 : vector<1x16xf32> to vector<16xf32>
        %swap3A_415 = vector.shape_cast %mul3A_408 : vector<16xf32> to vector<1x16xf32>
        tpu.vector_store %arg8[%swap3A_411, %swap3A_412], %swap3A_415 {strides = array<i32>} : memref<128x64xf32, #tpu.memory_space<vmem>>, vector<1x16xf32>,
        %add3A_416 = arith.constant 2 : i32
        %add3A_417 = arith.addi %mul3A_289, %add3A_416 : i32
        %get3A_418 = arith.index_cast %add3A_417 : i32 to index
        %get3A_419 = arith.constant 0 : index
        %get3A_420 = tpu.vector_load %arg8[%get3A_418, %get3A_419] {strides = array<i32>} : memref<128x64xf32, #tpu.memory_space<vmem>>, vector<1x16xf32>,
        %get3A_421 = vector.shape_cast %get3A_420 : vector<1x16xf32> to vector<16xf32>
        %mul3A_422 = arith.constant 3.1622777 : f32
        %mul3A_423 = vector.broadcast %mul3A_422 : f32 to vector<16xf32>
        %mul3A_424 = arith.mulf %get3A_421, %mul3A_423 : vector<16xf32>
        %add3A_425 = arith.constant 2 : i32
        %add3A_426 = arith.addi %mul3A_289, %add3A_425 : i32
        %swap3A_427 = arith.index_cast %add3A_426 : i32 to index
        %swap3A_428 = arith.constant 0 : index
        %swap3A_429 = tpu.vector_load %arg8[%swap3A_427, %swap3A_428] {strides = array<i32>} : memref<128x64xf32, #tpu.memory_space<vmem>>, vector<1x16xf32>,
        %swap3A_430 = vector.shape_cast %swap3A_429 : vector<1x16xf32> to vector<16xf32>
        %swap3A_431 = vector.shape_cast %mul3A_424 : vector<16xf32> to vector<1x16xf32>
        tpu.vector_store %arg8[%swap3A_427, %swap3A_428], %swap3A_431 {strides = array<i32>} : memref<128x64xf32, #tpu.memory_space<vmem>>, vector<1x16xf32>,
        %add3A_432 = arith.constant 2 : i32
        %add3A_433 = arith.addi %mul3A_289, %add3A_432 : i32
        %get3A_434 = arith.index_cast %add3A_433 : i32 to index
        %get3A_435 = arith.constant 16 : index
        %get3A_436 = tpu.vector_load %arg8[%get3A_434, %get3A_435] {strides = array<i32>} : memref<128x64xf32, #tpu.memory_space<vmem>>, vector<1x16xf32>,
        %get3A_437 = vector.shape_cast %get3A_436 : vector<1x16xf32> to vector<16xf32>
        %mul3A_438 = arith.constant 3.1622777 : f32
        %mul3A_439 = vector.broadcast %mul3A_438 : f32 to vector<16xf32>
        %mul3A_440 = arith.mulf %get3A_437, %mul3A_439 : vector<16xf32>
        %add3A_441 = arith.constant 2 : i32
        %add3A_442 = arith.addi %mul3A_289, %add3A_441 : i32
        %swap3A_443 = arith.index_cast %add3A_442 : i32 to index
        %swap3A_444 = arith.constant 16 : index
        %swap3A_445 = tpu.vector_load %arg8[%swap3A_443, %swap3A_444] {strides = array<i32>} : memref<128x64xf32, #tpu.memory_space<vmem>>, vector<1x16xf32>,
        %swap3A_446 = vector.shape_cast %swap3A_445 : vector<1x16xf32> to vector<16xf32>
        %swap3A_447 = vector.shape_cast %mul3A_440 : vector<16xf32> to vector<1x16xf32>
        tpu.vector_store %arg8[%swap3A_443, %swap3A_444], %swap3A_447 {strides = array<i32>} : memref<128x64xf32, #tpu.memory_space<vmem>>, vector<1x16xf32>,
        %add3A_448 = arith.constant 2 : i32
        %add3A_449 = arith.addi %mul3A_289, %add3A_448 : i32
        %get3A_450 = arith.index_cast %add3A_449 : i32 to index
        %get3A_451 = arith.constant 32 : index
        %get3A_452 = tpu.vector_load %arg8[%get3A_450, %get3A_451] {strides = array<i32>} : memref<128x64xf32, #tpu.memory_space<vmem>>, vector<1x16xf32>,
        %get3A_453 = vector.shape_cast %get3A_452 : vector<1x16xf32> to vector<16xf32>
        %mul3A_454 = arith.constant 3.1622777 : f32
        %mul3A_455 = vector.broadcast %mul3A_454 : f32 to vector<16xf32>
        %mul3A_456 = arith.mulf %get3A_453, %mul3A_455 : vector<16xf32>
        %add3A_457 = arith.constant 2 : i32
        %add3A_458 = arith.addi %mul3A_289, %add3A_457 : i32
        %swap3A_459 = arith.index_cast %add3A_458 : i32 to index
        %swap3A_460 = arith.constant 32 : index
        %swap3A_461 = tpu.vector_load %arg8[%swap3A_459, %swap3A_460] {strides = array<i32>} : memref<128x64xf32, #tpu.memory_space<vmem>>, vector<1x16xf32>,
        %swap3A_462 = vector.shape_cast %swap3A_461 : vector<1x16xf32> to vector<16xf32>
        %swap3A_463 = vector.shape_cast %mul3A_456 : vector<16xf32> to vector<1x16xf32>
        tpu.vector_store %arg8[%swap3A_459, %swap3A_460], %swap3A_463 {strides = array<i32>} : memref<128x64xf32, #tpu.memory_space<vmem>>, vector<1x16xf32>,
        %add3A_464 = arith.constant 2 : i32
        %add3A_465 = arith.addi %mul3A_289, %add3A_464 : i32
        %get3A_466 = arith.index_cast %add3A_465 : i32 to index
        %get3A_467 = arith.constant 48 : index
        %get3A_468 = tpu.vector_load %arg8[%get3A_466, %get3A_467] {strides = array<i32>} : memref<128x64xf32, #tpu.memory_space<vmem>>, vector<1x16xf32>,
        %get3A_469 = vector.shape_cast %get3A_468 : vector<1x16xf32> to vector<16xf32>
        %mul3A_470 = arith.constant 3.1622777 : f32
        %mul3A_471 = vector.broadcast %mul3A_470 : f32 to vector<16xf32>
        %mul3A_472 = arith.mulf %get3A_469, %mul3A_471 : vector<16xf32>
        %add3A_473 = arith.constant 2 : i32
        %add3A_474 = arith.addi %mul3A_289, %add3A_473 : i32
        %swap3A_475 = arith.index_cast %add3A_474 : i32 to index
        %swap3A_476 = arith.constant 48 : index
        %swap3A_477 = tpu.vector_load %arg8[%swap3A_475, %swap3A_476] {strides = array<i32>} : memref<128x64xf32, #tpu.memory_space<vmem>>, vector<1x16xf32>,
        %swap3A_478 = vector.shape_cast %swap3A_477 : vector<1x16xf32> to vector<16xf32>
        %swap3A_479 = vector.shape_cast %mul3A_472 : vector<16xf32> to vector<1x16xf32>
        tpu.vector_store %arg8[%swap3A_475, %swap3A_476], %swap3A_479 {strides = array<i32>} : memref<128x64xf32, #tpu.memory_space<vmem>>, vector<1x16xf32>,
        %add3A_480 = arith.constant 3 : i32
        %add3A_481 = arith.addi %mul3A_289, %add3A_480 : i32
        %get3A_482 = arith.index_cast %add3A_481 : i32 to index
        %get3A_483 = arith.constant 0 : index
        %get3A_484 = tpu.vector_load %arg8[%get3A_482, %get3A_483] {strides = array<i32>} : memref<128x64xf32, #tpu.memory_space<vmem>>, vector<1x16xf32>,
        %get3A_485 = vector.shape_cast %get3A_484 : vector<1x16xf32> to vector<16xf32>
        %mul3A_486 = arith.constant 3.1622777 : f32
        %mul3A_487 = vector.broadcast %mul3A_486 : f32 to vector<16xf32>
        %mul3A_488 = arith.mulf %get3A_485, %mul3A_487 : vector<16xf32>
        %add3A_489 = arith.constant 3 : i32
        %add3A_490 = arith.addi %mul3A_289, %add3A_489 : i32
        %swap3A_491 = arith.index_cast %add3A_490 : i32 to index
        %swap3A_492 = arith.constant 0 : index
        %swap3A_493 = tpu.vector_load %arg8[%swap3A_491, %swap3A_492] {strides = array<i32>} : memref<128x64xf32, #tpu.memory_space<vmem>>, vector<1x16xf32>,
        %swap3A_494 = vector.shape_cast %swap3A_493 : vector<1x16xf32> to vector<16xf32>
        %swap3A_495 = vector.shape_cast %mul3A_488 : vector<16xf32> to vector<1x16xf32>
        tpu.vector_store %arg8[%swap3A_491, %swap3A_492], %swap3A_495 {strides = array<i32>} : memref<128x64xf32, #tpu.memory_space<vmem>>, vector<1x16xf32>,
        %add3A_496 = arith.constant 3 : i32
        %add3A_497 = arith.addi %mul3A_289, %add3A_496 : i32
        %get3A_498 = arith.index_cast %add3A_497 : i32 to index
        %get3A_499 = arith.constant 16 : index
        %get3A_500 = tpu.vector_load %arg8[%get3A_498, %get3A_499] {strides = array<i32>} : memref<128x64xf32, #tpu.memory_space<vmem>>, vector<1x16xf32>,
        %get3A_501 = vector.shape_cast %get3A_500 : vector<1x16xf32> to vector<16xf32>
        %mul3A_502 = arith.constant 3.1622777 : f32
        %mul3A_503 = vector.broadcast %mul3A_502 : f32 to vector<16xf32>
        %mul3A_504 = arith.mulf %get3A_501, %mul3A_503 : vector<16xf32>
        %add3A_505 = arith.constant 3 : i32
        %add3A_506 = arith.addi %mul3A_289, %add3A_505 : i32
        %swap3A_507 = arith.index_cast %add3A_506 : i32 to index
        %swap3A_508 = arith.constant 16 : index
        %swap3A_509 = tpu.vector_load %arg8[%swap3A_507, %swap3A_508] {strides = array<i32>} : memref<128x64xf32, #tpu.memory_space<vmem>>, vector<1x16xf32>,
        %swap3A_510 = vector.shape_cast %swap3A_509 : vector<1x16xf32> to vector<16xf32>
        %swap3A_511 = vector.shape_cast %mul3A_504 : vector<16xf32> to vector<1x16xf32>
        tpu.vector_store %arg8[%swap3A_507, %swap3A_508], %swap3A_511 {strides = array<i32>} : memref<128x64xf32, #tpu.memory_space<vmem>>, vector<1x16xf32>,
        %add3A_512 = arith.constant 3 : i32
        %add3A_513 = arith.addi %mul3A_289, %add3A_512 : i32
        %get3A_514 = arith.index_cast %add3A_513 : i32 to index
        %get3A_515 = arith.constant 32 : index
        %get3A_516 = tpu.vector_load %arg8[%get3A_514, %get3A_515] {strides = array<i32>} : memref<128x64xf32, #tpu.memory_space<vmem>>, vector<1x16xf32>,
        %get3A_517 = vector.shape_cast %get3A_516 : vector<1x16xf32> to vector<16xf32>
        %mul3A_518 = arith.constant 3.1622777 : f32
        %mul3A_519 = vector.broadcast %mul3A_518 : f32 to vector<16xf32>
        %mul3A_520 = arith.mulf %get3A_517, %mul3A_519 : vector<16xf32>
        %add3A_521 = arith.constant 3 : i32
        %add3A_522 = arith.addi %mul3A_289, %add3A_521 : i32
        %swap3A_523 = arith.index_cast %add3A_522 : i32 to index
        %swap3A_524 = arith.constant 32 : index
        %swap3A_525 = tpu.vector_load %arg8[%swap3A_523, %swap3A_524] {strides = array<i32>} : memref<128x64xf32, #tpu.memory_space<vmem>>, vector<1x16xf32>,
        %swap3A_526 = vector.shape_cast %swap3A_525 : vector<1x16xf32> to vector<16xf32>
        %swap3A_527 = vector.shape_cast %mul3A_520 : vector<16xf32> to vector<1x16xf32>
        tpu.vector_store %arg8[%swap3A_523, %swap3A_524], %swap3A_527 {strides = array<i32>} : memref<128x64xf32, #tpu.memory_space<vmem>>, vector<1x16xf32>,
        %add3A_528 = arith.constant 3 : i32
        %add3A_529 = arith.addi %mul3A_289, %add3A_528 : i32
        %get3A_530 = arith.index_cast %add3A_529 : i32 to index
        %get3A_531 = arith.constant 48 : index
        %get3A_532 = tpu.vector_load %arg8[%get3A_530, %get3A_531] {strides = array<i32>} : memref<128x64xf32, #tpu.memory_space<vmem>>, vector<1x16xf32>,
        %get3A_533 = vector.shape_cast %get3A_532 : vector<1x16xf32> to vector<16xf32>
        %mul3A_534 = arith.constant 3.1622777 : f32
        %mul3A_535 = vector.broadcast %mul3A_534 : f32 to vector<16xf32>
        %mul3A_536 = arith.mulf %get3A_533, %mul3A_535 : vector<16xf32>
        %add3A_537 = arith.constant 3 : i32
        %add3A_538 = arith.addi %mul3A_289, %add3A_537 : i32
        %swap3A_539 = arith.index_cast %add3A_538 : i32 to index
        %swap3A_540 = arith.constant 48 : index
        %swap3A_541 = tpu.vector_load %arg8[%swap3A_539, %swap3A_540] {strides = array<i32>} : memref<128x64xf32, #tpu.memory_space<vmem>>, vector<1x16xf32>,
        %swap3A_542 = vector.shape_cast %swap3A_541 : vector<1x16xf32> to vector<16xf32>
        %swap3A_543 = vector.shape_cast %mul3A_536 : vector<16xf32> to vector<1x16xf32>
        tpu.vector_store %arg8[%swap3A_539, %swap3A_540], %swap3A_543 {strides = array<i32>} : memref<128x64xf32, #tpu.memory_space<vmem>>, vector<1x16xf32>,
        %add3A_544 = arith.constant 4 : i32
        %add3A_545 = arith.addi %mul3A_289, %add3A_544 : i32
        %get3A_546 = arith.index_cast %add3A_545 : i32 to index
        %get3A_547 = arith.constant 0 : index
        %get3A_548 = tpu.vector_load %arg8[%get3A_546, %get3A_547] {strides = array<i32>} : memref<128x64xf32, #tpu.memory_space<vmem>>, vector<1x16xf32>,
        %get3A_549 = vector.shape_cast %get3A_548 : vector<1x16xf32> to vector<16xf32>
        %mul3A_550 = arith.constant 3.1622777 : f32
        %mul3A_551 = vector.broadcast %mul3A_550 : f32 to vector<16xf32>
        %mul3A_552 = arith.mulf %get3A_549, %mul3A_551 : vector<16xf32>
        %add3A_553 = arith.constant 4 : i32
        %add3A_554 = arith.addi %mul3A_289, %add3A_553 : i32
        %swap3A_555 = arith.index_cast %add3A_554 : i32 to index
        %swap3A_556 = arith.constant 0 : index
        %swap3A_557 = tpu.vector_load %arg8[%swap3A_555, %swap3A_556] {strides = array<i32>} : memref<128x64xf32, #tpu.memory_space<vmem>>, vector<1x16xf32>,
        %swap3A_558 = vector.shape_cast %swap3A_557 : vector<1x16xf32> to vector<16xf32>
        %swap3A_559 = vector.shape_cast %mul3A_552 : vector<16xf32> to vector<1x16xf32>
        tpu.vector_store %arg8[%swap3A_555, %swap3A_556], %swap3A_559 {strides = array<i32>} : memref<128x64xf32, #tpu.memory_space<vmem>>, vector<1x16xf32>,
        %add3A_560 = arith.constant 4 : i32
        %add3A_561 = arith.addi %mul3A_289, %add3A_560 : i32
        %get3A_562 = arith.index_cast %add3A_561 : i32 to index
        %get3A_563 = arith.constant 16 : index
        %get3A_564 = tpu.vector_load %arg8[%get3A_562, %get3A_563] {strides = array<i32>} : memref<128x64xf32, #tpu.memory_space<vmem>>, vector<1x16xf32>,
        %get3A_565 = vector.shape_cast %get3A_564 : vector<1x16xf32> to vector<16xf32>
        %mul3A_566 = arith.constant 3.1622777 : f32
        %mul3A_567 = vector.broadcast %mul3A_566 : f32 to vector<16xf32>
        %mul3A_568 = arith.mulf %get3A_565, %mul3A_567 : vector<16xf32>
        %add3A_569 = arith.constant 4 : i32
        %add3A_570 = arith.addi %mul3A_289, %add3A_569 : i32
        %swap3A_571 = arith.index_cast %add3A_570 : i32 to index
        %swap3A_572 = arith.constant 16 : index
        %swap3A_573 = tpu.vector_load %arg8[%swap3A_571, %swap3A_572] {strides = array<i32>} : memref<128x64xf32, #tpu.memory_space<vmem>>, vector<1x16xf32>,
        %swap3A_574 = vector.shape_cast %swap3A_573 : vector<1x16xf32> to vector<16xf32>
        %swap3A_575 = vector.shape_cast %mul3A_568 : vector<16xf32> to vector<1x16xf32>
        tpu.vector_store %arg8[%swap3A_571, %swap3A_572], %swap3A_575 {strides = array<i32>} : memref<128x64xf32, #tpu.memory_space<vmem>>, vector<1x16xf32>,
        %add3A_576 = arith.constant 4 : i32
        %add3A_577 = arith.addi %mul3A_289, %add3A_576 : i32
        %get3A_578 = arith.index_cast %add3A_577 : i32 to index
        %get3A_579 = arith.constant 32 : index
        %get3A_580 = tpu.vector_load %arg8[%get3A_578, %get3A_579] {strides = array<i32>} : memref<128x64xf32, #tpu.memory_space<vmem>>, vector<1x16xf32>,
        %get3A_581 = vector.shape_cast %get3A_580 : vector<1x16xf32> to vector<16xf32>
        %mul3A_582 = arith.constant 3.1622777 : f32
        %mul3A_583 = vector.broadcast %mul3A_582 : f32 to vector<16xf32>
        %mul3A_584 = arith.mulf %get3A_581, %mul3A_583 : vector<16xf32>
        %add3A_585 = arith.constant 4 : i32
        %add3A_586 = arith.addi %mul3A_289, %add3A_585 : i32
        %swap3A_587 = arith.index_cast %add3A_586 : i32 to index
        %swap3A_588 = arith.constant 32 : index
        %swap3A_589 = tpu.vector_load %arg8[%swap3A_587, %swap3A_588] {strides = array<i32>} : memref<128x64xf32, #tpu.memory_space<vmem>>, vector<1x16xf32>,
        %swap3A_590 = vector.shape_cast %swap3A_589 : vector<1x16xf32> to vector<16xf32>
        %swap3A_591 = vector.shape_cast %mul3A_584 : vector<16xf32> to vector<1x16xf32>
        tpu.vector_store %arg8[%swap3A_587, %swap3A_588], %swap3A_591 {strides = array<i32>} : memref<128x64xf32, #tpu.memory_space<vmem>>, vector<1x16xf32>,
        %add3A_592 = arith.constant 4 : i32
        %add3A_593 = arith.addi %mul3A_289, %add3A_592 : i32
        %get3A_594 = arith.index_cast %add3A_593 : i32 to index
        %get3A_595 = arith.constant 48 : index
        %get3A_596 = tpu.vector_load %arg8[%get3A_594, %get3A_595] {strides = array<i32>} : memref<128x64xf32, #tpu.memory_space<vmem>>, vector<1x16xf32>,
        %get3A_597 = vector.shape_cast %get3A_596 : vector<1x16xf32> to vector<16xf32>
        %mul3A_598 = arith.constant 3.1622777 : f32
        %mul3A_599 = vector.broadcast %mul3A_598 : f32 to vector<16xf32>
        %mul3A_600 = arith.mulf %get3A_597, %mul3A_599 : vector<16xf32>
        %add3A_601 = arith.constant 4 : i32
        %add3A_602 = arith.addi %mul3A_289, %add3A_601 : i32
        %swap3A_603 = arith.index_cast %add3A_602 : i32 to index
        %swap3A_604 = arith.constant 48 : index
        %swap3A_605 = tpu.vector_load %arg8[%swap3A_603, %swap3A_604] {strides = array<i32>} : memref<128x64xf32, #tpu.memory_space<vmem>>, vector<1x16xf32>,
        %swap3A_606 = vector.shape_cast %swap3A_605 : vector<1x16xf32> to vector<16xf32>
        %swap3A_607 = vector.shape_cast %mul3A_600 : vector<16xf32> to vector<1x16xf32>
        tpu.vector_store %arg8[%swap3A_603, %swap3A_604], %swap3A_607 {strides = array<i32>} : memref<128x64xf32, #tpu.memory_space<vmem>>, vector<1x16xf32>,
        %add3A_608 = arith.constant 5 : i32
        %add3A_609 = arith.addi %mul3A_289, %add3A_608 : i32
        %get3A_610 = arith.index_cast %add3A_609 : i32 to index
        %get3A_611 = arith.constant 0 : index
        %get3A_612 = tpu.vector_load %arg8[%get3A_610, %get3A_611] {strides = array<i32>} : memref<128x64xf32, #tpu.memory_space<vmem>>, vector<1x16xf32>,
        %get3A_613 = vector.shape_cast %get3A_612 : vector<1x16xf32> to vector<16xf32>
        %mul3A_614 = arith.constant 3.1622777 : f32
        %mul3A_615 = vector.broadcast %mul3A_614 : f32 to vector<16xf32>
        %mul3A_616 = arith.mulf %get3A_613, %mul3A_615 : vector<16xf32>
        %add3A_617 = arith.constant 5 : i32
        %add3A_618 = arith.addi %mul3A_289, %add3A_617 : i32
        %swap3A_619 = arith.index_cast %add3A_618 : i32 to index
        %swap3A_620 = arith.constant 0 : index
        %swap3A_621 = tpu.vector_load %arg8[%swap3A_619, %swap3A_620] {strides = array<i32>} : memref<128x64xf32, #tpu.memory_space<vmem>>, vector<1x16xf32>,
        %swap3A_622 = vector.shape_cast %swap3A_621 : vector<1x16xf32> to vector<16xf32>
        %swap3A_623 = vector.shape_cast %mul3A_616 : vector<16xf32> to vector<1x16xf32>
        tpu.vector_store %arg8[%swap3A_619, %swap3A_620], %swap3A_623 {strides = array<i32>} : memref<128x64xf32, #tpu.memory_space<vmem>>, vector<1x16xf32>,
        %add3A_624 = arith.constant 5 : i32
        %add3A_625 = arith.addi %mul3A_289, %add3A_624 : i32
        %get3A_626 = arith.index_cast %add3A_625 : i32 to index
        %get3A_627 = arith.constant 16 : index
        %get3A_628 = tpu.vector_load %arg8[%get3A_626, %get3A_627] {strides = array<i32>} : memref<128x64xf32, #tpu.memory_space<vmem>>, vector<1x16xf32>,
        %get3A_629 = vector.shape_cast %get3A_628 : vector<1x16xf32> to vector<16xf32>
        %mul3A_630 = arith.constant 3.1622777 : f32
        %mul3A_631 = vector.broadcast %mul3A_630 : f32 to vector<16xf32>
        %mul3A_632 = arith.mulf %get3A_629, %mul3A_631 : vector<16xf32>
        %add3A_633 = arith.constant 5 : i32
        %add3A_634 = arith.addi %mul3A_289, %add3A_633 : i32
        %swap3A_635 = arith.index_cast %add3A_634 : i32 to index
        %swap3A_636 = arith.constant 16 : index
        %swap3A_637 = tpu.vector_load %arg8[%swap3A_635, %swap3A_636] {strides = array<i32>} : memref<128x64xf32, #tpu.memory_space<vmem>>, vector<1x16xf32>,
        %swap3A_638 = vector.shape_cast %swap3A_637 : vector<1x16xf32> to vector<16xf32>
        %swap3A_639 = vector.shape_cast %mul3A_632 : vector<16xf32> to vector<1x16xf32>
        tpu.vector_store %arg8[%swap3A_635, %swap3A_636], %swap3A_639 {strides = array<i32>} : memref<128x64xf32, #tpu.memory_space<vmem>>, vector<1x16xf32>,
        %add3A_640 = arith.constant 5 : i32
        %add3A_641 = arith.addi %mul3A_289, %add3A_640 : i32
        %get3A_642 = arith.index_cast %add3A_641 : i32 to index
        %get3A_643 = arith.constant 32 : index
        %get3A_644 = tpu.vector_load %arg8[%get3A_642, %get3A_643] {strides = array<i32>} : memref<128x64xf32, #tpu.memory_space<vmem>>, vector<1x16xf32>,
        %get3A_645 = vector.shape_cast %get3A_644 : vector<1x16xf32> to vector<16xf32>
        %mul3A_646 = arith.constant 3.1622777 : f32
        %mul3A_647 = vector.broadcast %mul3A_646 : f32 to vector<16xf32>
        %mul3A_648 = arith.mulf %get3A_645, %mul3A_647 : vector<16xf32>
        %add3A_649 = arith.constant 5 : i32
        %add3A_650 = arith.addi %mul3A_289, %add3A_649 : i32
        %swap3A_651 = arith.index_cast %add3A_650 : i32 to index
        %swap3A_652 = arith.constant 32 : index
        %swap3A_653 = tpu.vector_load %arg8[%swap3A_651, %swap3A_652] {strides = array<i32>} : memref<128x64xf32, #tpu.memory_space<vmem>>, vector<1x16xf32>,
        %swap3A_654 = vector.shape_cast %swap3A_653 : vector<1x16xf32> to vector<16xf32>
        %swap3A_655 = vector.shape_cast %mul3A_648 : vector<16xf32> to vector<1x16xf32>
        tpu.vector_store %arg8[%swap3A_651, %swap3A_652], %swap3A_655 {strides = array<i32>} : memref<128x64xf32, #tpu.memory_space<vmem>>, vector<1x16xf32>,
        %add3A_656 = arith.constant 5 : i32
        %add3A_657 = arith.addi %mul3A_289, %add3A_656 : i32
        %get3A_658 = arith.index_cast %add3A_657 : i32 to index
        %get3A_659 = arith.constant 48 : index
        %get3A_660 = tpu.vector_load %arg8[%get3A_658, %get3A_659] {strides = array<i32>} : memref<128x64xf32, #tpu.memory_space<vmem>>, vector<1x16xf32>,
        %get3A_661 = vector.shape_cast %get3A_660 : vector<1x16xf32> to vector<16xf32>
        %mul3A_662 = arith.constant 3.1622777 : f32
        %mul3A_663 = vector.broadcast %mul3A_662 : f32 to vector<16xf32>
        %mul3A_664 = arith.mulf %get3A_661, %mul3A_663 : vector<16xf32>
        %add3A_665 = arith.constant 5 : i32
        %add3A_666 = arith.addi %mul3A_289, %add3A_665 : i32
        %swap3A_667 = arith.index_cast %add3A_666 : i32 to index
        %swap3A_668 = arith.constant 48 : index
        %swap3A_669 = tpu.vector_load %arg8[%swap3A_667, %swap3A_668] {strides = array<i32>} : memref<128x64xf32, #tpu.memory_space<vmem>>, vector<1x16xf32>,
        %swap3A_670 = vector.shape_cast %swap3A_669 : vector<1x16xf32> to vector<16xf32>
        %swap3A_671 = vector.shape_cast %mul3A_664 : vector<16xf32> to vector<1x16xf32>
        tpu.vector_store %arg8[%swap3A_667, %swap3A_668], %swap3A_671 {strides = array<i32>} : memref<128x64xf32, #tpu.memory_space<vmem>>, vector<1x16xf32>,
        %add3A_672 = arith.constant 6 : i32
        %add3A_673 = arith.addi %mul3A_289, %add3A_672 : i32
        %get3A_674 = arith.index_cast %add3A_673 : i32 to index
        %get3A_675 = arith.constant 0 : index
        %get3A_676 = tpu.vector_load %arg8[%get3A_674, %get3A_675] {strides = array<i32>} : memref<128x64xf32, #tpu.memory_space<vmem>>, vector<1x16xf32>,
        %get3A_677 = vector.shape_cast %get3A_676 : vector<1x16xf32> to vector<16xf32>
        %mul3A_678 = arith.constant 3.1622777 : f32
        %mul3A_679 = vector.broadcast %mul3A_678 : f32 to vector<16xf32>
        %mul3A_680 = arith.mulf %get3A_677, %mul3A_679 : vector<16xf32>
        %add3A_681 = arith.constant 6 : i32
        %add3A_682 = arith.addi %mul3A_289, %add3A_681 : i32
        %swap3A_683 = arith.index_cast %add3A_682 : i32 to index
        %swap3A_684 = arith.constant 0 : index
        %swap3A_685 = tpu.vector_load %arg8[%swap3A_683, %swap3A_684] {strides = array<i32>} : memref<128x64xf32, #tpu.memory_space<vmem>>, vector<1x16xf32>,
        %swap3A_686 = vector.shape_cast %swap3A_685 : vector<1x16xf32> to vector<16xf32>
        %swap3A_687 = vector.shape_cast %mul3A_680 : vector<16xf32> to vector<1x16xf32>
        tpu.vector_store %arg8[%swap3A_683, %swap3A_684], %swap3A_687 {strides = array<i32>} : memref<128x64xf32, #tpu.memory_space<vmem>>, vector<1x16xf32>,
        %add3A_688 = arith.constant 6 : i32
        %add3A_689 = arith.addi %mul3A_289, %add3A_688 : i32
        %get3A_690 = arith.index_cast %add3A_689 : i32 to index
        %get3A_691 = arith.constant 16 : index
        %get3A_692 = tpu.vector_load %arg8[%get3A_690, %get3A_691] {strides = array<i32>} : memref<128x64xf32, #tpu.memory_space<vmem>>, vector<1x16xf32>,
        %get3A_693 = vector.shape_cast %get3A_692 : vector<1x16xf32> to vector<16xf32>
        %mul3A_694 = arith.constant 3.1622777 : f32
        %mul3A_695 = vector.broadcast %mul3A_694 : f32 to vector<16xf32>
        %mul3A_696 = arith.mulf %get3A_693, %mul3A_695 : vector<16xf32>
        %add3A_697 = arith.constant 6 : i32
        %add3A_698 = arith.addi %mul3A_289, %add3A_697 : i32
        %swap3A_699 = arith.index_cast %add3A_698 : i32 to index
        %swap3A_700 = arith.constant 16 : index
        %swap3A_701 = tpu.vector_load %arg8[%swap3A_699, %swap3A_700] {strides = array<i32>} : memref<128x64xf32, #tpu.memory_space<vmem>>, vector<1x16xf32>,
        %swap3A_702 = vector.shape_cast %swap3A_701 : vector<1x16xf32> to vector<16xf32>
        %swap3A_703 = vector.shape_cast %mul3A_696 : vector<16xf32> to vector<1x16xf32>
        tpu.vector_store %arg8[%swap3A_699, %swap3A_700], %swap3A_703 {strides = array<i32>} : memref<128x64xf32, #tpu.memory_space<vmem>>, vector<1x16xf32>,
        %add3A_704 = arith.constant 6 : i32
        %add3A_705 = arith.addi %mul3A_289, %add3A_704 : i32
        %get3A_706 = arith.index_cast %add3A_705 : i32 to index
        %get3A_707 = arith.constant 32 : index
        %get3A_708 = tpu.vector_load %arg8[%get3A_706, %get3A_707] {strides = array<i32>} : memref<128x64xf32, #tpu.memory_space<vmem>>, vector<1x16xf32>,
        %get3A_709 = vector.shape_cast %get3A_708 : vector<1x16xf32> to vector<16xf32>
        %mul3A_710 = arith.constant 3.1622777 : f32
        %mul3A_711 = vector.broadcast %mul3A_710 : f32 to vector<16xf32>
        %mul3A_712 = arith.mulf %get3A_709, %mul3A_711 : vector<16xf32>
        %add3A_713 = arith.constant 6 : i32
        %add3A_714 = arith.addi %mul3A_289, %add3A_713 : i32
        %swap3A_715 = arith.index_cast %add3A_714 : i32 to index
        %swap3A_716 = arith.constant 32 : index
        %swap3A_717 = tpu.vector_load %arg8[%swap3A_715, %swap3A_716] {strides = array<i32>} : memref<128x64xf32, #tpu.memory_space<vmem>>, vector<1x16xf32>,
        %swap3A_718 = vector.shape_cast %swap3A_717 : vector<1x16xf32> to vector<16xf32>
        %swap3A_719 = vector.shape_cast %mul3A_712 : vector<16xf32> to vector<1x16xf32>
        tpu.vector_store %arg8[%swap3A_715, %swap3A_716], %swap3A_719 {strides = array<i32>} : memref<128x64xf32, #tpu.memory_space<vmem>>, vector<1x16xf32>,
        %add3A_720 = arith.constant 6 : i32
        %add3A_721 = arith.addi %mul3A_289, %add3A_720 : i32
        %get3A_722 = arith.index_cast %add3A_721 : i32 to index
        %get3A_723 = arith.constant 48 : index
        %get3A_724 = tpu.vector_load %arg8[%get3A_722, %get3A_723] {strides = array<i32>} : memref<128x64xf32, #tpu.memory_space<vmem>>, vector<1x16xf32>,
        %get3A_725 = vector.shape_cast %get3A_724 : vector<1x16xf32> to vector<16xf32>
        %mul3A_726 = arith.constant 3.1622777 : f32
        %mul3A_727 = vector.broadcast %mul3A_726 : f32 to vector<16xf32>
        %mul3A_728 = arith.mulf %get3A_725, %mul3A_727 : vector<16xf32>
        %add3A_729 = arith.constant 6 : i32
        %add3A_730 = arith.addi %mul3A_289, %add3A_729 : i32
        %swap3A_731 = arith.index_cast %add3A_730 : i32 to index
        %swap3A_732 = arith.constant 48 : index
        %swap3A_733 = tpu.vector_load %arg8[%swap3A_731, %swap3A_732] {strides = array<i32>} : memref<128x64xf32, #tpu.memory_space<vmem>>, vector<1x16xf32>,
        %swap3A_734 = vector.shape_cast %swap3A_733 : vector<1x16xf32> to vector<16xf32>
        %swap3A_735 = vector.shape_cast %mul3A_728 : vector<16xf32> to vector<1x16xf32>
        tpu.vector_store %arg8[%swap3A_731, %swap3A_732], %swap3A_735 {strides = array<i32>} : memref<128x64xf32, #tpu.memory_space<vmem>>, vector<1x16xf32>,
        %add3A_736 = arith.constant 7 : i32
        %add3A_737 = arith.addi %mul3A_289, %add3A_736 : i32
        %get3A_738 = arith.index_cast %add3A_737 : i32 to index
        %get3A_739 = arith.constant 0 : index
        %get3A_740 = tpu.vector_load %arg8[%get3A_738, %get3A_739] {strides = array<i32>} : memref<128x64xf32, #tpu.memory_space<vmem>>, vector<1x16xf32>,
        %get3A_741 = vector.shape_cast %get3A_740 : vector<1x16xf32> to vector<16xf32>
        %mul3A_742 = arith.constant 3.1622777 : f32
        %mul3A_743 = vector.broadcast %mul3A_742 : f32 to vector<16xf32>
        %mul3A_744 = arith.mulf %get3A_741, %mul3A_743 : vector<16xf32>
        %add3A_745 = arith.constant 7 : i32
        %add3A_746 = arith.addi %mul3A_289, %add3A_745 : i32
        %swap3A_747 = arith.index_cast %add3A_746 : i32 to index
        %swap3A_748 = arith.constant 0 : index
        %swap3A_749 = tpu.vector_load %arg8[%swap3A_747, %swap3A_748] {strides = array<i32>} : memref<128x64xf32, #tpu.memory_space<vmem>>, vector<1x16xf32>,
        %swap3A_750 = vector.shape_cast %swap3A_749 : vector<1x16xf32> to vector<16xf32>
        %swap3A_751 = vector.shape_cast %mul3A_744 : vector<16xf32> to vector<1x16xf32>
        tpu.vector_store %arg8[%swap3A_747, %swap3A_748], %swap3A_751 {strides = array<i32>} : memref<128x64xf32, #tpu.memory_space<vmem>>, vector<1x16xf32>,
        %add3A_752 = arith.constant 7 : i32
        %add3A_753 = arith.addi %mul3A_289, %add3A_752 : i32
        %get3A_754 = arith.index_cast %add3A_753 : i32 to index
        %get3A_755 = arith.constant 16 : index
        %get3A_756 = tpu.vector_load %arg8[%get3A_754, %get3A_755] {strides = array<i32>} : memref<128x64xf32, #tpu.memory_space<vmem>>, vector<1x16xf32>,
        %get3A_757 = vector.shape_cast %get3A_756 : vector<1x16xf32> to vector<16xf32>
        %mul3A_758 = arith.constant 3.1622777 : f32
        %mul3A_759 = vector.broadcast %mul3A_758 : f32 to vector<16xf32>
        %mul3A_760 = arith.mulf %get3A_757, %mul3A_759 : vector<16xf32>
        %add3A_761 = arith.constant 7 : i32
        %add3A_762 = arith.addi %mul3A_289, %add3A_761 : i32
        %swap3A_763 = arith.index_cast %add3A_762 : i32 to index
        %swap3A_764 = arith.constant 16 : index
        %swap3A_765 = tpu.vector_load %arg8[%swap3A_763, %swap3A_764] {strides = array<i32>} : memref<128x64xf32, #tpu.memory_space<vmem>>, vector<1x16xf32>,
        %swap3A_766 = vector.shape_cast %swap3A_765 : vector<1x16xf32> to vector<16xf32>
        %swap3A_767 = vector.shape_cast %mul3A_760 : vector<16xf32> to vector<1x16xf32>
        tpu.vector_store %arg8[%swap3A_763, %swap3A_764], %swap3A_767 {strides = array<i32>} : memref<128x64xf32, #tpu.memory_space<vmem>>, vector<1x16xf32>,
        %add3A_768 = arith.constant 7 : i32
        %add3A_769 = arith.addi %mul3A_289, %add3A_768 : i32
        %get3A_770 = arith.index_cast %add3A_769 : i32 to index
        %get3A_771 = arith.constant 32 : index
        %get3A_772 = tpu.vector_load %arg8[%get3A_770, %get3A_771] {strides = array<i32>} : memref<128x64xf32, #tpu.memory_space<vmem>>, vector<1x16xf32>,
        %get3A_773 = vector.shape_cast %get3A_772 : vector<1x16xf32> to vector<16xf32>
        %mul3A_774 = arith.constant 3.1622777 : f32
        %mul3A_775 = vector.broadcast %mul3A_774 : f32 to vector<16xf32>
        %mul3A_776 = arith.mulf %get3A_773, %mul3A_775 : vector<16xf32>
        %add3A_777 = arith.constant 7 : i32
        %add3A_778 = arith.addi %mul3A_289, %add3A_777 : i32
        %swap3A_779 = arith.index_cast %add3A_778 : i32 to index
        %swap3A_780 = arith.constant 32 : index
        %swap3A_781 = tpu.vector_load %arg8[%swap3A_779, %swap3A_780] {strides = array<i32>} : memref<128x64xf32, #tpu.memory_space<vmem>>, vector<1x16xf32>,
        %swap3A_782 = vector.shape_cast %swap3A_781 : vector<1x16xf32> to vector<16xf32>
        %swap3A_783 = vector.shape_cast %mul3A_776 : vector<16xf32> to vector<1x16xf32>
        tpu.vector_store %arg8[%swap3A_779, %swap3A_780], %swap3A_783 {strides = array<i32>} : memref<128x64xf32, #tpu.memory_space<vmem>>, vector<1x16xf32>,
        %add3A_784 = arith.constant 7 : i32
        %add3A_785 = arith.addi %mul3A_289, %add3A_784 : i32
        %get3A_786 = arith.index_cast %add3A_785 : i32 to index
        %get3A_787 = arith.constant 48 : index
        %get3A_788 = tpu.vector_load %arg8[%get3A_786, %get3A_787] {strides = array<i32>} : memref<128x64xf32, #tpu.memory_space<vmem>>, vector<1x16xf32>,
        %get3A_789 = vector.shape_cast %get3A_788 : vector<1x16xf32> to vector<16xf32>
        %mul3A_790 = arith.constant 3.1622777 : f32
        %mul3A_791 = vector.broadcast %mul3A_790 : f32 to vector<16xf32>
        %mul3A_792 = arith.mulf %get3A_789, %mul3A_791 : vector<16xf32>
        %add3A_793 = arith.constant 7 : i32
        %add3A_794 = arith.addi %mul3A_289, %add3A_793 : i32
        %swap3A_795 = arith.index_cast %add3A_794 : i32 to index
        %swap3A_796 = arith.constant 48 : index
        %swap3A_797 = tpu.vector_load %arg8[%swap3A_795, %swap3A_796] {strides = array<i32>} : memref<128x64xf32, #tpu.memory_space<vmem>>, vector<1x16xf32>,
        %swap3A_798 = vector.shape_cast %swap3A_797 : vector<1x16xf32> to vector<16xf32>
        %swap3A_799 = vector.shape_cast %mul3A_792 : vector<16xf32> to vector<1x16xf32>
        tpu.vector_store %arg8[%swap3A_795, %swap3A_796], %swap3A_799 {strides = array<i32>} : memref<128x64xf32, #tpu.memory_space<vmem>>, vector<1x16xf32>,
      }
      %scan3A_174 = arith.constant 16 : i32
      %add3A_175 = arith.addi %mul3A_2, %add3A_148 : i32
      %mul3A_176 = arith.constant 128 : i32
      %mul3A_177 = arith.muli %add3A_175, %mul3A_176 : i32
      %dma_start3A_178 = arith.constant 0 : i32
      %dma_start3A_179 = tpu.memref_slice %arg4[%mul3A_177, %dma_start3A_178] : memref<819200x64xf32, #tpu.memory_space<hbm>> -> memref<128x64xf32, #tpu.memory_space<hbm>>
      %dma_start3A_180 = arith.constant 0 : i32
      %dma_start3A_181 = tpu.memref_slice %arg4[%mul3A_177, %dma_start3A_180] : memref<819200x64xf32, #tpu.memory_space<hbm>> -> memref<128x64xf32, #tpu.memory_space<hbm>>
      tpu.enqueue_dma source(%arg8 : memref<128x64xf32, #tpu.memory_space<vmem>>) target(%dma_start3A_181 : memref<128x64xf32, #tpu.memory_space<hbm>>) target_semaphore(%arg16 : memref<!tpu.dma_semaphore, #tpu.memory_space<semaphore_mem>>)
      %add3A_182 = arith.constant 1 : i32
      %add3A_183 = arith.addi %add3A_146, %add3A_182 : i32
      %mul3A_184 = arith.constant 128 : i32
      %mul3A_185 = arith.muli %mul3A_2, %mul3A_184 : i32
      %dma_wait3A_186 = arith.constant 0 : i32
      %dma_wait3A_187 = tpu.memref_slice %arg4[%mul3A_185, %dma_wait3A_186] : memref<819200x64xf32, #tpu.memory_space<hbm>> -> memref<128x64xf32, #tpu.memory_space<hbm>>
      %dma_wait3A_188 = arith.constant 0 : i32
      %dma_wait3A_189 = tpu.memref_slice %arg4[%mul3A_185, %dma_wait3A_188] : memref<819200x64xf32, #tpu.memory_space<hbm>> -> memref<128x64xf32, #tpu.memory_space<hbm>>
      tpu.wait_dma2 semaphore(%arg15 : memref<!tpu.dma_semaphore, #tpu.memory_space<semaphore_mem>>) src(%arg7 : memref<128x64xf32, #tpu.memory_space<vmem>>) dst(%dma_wait3A_189 : memref<128x64xf32, #tpu.memory_space<hbm>>)
      %add3A_190 = arith.constant 2 : i32
      %add3A_191 = arith.addi %add3A_183, %add3A_190 : i32
      %dma_start3A_192 = arith.constant 0 : i32
      %dma_start3A_193 = tpu.memref_slice %arg5[%add3A_191, %dma_start3A_192] : memref<200x128xi32, #tpu.memory_space<vmem>> -> memref<1x128xi32, #tpu.memory_space<vmem>>
      %dma_start3A_194 = tpu.memref_squeeze %dma_start3A_193 : memref<1x128xi32, #tpu.memory_space<vmem>> -> memref<128xi32, #tpu.memory_space<vmem>>
      %dma_start3A_195 = arith.constant 0 : i32
      %dma_start3A_196 = arith.constant 0 : i32
      %dma_start3A_197 = tpu.memref_slice %arg3[%dma_start3A_195, %dma_start3A_196] : memref<1000000x64xf32, #tpu.memory_space<hbm>> -> memref<1000000x64xf32, #tpu.memory_space<hbm>>
      tpu.enqueue_indirect_dma source(%dma_start3A_197 : memref<1000000x64xf32, #tpu.memory_space<hbm>>) target(%arg7 : memref<128x64xf32, #tpu.memory_space<vmem>>) offsets(%dma_start3A_194 : memref<128xi32, #tpu.memory_space<vmem>>) semaphore(%arg11 : memref<!tpu.dma_semaphore, #tpu.memory_space<semaphore_mem>>)
      %dma_wait3A_198 = arith.constant 0 : i32
      %dma_wait3A_199 = tpu.memref_slice %arg5[%add3A_183, %dma_wait3A_198] : memref<200x128xi32, #tpu.memory_space<vmem>> -> memref<1x128xi32, #tpu.memory_space<vmem>>
      %dma_wait3A_200 = tpu.memref_squeeze %dma_wait3A_199 : memref<1x128xi32, #tpu.memory_space<vmem>> -> memref<128xi32, #tpu.memory_space<vmem>>
      %dma_wait3A_201 = arith.constant 0 : i32
      %dma_wait3A_202 = arith.constant 0 : i32
      %dma_wait3A_203 = tpu.memref_slice %arg3[%dma_wait3A_201, %dma_wait3A_202] : memref<1000000x64xf32, #tpu.memory_space<hbm>> -> memref<1000000x64xf32, #tpu.memory_space<hbm>>
      tpu.wait_indirect_dma semaphore(%arg13 : memref<!tpu.dma_semaphore, #tpu.memory_space<semaphore_mem>>) src(%dma_wait3A_203 : memref<1000000x64xf32, #tpu.memory_space<hbm>>) dst(%arg9 : memref<128x64xf32, #tpu.memory_space<vmem>>)
      %scan3A_204 = arith.constant 0 : i32
      %scan3A_205 = arith.constant 0 : i32
      %scan3A_206 = arith.constant 16 : i32
      %scan3A_207 = arith.addi %scan3A_205, %scan3A_206 : i32
      %scan3A_208 = arith.constant 1 : i32
      scf.for %scan3A_287 = %scan3A_205 to %scan3A_207 step %scan3A_208  : i32 {
        %mul3A_288 = arith.constant 8 : i32
        %mul3A_289 = arith.muli %scan3A_287, %mul3A_288 : i32
        %add3A_290 = arith.constant 0 : i32
        %add3A_291 = arith.addi %mul3A_289, %add3A_290 : i32
        %get3A = arith.index_cast %add3A_291 : i32 to index
        %get3A_292 = arith.constant 0 : index
        %get3A_293 = tpu.vector_load %arg9[%get3A, %get3A_292] {strides = array<i32>} : memref<128x64xf32, #tpu.memory_space<vmem>>, vector<1x16xf32>,
        %get3A_294 = vector.shape_cast %get3A_293 : vector<1x16xf32> to vector<16xf32>
        %mul3A_295 = arith.constant 3.1622777 : f32
        %mul3A_296 = vector.broadcast %mul3A_295 : f32 to vector<16xf32>
        %mul3A_297 = arith.mulf %get3A_294, %mul3A_296 : vector<16xf32>
        %add3A_298 = arith.constant 0 : i32
        %add3A_299 = arith.addi %mul3A_289, %add3A_298 : i32
        %swap3A = arith.index_cast %add3A_299 : i32 to index
        %swap3A_300 = arith.constant 0 : index
        %swap3A_301 = tpu.vector_load %arg9[%swap3A, %swap3A_300] {strides = array<i32>} : memref<128x64xf32, #tpu.memory_space<vmem>>, vector<1x16xf32>,
        %swap3A_302 = vector.shape_cast %swap3A_301 : vector<1x16xf32> to vector<16xf32>
        %swap3A_303 = vector.shape_cast %mul3A_297 : vector<16xf32> to vector<1x16xf32>
        tpu.vector_store %arg9[%swap3A, %swap3A_300], %swap3A_303 {strides = array<i32>} : memref<128x64xf32, #tpu.memory_space<vmem>>, vector<1x16xf32>,
        %add3A_304 = arith.constant 0 : i32
        %add3A_305 = arith.addi %mul3A_289, %add3A_304 : i32
        %get3A_306 = arith.index_cast %add3A_305 : i32 to index
        %get3A_307 = arith.constant 16 : index
        %get3A_308 = tpu.vector_load %arg9[%get3A_306, %get3A_307] {strides = array<i32>} : memref<128x64xf32, #tpu.memory_space<vmem>>, vector<1x16xf32>,
        %get3A_309 = vector.shape_cast %get3A_308 : vector<1x16xf32> to vector<16xf32>
        %mul3A_310 = arith.constant 3.1622777 : f32
        %mul3A_311 = vector.broadcast %mul3A_310 : f32 to vector<16xf32>
        %mul3A_312 = arith.mulf %get3A_309, %mul3A_311 : vector<16xf32>
        %add3A_313 = arith.constant 0 : i32
        %add3A_314 = arith.addi %mul3A_289, %add3A_313 : i32
        %swap3A_315 = arith.index_cast %add3A_314 : i32 to index
        %swap3A_316 = arith.constant 16 : index
        %swap3A_317 = tpu.vector_load %arg9[%swap3A_315, %swap3A_316] {strides = array<i32>} : memref<128x64xf32, #tpu.memory_space<vmem>>, vector<1x16xf32>,
        %swap3A_318 = vector.shape_cast %swap3A_317 : vector<1x16xf32> to vector<16xf32>
        %swap3A_319 = vector.shape_cast %mul3A_312 : vector<16xf32> to vector<1x16xf32>
        tpu.vector_store %arg9[%swap3A_315, %swap3A_316], %swap3A_319 {strides = array<i32>} : memref<128x64xf32, #tpu.memory_space<vmem>>, vector<1x16xf32>,
        %add3A_320 = arith.constant 0 : i32
        %add3A_321 = arith.addi %mul3A_289, %add3A_320 : i32
        %get3A_322 = arith.index_cast %add3A_321 : i32 to index
        %get3A_323 = arith.constant 32 : index
        %get3A_324 = tpu.vector_load %arg9[%get3A_322, %get3A_323] {strides = array<i32>} : memref<128x64xf32, #tpu.memory_space<vmem>>, vector<1x16xf32>,
        %get3A_325 = vector.shape_cast %get3A_324 : vector<1x16xf32> to vector<16xf32>
        %mul3A_326 = arith.constant 3.1622777 : f32
        %mul3A_327 = vector.broadcast %mul3A_326 : f32 to vector<16xf32>
        %mul3A_328 = arith.mulf %get3A_325, %mul3A_327 : vector<16xf32>
        %add3A_329 = arith.constant 0 : i32
        %add3A_330 = arith.addi %mul3A_289, %add3A_329 : i32
        %swap3A_331 = arith.index_cast %add3A_330 : i32 to index
        %swap3A_332 = arith.constant 32 : index
        %swap3A_333 = tpu.vector_load %arg9[%swap3A_331, %swap3A_332] {strides = array<i32>} : memref<128x64xf32, #tpu.memory_space<vmem>>, vector<1x16xf32>,
        %swap3A_334 = vector.shape_cast %swap3A_333 : vector<1x16xf32> to vector<16xf32>
        %swap3A_335 = vector.shape_cast %mul3A_328 : vector<16xf32> to vector<1x16xf32>
        tpu.vector_store %arg9[%swap3A_331, %swap3A_332], %swap3A_335 {strides = array<i32>} : memref<128x64xf32, #tpu.memory_space<vmem>>, vector<1x16xf32>,
        %add3A_336 = arith.constant 0 : i32
        %add3A_337 = arith.addi %mul3A_289, %add3A_336 : i32
        %get3A_338 = arith.index_cast %add3A_337 : i32 to index
        %get3A_339 = arith.constant 48 : index
        %get3A_340 = tpu.vector_load %arg9[%get3A_338, %get3A_339] {strides = array<i32>} : memref<128x64xf32, #tpu.memory_space<vmem>>, vector<1x16xf32>,
        %get3A_341 = vector.shape_cast %get3A_340 : vector<1x16xf32> to vector<16xf32>
        %mul3A_342 = arith.constant 3.1622777 : f32
        %mul3A_343 = vector.broadcast %mul3A_342 : f32 to vector<16xf32>
        %mul3A_344 = arith.mulf %get3A_341, %mul3A_343 : vector<16xf32>
        %add3A_345 = arith.constant 0 : i32
        %add3A_346 = arith.addi %mul3A_289, %add3A_345 : i32
        %swap3A_347 = arith.index_cast %add3A_346 : i32 to index
        %swap3A_348 = arith.constant 48 : index
        %swap3A_349 = tpu.vector_load %arg9[%swap3A_347, %swap3A_348] {strides = array<i32>} : memref<128x64xf32, #tpu.memory_space<vmem>>, vector<1x16xf32>,
        %swap3A_350 = vector.shape_cast %swap3A_349 : vector<1x16xf32> to vector<16xf32>
        %swap3A_351 = vector.shape_cast %mul3A_344 : vector<16xf32> to vector<1x16xf32>
        tpu.vector_store %arg9[%swap3A_347, %swap3A_348], %swap3A_351 {strides = array<i32>} : memref<128x64xf32, #tpu.memory_space<vmem>>, vector<1x16xf32>,
        %add3A_352 = arith.constant 1 : i32
        %add3A_353 = arith.addi %mul3A_289, %add3A_352 : i32
        %get3A_354 = arith.index_cast %add3A_353 : i32 to index
        %get3A_355 = arith.constant 0 : index
        %get3A_356 = tpu.vector_load %arg9[%get3A_354, %get3A_355] {strides = array<i32>} : memref<128x64xf32, #tpu.memory_space<vmem>>, vector<1x16xf32>,
        %get3A_357 = vector.shape_cast %get3A_356 : vector<1x16xf32> to vector<16xf32>
        %mul3A_358 = arith.constant 3.1622777 : f32
        %mul3A_359 = vector.broadcast %mul3A_358 : f32 to vector<16xf32>
        %mul3A_360 = arith.mulf %get3A_357, %mul3A_359 : vector<16xf32>
        %add3A_361 = arith.constant 1 : i32
        %add3A_362 = arith.addi %mul3A_289, %add3A_361 : i32
        %swap3A_363 = arith.index_cast %add3A_362 : i32 to index
        %swap3A_364 = arith.constant 0 : index
        %swap3A_365 = tpu.vector_load %arg9[%swap3A_363, %swap3A_364] {strides = array<i32>} : memref<128x64xf32, #tpu.memory_space<vmem>>, vector<1x16xf32>,
        %swap3A_366 = vector.shape_cast %swap3A_365 : vector<1x16xf32> to vector<16xf32>
        %swap3A_367 = vector.shape_cast %mul3A_360 : vector<16xf32> to vector<1x16xf32>
        tpu.vector_store %arg9[%swap3A_363, %swap3A_364], %swap3A_367 {strides = array<i32>} : memref<128x64xf32, #tpu.memory_space<vmem>>, vector<1x16xf32>,
        %add3A_368 = arith.constant 1 : i32
        %add3A_369 = arith.addi %mul3A_289, %add3A_368 : i32
        %get3A_370 = arith.index_cast %add3A_369 : i32 to index
        %get3A_371 = arith.constant 16 : index
        %get3A_372 = tpu.vector_load %arg9[%get3A_370, %get3A_371] {strides = array<i32>} : memref<128x64xf32, #tpu.memory_space<vmem>>, vector<1x16xf32>,
        %get3A_373 = vector.shape_cast %get3A_372 : vector<1x16xf32> to vector<16xf32>
        %mul3A_374 = arith.constant 3.1622777 : f32
        %mul3A_375 = vector.broadcast %mul3A_374 : f32 to vector<16xf32>
        %mul3A_376 = arith.mulf %get3A_373, %mul3A_375 : vector<16xf32>
        %add3A_377 = arith.constant 1 : i32
        %add3A_378 = arith.addi %mul3A_289, %add3A_377 : i32
        %swap3A_379 = arith.index_cast %add3A_378 : i32 to index
        %swap3A_380 = arith.constant 16 : index
        %swap3A_381 = tpu.vector_load %arg9[%swap3A_379, %swap3A_380] {strides = array<i32>} : memref<128x64xf32, #tpu.memory_space<vmem>>, vector<1x16xf32>,
        %swap3A_382 = vector.shape_cast %swap3A_381 : vector<1x16xf32> to vector<16xf32>
        %swap3A_383 = vector.shape_cast %mul3A_376 : vector<16xf32> to vector<1x16xf32>
        tpu.vector_store %arg9[%swap3A_379, %swap3A_380], %swap3A_383 {strides = array<i32>} : memref<128x64xf32, #tpu.memory_space<vmem>>, vector<1x16xf32>,
        %add3A_384 = arith.constant 1 : i32
        %add3A_385 = arith.addi %mul3A_289, %add3A_384 : i32
        %get3A_386 = arith.index_cast %add3A_385 : i32 to index
        %get3A_387 = arith.constant 32 : index
        %get3A_388 = tpu.vector_load %arg9[%get3A_386, %get3A_387] {strides = array<i32>} : memref<128x64xf32, #tpu.memory_space<vmem>>, vector<1x16xf32>,
        %get3A_389 = vector.shape_cast %get3A_388 : vector<1x16xf32> to vector<16xf32>
        %mul3A_390 = arith.constant 3.1622777 : f32
        %mul3A_391 = vector.broadcast %mul3A_390 : f32 to vector<16xf32>
        %mul3A_392 = arith.mulf %get3A_389, %mul3A_391 : vector<16xf32>
        %add3A_393 = arith.constant 1 : i32
        %add3A_394 = arith.addi %mul3A_289, %add3A_393 : i32
        %swap3A_395 = arith.index_cast %add3A_394 : i32 to index
        %swap3A_396 = arith.constant 32 : index
        %swap3A_397 = tpu.vector_load %arg9[%swap3A_395, %swap3A_396] {strides = array<i32>} : memref<128x64xf32, #tpu.memory_space<vmem>>, vector<1x16xf32>,
        %swap3A_398 = vector.shape_cast %swap3A_397 : vector<1x16xf32> to vector<16xf32>
        %swap3A_399 = vector.shape_cast %mul3A_392 : vector<16xf32> to vector<1x16xf32>
        tpu.vector_store %arg9[%swap3A_395, %swap3A_396], %swap3A_399 {strides = array<i32>} : memref<128x64xf32, #tpu.memory_space<vmem>>, vector<1x16xf32>,
        %add3A_400 = arith.constant 1 : i32
        %add3A_401 = arith.addi %mul3A_289, %add3A_400 : i32
        %get3A_402 = arith.index_cast %add3A_401 : i32 to index
        %get3A_403 = arith.constant 48 : index
        %get3A_404 = tpu.vector_load %arg9[%get3A_402, %get3A_403] {strides = array<i32>} : memref<128x64xf32, #tpu.memory_space<vmem>>, vector<1x16xf32>,
        %get3A_405 = vector.shape_cast %get3A_404 : vector<1x16xf32> to vector<16xf32>
        %mul3A_406 = arith.constant 3.1622777 : f32
        %mul3A_407 = vector.broadcast %mul3A_406 : f32 to vector<16xf32>
        %mul3A_408 = arith.mulf %get3A_405, %mul3A_407 : vector<16xf32>
        %add3A_409 = arith.constant 1 : i32
        %add3A_410 = arith.addi %mul3A_289, %add3A_409 : i32
        %swap3A_411 = arith.index_cast %add3A_410 : i32 to index
        %swap3A_412 = arith.constant 48 : index
        %swap3A_413 = tpu.vector_load %arg9[%swap3A_411, %swap3A_412] {strides = array<i32>} : memref<128x64xf32, #tpu.memory_space<vmem>>, vector<1x16xf32>,
        %swap3A_414 = vector.shape_cast %swap3A_413 : vector<1x16xf32> to vector<16xf32>
        %swap3A_415 = vector.shape_cast %mul3A_408 : vector<16xf32> to vector<1x16xf32>
        tpu.vector_store %arg9[%swap3A_411, %swap3A_412], %swap3A_415 {strides = array<i32>} : memref<128x64xf32, #tpu.memory_space<vmem>>, vector<1x16xf32>,
        %add3A_416 = arith.constant 2 : i32
        %add3A_417 = arith.addi %mul3A_289, %add3A_416 : i32
        %get3A_418 = arith.index_cast %add3A_417 : i32 to index
        %get3A_419 = arith.constant 0 : index
        %get3A_420 = tpu.vector_load %arg9[%get3A_418, %get3A_419] {strides = array<i32>} : memref<128x64xf32, #tpu.memory_space<vmem>>, vector<1x16xf32>,
        %get3A_421 = vector.shape_cast %get3A_420 : vector<1x16xf32> to vector<16xf32>
        %mul3A_422 = arith.constant 3.1622777 : f32
        %mul3A_423 = vector.broadcast %mul3A_422 : f32 to vector<16xf32>
        %mul3A_424 = arith.mulf %get3A_421, %mul3A_423 : vector<16xf32>
        %add3A_425 = arith.constant 2 : i32
        %add3A_426 = arith.addi %mul3A_289, %add3A_425 : i32
        %swap3A_427 = arith.index_cast %add3A_426 : i32 to index
        %swap3A_428 = arith.constant 0 : index
        %swap3A_429 = tpu.vector_load %arg9[%swap3A_427, %swap3A_428] {strides = array<i32>} : memref<128x64xf32, #tpu.memory_space<vmem>>, vector<1x16xf32>,
        %swap3A_430 = vector.shape_cast %swap3A_429 : vector<1x16xf32> to vector<16xf32>
        %swap3A_431 = vector.shape_cast %mul3A_424 : vector<16xf32> to vector<1x16xf32>
        tpu.vector_store %arg9[%swap3A_427, %swap3A_428], %swap3A_431 {strides = array<i32>} : memref<128x64xf32, #tpu.memory_space<vmem>>, vector<1x16xf32>,
        %add3A_432 = arith.constant 2 : i32
        %add3A_433 = arith.addi %mul3A_289, %add3A_432 : i32
        %get3A_434 = arith.index_cast %add3A_433 : i32 to index
        %get3A_435 = arith.constant 16 : index
        %get3A_436 = tpu.vector_load %arg9[%get3A_434, %get3A_435] {strides = array<i32>} : memref<128x64xf32, #tpu.memory_space<vmem>>, vector<1x16xf32>,
        %get3A_437 = vector.shape_cast %get3A_436 : vector<1x16xf32> to vector<16xf32>
        %mul3A_438 = arith.constant 3.1622777 : f32
        %mul3A_439 = vector.broadcast %mul3A_438 : f32 to vector<16xf32>
        %mul3A_440 = arith.mulf %get3A_437, %mul3A_439 : vector<16xf32>
        %add3A_441 = arith.constant 2 : i32
        %add3A_442 = arith.addi %mul3A_289, %add3A_441 : i32
        %swap3A_443 = arith.index_cast %add3A_442 : i32 to index
        %swap3A_444 = arith.constant 16 : index
        %swap3A_445 = tpu.vector_load %arg9[%swap3A_443, %swap3A_444] {strides = array<i32>} : memref<128x64xf32, #tpu.memory_space<vmem>>, vector<1x16xf32>,
        %swap3A_446 = vector.shape_cast %swap3A_445 : vector<1x16xf32> to vector<16xf32>
        %swap3A_447 = vector.shape_cast %mul3A_440 : vector<16xf32> to vector<1x16xf32>
        tpu.vector_store %arg9[%swap3A_443, %swap3A_444], %swap3A_447 {strides = array<i32>} : memref<128x64xf32, #tpu.memory_space<vmem>>, vector<1x16xf32>,
        %add3A_448 = arith.constant 2 : i32
        %add3A_449 = arith.addi %mul3A_289, %add3A_448 : i32
        %get3A_450 = arith.index_cast %add3A_449 : i32 to index
        %get3A_451 = arith.constant 32 : index
        %get3A_452 = tpu.vector_load %arg9[%get3A_450, %get3A_451] {strides = array<i32>} : memref<128x64xf32, #tpu.memory_space<vmem>>, vector<1x16xf32>,
        %get3A_453 = vector.shape_cast %get3A_452 : vector<1x16xf32> to vector<16xf32>
        %mul3A_454 = arith.constant 3.1622777 : f32
        %mul3A_455 = vector.broadcast %mul3A_454 : f32 to vector<16xf32>
        %mul3A_456 = arith.mulf %get3A_453, %mul3A_455 : vector<16xf32>
        %add3A_457 = arith.constant 2 : i32
        %add3A_458 = arith.addi %mul3A_289, %add3A_457 : i32
        %swap3A_459 = arith.index_cast %add3A_458 : i32 to index
        %swap3A_460 = arith.constant 32 : index
        %swap3A_461 = tpu.vector_load %arg9[%swap3A_459, %swap3A_460] {strides = array<i32>} : memref<128x64xf32, #tpu.memory_space<vmem>>, vector<1x16xf32>,
        %swap3A_462 = vector.shape_cast %swap3A_461 : vector<1x16xf32> to vector<16xf32>
        %swap3A_463 = vector.shape_cast %mul3A_456 : vector<16xf32> to vector<1x16xf32>
        tpu.vector_store %arg9[%swap3A_459, %swap3A_460], %swap3A_463 {strides = array<i32>} : memref<128x64xf32, #tpu.memory_space<vmem>>, vector<1x16xf32>,
        %add3A_464 = arith.constant 2 : i32
        %add3A_465 = arith.addi %mul3A_289, %add3A_464 : i32
        %get3A_466 = arith.index_cast %add3A_465 : i32 to index
        %get3A_467 = arith.constant 48 : index
        %get3A_468 = tpu.vector_load %arg9[%get3A_466, %get3A_467] {strides = array<i32>} : memref<128x64xf32, #tpu.memory_space<vmem>>, vector<1x16xf32>,
        %get3A_469 = vector.shape_cast %get3A_468 : vector<1x16xf32> to vector<16xf32>
        %mul3A_470 = arith.constant 3.1622777 : f32
        %mul3A_471 = vector.broadcast %mul3A_470 : f32 to vector<16xf32>
        %mul3A_472 = arith.mulf %get3A_469, %mul3A_471 : vector<16xf32>
        %add3A_473 = arith.constant 2 : i32
        %add3A_474 = arith.addi %mul3A_289, %add3A_473 : i32
        %swap3A_475 = arith.index_cast %add3A_474 : i32 to index
        %swap3A_476 = arith.constant 48 : index
        %swap3A_477 = tpu.vector_load %arg9[%swap3A_475, %swap3A_476] {strides = array<i32>} : memref<128x64xf32, #tpu.memory_space<vmem>>, vector<1x16xf32>,
        %swap3A_478 = vector.shape_cast %swap3A_477 : vector<1x16xf32> to vector<16xf32>
        %swap3A_479 = vector.shape_cast %mul3A_472 : vector<16xf32> to vector<1x16xf32>
        tpu.vector_store %arg9[%swap3A_475, %swap3A_476], %swap3A_479 {strides = array<i32>} : memref<128x64xf32, #tpu.memory_space<vmem>>, vector<1x16xf32>,
        %add3A_480 = arith.constant 3 : i32
        %add3A_481 = arith.addi %mul3A_289, %add3A_480 : i32
        %get3A_482 = arith.index_cast %add3A_481 : i32 to index
        %get3A_483 = arith.constant 0 : index
        %get3A_484 = tpu.vector_load %arg9[%get3A_482, %get3A_483] {strides = array<i32>} : memref<128x64xf32, #tpu.memory_space<vmem>>, vector<1x16xf32>,
        %get3A_485 = vector.shape_cast %get3A_484 : vector<1x16xf32> to vector<16xf32>
        %mul3A_486 = arith.constant 3.1622777 : f32
        %mul3A_487 = vector.broadcast %mul3A_486 : f32 to vector<16xf32>
        %mul3A_488 = arith.mulf %get3A_485, %mul3A_487 : vector<16xf32>
        %add3A_489 = arith.constant 3 : i32
        %add3A_490 = arith.addi %mul3A_289, %add3A_489 : i32
        %swap3A_491 = arith.index_cast %add3A_490 : i32 to index
        %swap3A_492 = arith.constant 0 : index
        %swap3A_493 = tpu.vector_load %arg9[%swap3A_491, %swap3A_492] {strides = array<i32>} : memref<128x64xf32, #tpu.memory_space<vmem>>, vector<1x16xf32>,
        %swap3A_494 = vector.shape_cast %swap3A_493 : vector<1x16xf32> to vector<16xf32>
        %swap3A_495 = vector.shape_cast %mul3A_488 : vector<16xf32> to vector<1x16xf32>
        tpu.vector_store %arg9[%swap3A_491, %swap3A_492], %swap3A_495 {strides = array<i32>} : memref<128x64xf32, #tpu.memory_space<vmem>>, vector<1x16xf32>,
        %add3A_496 = arith.constant 3 : i32
        %add3A_497 = arith.addi %mul3A_289, %add3A_496 : i32
        %get3A_498 = arith.index_cast %add3A_497 : i32 to index
        %get3A_499 = arith.constant 16 : index
        %get3A_500 = tpu.vector_load %arg9[%get3A_498, %get3A_499] {strides = array<i32>} : memref<128x64xf32, #tpu.memory_space<vmem>>, vector<1x16xf32>,
        %get3A_501 = vector.shape_cast %get3A_500 : vector<1x16xf32> to vector<16xf32>
        %mul3A_502 = arith.constant 3.1622777 : f32
        %mul3A_503 = vector.broadcast %mul3A_502 : f32 to vector<16xf32>
        %mul3A_504 = arith.mulf %get3A_501, %mul3A_503 : vector<16xf32>
        %add3A_505 = arith.constant 3 : i32
        %add3A_506 = arith.addi %mul3A_289, %add3A_505 : i32
        %swap3A_507 = arith.index_cast %add3A_506 : i32 to index
        %swap3A_508 = arith.constant 16 : index
        %swap3A_509 = tpu.vector_load %arg9[%swap3A_507, %swap3A_508] {strides = array<i32>} : memref<128x64xf32, #tpu.memory_space<vmem>>, vector<1x16xf32>,
        %swap3A_510 = vector.shape_cast %swap3A_509 : vector<1x16xf32> to vector<16xf32>
        %swap3A_511 = vector.shape_cast %mul3A_504 : vector<16xf32> to vector<1x16xf32>
        tpu.vector_store %arg9[%swap3A_507, %swap3A_508], %swap3A_511 {strides = array<i32>} : memref<128x64xf32, #tpu.memory_space<vmem>>, vector<1x16xf32>,
        %add3A_512 = arith.constant 3 : i32
        %add3A_513 = arith.addi %mul3A_289, %add3A_512 : i32
        %get3A_514 = arith.index_cast %add3A_513 : i32 to index
        %get3A_515 = arith.constant 32 : index
        %get3A_516 = tpu.vector_load %arg9[%get3A_514, %get3A_515] {strides = array<i32>} : memref<128x64xf32, #tpu.memory_space<vmem>>, vector<1x16xf32>,
        %get3A_517 = vector.shape_cast %get3A_516 : vector<1x16xf32> to vector<16xf32>
        %mul3A_518 = arith.constant 3.1622777 : f32
        %mul3A_519 = vector.broadcast %mul3A_518 : f32 to vector<16xf32>
        %mul3A_520 = arith.mulf %get3A_517, %mul3A_519 : vector<16xf32>
        %add3A_521 = arith.constant 3 : i32
        %add3A_522 = arith.addi %mul3A_289, %add3A_521 : i32
        %swap3A_523 = arith.index_cast %add3A_522 : i32 to index
        %swap3A_524 = arith.constant 32 : index
        %swap3A_525 = tpu.vector_load %arg9[%swap3A_523, %swap3A_524] {strides = array<i32>} : memref<128x64xf32, #tpu.memory_space<vmem>>, vector<1x16xf32>,
        %swap3A_526 = vector.shape_cast %swap3A_525 : vector<1x16xf32> to vector<16xf32>
        %swap3A_527 = vector.shape_cast %mul3A_520 : vector<16xf32> to vector<1x16xf32>
        tpu.vector_store %arg9[%swap3A_523, %swap3A_524], %swap3A_527 {strides = array<i32>} : memref<128x64xf32, #tpu.memory_space<vmem>>, vector<1x16xf32>,
        %add3A_528 = arith.constant 3 : i32
        %add3A_529 = arith.addi %mul3A_289, %add3A_528 : i32
        %get3A_530 = arith.index_cast %add3A_529 : i32 to index
        %get3A_531 = arith.constant 48 : index
        %get3A_532 = tpu.vector_load %arg9[%get3A_530, %get3A_531] {strides = array<i32>} : memref<128x64xf32, #tpu.memory_space<vmem>>, vector<1x16xf32>,
        %get3A_533 = vector.shape_cast %get3A_532 : vector<1x16xf32> to vector<16xf32>
        %mul3A_534 = arith.constant 3.1622777 : f32
        %mul3A_535 = vector.broadcast %mul3A_534 : f32 to vector<16xf32>
        %mul3A_536 = arith.mulf %get3A_533, %mul3A_535 : vector<16xf32>
        %add3A_537 = arith.constant 3 : i32
        %add3A_538 = arith.addi %mul3A_289, %add3A_537 : i32
        %swap3A_539 = arith.index_cast %add3A_538 : i32 to index
        %swap3A_540 = arith.constant 48 : index
        %swap3A_541 = tpu.vector_load %arg9[%swap3A_539, %swap3A_540] {strides = array<i32>} : memref<128x64xf32, #tpu.memory_space<vmem>>, vector<1x16xf32>,
        %swap3A_542 = vector.shape_cast %swap3A_541 : vector<1x16xf32> to vector<16xf32>
        %swap3A_543 = vector.shape_cast %mul3A_536 : vector<16xf32> to vector<1x16xf32>
        tpu.vector_store %arg9[%swap3A_539, %swap3A_540], %swap3A_543 {strides = array<i32>} : memref<128x64xf32, #tpu.memory_space<vmem>>, vector<1x16xf32>,
        %add3A_544 = arith.constant 4 : i32
        %add3A_545 = arith.addi %mul3A_289, %add3A_544 : i32
        %get3A_546 = arith.index_cast %add3A_545 : i32 to index
        %get3A_547 = arith.constant 0 : index
        %get3A_548 = tpu.vector_load %arg9[%get3A_546, %get3A_547] {strides = array<i32>} : memref<128x64xf32, #tpu.memory_space<vmem>>, vector<1x16xf32>,
        %get3A_549 = vector.shape_cast %get3A_548 : vector<1x16xf32> to vector<16xf32>
        %mul3A_550 = arith.constant 3.1622777 : f32
        %mul3A_551 = vector.broadcast %mul3A_550 : f32 to vector<16xf32>
        %mul3A_552 = arith.mulf %get3A_549, %mul3A_551 : vector<16xf32>
        %add3A_553 = arith.constant 4 : i32
        %add3A_554 = arith.addi %mul3A_289, %add3A_553 : i32
        %swap3A_555 = arith.index_cast %add3A_554 : i32 to index
        %swap3A_556 = arith.constant 0 : index
        %swap3A_557 = tpu.vector_load %arg9[%swap3A_555, %swap3A_556] {strides = array<i32>} : memref<128x64xf32, #tpu.memory_space<vmem>>, vector<1x16xf32>,
        %swap3A_558 = vector.shape_cast %swap3A_557 : vector<1x16xf32> to vector<16xf32>
        %swap3A_559 = vector.shape_cast %mul3A_552 : vector<16xf32> to vector<1x16xf32>
        tpu.vector_store %arg9[%swap3A_555, %swap3A_556], %swap3A_559 {strides = array<i32>} : memref<128x64xf32, #tpu.memory_space<vmem>>, vector<1x16xf32>,
        %add3A_560 = arith.constant 4 : i32
        %add3A_561 = arith.addi %mul3A_289, %add3A_560 : i32
        %get3A_562 = arith.index_cast %add3A_561 : i32 to index
        %get3A_563 = arith.constant 16 : index
        %get3A_564 = tpu.vector_load %arg9[%get3A_562, %get3A_563] {strides = array<i32>} : memref<128x64xf32, #tpu.memory_space<vmem>>, vector<1x16xf32>,
        %get3A_565 = vector.shape_cast %get3A_564 : vector<1x16xf32> to vector<16xf32>
        %mul3A_566 = arith.constant 3.1622777 : f32
        %mul3A_567 = vector.broadcast %mul3A_566 : f32 to vector<16xf32>
        %mul3A_568 = arith.mulf %get3A_565, %mul3A_567 : vector<16xf32>
        %add3A_569 = arith.constant 4 : i32
        %add3A_570 = arith.addi %mul3A_289, %add3A_569 : i32
        %swap3A_571 = arith.index_cast %add3A_570 : i32 to index
        %swap3A_572 = arith.constant 16 : index
        %swap3A_573 = tpu.vector_load %arg9[%swap3A_571, %swap3A_572] {strides = array<i32>} : memref<128x64xf32, #tpu.memory_space<vmem>>, vector<1x16xf32>,
        %swap3A_574 = vector.shape_cast %swap3A_573 : vector<1x16xf32> to vector<16xf32>
        %swap3A_575 = vector.shape_cast %mul3A_568 : vector<16xf32> to vector<1x16xf32>
        tpu.vector_store %arg9[%swap3A_571, %swap3A_572], %swap3A_575 {strides = array<i32>} : memref<128x64xf32, #tpu.memory_space<vmem>>, vector<1x16xf32>,
        %add3A_576 = arith.constant 4 : i32
        %add3A_577 = arith.addi %mul3A_289, %add3A_576 : i32
        %get3A_578 = arith.index_cast %add3A_577 : i32 to index
        %get3A_579 = arith.constant 32 : index
        %get3A_580 = tpu.vector_load %arg9[%get3A_578, %get3A_579] {strides = array<i32>} : memref<128x64xf32, #tpu.memory_space<vmem>>, vector<1x16xf32>,
        %get3A_581 = vector.shape_cast %get3A_580 : vector<1x16xf32> to vector<16xf32>
        %mul3A_582 = arith.constant 3.1622777 : f32
        %mul3A_583 = vector.broadcast %mul3A_582 : f32 to vector<16xf32>
        %mul3A_584 = arith.mulf %get3A_581, %mul3A_583 : vector<16xf32>
        %add3A_585 = arith.constant 4 : i32
        %add3A_586 = arith.addi %mul3A_289, %add3A_585 : i32
        %swap3A_587 = arith.index_cast %add3A_586 : i32 to index
        %swap3A_588 = arith.constant 32 : index
        %swap3A_589 = tpu.vector_load %arg9[%swap3A_587, %swap3A_588] {strides = array<i32>} : memref<128x64xf32, #tpu.memory_space<vmem>>, vector<1x16xf32>,
        %swap3A_590 = vector.shape_cast %swap3A_589 : vector<1x16xf32> to vector<16xf32>
        %swap3A_591 = vector.shape_cast %mul3A_584 : vector<16xf32> to vector<1x16xf32>
        tpu.vector_store %arg9[%swap3A_587, %swap3A_588], %swap3A_591 {strides = array<i32>} : memref<128x64xf32, #tpu.memory_space<vmem>>, vector<1x16xf32>,
        %add3A_592 = arith.constant 4 : i32
        %add3A_593 = arith.addi %mul3A_289, %add3A_592 : i32
        %get3A_594 = arith.index_cast %add3A_593 : i32 to index
        %get3A_595 = arith.constant 48 : index
        %get3A_596 = tpu.vector_load %arg9[%get3A_594, %get3A_595] {strides = array<i32>} : memref<128x64xf32, #tpu.memory_space<vmem>>, vector<1x16xf32>,
        %get3A_597 = vector.shape_cast %get3A_596 : vector<1x16xf32> to vector<16xf32>
        %mul3A_598 = arith.constant 3.1622777 : f32
        %mul3A_599 = vector.broadcast %mul3A_598 : f32 to vector<16xf32>
        %mul3A_600 = arith.mulf %get3A_597, %mul3A_599 : vector<16xf32>
        %add3A_601 = arith.constant 4 : i32
        %add3A_602 = arith.addi %mul3A_289, %add3A_601 : i32
        %swap3A_603 = arith.index_cast %add3A_602 : i32 to index
        %swap3A_604 = arith.constant 48 : index
        %swap3A_605 = tpu.vector_load %arg9[%swap3A_603, %swap3A_604] {strides = array<i32>} : memref<128x64xf32, #tpu.memory_space<vmem>>, vector<1x16xf32>,
        %swap3A_606 = vector.shape_cast %swap3A_605 : vector<1x16xf32> to vector<16xf32>
        %swap3A_607 = vector.shape_cast %mul3A_600 : vector<16xf32> to vector<1x16xf32>
        tpu.vector_store %arg9[%swap3A_603, %swap3A_604], %swap3A_607 {strides = array<i32>} : memref<128x64xf32, #tpu.memory_space<vmem>>, vector<1x16xf32>,
        %add3A_608 = arith.constant 5 : i32
        %add3A_609 = arith.addi %mul3A_289, %add3A_608 : i32
        %get3A_610 = arith.index_cast %add3A_609 : i32 to index
        %get3A_611 = arith.constant 0 : index
        %get3A_612 = tpu.vector_load %arg9[%get3A_610, %get3A_611] {strides = array<i32>} : memref<128x64xf32, #tpu.memory_space<vmem>>, vector<1x16xf32>,
        %get3A_613 = vector.shape_cast %get3A_612 : vector<1x16xf32> to vector<16xf32>
        %mul3A_614 = arith.constant 3.1622777 : f32
        %mul3A_615 = vector.broadcast %mul3A_614 : f32 to vector<16xf32>
        %mul3A_616 = arith.mulf %get3A_613, %mul3A_615 : vector<16xf32>
        %add3A_617 = arith.constant 5 : i32
        %add3A_618 = arith.addi %mul3A_289, %add3A_617 : i32
        %swap3A_619 = arith.index_cast %add3A_618 : i32 to index
        %swap3A_620 = arith.constant 0 : index
        %swap3A_621 = tpu.vector_load %arg9[%swap3A_619, %swap3A_620] {strides = array<i32>} : memref<128x64xf32, #tpu.memory_space<vmem>>, vector<1x16xf32>,
        %swap3A_622 = vector.shape_cast %swap3A_621 : vector<1x16xf32> to vector<16xf32>
        %swap3A_623 = vector.shape_cast %mul3A_616 : vector<16xf32> to vector<1x16xf32>
        tpu.vector_store %arg9[%swap3A_619, %swap3A_620], %swap3A_623 {strides = array<i32>} : memref<128x64xf32, #tpu.memory_space<vmem>>, vector<1x16xf32>,
        %add3A_624 = arith.constant 5 : i32
        %add3A_625 = arith.addi %mul3A_289, %add3A_624 : i32
        %get3A_626 = arith.index_cast %add3A_625 : i32 to index
        %get3A_627 = arith.constant 16 : index
        %get3A_628 = tpu.vector_load %arg9[%get3A_626, %get3A_627] {strides = array<i32>} : memref<128x64xf32, #tpu.memory_space<vmem>>, vector<1x16xf32>,
        %get3A_629 = vector.shape_cast %get3A_628 : vector<1x16xf32> to vector<16xf32>
        %mul3A_630 = arith.constant 3.1622777 : f32
        %mul3A_631 = vector.broadcast %mul3A_630 : f32 to vector<16xf32>
        %mul3A_632 = arith.mulf %get3A_629, %mul3A_631 : vector<16xf32>
        %add3A_633 = arith.constant 5 : i32
        %add3A_634 = arith.addi %mul3A_289, %add3A_633 : i32
        %swap3A_635 = arith.index_cast %add3A_634 : i32 to index
        %swap3A_636 = arith.constant 16 : index
        %swap3A_637 = tpu.vector_load %arg9[%swap3A_635, %swap3A_636] {strides = array<i32>} : memref<128x64xf32, #tpu.memory_space<vmem>>, vector<1x16xf32>,
        %swap3A_638 = vector.shape_cast %swap3A_637 : vector<1x16xf32> to vector<16xf32>
        %swap3A_639 = vector.shape_cast %mul3A_632 : vector<16xf32> to vector<1x16xf32>
        tpu.vector_store %arg9[%swap3A_635, %swap3A_636], %swap3A_639 {strides = array<i32>} : memref<128x64xf32, #tpu.memory_space<vmem>>, vector<1x16xf32>,
        %add3A_640 = arith.constant 5 : i32
        %add3A_641 = arith.addi %mul3A_289, %add3A_640 : i32
        %get3A_642 = arith.index_cast %add3A_641 : i32 to index
        %get3A_643 = arith.constant 32 : index
        %get3A_644 = tpu.vector_load %arg9[%get3A_642, %get3A_643] {strides = array<i32>} : memref<128x64xf32, #tpu.memory_space<vmem>>, vector<1x16xf32>,
        %get3A_645 = vector.shape_cast %get3A_644 : vector<1x16xf32> to vector<16xf32>
        %mul3A_646 = arith.constant 3.1622777 : f32
        %mul3A_647 = vector.broadcast %mul3A_646 : f32 to vector<16xf32>
        %mul3A_648 = arith.mulf %get3A_645, %mul3A_647 : vector<16xf32>
        %add3A_649 = arith.constant 5 : i32
        %add3A_650 = arith.addi %mul3A_289, %add3A_649 : i32
        %swap3A_651 = arith.index_cast %add3A_650 : i32 to index
        %swap3A_652 = arith.constant 32 : index
        %swap3A_653 = tpu.vector_load %arg9[%swap3A_651, %swap3A_652] {strides = array<i32>} : memref<128x64xf32, #tpu.memory_space<vmem>>, vector<1x16xf32>,
        %swap3A_654 = vector.shape_cast %swap3A_653 : vector<1x16xf32> to vector<16xf32>
        %swap3A_655 = vector.shape_cast %mul3A_648 : vector<16xf32> to vector<1x16xf32>
        tpu.vector_store %arg9[%swap3A_651, %swap3A_652], %swap3A_655 {strides = array<i32>} : memref<128x64xf32, #tpu.memory_space<vmem>>, vector<1x16xf32>,
        %add3A_656 = arith.constant 5 : i32
        %add3A_657 = arith.addi %mul3A_289, %add3A_656 : i32
        %get3A_658 = arith.index_cast %add3A_657 : i32 to index
        %get3A_659 = arith.constant 48 : index
        %get3A_660 = tpu.vector_load %arg9[%get3A_658, %get3A_659] {strides = array<i32>} : memref<128x64xf32, #tpu.memory_space<vmem>>, vector<1x16xf32>,
        %get3A_661 = vector.shape_cast %get3A_660 : vector<1x16xf32> to vector<16xf32>
        %mul3A_662 = arith.constant 3.1622777 : f32
        %mul3A_663 = vector.broadcast %mul3A_662 : f32 to vector<16xf32>
        %mul3A_664 = arith.mulf %get3A_661, %mul3A_663 : vector<16xf32>
        %add3A_665 = arith.constant 5 : i32
        %add3A_666 = arith.addi %mul3A_289, %add3A_665 : i32
        %swap3A_667 = arith.index_cast %add3A_666 : i32 to index
        %swap3A_668 = arith.constant 48 : index
        %swap3A_669 = tpu.vector_load %arg9[%swap3A_667, %swap3A_668] {strides = array<i32>} : memref<128x64xf32, #tpu.memory_space<vmem>>, vector<1x16xf32>,
        %swap3A_670 = vector.shape_cast %swap3A_669 : vector<1x16xf32> to vector<16xf32>
        %swap3A_671 = vector.shape_cast %mul3A_664 : vector<16xf32> to vector<1x16xf32>
        tpu.vector_store %arg9[%swap3A_667, %swap3A_668], %swap3A_671 {strides = array<i32>} : memref<128x64xf32, #tpu.memory_space<vmem>>, vector<1x16xf32>,
        %add3A_672 = arith.constant 6 : i32
        %add3A_673 = arith.addi %mul3A_289, %add3A_672 : i32
        %get3A_674 = arith.index_cast %add3A_673 : i32 to index
        %get3A_675 = arith.constant 0 : index
        %get3A_676 = tpu.vector_load %arg9[%get3A_674, %get3A_675] {strides = array<i32>} : memref<128x64xf32, #tpu.memory_space<vmem>>, vector<1x16xf32>,
        %get3A_677 = vector.shape_cast %get3A_676 : vector<1x16xf32> to vector<16xf32>
        %mul3A_678 = arith.constant 3.1622777 : f32
        %mul3A_679 = vector.broadcast %mul3A_678 : f32 to vector<16xf32>
        %mul3A_680 = arith.mulf %get3A_677, %mul3A_679 : vector<16xf32>
        %add3A_681 = arith.constant 6 : i32
        %add3A_682 = arith.addi %mul3A_289, %add3A_681 : i32
        %swap3A_683 = arith.index_cast %add3A_682 : i32 to index
        %swap3A_684 = arith.constant 0 : index
        %swap3A_685 = tpu.vector_load %arg9[%swap3A_683, %swap3A_684] {strides = array<i32>} : memref<128x64xf32, #tpu.memory_space<vmem>>, vector<1x16xf32>,
        %swap3A_686 = vector.shape_cast %swap3A_685 : vector<1x16xf32> to vector<16xf32>
        %swap3A_687 = vector.shape_cast %mul3A_680 : vector<16xf32> to vector<1x16xf32>
        tpu.vector_store %arg9[%swap3A_683, %swap3A_684], %swap3A_687 {strides = array<i32>} : memref<128x64xf32, #tpu.memory_space<vmem>>, vector<1x16xf32>,
        %add3A_688 = arith.constant 6 : i32
        %add3A_689 = arith.addi %mul3A_289, %add3A_688 : i32
        %get3A_690 = arith.index_cast %add3A_689 : i32 to index
        %get3A_691 = arith.constant 16 : index
        %get3A_692 = tpu.vector_load %arg9[%get3A_690, %get3A_691] {strides = array<i32>} : memref<128x64xf32, #tpu.memory_space<vmem>>, vector<1x16xf32>,
        %get3A_693 = vector.shape_cast %get3A_692 : vector<1x16xf32> to vector<16xf32>
        %mul3A_694 = arith.constant 3.1622777 : f32
        %mul3A_695 = vector.broadcast %mul3A_694 : f32 to vector<16xf32>
        %mul3A_696 = arith.mulf %get3A_693, %mul3A_695 : vector<16xf32>
        %add3A_697 = arith.constant 6 : i32
        %add3A_698 = arith.addi %mul3A_289, %add3A_697 : i32
        %swap3A_699 = arith.index_cast %add3A_698 : i32 to index
        %swap3A_700 = arith.constant 16 : index
        %swap3A_701 = tpu.vector_load %arg9[%swap3A_699, %swap3A_700] {strides = array<i32>} : memref<128x64xf32, #tpu.memory_space<vmem>>, vector<1x16xf32>,
        %swap3A_702 = vector.shape_cast %swap3A_701 : vector<1x16xf32> to vector<16xf32>
        %swap3A_703 = vector.shape_cast %mul3A_696 : vector<16xf32> to vector<1x16xf32>
        tpu.vector_store %arg9[%swap3A_699, %swap3A_700], %swap3A_703 {strides = array<i32>} : memref<128x64xf32, #tpu.memory_space<vmem>>, vector<1x16xf32>,
        %add3A_704 = arith.constant 6 : i32
        %add3A_705 = arith.addi %mul3A_289, %add3A_704 : i32
        %get3A_706 = arith.index_cast %add3A_705 : i32 to index
        %get3A_707 = arith.constant 32 : index
        %get3A_708 = tpu.vector_load %arg9[%get3A_706, %get3A_707] {strides = array<i32>} : memref<128x64xf32, #tpu.memory_space<vmem>>, vector<1x16xf32>,
        %get3A_709 = vector.shape_cast %get3A_708 : vector<1x16xf32> to vector<16xf32>
        %mul3A_710 = arith.constant 3.1622777 : f32
        %mul3A_711 = vector.broadcast %mul3A_710 : f32 to vector<16xf32>
        %mul3A_712 = arith.mulf %get3A_709, %mul3A_711 : vector<16xf32>
        %add3A_713 = arith.constant 6 : i32
        %add3A_714 = arith.addi %mul3A_289, %add3A_713 : i32
        %swap3A_715 = arith.index_cast %add3A_714 : i32 to index
        %swap3A_716 = arith.constant 32 : index
        %swap3A_717 = tpu.vector_load %arg9[%swap3A_715, %swap3A_716] {strides = array<i32>} : memref<128x64xf32, #tpu.memory_space<vmem>>, vector<1x16xf32>,
        %swap3A_718 = vector.shape_cast %swap3A_717 : vector<1x16xf32> to vector<16xf32>
        %swap3A_719 = vector.shape_cast %mul3A_712 : vector<16xf32> to vector<1x16xf32>
        tpu.vector_store %arg9[%swap3A_715, %swap3A_716], %swap3A_719 {strides = array<i32>} : memref<128x64xf32, #tpu.memory_space<vmem>>, vector<1x16xf32>,
        %add3A_720 = arith.constant 6 : i32
        %add3A_721 = arith.addi %mul3A_289, %add3A_720 : i32
        %get3A_722 = arith.index_cast %add3A_721 : i32 to index
        %get3A_723 = arith.constant 48 : index
        %get3A_724 = tpu.vector_load %arg9[%get3A_722, %get3A_723] {strides = array<i32>} : memref<128x64xf32, #tpu.memory_space<vmem>>, vector<1x16xf32>,
        %get3A_725 = vector.shape_cast %get3A_724 : vector<1x16xf32> to vector<16xf32>
        %mul3A_726 = arith.constant 3.1622777 : f32
        %mul3A_727 = vector.broadcast %mul3A_726 : f32 to vector<16xf32>
        %mul3A_728 = arith.mulf %get3A_725, %mul3A_727 : vector<16xf32>
        %add3A_729 = arith.constant 6 : i32
        %add3A_730 = arith.addi %mul3A_289, %add3A_729 : i32
        %swap3A_731 = arith.index_cast %add3A_730 : i32 to index
        %swap3A_732 = arith.constant 48 : index
        %swap3A_733 = tpu.vector_load %arg9[%swap3A_731, %swap3A_732] {strides = array<i32>} : memref<128x64xf32, #tpu.memory_space<vmem>>, vector<1x16xf32>,
        %swap3A_734 = vector.shape_cast %swap3A_733 : vector<1x16xf32> to vector<16xf32>
        %swap3A_735 = vector.shape_cast %mul3A_728 : vector<16xf32> to vector<1x16xf32>
        tpu.vector_store %arg9[%swap3A_731, %swap3A_732], %swap3A_735 {strides = array<i32>} : memref<128x64xf32, #tpu.memory_space<vmem>>, vector<1x16xf32>,
        %add3A_736 = arith.constant 7 : i32
        %add3A_737 = arith.addi %mul3A_289, %add3A_736 : i32
        %get3A_738 = arith.index_cast %add3A_737 : i32 to index
        %get3A_739 = arith.constant 0 : index
        %get3A_740 = tpu.vector_load %arg9[%get3A_738, %get3A_739] {strides = array<i32>} : memref<128x64xf32, #tpu.memory_space<vmem>>, vector<1x16xf32>,
        %get3A_741 = vector.shape_cast %get3A_740 : vector<1x16xf32> to vector<16xf32>
        %mul3A_742 = arith.constant 3.1622777 : f32
        %mul3A_743 = vector.broadcast %mul3A_742 : f32 to vector<16xf32>
        %mul3A_744 = arith.mulf %get3A_741, %mul3A_743 : vector<16xf32>
        %add3A_745 = arith.constant 7 : i32
        %add3A_746 = arith.addi %mul3A_289, %add3A_745 : i32
        %swap3A_747 = arith.index_cast %add3A_746 : i32 to index
        %swap3A_748 = arith.constant 0 : index
        %swap3A_749 = tpu.vector_load %arg9[%swap3A_747, %swap3A_748] {strides = array<i32>} : memref<128x64xf32, #tpu.memory_space<vmem>>, vector<1x16xf32>,
        %swap3A_750 = vector.shape_cast %swap3A_749 : vector<1x16xf32> to vector<16xf32>
        %swap3A_751 = vector.shape_cast %mul3A_744 : vector<16xf32> to vector<1x16xf32>
        tpu.vector_store %arg9[%swap3A_747, %swap3A_748], %swap3A_751 {strides = array<i32>} : memref<128x64xf32, #tpu.memory_space<vmem>>, vector<1x16xf32>,
        %add3A_752 = arith.constant 7 : i32
        %add3A_753 = arith.addi %mul3A_289, %add3A_752 : i32
        %get3A_754 = arith.index_cast %add3A_753 : i32 to index
        %get3A_755 = arith.constant 16 : index
        %get3A_756 = tpu.vector_load %arg9[%get3A_754, %get3A_755] {strides = array<i32>} : memref<128x64xf32, #tpu.memory_space<vmem>>, vector<1x16xf32>,
        %get3A_757 = vector.shape_cast %get3A_756 : vector<1x16xf32> to vector<16xf32>
        %mul3A_758 = arith.constant 3.1622777 : f32
        %mul3A_759 = vector.broadcast %mul3A_758 : f32 to vector<16xf32>
        %mul3A_760 = arith.mulf %get3A_757, %mul3A_759 : vector<16xf32>
        %add3A_761 = arith.constant 7 : i32
        %add3A_762 = arith.addi %mul3A_289, %add3A_761 : i32
        %swap3A_763 = arith.index_cast %add3A_762 : i32 to index
        %swap3A_764 = arith.constant 16 : index
        %swap3A_765 = tpu.vector_load %arg9[%swap3A_763, %swap3A_764] {strides = array<i32>} : memref<128x64xf32, #tpu.memory_space<vmem>>, vector<1x16xf32>,
        %swap3A_766 = vector.shape_cast %swap3A_765 : vector<1x16xf32> to vector<16xf32>
        %swap3A_767 = vector.shape_cast %mul3A_760 : vector<16xf32> to vector<1x16xf32>
        tpu.vector_store %arg9[%swap3A_763, %swap3A_764], %swap3A_767 {strides = array<i32>} : memref<128x64xf32, #tpu.memory_space<vmem>>, vector<1x16xf32>,
        %add3A_768 = arith.constant 7 : i32
        %add3A_769 = arith.addi %mul3A_289, %add3A_768 : i32
        %get3A_770 = arith.index_cast %add3A_769 : i32 to index
        %get3A_771 = arith.constant 32 : index
        %get3A_772 = tpu.vector_load %arg9[%get3A_770, %get3A_771] {strides = array<i32>} : memref<128x64xf32, #tpu.memory_space<vmem>>, vector<1x16xf32>,
        %get3A_773 = vector.shape_cast %get3A_772 : vector<1x16xf32> to vector<16xf32>
        %mul3A_774 = arith.constant 3.1622777 : f32
        %mul3A_775 = vector.broadcast %mul3A_774 : f32 to vector<16xf32>
        %mul3A_776 = arith.mulf %get3A_773, %mul3A_775 : vector<16xf32>
        %add3A_777 = arith.constant 7 : i32
        %add3A_778 = arith.addi %mul3A_289, %add3A_777 : i32
        %swap3A_779 = arith.index_cast %add3A_778 : i32 to index
        %swap3A_780 = arith.constant 32 : index
        %swap3A_781 = tpu.vector_load %arg9[%swap3A_779, %swap3A_780] {strides = array<i32>} : memref<128x64xf32, #tpu.memory_space<vmem>>, vector<1x16xf32>,
        %swap3A_782 = vector.shape_cast %swap3A_781 : vector<1x16xf32> to vector<16xf32>
        %swap3A_783 = vector.shape_cast %mul3A_776 : vector<16xf32> to vector<1x16xf32>
        tpu.vector_store %arg9[%swap3A_779, %swap3A_780], %swap3A_783 {strides = array<i32>} : memref<128x64xf32, #tpu.memory_space<vmem>>, vector<1x16xf32>,
        %add3A_784 = arith.constant 7 : i32
        %add3A_785 = arith.addi %mul3A_289, %add3A_784 : i32
        %get3A_786 = arith.index_cast %add3A_785 : i32 to index
        %get3A_787 = arith.constant 48 : index
        %get3A_788 = tpu.vector_load %arg9[%get3A_786, %get3A_787] {strides = array<i32>} : memref<128x64xf32, #tpu.memory_space<vmem>>, vector<1x16xf32>,
        %get3A_789 = vector.shape_cast %get3A_788 : vector<1x16xf32> to vector<16xf32>
        %mul3A_790 = arith.constant 3.1622777 : f32
        %mul3A_791 = vector.broadcast %mul3A_790 : f32 to vector<16xf32>
        %mul3A_792 = arith.mulf %get3A_789, %mul3A_791 : vector<16xf32>
        %add3A_793 = arith.constant 7 : i32
        %add3A_794 = arith.addi %mul3A_289, %add3A_793 : i32
        %swap3A_795 = arith.index_cast %add3A_794 : i32 to index
        %swap3A_796 = arith.constant 48 : index
        %swap3A_797 = tpu.vector_load %arg9[%swap3A_795, %swap3A_796] {strides = array<i32>} : memref<128x64xf32, #tpu.memory_space<vmem>>, vector<1x16xf32>,
        %swap3A_798 = vector.shape_cast %swap3A_797 : vector<1x16xf32> to vector<16xf32>
        %swap3A_799 = vector.shape_cast %mul3A_792 : vector<16xf32> to vector<1x16xf32>
        tpu.vector_store %arg9[%swap3A_795, %swap3A_796], %swap3A_799 {strides = array<i32>} : memref<128x64xf32, #tpu.memory_space<vmem>>, vector<1x16xf32>,
      }
      %scan3A_209 = arith.constant 16 : i32
      %add3A_210 = arith.addi %mul3A_2, %add3A_183 : i32
      %mul3A_211 = arith.constant 128 : i32
      %mul3A_212 = arith.muli %add3A_210, %mul3A_211 : i32
      %dma_start3A_213 = arith.constant 0 : i32
      %dma_start3A_214 = tpu.memref_slice %arg4[%mul3A_212, %dma_start3A_213] : memref<819200x64xf32, #tpu.memory_space<hbm>> -> memref<128x64xf32, #tpu.memory_space<hbm>>
      %dma_start3A_215 = arith.constant 0 : i32
      %dma_start3A_216 = tpu.memref_slice %arg4[%mul3A_212, %dma_start3A_215] : memref<819200x64xf32, #tpu.memory_space<hbm>> -> memref<128x64xf32, #tpu.memory_space<hbm>>
      tpu.enqueue_dma source(%arg9 : memref<128x64xf32, #tpu.memory_space<vmem>>) target(%dma_start3A_216 : memref<128x64xf32, #tpu.memory_space<hbm>>) target_semaphore(%arg17 : memref<!tpu.dma_semaphore, #tpu.memory_space<semaphore_mem>>)
      %add3A_217 = arith.constant 2 : i32
      %add3A_218 = arith.addi %add3A_146, %add3A_217 : i32
      %mul3A_219 = arith.constant 128 : i32
      %mul3A_220 = arith.muli %mul3A_2, %mul3A_219 : i32
      %dma_wait3A_221 = arith.constant 0 : i32
      %dma_wait3A_222 = tpu.memref_slice %arg4[%mul3A_220, %dma_wait3A_221] : memref<819200x64xf32, #tpu.memory_space<hbm>> -> memref<128x64xf32, #tpu.memory_space<hbm>>
      %dma_wait3A_223 = arith.constant 0 : i32
      %dma_wait3A_224 = tpu.memref_slice %arg4[%mul3A_220, %dma_wait3A_223] : memref<819200x64xf32, #tpu.memory_space<hbm>> -> memref<128x64xf32, #tpu.memory_space<hbm>>
      tpu.wait_dma2 semaphore(%arg16 : memref<!tpu.dma_semaphore, #tpu.memory_space<semaphore_mem>>) src(%arg8 : memref<128x64xf32, #tpu.memory_space<vmem>>) dst(%dma_wait3A_224 : memref<128x64xf32, #tpu.memory_space<hbm>>)
      %add3A_225 = arith.constant 2 : i32
      %add3A_226 = arith.addi %add3A_218, %add3A_225 : i32
      %dma_start3A_227 = arith.constant 0 : i32
      %dma_start3A_228 = tpu.memref_slice %arg5[%add3A_226, %dma_start3A_227] : memref<200x128xi32, #tpu.memory_space<vmem>> -> memref<1x128xi32, #tpu.memory_space<vmem>>
      %dma_start3A_229 = tpu.memref_squeeze %dma_start3A_228 : memref<1x128xi32, #tpu.memory_space<vmem>> -> memref<128xi32, #tpu.memory_space<vmem>>
      %dma_start3A_230 = arith.constant 0 : i32
      %dma_start3A_231 = arith.constant 0 : i32
      %dma_start3A_232 = tpu.memref_slice %arg3[%dma_start3A_230, %dma_start3A_231] : memref<1000000x64xf32, #tpu.memory_space<hbm>> -> memref<1000000x64xf32, #tpu.memory_space<hbm>>
      tpu.enqueue_indirect_dma source(%dma_start3A_232 : memref<1000000x64xf32, #tpu.memory_space<hbm>>) target(%arg8 : memref<128x64xf32, #tpu.memory_space<vmem>>) offsets(%dma_start3A_229 : memref<128xi32, #tpu.memory_space<vmem>>) semaphore(%arg12 : memref<!tpu.dma_semaphore, #tpu.memory_space<semaphore_mem>>)
      %dma_wait3A_233 = arith.constant 0 : i32
      %dma_wait3A_234 = tpu.memref_slice %arg5[%add3A_218, %dma_wait3A_233] : memref<200x128xi32, #tpu.memory_space<vmem>> -> memref<1x128xi32, #tpu.memory_space<vmem>>
      %dma_wait3A_235 = tpu.memref_squeeze %dma_wait3A_234 : memref<1x128xi32, #tpu.memory_space<vmem>> -> memref<128xi32, #tpu.memory_space<vmem>>
      %dma_wait3A_236 = arith.constant 0 : i32
      %dma_wait3A_237 = arith.constant 0 : i32
      %dma_wait3A_238 = tpu.memref_slice %arg3[%dma_wait3A_236, %dma_wait3A_237] : memref<1000000x64xf32, #tpu.memory_space<hbm>> -> memref<1000000x64xf32, #tpu.memory_space<hbm>>
      tpu.wait_indirect_dma semaphore(%arg10 : memref<!tpu.dma_semaphore, #tpu.memory_space<semaphore_mem>>) src(%dma_wait3A_238 : memref<1000000x64xf32, #tpu.memory_space<hbm>>) dst(%arg6 : memref<128x64xf32, #tpu.memory_space<vmem>>)
      %scan3A_239 = arith.constant 0 : i32
      %scan3A_240 = arith.constant 0 : i32
      %scan3A_241 = arith.constant 16 : i32
      %scan3A_242 = arith.addi %scan3A_240, %scan3A_241 : i32
      %scan3A_243 = arith.constant 1 : i32
      scf.for %scan3A_287 = %scan3A_240 to %scan3A_242 step %scan3A_243  : i32 {
        %mul3A_288 = arith.constant 8 : i32
        %mul3A_289 = arith.muli %scan3A_287, %mul3A_288 : i32
        %add3A_290 = arith.constant 0 : i32
        %add3A_291 = arith.addi %mul3A_289, %add3A_290 : i32
        %get3A = arith.index_cast %add3A_291 : i32 to index
        %get3A_292 = arith.constant 0 : index
        %get3A_293 = tpu.vector_load %arg6[%get3A, %get3A_292] {strides = array<i32>} : memref<128x64xf32, #tpu.memory_space<vmem>>, vector<1x16xf32>,
        %get3A_294 = vector.shape_cast %get3A_293 : vector<1x16xf32> to vector<16xf32>
        %mul3A_295 = arith.constant 3.1622777 : f32
        %mul3A_296 = vector.broadcast %mul3A_295 : f32 to vector<16xf32>
        %mul3A_297 = arith.mulf %get3A_294, %mul3A_296 : vector<16xf32>
        %add3A_298 = arith.constant 0 : i32
        %add3A_299 = arith.addi %mul3A_289, %add3A_298 : i32
        %swap3A = arith.index_cast %add3A_299 : i32 to index
        %swap3A_300 = arith.constant 0 : index
        %swap3A_301 = tpu.vector_load %arg6[%swap3A, %swap3A_300] {strides = array<i32>} : memref<128x64xf32, #tpu.memory_space<vmem>>, vector<1x16xf32>,
        %swap3A_302 = vector.shape_cast %swap3A_301 : vector<1x16xf32> to vector<16xf32>
        %swap3A_303 = vector.shape_cast %mul3A_297 : vector<16xf32> to vector<1x16xf32>
        tpu.vector_store %arg6[%swap3A, %swap3A_300], %swap3A_303 {strides = array<i32>} : memref<128x64xf32, #tpu.memory_space<vmem>>, vector<1x16xf32>,
        %add3A_304 = arith.constant 0 : i32
        %add3A_305 = arith.addi %mul3A_289, %add3A_304 : i32
        %get3A_306 = arith.index_cast %add3A_305 : i32 to index
        %get3A_307 = arith.constant 16 : index
        %get3A_308 = tpu.vector_load %arg6[%get3A_306, %get3A_307] {strides = array<i32>} : memref<128x64xf32, #tpu.memory_space<vmem>>, vector<1x16xf32>,
        %get3A_309 = vector.shape_cast %get3A_308 : vector<1x16xf32> to vector<16xf32>
        %mul3A_310 = arith.constant 3.1622777 : f32
        %mul3A_311 = vector.broadcast %mul3A_310 : f32 to vector<16xf32>
        %mul3A_312 = arith.mulf %get3A_309, %mul3A_311 : vector<16xf32>
        %add3A_313 = arith.constant 0 : i32
        %add3A_314 = arith.addi %mul3A_289, %add3A_313 : i32
        %swap3A_315 = arith.index_cast %add3A_314 : i32 to index
        %swap3A_316 = arith.constant 16 : index
        %swap3A_317 = tpu.vector_load %arg6[%swap3A_315, %swap3A_316] {strides = array<i32>} : memref<128x64xf32, #tpu.memory_space<vmem>>, vector<1x16xf32>,
        %swap3A_318 = vector.shape_cast %swap3A_317 : vector<1x16xf32> to vector<16xf32>
        %swap3A_319 = vector.shape_cast %mul3A_312 : vector<16xf32> to vector<1x16xf32>
        tpu.vector_store %arg6[%swap3A_315, %swap3A_316], %swap3A_319 {strides = array<i32>} : memref<128x64xf32, #tpu.memory_space<vmem>>, vector<1x16xf32>,
        %add3A_320 = arith.constant 0 : i32
        %add3A_321 = arith.addi %mul3A_289, %add3A_320 : i32
        %get3A_322 = arith.index_cast %add3A_321 : i32 to index
        %get3A_323 = arith.constant 32 : index
        %get3A_324 = tpu.vector_load %arg6[%get3A_322, %get3A_323] {strides = array<i32>} : memref<128x64xf32, #tpu.memory_space<vmem>>, vector<1x16xf32>,
        %get3A_325 = vector.shape_cast %get3A_324 : vector<1x16xf32> to vector<16xf32>
        %mul3A_326 = arith.constant 3.1622777 : f32
        %mul3A_327 = vector.broadcast %mul3A_326 : f32 to vector<16xf32>
        %mul3A_328 = arith.mulf %get3A_325, %mul3A_327 : vector<16xf32>
        %add3A_329 = arith.constant 0 : i32
        %add3A_330 = arith.addi %mul3A_289, %add3A_329 : i32
        %swap3A_331 = arith.index_cast %add3A_330 : i32 to index
        %swap3A_332 = arith.constant 32 : index
        %swap3A_333 = tpu.vector_load %arg6[%swap3A_331, %swap3A_332] {strides = array<i32>} : memref<128x64xf32, #tpu.memory_space<vmem>>, vector<1x16xf32>,
        %swap3A_334 = vector.shape_cast %swap3A_333 : vector<1x16xf32> to vector<16xf32>
        %swap3A_335 = vector.shape_cast %mul3A_328 : vector<16xf32> to vector<1x16xf32>
        tpu.vector_store %arg6[%swap3A_331, %swap3A_332], %swap3A_335 {strides = array<i32>} : memref<128x64xf32, #tpu.memory_space<vmem>>, vector<1x16xf32>,
        %add3A_336 = arith.constant 0 : i32
        %add3A_337 = arith.addi %mul3A_289, %add3A_336 : i32
        %get3A_338 = arith.index_cast %add3A_337 : i32 to index
        %get3A_339 = arith.constant 48 : index
        %get3A_340 = tpu.vector_load %arg6[%get3A_338, %get3A_339] {strides = array<i32>} : memref<128x64xf32, #tpu.memory_space<vmem>>, vector<1x16xf32>,
        %get3A_341 = vector.shape_cast %get3A_340 : vector<1x16xf32> to vector<16xf32>
        %mul3A_342 = arith.constant 3.1622777 : f32
        %mul3A_343 = vector.broadcast %mul3A_342 : f32 to vector<16xf32>
        %mul3A_344 = arith.mulf %get3A_341, %mul3A_343 : vector<16xf32>
        %add3A_345 = arith.constant 0 : i32
        %add3A_346 = arith.addi %mul3A_289, %add3A_345 : i32
        %swap3A_347 = arith.index_cast %add3A_346 : i32 to index
        %swap3A_348 = arith.constant 48 : index
        %swap3A_349 = tpu.vector_load %arg6[%swap3A_347, %swap3A_348] {strides = array<i32>} : memref<128x64xf32, #tpu.memory_space<vmem>>, vector<1x16xf32>,
        %swap3A_350 = vector.shape_cast %swap3A_349 : vector<1x16xf32> to vector<16xf32>
        %swap3A_351 = vector.shape_cast %mul3A_344 : vector<16xf32> to vector<1x16xf32>
        tpu.vector_store %arg6[%swap3A_347, %swap3A_348], %swap3A_351 {strides = array<i32>} : memref<128x64xf32, #tpu.memory_space<vmem>>, vector<1x16xf32>,
        %add3A_352 = arith.constant 1 : i32
        %add3A_353 = arith.addi %mul3A_289, %add3A_352 : i32
        %get3A_354 = arith.index_cast %add3A_353 : i32 to index
        %get3A_355 = arith.constant 0 : index
        %get3A_356 = tpu.vector_load %arg6[%get3A_354, %get3A_355] {strides = array<i32>} : memref<128x64xf32, #tpu.memory_space<vmem>>, vector<1x16xf32>,
        %get3A_357 = vector.shape_cast %get3A_356 : vector<1x16xf32> to vector<16xf32>
        %mul3A_358 = arith.constant 3.1622777 : f32
        %mul3A_359 = vector.broadcast %mul3A_358 : f32 to vector<16xf32>
        %mul3A_360 = arith.mulf %get3A_357, %mul3A_359 : vector<16xf32>
        %add3A_361 = arith.constant 1 : i32
        %add3A_362 = arith.addi %mul3A_289, %add3A_361 : i32
        %swap3A_363 = arith.index_cast %add3A_362 : i32 to index
        %swap3A_364 = arith.constant 0 : index
        %swap3A_365 = tpu.vector_load %arg6[%swap3A_363, %swap3A_364] {strides = array<i32>} : memref<128x64xf32, #tpu.memory_space<vmem>>, vector<1x16xf32>,
        %swap3A_366 = vector.shape_cast %swap3A_365 : vector<1x16xf32> to vector<16xf32>
        %swap3A_367 = vector.shape_cast %mul3A_360 : vector<16xf32> to vector<1x16xf32>
        tpu.vector_store %arg6[%swap3A_363, %swap3A_364], %swap3A_367 {strides = array<i32>} : memref<128x64xf32, #tpu.memory_space<vmem>>, vector<1x16xf32>,
        %add3A_368 = arith.constant 1 : i32
        %add3A_369 = arith.addi %mul3A_289, %add3A_368 : i32
        %get3A_370 = arith.index_cast %add3A_369 : i32 to index
        %get3A_371 = arith.constant 16 : index
        %get3A_372 = tpu.vector_load %arg6[%get3A_370, %get3A_371] {strides = array<i32>} : memref<128x64xf32, #tpu.memory_space<vmem>>, vector<1x16xf32>,
        %get3A_373 = vector.shape_cast %get3A_372 : vector<1x16xf32> to vector<16xf32>
        %mul3A_374 = arith.constant 3.1622777 : f32
        %mul3A_375 = vector.broadcast %mul3A_374 : f32 to vector<16xf32>
        %mul3A_376 = arith.mulf %get3A_373, %mul3A_375 : vector<16xf32>
        %add3A_377 = arith.constant 1 : i32
        %add3A_378 = arith.addi %mul3A_289, %add3A_377 : i32
        %swap3A_379 = arith.index_cast %add3A_378 : i32 to index
        %swap3A_380 = arith.constant 16 : index
        %swap3A_381 = tpu.vector_load %arg6[%swap3A_379, %swap3A_380] {strides = array<i32>} : memref<128x64xf32, #tpu.memory_space<vmem>>, vector<1x16xf32>,
        %swap3A_382 = vector.shape_cast %swap3A_381 : vector<1x16xf32> to vector<16xf32>
        %swap3A_383 = vector.shape_cast %mul3A_376 : vector<16xf32> to vector<1x16xf32>
        tpu.vector_store %arg6[%swap3A_379, %swap3A_380], %swap3A_383 {strides = array<i32>} : memref<128x64xf32, #tpu.memory_space<vmem>>, vector<1x16xf32>,
        %add3A_384 = arith.constant 1 : i32
        %add3A_385 = arith.addi %mul3A_289, %add3A_384 : i32
        %get3A_386 = arith.index_cast %add3A_385 : i32 to index
        %get3A_387 = arith.constant 32 : index
        %get3A_388 = tpu.vector_load %arg6[%get3A_386, %get3A_387] {strides = array<i32>} : memref<128x64xf32, #tpu.memory_space<vmem>>, vector<1x16xf32>,
        %get3A_389 = vector.shape_cast %get3A_388 : vector<1x16xf32> to vector<16xf32>
        %mul3A_390 = arith.constant 3.1622777 : f32
        %mul3A_391 = vector.broadcast %mul3A_390 : f32 to vector<16xf32>
        %mul3A_392 = arith.mulf %get3A_389, %mul3A_391 : vector<16xf32>
        %add3A_393 = arith.constant 1 : i32
        %add3A_394 = arith.addi %mul3A_289, %add3A_393 : i32
        %swap3A_395 = arith.index_cast %add3A_394 : i32 to index
        %swap3A_396 = arith.constant 32 : index
        %swap3A_397 = tpu.vector_load %arg6[%swap3A_395, %swap3A_396] {strides = array<i32>} : memref<128x64xf32, #tpu.memory_space<vmem>>, vector<1x16xf32>,
        %swap3A_398 = vector.shape_cast %swap3A_397 : vector<1x16xf32> to vector<16xf32>
        %swap3A_399 = vector.shape_cast %mul3A_392 : vector<16xf32> to vector<1x16xf32>
        tpu.vector_store %arg6[%swap3A_395, %swap3A_396], %swap3A_399 {strides = array<i32>} : memref<128x64xf32, #tpu.memory_space<vmem>>, vector<1x16xf32>,
        %add3A_400 = arith.constant 1 : i32
        %add3A_401 = arith.addi %mul3A_289, %add3A_400 : i32
        %get3A_402 = arith.index_cast %add3A_401 : i32 to index
        %get3A_403 = arith.constant 48 : index
        %get3A_404 = tpu.vector_load %arg6[%get3A_402, %get3A_403] {strides = array<i32>} : memref<128x64xf32, #tpu.memory_space<vmem>>, vector<1x16xf32>,
        %get3A_405 = vector.shape_cast %get3A_404 : vector<1x16xf32> to vector<16xf32>
        %mul3A_406 = arith.constant 3.1622777 : f32
        %mul3A_407 = vector.broadcast %mul3A_406 : f32 to vector<16xf32>
        %mul3A_408 = arith.mulf %get3A_405, %mul3A_407 : vector<16xf32>
        %add3A_409 = arith.constant 1 : i32
        %add3A_410 = arith.addi %mul3A_289, %add3A_409 : i32
        %swap3A_411 = arith.index_cast %add3A_410 : i32 to index
        %swap3A_412 = arith.constant 48 : index
        %swap3A_413 = tpu.vector_load %arg6[%swap3A_411, %swap3A_412] {strides = array<i32>} : memref<128x64xf32, #tpu.memory_space<vmem>>, vector<1x16xf32>,
        %swap3A_414 = vector.shape_cast %swap3A_413 : vector<1x16xf32> to vector<16xf32>
        %swap3A_415 = vector.shape_cast %mul3A_408 : vector<16xf32> to vector<1x16xf32>
        tpu.vector_store %arg6[%swap3A_411, %swap3A_412], %swap3A_415 {strides = array<i32>} : memref<128x64xf32, #tpu.memory_space<vmem>>, vector<1x16xf32>,
        %add3A_416 = arith.constant 2 : i32
        %add3A_417 = arith.addi %mul3A_289, %add3A_416 : i32
        %get3A_418 = arith.index_cast %add3A_417 : i32 to index
        %get3A_419 = arith.constant 0 : index
        %get3A_420 = tpu.vector_load %arg6[%get3A_418, %get3A_419] {strides = array<i32>} : memref<128x64xf32, #tpu.memory_space<vmem>>, vector<1x16xf32>,
        %get3A_421 = vector.shape_cast %get3A_420 : vector<1x16xf32> to vector<16xf32>
        %mul3A_422 = arith.constant 3.1622777 : f32
        %mul3A_423 = vector.broadcast %mul3A_422 : f32 to vector<16xf32>
        %mul3A_424 = arith.mulf %get3A_421, %mul3A_423 : vector<16xf32>
        %add3A_425 = arith.constant 2 : i32
        %add3A_426 = arith.addi %mul3A_289, %add3A_425 : i32
        %swap3A_427 = arith.index_cast %add3A_426 : i32 to index
        %swap3A_428 = arith.constant 0 : index
        %swap3A_429 = tpu.vector_load %arg6[%swap3A_427, %swap3A_428] {strides = array<i32>} : memref<128x64xf32, #tpu.memory_space<vmem>>, vector<1x16xf32>,
        %swap3A_430 = vector.shape_cast %swap3A_429 : vector<1x16xf32> to vector<16xf32>
        %swap3A_431 = vector.shape_cast %mul3A_424 : vector<16xf32> to vector<1x16xf32>
        tpu.vector_store %arg6[%swap3A_427, %swap3A_428], %swap3A_431 {strides = array<i32>} : memref<128x64xf32, #tpu.memory_space<vmem>>, vector<1x16xf32>,
        %add3A_432 = arith.constant 2 : i32
        %add3A_433 = arith.addi %mul3A_289, %add3A_432 : i32
        %get3A_434 = arith.index_cast %add3A_433 : i32 to index
        %get3A_435 = arith.constant 16 : index
        %get3A_436 = tpu.vector_load %arg6[%get3A_434, %get3A_435] {strides = array<i32>} : memref<128x64xf32, #tpu.memory_space<vmem>>, vector<1x16xf32>,
        %get3A_437 = vector.shape_cast %get3A_436 : vector<1x16xf32> to vector<16xf32>
        %mul3A_438 = arith.constant 3.1622777 : f32
        %mul3A_439 = vector.broadcast %mul3A_438 : f32 to vector<16xf32>
        %mul3A_440 = arith.mulf %get3A_437, %mul3A_439 : vector<16xf32>
        %add3A_441 = arith.constant 2 : i32
        %add3A_442 = arith.addi %mul3A_289, %add3A_441 : i32
        %swap3A_443 = arith.index_cast %add3A_442 : i32 to index
        %swap3A_444 = arith.constant 16 : index
        %swap3A_445 = tpu.vector_load %arg6[%swap3A_443, %swap3A_444] {strides = array<i32>} : memref<128x64xf32, #tpu.memory_space<vmem>>, vector<1x16xf32>,
        %swap3A_446 = vector.shape_cast %swap3A_445 : vector<1x16xf32> to vector<16xf32>
        %swap3A_447 = vector.shape_cast %mul3A_440 : vector<16xf32> to vector<1x16xf32>
        tpu.vector_store %arg6[%swap3A_443, %swap3A_444], %swap3A_447 {strides = array<i32>} : memref<128x64xf32, #tpu.memory_space<vmem>>, vector<1x16xf32>,
        %add3A_448 = arith.constant 2 : i32
        %add3A_449 = arith.addi %mul3A_289, %add3A_448 : i32
        %get3A_450 = arith.index_cast %add3A_449 : i32 to index
        %get3A_451 = arith.constant 32 : index
        %get3A_452 = tpu.vector_load %arg6[%get3A_450, %get3A_451] {strides = array<i32>} : memref<128x64xf32, #tpu.memory_space<vmem>>, vector<1x16xf32>,
        %get3A_453 = vector.shape_cast %get3A_452 : vector<1x16xf32> to vector<16xf32>
        %mul3A_454 = arith.constant 3.1622777 : f32
        %mul3A_455 = vector.broadcast %mul3A_454 : f32 to vector<16xf32>
        %mul3A_456 = arith.mulf %get3A_453, %mul3A_455 : vector<16xf32>
        %add3A_457 = arith.constant 2 : i32
        %add3A_458 = arith.addi %mul3A_289, %add3A_457 : i32
        %swap3A_459 = arith.index_cast %add3A_458 : i32 to index
        %swap3A_460 = arith.constant 32 : index
        %swap3A_461 = tpu.vector_load %arg6[%swap3A_459, %swap3A_460] {strides = array<i32>} : memref<128x64xf32, #tpu.memory_space<vmem>>, vector<1x16xf32>,
        %swap3A_462 = vector.shape_cast %swap3A_461 : vector<1x16xf32> to vector<16xf32>
        %swap3A_463 = vector.shape_cast %mul3A_456 : vector<16xf32> to vector<1x16xf32>
        tpu.vector_store %arg6[%swap3A_459, %swap3A_460], %swap3A_463 {strides = array<i32>} : memref<128x64xf32, #tpu.memory_space<vmem>>, vector<1x16xf32>,
        %add3A_464 = arith.constant 2 : i32
        %add3A_465 = arith.addi %mul3A_289, %add3A_464 : i32
        %get3A_466 = arith.index_cast %add3A_465 : i32 to index
        %get3A_467 = arith.constant 48 : index
        %get3A_468 = tpu.vector_load %arg6[%get3A_466, %get3A_467] {strides = array<i32>} : memref<128x64xf32, #tpu.memory_space<vmem>>, vector<1x16xf32>,
        %get3A_469 = vector.shape_cast %get3A_468 : vector<1x16xf32> to vector<16xf32>
        %mul3A_470 = arith.constant 3.1622777 : f32
        %mul3A_471 = vector.broadcast %mul3A_470 : f32 to vector<16xf32>
        %mul3A_472 = arith.mulf %get3A_469, %mul3A_471 : vector<16xf32>
        %add3A_473 = arith.constant 2 : i32
        %add3A_474 = arith.addi %mul3A_289, %add3A_473 : i32
        %swap3A_475 = arith.index_cast %add3A_474 : i32 to index
        %swap3A_476 = arith.constant 48 : index
        %swap3A_477 = tpu.vector_load %arg6[%swap3A_475, %swap3A_476] {strides = array<i32>} : memref<128x64xf32, #tpu.memory_space<vmem>>, vector<1x16xf32>,
        %swap3A_478 = vector.shape_cast %swap3A_477 : vector<1x16xf32> to vector<16xf32>
        %swap3A_479 = vector.shape_cast %mul3A_472 : vector<16xf32> to vector<1x16xf32>
        tpu.vector_store %arg6[%swap3A_475, %swap3A_476], %swap3A_479 {strides = array<i32>} : memref<128x64xf32, #tpu.memory_space<vmem>>, vector<1x16xf32>,
        %add3A_480 = arith.constant 3 : i32
        %add3A_481 = arith.addi %mul3A_289, %add3A_480 : i32
        %get3A_482 = arith.index_cast %add3A_481 : i32 to index
        %get3A_483 = arith.constant 0 : index
        %get3A_484 = tpu.vector_load %arg6[%get3A_482, %get3A_483] {strides = array<i32>} : memref<128x64xf32, #tpu.memory_space<vmem>>, vector<1x16xf32>,
        %get3A_485 = vector.shape_cast %get3A_484 : vector<1x16xf32> to vector<16xf32>
        %mul3A_486 = arith.constant 3.1622777 : f32
        %mul3A_487 = vector.broadcast %mul3A_486 : f32 to vector<16xf32>
        %mul3A_488 = arith.mulf %get3A_485, %mul3A_487 : vector<16xf32>
        %add3A_489 = arith.constant 3 : i32
        %add3A_490 = arith.addi %mul3A_289, %add3A_489 : i32
        %swap3A_491 = arith.index_cast %add3A_490 : i32 to index
        %swap3A_492 = arith.constant 0 : index
        %swap3A_493 = tpu.vector_load %arg6[%swap3A_491, %swap3A_492] {strides = array<i32>} : memref<128x64xf32, #tpu.memory_space<vmem>>, vector<1x16xf32>,
        %swap3A_494 = vector.shape_cast %swap3A_493 : vector<1x16xf32> to vector<16xf32>
        %swap3A_495 = vector.shape_cast %mul3A_488 : vector<16xf32> to vector<1x16xf32>
        tpu.vector_store %arg6[%swap3A_491, %swap3A_492], %swap3A_495 {strides = array<i32>} : memref<128x64xf32, #tpu.memory_space<vmem>>, vector<1x16xf32>,
        %add3A_496 = arith.constant 3 : i32
        %add3A_497 = arith.addi %mul3A_289, %add3A_496 : i32
        %get3A_498 = arith.index_cast %add3A_497 : i32 to index
        %get3A_499 = arith.constant 16 : index
        %get3A_500 = tpu.vector_load %arg6[%get3A_498, %get3A_499] {strides = array<i32>} : memref<128x64xf32, #tpu.memory_space<vmem>>, vector<1x16xf32>,
        %get3A_501 = vector.shape_cast %get3A_500 : vector<1x16xf32> to vector<16xf32>
        %mul3A_502 = arith.constant 3.1622777 : f32
        %mul3A_503 = vector.broadcast %mul3A_502 : f32 to vector<16xf32>
        %mul3A_504 = arith.mulf %get3A_501, %mul3A_503 : vector<16xf32>
        %add3A_505 = arith.constant 3 : i32
        %add3A_506 = arith.addi %mul3A_289, %add3A_505 : i32
        %swap3A_507 = arith.index_cast %add3A_506 : i32 to index
        %swap3A_508 = arith.constant 16 : index
        %swap3A_509 = tpu.vector_load %arg6[%swap3A_507, %swap3A_508] {strides = array<i32>} : memref<128x64xf32, #tpu.memory_space<vmem>>, vector<1x16xf32>,
        %swap3A_510 = vector.shape_cast %swap3A_509 : vector<1x16xf32> to vector<16xf32>
        %swap3A_511 = vector.shape_cast %mul3A_504 : vector<16xf32> to vector<1x16xf32>
        tpu.vector_store %arg6[%swap3A_507, %swap3A_508], %swap3A_511 {strides = array<i32>} : memref<128x64xf32, #tpu.memory_space<vmem>>, vector<1x16xf32>,
        %add3A_512 = arith.constant 3 : i32
        %add3A_513 = arith.addi %mul3A_289, %add3A_512 : i32
        %get3A_514 = arith.index_cast %add3A_513 : i32 to index
        %get3A_515 = arith.constant 32 : index
        %get3A_516 = tpu.vector_load %arg6[%get3A_514, %get3A_515] {strides = array<i32>} : memref<128x64xf32, #tpu.memory_space<vmem>>, vector<1x16xf32>,
        %get3A_517 = vector.shape_cast %get3A_516 : vector<1x16xf32> to vector<16xf32>
        %mul3A_518 = arith.constant 3.1622777 : f32
        %mul3A_519 = vector.broadcast %mul3A_518 : f32 to vector<16xf32>
        %mul3A_520 = arith.mulf %get3A_517, %mul3A_519 : vector<16xf32>
        %add3A_521 = arith.constant 3 : i32
        %add3A_522 = arith.addi %mul3A_289, %add3A_521 : i32
        %swap3A_523 = arith.index_cast %add3A_522 : i32 to index
        %swap3A_524 = arith.constant 32 : index
        %swap3A_525 = tpu.vector_load %arg6[%swap3A_523, %swap3A_524] {strides = array<i32>} : memref<128x64xf32, #tpu.memory_space<vmem>>, vector<1x16xf32>,
        %swap3A_526 = vector.shape_cast %swap3A_525 : vector<1x16xf32> to vector<16xf32>
        %swap3A_527 = vector.shape_cast %mul3A_520 : vector<16xf32> to vector<1x16xf32>
        tpu.vector_store %arg6[%swap3A_523, %swap3A_524], %swap3A_527 {strides = array<i32>} : memref<128x64xf32, #tpu.memory_space<vmem>>, vector<1x16xf32>,
        %add3A_528 = arith.constant 3 : i32
        %add3A_529 = arith.addi %mul3A_289, %add3A_528 : i32
        %get3A_530 = arith.index_cast %add3A_529 : i32 to index
        %get3A_531 = arith.constant 48 : index
        %get3A_532 = tpu.vector_load %arg6[%get3A_530, %get3A_531] {strides = array<i32>} : memref<128x64xf32, #tpu.memory_space<vmem>>, vector<1x16xf32>,
        %get3A_533 = vector.shape_cast %get3A_532 : vector<1x16xf32> to vector<16xf32>
        %mul3A_534 = arith.constant 3.1622777 : f32
        %mul3A_535 = vector.broadcast %mul3A_534 : f32 to vector<16xf32>
        %mul3A_536 = arith.mulf %get3A_533, %mul3A_535 : vector<16xf32>
        %add3A_537 = arith.constant 3 : i32
        %add3A_538 = arith.addi %mul3A_289, %add3A_537 : i32
        %swap3A_539 = arith.index_cast %add3A_538 : i32 to index
        %swap3A_540 = arith.constant 48 : index
        %swap3A_541 = tpu.vector_load %arg6[%swap3A_539, %swap3A_540] {strides = array<i32>} : memref<128x64xf32, #tpu.memory_space<vmem>>, vector<1x16xf32>,
        %swap3A_542 = vector.shape_cast %swap3A_541 : vector<1x16xf32> to vector<16xf32>
        %swap3A_543 = vector.shape_cast %mul3A_536 : vector<16xf32> to vector<1x16xf32>
        tpu.vector_store %arg6[%swap3A_539, %swap3A_540], %swap3A_543 {strides = array<i32>} : memref<128x64xf32, #tpu.memory_space<vmem>>, vector<1x16xf32>,
        %add3A_544 = arith.constant 4 : i32
        %add3A_545 = arith.addi %mul3A_289, %add3A_544 : i32
        %get3A_546 = arith.index_cast %add3A_545 : i32 to index
        %get3A_547 = arith.constant 0 : index
        %get3A_548 = tpu.vector_load %arg6[%get3A_546, %get3A_547] {strides = array<i32>} : memref<128x64xf32, #tpu.memory_space<vmem>>, vector<1x16xf32>,
        %get3A_549 = vector.shape_cast %get3A_548 : vector<1x16xf32> to vector<16xf32>
        %mul3A_550 = arith.constant 3.1622777 : f32
        %mul3A_551 = vector.broadcast %mul3A_550 : f32 to vector<16xf32>
        %mul3A_552 = arith.mulf %get3A_549, %mul3A_551 : vector<16xf32>
        %add3A_553 = arith.constant 4 : i32
        %add3A_554 = arith.addi %mul3A_289, %add3A_553 : i32
        %swap3A_555 = arith.index_cast %add3A_554 : i32 to index
        %swap3A_556 = arith.constant 0 : index
        %swap3A_557 = tpu.vector_load %arg6[%swap3A_555, %swap3A_556] {strides = array<i32>} : memref<128x64xf32, #tpu.memory_space<vmem>>, vector<1x16xf32>,
        %swap3A_558 = vector.shape_cast %swap3A_557 : vector<1x16xf32> to vector<16xf32>
        %swap3A_559 = vector.shape_cast %mul3A_552 : vector<16xf32> to vector<1x16xf32>
        tpu.vector_store %arg6[%swap3A_555, %swap3A_556], %swap3A_559 {strides = array<i32>} : memref<128x64xf32, #tpu.memory_space<vmem>>, vector<1x16xf32>,
        %add3A_560 = arith.constant 4 : i32
        %add3A_561 = arith.addi %mul3A_289, %add3A_560 : i32
        %get3A_562 = arith.index_cast %add3A_561 : i32 to index
        %get3A_563 = arith.constant 16 : index
        %get3A_564 = tpu.vector_load %arg6[%get3A_562, %get3A_563] {strides = array<i32>} : memref<128x64xf32, #tpu.memory_space<vmem>>, vector<1x16xf32>,
        %get3A_565 = vector.shape_cast %get3A_564 : vector<1x16xf32> to vector<16xf32>
        %mul3A_566 = arith.constant 3.1622777 : f32
        %mul3A_567 = vector.broadcast %mul3A_566 : f32 to vector<16xf32>
        %mul3A_568 = arith.mulf %get3A_565, %mul3A_567 : vector<16xf32>
        %add3A_569 = arith.constant 4 : i32
        %add3A_570 = arith.addi %mul3A_289, %add3A_569 : i32
        %swap3A_571 = arith.index_cast %add3A_570 : i32 to index
        %swap3A_572 = arith.constant 16 : index
        %swap3A_573 = tpu.vector_load %arg6[%swap3A_571, %swap3A_572] {strides = array<i32>} : memref<128x64xf32, #tpu.memory_space<vmem>>, vector<1x16xf32>,
        %swap3A_574 = vector.shape_cast %swap3A_573 : vector<1x16xf32> to vector<16xf32>
        %swap3A_575 = vector.shape_cast %mul3A_568 : vector<16xf32> to vector<1x16xf32>
        tpu.vector_store %arg6[%swap3A_571, %swap3A_572], %swap3A_575 {strides = array<i32>} : memref<128x64xf32, #tpu.memory_space<vmem>>, vector<1x16xf32>,
        %add3A_576 = arith.constant 4 : i32
        %add3A_577 = arith.addi %mul3A_289, %add3A_576 : i32
        %get3A_578 = arith.index_cast %add3A_577 : i32 to index
        %get3A_579 = arith.constant 32 : index
        %get3A_580 = tpu.vector_load %arg6[%get3A_578, %get3A_579] {strides = array<i32>} : memref<128x64xf32, #tpu.memory_space<vmem>>, vector<1x16xf32>,
        %get3A_581 = vector.shape_cast %get3A_580 : vector<1x16xf32> to vector<16xf32>
        %mul3A_582 = arith.constant 3.1622777 : f32
        %mul3A_583 = vector.broadcast %mul3A_582 : f32 to vector<16xf32>
        %mul3A_584 = arith.mulf %get3A_581, %mul3A_583 : vector<16xf32>
        %add3A_585 = arith.constant 4 : i32
        %add3A_586 = arith.addi %mul3A_289, %add3A_585 : i32
        %swap3A_587 = arith.index_cast %add3A_586 : i32 to index
        %swap3A_588 = arith.constant 32 : index
        %swap3A_589 = tpu.vector_load %arg6[%swap3A_587, %swap3A_588] {strides = array<i32>} : memref<128x64xf32, #tpu.memory_space<vmem>>, vector<1x16xf32>,
        %swap3A_590 = vector.shape_cast %swap3A_589 : vector<1x16xf32> to vector<16xf32>
        %swap3A_591 = vector.shape_cast %mul3A_584 : vector<16xf32> to vector<1x16xf32>
        tpu.vector_store %arg6[%swap3A_587, %swap3A_588], %swap3A_591 {strides = array<i32>} : memref<128x64xf32, #tpu.memory_space<vmem>>, vector<1x16xf32>,
        %add3A_592 = arith.constant 4 : i32
        %add3A_593 = arith.addi %mul3A_289, %add3A_592 : i32
        %get3A_594 = arith.index_cast %add3A_593 : i32 to index
        %get3A_595 = arith.constant 48 : index
        %get3A_596 = tpu.vector_load %arg6[%get3A_594, %get3A_595] {strides = array<i32>} : memref<128x64xf32, #tpu.memory_space<vmem>>, vector<1x16xf32>,
        %get3A_597 = vector.shape_cast %get3A_596 : vector<1x16xf32> to vector<16xf32>
        %mul3A_598 = arith.constant 3.1622777 : f32
        %mul3A_599 = vector.broadcast %mul3A_598 : f32 to vector<16xf32>
        %mul3A_600 = arith.mulf %get3A_597, %mul3A_599 : vector<16xf32>
        %add3A_601 = arith.constant 4 : i32
        %add3A_602 = arith.addi %mul3A_289, %add3A_601 : i32
        %swap3A_603 = arith.index_cast %add3A_602 : i32 to index
        %swap3A_604 = arith.constant 48 : index
        %swap3A_605 = tpu.vector_load %arg6[%swap3A_603, %swap3A_604] {strides = array<i32>} : memref<128x64xf32, #tpu.memory_space<vmem>>, vector<1x16xf32>,
        %swap3A_606 = vector.shape_cast %swap3A_605 : vector<1x16xf32> to vector<16xf32>
        %swap3A_607 = vector.shape_cast %mul3A_600 : vector<16xf32> to vector<1x16xf32>
        tpu.vector_store %arg6[%swap3A_603, %swap3A_604], %swap3A_607 {strides = array<i32>} : memref<128x64xf32, #tpu.memory_space<vmem>>, vector<1x16xf32>,
        %add3A_608 = arith.constant 5 : i32
        %add3A_609 = arith.addi %mul3A_289, %add3A_608 : i32
        %get3A_610 = arith.index_cast %add3A_609 : i32 to index
        %get3A_611 = arith.constant 0 : index
        %get3A_612 = tpu.vector_load %arg6[%get3A_610, %get3A_611] {strides = array<i32>} : memref<128x64xf32, #tpu.memory_space<vmem>>, vector<1x16xf32>,
        %get3A_613 = vector.shape_cast %get3A_612 : vector<1x16xf32> to vector<16xf32>
        %mul3A_614 = arith.constant 3.1622777 : f32
        %mul3A_615 = vector.broadcast %mul3A_614 : f32 to vector<16xf32>
        %mul3A_616 = arith.mulf %get3A_613, %mul3A_615 : vector<16xf32>
        %add3A_617 = arith.constant 5 : i32
        %add3A_618 = arith.addi %mul3A_289, %add3A_617 : i32
        %swap3A_619 = arith.index_cast %add3A_618 : i32 to index
        %swap3A_620 = arith.constant 0 : index
        %swap3A_621 = tpu.vector_load %arg6[%swap3A_619, %swap3A_620] {strides = array<i32>} : memref<128x64xf32, #tpu.memory_space<vmem>>, vector<1x16xf32>,
        %swap3A_622 = vector.shape_cast %swap3A_621 : vector<1x16xf32> to vector<16xf32>
        %swap3A_623 = vector.shape_cast %mul3A_616 : vector<16xf32> to vector<1x16xf32>
        tpu.vector_store %arg6[%swap3A_619, %swap3A_620], %swap3A_623 {strides = array<i32>} : memref<128x64xf32, #tpu.memory_space<vmem>>, vector<1x16xf32>,
        %add3A_624 = arith.constant 5 : i32
        %add3A_625 = arith.addi %mul3A_289, %add3A_624 : i32
        %get3A_626 = arith.index_cast %add3A_625 : i32 to index
        %get3A_627 = arith.constant 16 : index
        %get3A_628 = tpu.vector_load %arg6[%get3A_626, %get3A_627] {strides = array<i32>} : memref<128x64xf32, #tpu.memory_space<vmem>>, vector<1x16xf32>,
        %get3A_629 = vector.shape_cast %get3A_628 : vector<1x16xf32> to vector<16xf32>
        %mul3A_630 = arith.constant 3.1622777 : f32
        %mul3A_631 = vector.broadcast %mul3A_630 : f32 to vector<16xf32>
        %mul3A_632 = arith.mulf %get3A_629, %mul3A_631 : vector<16xf32>
        %add3A_633 = arith.constant 5 : i32
        %add3A_634 = arith.addi %mul3A_289, %add3A_633 : i32
        %swap3A_635 = arith.index_cast %add3A_634 : i32 to index
        %swap3A_636 = arith.constant 16 : index
        %swap3A_637 = tpu.vector_load %arg6[%swap3A_635, %swap3A_636] {strides = array<i32>} : memref<128x64xf32, #tpu.memory_space<vmem>>, vector<1x16xf32>,
        %swap3A_638 = vector.shape_cast %swap3A_637 : vector<1x16xf32> to vector<16xf32>
        %swap3A_639 = vector.shape_cast %mul3A_632 : vector<16xf32> to vector<1x16xf32>
        tpu.vector_store %arg6[%swap3A_635, %swap3A_636], %swap3A_639 {strides = array<i32>} : memref<128x64xf32, #tpu.memory_space<vmem>>, vector<1x16xf32>,
        %add3A_640 = arith.constant 5 : i32
        %add3A_641 = arith.addi %mul3A_289, %add3A_640 : i32
        %get3A_642 = arith.index_cast %add3A_641 : i32 to index
        %get3A_643 = arith.constant 32 : index
        %get3A_644 = tpu.vector_load %arg6[%get3A_642, %get3A_643] {strides = array<i32>} : memref<128x64xf32, #tpu.memory_space<vmem>>, vector<1x16xf32>,
        %get3A_645 = vector.shape_cast %get3A_644 : vector<1x16xf32> to vector<16xf32>
        %mul3A_646 = arith.constant 3.1622777 : f32
        %mul3A_647 = vector.broadcast %mul3A_646 : f32 to vector<16xf32>
        %mul3A_648 = arith.mulf %get3A_645, %mul3A_647 : vector<16xf32>
        %add3A_649 = arith.constant 5 : i32
        %add3A_650 = arith.addi %mul3A_289, %add3A_649 : i32
        %swap3A_651 = arith.index_cast %add3A_650 : i32 to index
        %swap3A_652 = arith.constant 32 : index
        %swap3A_653 = tpu.vector_load %arg6[%swap3A_651, %swap3A_652] {strides = array<i32>} : memref<128x64xf32, #tpu.memory_space<vmem>>, vector<1x16xf32>,
        %swap3A_654 = vector.shape_cast %swap3A_653 : vector<1x16xf32> to vector<16xf32>
        %swap3A_655 = vector.shape_cast %mul3A_648 : vector<16xf32> to vector<1x16xf32>
        tpu.vector_store %arg6[%swap3A_651, %swap3A_652], %swap3A_655 {strides = array<i32>} : memref<128x64xf32, #tpu.memory_space<vmem>>, vector<1x16xf32>,
        %add3A_656 = arith.constant 5 : i32
        %add3A_657 = arith.addi %mul3A_289, %add3A_656 : i32
        %get3A_658 = arith.index_cast %add3A_657 : i32 to index
        %get3A_659 = arith.constant 48 : index
        %get3A_660 = tpu.vector_load %arg6[%get3A_658, %get3A_659] {strides = array<i32>} : memref<128x64xf32, #tpu.memory_space<vmem>>, vector<1x16xf32>,
        %get3A_661 = vector.shape_cast %get3A_660 : vector<1x16xf32> to vector<16xf32>
        %mul3A_662 = arith.constant 3.1622777 : f32
        %mul3A_663 = vector.broadcast %mul3A_662 : f32 to vector<16xf32>
        %mul3A_664 = arith.mulf %get3A_661, %mul3A_663 : vector<16xf32>
        %add3A_665 = arith.constant 5 : i32
        %add3A_666 = arith.addi %mul3A_289, %add3A_665 : i32
        %swap3A_667 = arith.index_cast %add3A_666 : i32 to index
        %swap3A_668 = arith.constant 48 : index
        %swap3A_669 = tpu.vector_load %arg6[%swap3A_667, %swap3A_668] {strides = array<i32>} : memref<128x64xf32, #tpu.memory_space<vmem>>, vector<1x16xf32>,
        %swap3A_670 = vector.shape_cast %swap3A_669 : vector<1x16xf32> to vector<16xf32>
        %swap3A_671 = vector.shape_cast %mul3A_664 : vector<16xf32> to vector<1x16xf32>
        tpu.vector_store %arg6[%swap3A_667, %swap3A_668], %swap3A_671 {strides = array<i32>} : memref<128x64xf32, #tpu.memory_space<vmem>>, vector<1x16xf32>,
        %add3A_672 = arith.constant 6 : i32
        %add3A_673 = arith.addi %mul3A_289, %add3A_672 : i32
        %get3A_674 = arith.index_cast %add3A_673 : i32 to index
        %get3A_675 = arith.constant 0 : index
        %get3A_676 = tpu.vector_load %arg6[%get3A_674, %get3A_675] {strides = array<i32>} : memref<128x64xf32, #tpu.memory_space<vmem>>, vector<1x16xf32>,
        %get3A_677 = vector.shape_cast %get3A_676 : vector<1x16xf32> to vector<16xf32>
        %mul3A_678 = arith.constant 3.1622777 : f32
        %mul3A_679 = vector.broadcast %mul3A_678 : f32 to vector<16xf32>
        %mul3A_680 = arith.mulf %get3A_677, %mul3A_679 : vector<16xf32>
        %add3A_681 = arith.constant 6 : i32
        %add3A_682 = arith.addi %mul3A_289, %add3A_681 : i32
        %swap3A_683 = arith.index_cast %add3A_682 : i32 to index
        %swap3A_684 = arith.constant 0 : index
        %swap3A_685 = tpu.vector_load %arg6[%swap3A_683, %swap3A_684] {strides = array<i32>} : memref<128x64xf32, #tpu.memory_space<vmem>>, vector<1x16xf32>,
        %swap3A_686 = vector.shape_cast %swap3A_685 : vector<1x16xf32> to vector<16xf32>
        %swap3A_687 = vector.shape_cast %mul3A_680 : vector<16xf32> to vector<1x16xf32>
        tpu.vector_store %arg6[%swap3A_683, %swap3A_684], %swap3A_687 {strides = array<i32>} : memref<128x64xf32, #tpu.memory_space<vmem>>, vector<1x16xf32>,
        %add3A_688 = arith.constant 6 : i32
        %add3A_689 = arith.addi %mul3A_289, %add3A_688 : i32
        %get3A_690 = arith.index_cast %add3A_689 : i32 to index
        %get3A_691 = arith.constant 16 : index
        %get3A_692 = tpu.vector_load %arg6[%get3A_690, %get3A_691] {strides = array<i32>} : memref<128x64xf32, #tpu.memory_space<vmem>>, vector<1x16xf32>,
        %get3A_693 = vector.shape_cast %get3A_692 : vector<1x16xf32> to vector<16xf32>
        %mul3A_694 = arith.constant 3.1622777 : f32
        %mul3A_695 = vector.broadcast %mul3A_694 : f32 to vector<16xf32>
        %mul3A_696 = arith.mulf %get3A_693, %mul3A_695 : vector<16xf32>
        %add3A_697 = arith.constant 6 : i32
        %add3A_698 = arith.addi %mul3A_289, %add3A_697 : i32
        %swap3A_699 = arith.index_cast %add3A_698 : i32 to index
        %swap3A_700 = arith.constant 16 : index
        %swap3A_701 = tpu.vector_load %arg6[%swap3A_699, %swap3A_700] {strides = array<i32>} : memref<128x64xf32, #tpu.memory_space<vmem>>, vector<1x16xf32>,
        %swap3A_702 = vector.shape_cast %swap3A_701 : vector<1x16xf32> to vector<16xf32>
        %swap3A_703 = vector.shape_cast %mul3A_696 : vector<16xf32> to vector<1x16xf32>
        tpu.vector_store %arg6[%swap3A_699, %swap3A_700], %swap3A_703 {strides = array<i32>} : memref<128x64xf32, #tpu.memory_space<vmem>>, vector<1x16xf32>,
        %add3A_704 = arith.constant 6 : i32
        %add3A_705 = arith.addi %mul3A_289, %add3A_704 : i32
        %get3A_706 = arith.index_cast %add3A_705 : i32 to index
        %get3A_707 = arith.constant 32 : index
        %get3A_708 = tpu.vector_load %arg6[%get3A_706, %get3A_707] {strides = array<i32>} : memref<128x64xf32, #tpu.memory_space<vmem>>, vector<1x16xf32>,
        %get3A_709 = vector.shape_cast %get3A_708 : vector<1x16xf32> to vector<16xf32>
        %mul3A_710 = arith.constant 3.1622777 : f32
        %mul3A_711 = vector.broadcast %mul3A_710 : f32 to vector<16xf32>
        %mul3A_712 = arith.mulf %get3A_709, %mul3A_711 : vector<16xf32>
        %add3A_713 = arith.constant 6 : i32
        %add3A_714 = arith.addi %mul3A_289, %add3A_713 : i32
        %swap3A_715 = arith.index_cast %add3A_714 : i32 to index
        %swap3A_716 = arith.constant 32 : index
        %swap3A_717 = tpu.vector_load %arg6[%swap3A_715, %swap3A_716] {strides = array<i32>} : memref<128x64xf32, #tpu.memory_space<vmem>>, vector<1x16xf32>,
        %swap3A_718 = vector.shape_cast %swap3A_717 : vector<1x16xf32> to vector<16xf32>
        %swap3A_719 = vector.shape_cast %mul3A_712 : vector<16xf32> to vector<1x16xf32>
        tpu.vector_store %arg6[%swap3A_715, %swap3A_716], %swap3A_719 {strides = array<i32>} : memref<128x64xf32, #tpu.memory_space<vmem>>, vector<1x16xf32>,
        %add3A_720 = arith.constant 6 : i32
        %add3A_721 = arith.addi %mul3A_289, %add3A_720 : i32
        %get3A_722 = arith.index_cast %add3A_721 : i32 to index
        %get3A_723 = arith.constant 48 : index
        %get3A_724 = tpu.vector_load %arg6[%get3A_722, %get3A_723] {strides = array<i32>} : memref<128x64xf32, #tpu.memory_space<vmem>>, vector<1x16xf32>,
        %get3A_725 = vector.shape_cast %get3A_724 : vector<1x16xf32> to vector<16xf32>
        %mul3A_726 = arith.constant 3.1622777 : f32
        %mul3A_727 = vector.broadcast %mul3A_726 : f32 to vector<16xf32>
        %mul3A_728 = arith.mulf %get3A_725, %mul3A_727 : vector<16xf32>
        %add3A_729 = arith.constant 6 : i32
        %add3A_730 = arith.addi %mul3A_289, %add3A_729 : i32
        %swap3A_731 = arith.index_cast %add3A_730 : i32 to index
        %swap3A_732 = arith.constant 48 : index
        %swap3A_733 = tpu.vector_load %arg6[%swap3A_731, %swap3A_732] {strides = array<i32>} : memref<128x64xf32, #tpu.memory_space<vmem>>, vector<1x16xf32>,
        %swap3A_734 = vector.shape_cast %swap3A_733 : vector<1x16xf32> to vector<16xf32>
        %swap3A_735 = vector.shape_cast %mul3A_728 : vector<16xf32> to vector<1x16xf32>
        tpu.vector_store %arg6[%swap3A_731, %swap3A_732], %swap3A_735 {strides = array<i32>} : memref<128x64xf32, #tpu.memory_space<vmem>>, vector<1x16xf32>,
        %add3A_736 = arith.constant 7 : i32
        %add3A_737 = arith.addi %mul3A_289, %add3A_736 : i32
        %get3A_738 = arith.index_cast %add3A_737 : i32 to index
        %get3A_739 = arith.constant 0 : index
        %get3A_740 = tpu.vector_load %arg6[%get3A_738, %get3A_739] {strides = array<i32>} : memref<128x64xf32, #tpu.memory_space<vmem>>, vector<1x16xf32>,
        %get3A_741 = vector.shape_cast %get3A_740 : vector<1x16xf32> to vector<16xf32>
        %mul3A_742 = arith.constant 3.1622777 : f32
        %mul3A_743 = vector.broadcast %mul3A_742 : f32 to vector<16xf32>
        %mul3A_744 = arith.mulf %get3A_741, %mul3A_743 : vector<16xf32>
        %add3A_745 = arith.constant 7 : i32
        %add3A_746 = arith.addi %mul3A_289, %add3A_745 : i32
        %swap3A_747 = arith.index_cast %add3A_746 : i32 to index
        %swap3A_748 = arith.constant 0 : index
        %swap3A_749 = tpu.vector_load %arg6[%swap3A_747, %swap3A_748] {strides = array<i32>} : memref<128x64xf32, #tpu.memory_space<vmem>>, vector<1x16xf32>,
        %swap3A_750 = vector.shape_cast %swap3A_749 : vector<1x16xf32> to vector<16xf32>
        %swap3A_751 = vector.shape_cast %mul3A_744 : vector<16xf32> to vector<1x16xf32>
        tpu.vector_store %arg6[%swap3A_747, %swap3A_748], %swap3A_751 {strides = array<i32>} : memref<128x64xf32, #tpu.memory_space<vmem>>, vector<1x16xf32>,
        %add3A_752 = arith.constant 7 : i32
        %add3A_753 = arith.addi %mul3A_289, %add3A_752 : i32
        %get3A_754 = arith.index_cast %add3A_753 : i32 to index
        %get3A_755 = arith.constant 16 : index
        %get3A_756 = tpu.vector_load %arg6[%get3A_754, %get3A_755] {strides = array<i32>} : memref<128x64xf32, #tpu.memory_space<vmem>>, vector<1x16xf32>,
        %get3A_757 = vector.shape_cast %get3A_756 : vector<1x16xf32> to vector<16xf32>
        %mul3A_758 = arith.constant 3.1622777 : f32
        %mul3A_759 = vector.broadcast %mul3A_758 : f32 to vector<16xf32>
        %mul3A_760 = arith.mulf %get3A_757, %mul3A_759 : vector<16xf32>
        %add3A_761 = arith.constant 7 : i32
        %add3A_762 = arith.addi %mul3A_289, %add3A_761 : i32
        %swap3A_763 = arith.index_cast %add3A_762 : i32 to index
        %swap3A_764 = arith.constant 16 : index
        %swap3A_765 = tpu.vector_load %arg6[%swap3A_763, %swap3A_764] {strides = array<i32>} : memref<128x64xf32, #tpu.memory_space<vmem>>, vector<1x16xf32>,
        %swap3A_766 = vector.shape_cast %swap3A_765 : vector<1x16xf32> to vector<16xf32>
        %swap3A_767 = vector.shape_cast %mul3A_760 : vector<16xf32> to vector<1x16xf32>
        tpu.vector_store %arg6[%swap3A_763, %swap3A_764], %swap3A_767 {strides = array<i32>} : memref<128x64xf32, #tpu.memory_space<vmem>>, vector<1x16xf32>,
        %add3A_768 = arith.constant 7 : i32
        %add3A_769 = arith.addi %mul3A_289, %add3A_768 : i32
        %get3A_770 = arith.index_cast %add3A_769 : i32 to index
        %get3A_771 = arith.constant 32 : index
        %get3A_772 = tpu.vector_load %arg6[%get3A_770, %get3A_771] {strides = array<i32>} : memref<128x64xf32, #tpu.memory_space<vmem>>, vector<1x16xf32>,
        %get3A_773 = vector.shape_cast %get3A_772 : vector<1x16xf32> to vector<16xf32>
        %mul3A_774 = arith.constant 3.1622777 : f32
        %mul3A_775 = vector.broadcast %mul3A_774 : f32 to vector<16xf32>
        %mul3A_776 = arith.mulf %get3A_773, %mul3A_775 : vector<16xf32>
        %add3A_777 = arith.constant 7 : i32
        %add3A_778 = arith.addi %mul3A_289, %add3A_777 : i32
        %swap3A_779 = arith.index_cast %add3A_778 : i32 to index
        %swap3A_780 = arith.constant 32 : index
        %swap3A_781 = tpu.vector_load %arg6[%swap3A_779, %swap3A_780] {strides = array<i32>} : memref<128x64xf32, #tpu.memory_space<vmem>>, vector<1x16xf32>,
        %swap3A_782 = vector.shape_cast %swap3A_781 : vector<1x16xf32> to vector<16xf32>
        %swap3A_783 = vector.shape_cast %mul3A_776 : vector<16xf32> to vector<1x16xf32>
        tpu.vector_store %arg6[%swap3A_779, %swap3A_780], %swap3A_783 {strides = array<i32>} : memref<128x64xf32, #tpu.memory_space<vmem>>, vector<1x16xf32>,
        %add3A_784 = arith.constant 7 : i32
        %add3A_785 = arith.addi %mul3A_289, %add3A_784 : i32
        %get3A_786 = arith.index_cast %add3A_785 : i32 to index
        %get3A_787 = arith.constant 48 : index
        %get3A_788 = tpu.vector_load %arg6[%get3A_786, %get3A_787] {strides = array<i32>} : memref<128x64xf32, #tpu.memory_space<vmem>>, vector<1x16xf32>,
        %get3A_789 = vector.shape_cast %get3A_788 : vector<1x16xf32> to vector<16xf32>
        %mul3A_790 = arith.constant 3.1622777 : f32
        %mul3A_791 = vector.broadcast %mul3A_790 : f32 to vector<16xf32>
        %mul3A_792 = arith.mulf %get3A_789, %mul3A_791 : vector<16xf32>
        %add3A_793 = arith.constant 7 : i32
        %add3A_794 = arith.addi %mul3A_289, %add3A_793 : i32
        %swap3A_795 = arith.index_cast %add3A_794 : i32 to index
        %swap3A_796 = arith.constant 48 : index
        %swap3A_797 = tpu.vector_load %arg6[%swap3A_795, %swap3A_796] {strides = array<i32>} : memref<128x64xf32, #tpu.memory_space<vmem>>, vector<1x16xf32>,
        %swap3A_798 = vector.shape_cast %swap3A_797 : vector<1x16xf32> to vector<16xf32>
        %swap3A_799 = vector.shape_cast %mul3A_792 : vector<16xf32> to vector<1x16xf32>
        tpu.vector_store %arg6[%swap3A_795, %swap3A_796], %swap3A_799 {strides = array<i32>} : memref<128x64xf32, #tpu.memory_space<vmem>>, vector<1x16xf32>,
      }
      %scan3A_244 = arith.constant 16 : i32
      %add3A_245 = arith.addi %mul3A_2, %add3A_218 : i32
      %mul3A_246 = arith.constant 128 : i32
      %mul3A_247 = arith.muli %add3A_245, %mul3A_246 : i32
      %dma_start3A_248 = arith.constant 0 : i32
      %dma_start3A_249 = tpu.memref_slice %arg4[%mul3A_247, %dma_start3A_248] : memref<819200x64xf32, #tpu.memory_space<hbm>> -> memref<128x64xf32, #tpu.memory_space<hbm>>
      %dma_start3A_250 = arith.constant 0 : i32
      %dma_start3A_251 = tpu.memref_slice %arg4[%mul3A_247, %dma_start3A_250] : memref<819200x64xf32, #tpu.memory_space<hbm>> -> memref<128x64xf32, #tpu.memory_space<hbm>>
      tpu.enqueue_dma source(%arg6 : memref<128x64xf32, #tpu.memory_space<vmem>>) target(%dma_start3A_251 : memref<128x64xf32, #tpu.memory_space<hbm>>) target_semaphore(%arg14 : memref<!tpu.dma_semaphore, #tpu.memory_space<semaphore_mem>>)
      %add3A_252 = arith.constant 3 : i32
      %add3A_253 = arith.addi %add3A_146, %add3A_252 : i32
      %mul3A_254 = arith.constant 128 : i32
      %mul3A_255 = arith.muli %mul3A_2, %mul3A_254 : i32
      %dma_wait3A_256 = arith.constant 0 : i32
      %dma_wait3A_257 = tpu.memref_slice %arg4[%mul3A_255, %dma_wait3A_256] : memref<819200x64xf32, #tpu.memory_space<hbm>> -> memref<128x64xf32, #tpu.memory_space<hbm>>
      %dma_wait3A_258 = arith.constant 0 : i32
      %dma_wait3A_259 = tpu.memref_slice %arg4[%mul3A_255, %dma_wait3A_258] : memref<819200x64xf32, #tpu.memory_space<hbm>> -> memref<128x64xf32, #tpu.memory_space<hbm>>
      tpu.wait_dma2 semaphore(%arg17 : memref<!tpu.dma_semaphore, #tpu.memory_space<semaphore_mem>>) src(%arg9 : memref<128x64xf32, #tpu.memory_space<vmem>>) dst(%dma_wait3A_259 : memref<128x64xf32, #tpu.memory_space<hbm>>)
      %add3A_260 = arith.constant 2 : i32
      %add3A_261 = arith.addi %add3A_253, %add3A_260 : i32
      %dma_start3A_262 = arith.constant 0 : i32
      %dma_start3A_263 = tpu.memref_slice %arg5[%add3A_261, %dma_start3A_262] : memref<200x128xi32, #tpu.memory_space<vmem>> -> memref<1x128xi32, #tpu.memory_space<vmem>>
      %dma_start3A_264 = tpu.memref_squeeze %dma_start3A_263 : memref<1x128xi32, #tpu.memory_space<vmem>> -> memref<128xi32, #tpu.memory_space<vmem>>
      %dma_start3A_265 = arith.constant 0 : i32
      %dma_start3A_266 = arith.constant 0 : i32
      %dma_start3A_267 = tpu.memref_slice %arg3[%dma_start3A_265, %dma_start3A_266] : memref<1000000x64xf32, #tpu.memory_space<hbm>> -> memref<1000000x64xf32, #tpu.memory_space<hbm>>
      tpu.enqueue_indirect_dma source(%dma_start3A_267 : memref<1000000x64xf32, #tpu.memory_space<hbm>>) target(%arg9 : memref<128x64xf32, #tpu.memory_space<vmem>>) offsets(%dma_start3A_264 : memref<128xi32, #tpu.memory_space<vmem>>) semaphore(%arg13 : memref<!tpu.dma_semaphore, #tpu.memory_space<semaphore_mem>>)
      %dma_wait3A_268 = arith.constant 0 : i32
      %dma_wait3A_269 = tpu.memref_slice %arg5[%add3A_253, %dma_wait3A_268] : memref<200x128xi32, #tpu.memory_space<vmem>> -> memref<1x128xi32, #tpu.memory_space<vmem>>
      %dma_wait3A_270 = tpu.memref_squeeze %dma_wait3A_269 : memref<1x128xi32, #tpu.memory_space<vmem>> -> memref<128xi32, #tpu.memory_space<vmem>>
      %dma_wait3A_271 = arith.constant 0 : i32
      %dma_wait3A_272 = arith.constant 0 : i32
      %dma_wait3A_273 = tpu.memref_slice %arg3[%dma_wait3A_271, %dma_wait3A_272] : memref<1000000x64xf32, #tpu.memory_space<hbm>> -> memref<1000000x64xf32, #tpu.memory_space<hbm>>
      tpu.wait_indirect_dma semaphore(%arg11 : memref<!tpu.dma_semaphore, #tpu.memory_space<semaphore_mem>>) src(%dma_wait3A_273 : memref<1000000x64xf32, #tpu.memory_space<hbm>>) dst(%arg7 : memref<128x64xf32, #tpu.memory_space<vmem>>)
      %scan3A_274 = arith.constant 0 : i32
      %scan3A_275 = arith.constant 0 : i32
      %scan3A_276 = arith.constant 16 : i32
      %scan3A_277 = arith.addi %scan3A_275, %scan3A_276 : i32
      %scan3A_278 = arith.constant 1 : i32
      scf.for %scan3A_287 = %scan3A_275 to %scan3A_277 step %scan3A_278  : i32 {
        %mul3A_288 = arith.constant 8 : i32
        %mul3A_289 = arith.muli %scan3A_287, %mul3A_288 : i32
        %add3A_290 = arith.constant 0 : i32
        %add3A_291 = arith.addi %mul3A_289, %add3A_290 : i32
        %get3A = arith.index_cast %add3A_291 : i32 to index
        %get3A_292 = arith.constant 0 : index
        %get3A_293 = tpu.vector_load %arg7[%get3A, %get3A_292] {strides = array<i32>} : memref<128x64xf32, #tpu.memory_space<vmem>>, vector<1x16xf32>,
        %get3A_294 = vector.shape_cast %get3A_293 : vector<1x16xf32> to vector<16xf32>
        %mul3A_295 = arith.constant 3.1622777 : f32
        %mul3A_296 = vector.broadcast %mul3A_295 : f32 to vector<16xf32>
        %mul3A_297 = arith.mulf %get3A_294, %mul3A_296 : vector<16xf32>
        %add3A_298 = arith.constant 0 : i32
        %add3A_299 = arith.addi %mul3A_289, %add3A_298 : i32
        %swap3A = arith.index_cast %add3A_299 : i32 to index
        %swap3A_300 = arith.constant 0 : index
        %swap3A_301 = tpu.vector_load %arg7[%swap3A, %swap3A_300] {strides = array<i32>} : memref<128x64xf32, #tpu.memory_space<vmem>>, vector<1x16xf32>,
        %swap3A_302 = vector.shape_cast %swap3A_301 : vector<1x16xf32> to vector<16xf32>
        %swap3A_303 = vector.shape_cast %mul3A_297 : vector<16xf32> to vector<1x16xf32>
        tpu.vector_store %arg7[%swap3A, %swap3A_300], %swap3A_303 {strides = array<i32>} : memref<128x64xf32, #tpu.memory_space<vmem>>, vector<1x16xf32>,
        %add3A_304 = arith.constant 0 : i32
        %add3A_305 = arith.addi %mul3A_289, %add3A_304 : i32
        %get3A_306 = arith.index_cast %add3A_305 : i32 to index
        %get3A_307 = arith.constant 16 : index
        %get3A_308 = tpu.vector_load %arg7[%get3A_306, %get3A_307] {strides = array<i32>} : memref<128x64xf32, #tpu.memory_space<vmem>>, vector<1x16xf32>,
        %get3A_309 = vector.shape_cast %get3A_308 : vector<1x16xf32> to vector<16xf32>
        %mul3A_310 = arith.constant 3.1622777 : f32
        %mul3A_311 = vector.broadcast %mul3A_310 : f32 to vector<16xf32>
        %mul3A_312 = arith.mulf %get3A_309, %mul3A_311 : vector<16xf32>
        %add3A_313 = arith.constant 0 : i32
        %add3A_314 = arith.addi %mul3A_289, %add3A_313 : i32
        %swap3A_315 = arith.index_cast %add3A_314 : i32 to index
        %swap3A_316 = arith.constant 16 : index
        %swap3A_317 = tpu.vector_load %arg7[%swap3A_315, %swap3A_316] {strides = array<i32>} : memref<128x64xf32, #tpu.memory_space<vmem>>, vector<1x16xf32>,
        %swap3A_318 = vector.shape_cast %swap3A_317 : vector<1x16xf32> to vector<16xf32>
        %swap3A_319 = vector.shape_cast %mul3A_312 : vector<16xf32> to vector<1x16xf32>
        tpu.vector_store %arg7[%swap3A_315, %swap3A_316], %swap3A_319 {strides = array<i32>} : memref<128x64xf32, #tpu.memory_space<vmem>>, vector<1x16xf32>,
        %add3A_320 = arith.constant 0 : i32
        %add3A_321 = arith.addi %mul3A_289, %add3A_320 : i32
        %get3A_322 = arith.index_cast %add3A_321 : i32 to index
        %get3A_323 = arith.constant 32 : index
        %get3A_324 = tpu.vector_load %arg7[%get3A_322, %get3A_323] {strides = array<i32>} : memref<128x64xf32, #tpu.memory_space<vmem>>, vector<1x16xf32>,
        %get3A_325 = vector.shape_cast %get3A_324 : vector<1x16xf32> to vector<16xf32>
        %mul3A_326 = arith.constant 3.1622777 : f32
        %mul3A_327 = vector.broadcast %mul3A_326 : f32 to vector<16xf32>
        %mul3A_328 = arith.mulf %get3A_325, %mul3A_327 : vector<16xf32>
        %add3A_329 = arith.constant 0 : i32
        %add3A_330 = arith.addi %mul3A_289, %add3A_329 : i32
        %swap3A_331 = arith.index_cast %add3A_330 : i32 to index
        %swap3A_332 = arith.constant 32 : index
        %swap3A_333 = tpu.vector_load %arg7[%swap3A_331, %swap3A_332] {strides = array<i32>} : memref<128x64xf32, #tpu.memory_space<vmem>>, vector<1x16xf32>,
        %swap3A_334 = vector.shape_cast %swap3A_333 : vector<1x16xf32> to vector<16xf32>
        %swap3A_335 = vector.shape_cast %mul3A_328 : vector<16xf32> to vector<1x16xf32>
        tpu.vector_store %arg7[%swap3A_331, %swap3A_332], %swap3A_335 {strides = array<i32>} : memref<128x64xf32, #tpu.memory_space<vmem>>, vector<1x16xf32>,
        %add3A_336 = arith.constant 0 : i32
        %add3A_337 = arith.addi %mul3A_289, %add3A_336 : i32
        %get3A_338 = arith.index_cast %add3A_337 : i32 to index
        %get3A_339 = arith.constant 48 : index
        %get3A_340 = tpu.vector_load %arg7[%get3A_338, %get3A_339] {strides = array<i32>} : memref<128x64xf32, #tpu.memory_space<vmem>>, vector<1x16xf32>,
        %get3A_341 = vector.shape_cast %get3A_340 : vector<1x16xf32> to vector<16xf32>
        %mul3A_342 = arith.constant 3.1622777 : f32
        %mul3A_343 = vector.broadcast %mul3A_342 : f32 to vector<16xf32>
        %mul3A_344 = arith.mulf %get3A_341, %mul3A_343 : vector<16xf32>
        %add3A_345 = arith.constant 0 : i32
        %add3A_346 = arith.addi %mul3A_289, %add3A_345 : i32
        %swap3A_347 = arith.index_cast %add3A_346 : i32 to index
        %swap3A_348 = arith.constant 48 : index
        %swap3A_349 = tpu.vector_load %arg7[%swap3A_347, %swap3A_348] {strides = array<i32>} : memref<128x64xf32, #tpu.memory_space<vmem>>, vector<1x16xf32>,
        %swap3A_350 = vector.shape_cast %swap3A_349 : vector<1x16xf32> to vector<16xf32>
        %swap3A_351 = vector.shape_cast %mul3A_344 : vector<16xf32> to vector<1x16xf32>
        tpu.vector_store %arg7[%swap3A_347, %swap3A_348], %swap3A_351 {strides = array<i32>} : memref<128x64xf32, #tpu.memory_space<vmem>>, vector<1x16xf32>,
        %add3A_352 = arith.constant 1 : i32
        %add3A_353 = arith.addi %mul3A_289, %add3A_352 : i32
        %get3A_354 = arith.index_cast %add3A_353 : i32 to index
        %get3A_355 = arith.constant 0 : index
        %get3A_356 = tpu.vector_load %arg7[%get3A_354, %get3A_355] {strides = array<i32>} : memref<128x64xf32, #tpu.memory_space<vmem>>, vector<1x16xf32>,
        %get3A_357 = vector.shape_cast %get3A_356 : vector<1x16xf32> to vector<16xf32>
        %mul3A_358 = arith.constant 3.1622777 : f32
        %mul3A_359 = vector.broadcast %mul3A_358 : f32 to vector<16xf32>
        %mul3A_360 = arith.mulf %get3A_357, %mul3A_359 : vector<16xf32>
        %add3A_361 = arith.constant 1 : i32
        %add3A_362 = arith.addi %mul3A_289, %add3A_361 : i32
        %swap3A_363 = arith.index_cast %add3A_362 : i32 to index
        %swap3A_364 = arith.constant 0 : index
        %swap3A_365 = tpu.vector_load %arg7[%swap3A_363, %swap3A_364] {strides = array<i32>} : memref<128x64xf32, #tpu.memory_space<vmem>>, vector<1x16xf32>,
        %swap3A_366 = vector.shape_cast %swap3A_365 : vector<1x16xf32> to vector<16xf32>
        %swap3A_367 = vector.shape_cast %mul3A_360 : vector<16xf32> to vector<1x16xf32>
        tpu.vector_store %arg7[%swap3A_363, %swap3A_364], %swap3A_367 {strides = array<i32>} : memref<128x64xf32, #tpu.memory_space<vmem>>, vector<1x16xf32>,
        %add3A_368 = arith.constant 1 : i32
        %add3A_369 = arith.addi %mul3A_289, %add3A_368 : i32
        %get3A_370 = arith.index_cast %add3A_369 : i32 to index
        %get3A_371 = arith.constant 16 : index
        %get3A_372 = tpu.vector_load %arg7[%get3A_370, %get3A_371] {strides = array<i32>} : memref<128x64xf32, #tpu.memory_space<vmem>>, vector<1x16xf32>,
        %get3A_373 = vector.shape_cast %get3A_372 : vector<1x16xf32> to vector<16xf32>
        %mul3A_374 = arith.constant 3.1622777 : f32
        %mul3A_375 = vector.broadcast %mul3A_374 : f32 to vector<16xf32>
        %mul3A_376 = arith.mulf %get3A_373, %mul3A_375 : vector<16xf32>
        %add3A_377 = arith.constant 1 : i32
        %add3A_378 = arith.addi %mul3A_289, %add3A_377 : i32
        %swap3A_379 = arith.index_cast %add3A_378 : i32 to index
        %swap3A_380 = arith.constant 16 : index
        %swap3A_381 = tpu.vector_load %arg7[%swap3A_379, %swap3A_380] {strides = array<i32>} : memref<128x64xf32, #tpu.memory_space<vmem>>, vector<1x16xf32>,
        %swap3A_382 = vector.shape_cast %swap3A_381 : vector<1x16xf32> to vector<16xf32>
        %swap3A_383 = vector.shape_cast %mul3A_376 : vector<16xf32> to vector<1x16xf32>
        tpu.vector_store %arg7[%swap3A_379, %swap3A_380], %swap3A_383 {strides = array<i32>} : memref<128x64xf32, #tpu.memory_space<vmem>>, vector<1x16xf32>,
        %add3A_384 = arith.constant 1 : i32
        %add3A_385 = arith.addi %mul3A_289, %add3A_384 : i32
        %get3A_386 = arith.index_cast %add3A_385 : i32 to index
        %get3A_387 = arith.constant 32 : index
        %get3A_388 = tpu.vector_load %arg7[%get3A_386, %get3A_387] {strides = array<i32>} : memref<128x64xf32, #tpu.memory_space<vmem>>, vector<1x16xf32>,
        %get3A_389 = vector.shape_cast %get3A_388 : vector<1x16xf32> to vector<16xf32>
        %mul3A_390 = arith.constant 3.1622777 : f32
        %mul3A_391 = vector.broadcast %mul3A_390 : f32 to vector<16xf32>
        %mul3A_392 = arith.mulf %get3A_389, %mul3A_391 : vector<16xf32>
        %add3A_393 = arith.constant 1 : i32
        %add3A_394 = arith.addi %mul3A_289, %add3A_393 : i32
        %swap3A_395 = arith.index_cast %add3A_394 : i32 to index
        %swap3A_396 = arith.constant 32 : index
        %swap3A_397 = tpu.vector_load %arg7[%swap3A_395, %swap3A_396] {strides = array<i32>} : memref<128x64xf32, #tpu.memory_space<vmem>>, vector<1x16xf32>,
        %swap3A_398 = vector.shape_cast %swap3A_397 : vector<1x16xf32> to vector<16xf32>
        %swap3A_399 = vector.shape_cast %mul3A_392 : vector<16xf32> to vector<1x16xf32>
        tpu.vector_store %arg7[%swap3A_395, %swap3A_396], %swap3A_399 {strides = array<i32>} : memref<128x64xf32, #tpu.memory_space<vmem>>, vector<1x16xf32>,
        %add3A_400 = arith.constant 1 : i32
        %add3A_401 = arith.addi %mul3A_289, %add3A_400 : i32
        %get3A_402 = arith.index_cast %add3A_401 : i32 to index
        %get3A_403 = arith.constant 48 : index
        %get3A_404 = tpu.vector_load %arg7[%get3A_402, %get3A_403] {strides = array<i32>} : memref<128x64xf32, #tpu.memory_space<vmem>>, vector<1x16xf32>,
        %get3A_405 = vector.shape_cast %get3A_404 : vector<1x16xf32> to vector<16xf32>
        %mul3A_406 = arith.constant 3.1622777 : f32
        %mul3A_407 = vector.broadcast %mul3A_406 : f32 to vector<16xf32>
        %mul3A_408 = arith.mulf %get3A_405, %mul3A_407 : vector<16xf32>
        %add3A_409 = arith.constant 1 : i32
        %add3A_410 = arith.addi %mul3A_289, %add3A_409 : i32
        %swap3A_411 = arith.index_cast %add3A_410 : i32 to index
        %swap3A_412 = arith.constant 48 : index
        %swap3A_413 = tpu.vector_load %arg7[%swap3A_411, %swap3A_412] {strides = array<i32>} : memref<128x64xf32, #tpu.memory_space<vmem>>, vector<1x16xf32>,
        %swap3A_414 = vector.shape_cast %swap3A_413 : vector<1x16xf32> to vector<16xf32>
        %swap3A_415 = vector.shape_cast %mul3A_408 : vector<16xf32> to vector<1x16xf32>
        tpu.vector_store %arg7[%swap3A_411, %swap3A_412], %swap3A_415 {strides = array<i32>} : memref<128x64xf32, #tpu.memory_space<vmem>>, vector<1x16xf32>,
        %add3A_416 = arith.constant 2 : i32
        %add3A_417 = arith.addi %mul3A_289, %add3A_416 : i32
        %get3A_418 = arith.index_cast %add3A_417 : i32 to index
        %get3A_419 = arith.constant 0 : index
        %get3A_420 = tpu.vector_load %arg7[%get3A_418, %get3A_419] {strides = array<i32>} : memref<128x64xf32, #tpu.memory_space<vmem>>, vector<1x16xf32>,
        %get3A_421 = vector.shape_cast %get3A_420 : vector<1x16xf32> to vector<16xf32>
        %mul3A_422 = arith.constant 3.1622777 : f32
        %mul3A_423 = vector.broadcast %mul3A_422 : f32 to vector<16xf32>
        %mul3A_424 = arith.mulf %get3A_421, %mul3A_423 : vector<16xf32>
        %add3A_425 = arith.constant 2 : i32
        %add3A_426 = arith.addi %mul3A_289, %add3A_425 : i32
        %swap3A_427 = arith.index_cast %add3A_426 : i32 to index
        %swap3A_428 = arith.constant 0 : index
        %swap3A_429 = tpu.vector_load %arg7[%swap3A_427, %swap3A_428] {strides = array<i32>} : memref<128x64xf32, #tpu.memory_space<vmem>>, vector<1x16xf32>,
        %swap3A_430 = vector.shape_cast %swap3A_429 : vector<1x16xf32> to vector<16xf32>
        %swap3A_431 = vector.shape_cast %mul3A_424 : vector<16xf32> to vector<1x16xf32>
        tpu.vector_store %arg7[%swap3A_427, %swap3A_428], %swap3A_431 {strides = array<i32>} : memref<128x64xf32, #tpu.memory_space<vmem>>, vector<1x16xf32>,
        %add3A_432 = arith.constant 2 : i32
        %add3A_433 = arith.addi %mul3A_289, %add3A_432 : i32
        %get3A_434 = arith.index_cast %add3A_433 : i32 to index
        %get3A_435 = arith.constant 16 : index
        %get3A_436 = tpu.vector_load %arg7[%get3A_434, %get3A_435] {strides = array<i32>} : memref<128x64xf32, #tpu.memory_space<vmem>>, vector<1x16xf32>,
        %get3A_437 = vector.shape_cast %get3A_436 : vector<1x16xf32> to vector<16xf32>
        %mul3A_438 = arith.constant 3.1622777 : f32
        %mul3A_439 = vector.broadcast %mul3A_438 : f32 to vector<16xf32>
        %mul3A_440 = arith.mulf %get3A_437, %mul3A_439 : vector<16xf32>
        %add3A_441 = arith.constant 2 : i32
        %add3A_442 = arith.addi %mul3A_289, %add3A_441 : i32
        %swap3A_443 = arith.index_cast %add3A_442 : i32 to index
        %swap3A_444 = arith.constant 16 : index
        %swap3A_445 = tpu.vector_load %arg7[%swap3A_443, %swap3A_444] {strides = array<i32>} : memref<128x64xf32, #tpu.memory_space<vmem>>, vector<1x16xf32>,
        %swap3A_446 = vector.shape_cast %swap3A_445 : vector<1x16xf32> to vector<16xf32>
        %swap3A_447 = vector.shape_cast %mul3A_440 : vector<16xf32> to vector<1x16xf32>
        tpu.vector_store %arg7[%swap3A_443, %swap3A_444], %swap3A_447 {strides = array<i32>} : memref<128x64xf32, #tpu.memory_space<vmem>>, vector<1x16xf32>,
        %add3A_448 = arith.constant 2 : i32
        %add3A_449 = arith.addi %mul3A_289, %add3A_448 : i32
        %get3A_450 = arith.index_cast %add3A_449 : i32 to index
        %get3A_451 = arith.constant 32 : index
        %get3A_452 = tpu.vector_load %arg7[%get3A_450, %get3A_451] {strides = array<i32>} : memref<128x64xf32, #tpu.memory_space<vmem>>, vector<1x16xf32>,
        %get3A_453 = vector.shape_cast %get3A_452 : vector<1x16xf32> to vector<16xf32>
        %mul3A_454 = arith.constant 3.1622777 : f32
        %mul3A_455 = vector.broadcast %mul3A_454 : f32 to vector<16xf32>
        %mul3A_456 = arith.mulf %get3A_453, %mul3A_455 : vector<16xf32>
        %add3A_457 = arith.constant 2 : i32
        %add3A_458 = arith.addi %mul3A_289, %add3A_457 : i32
        %swap3A_459 = arith.index_cast %add3A_458 : i32 to index
        %swap3A_460 = arith.constant 32 : index
        %swap3A_461 = tpu.vector_load %arg7[%swap3A_459, %swap3A_460] {strides = array<i32>} : memref<128x64xf32, #tpu.memory_space<vmem>>, vector<1x16xf32>,
        %swap3A_462 = vector.shape_cast %swap3A_461 : vector<1x16xf32> to vector<16xf32>
        %swap3A_463 = vector.shape_cast %mul3A_456 : vector<16xf32> to vector<1x16xf32>
        tpu.vector_store %arg7[%swap3A_459, %swap3A_460], %swap3A_463 {strides = array<i32>} : memref<128x64xf32, #tpu.memory_space<vmem>>, vector<1x16xf32>,
        %add3A_464 = arith.constant 2 : i32
        %add3A_465 = arith.addi %mul3A_289, %add3A_464 : i32
        %get3A_466 = arith.index_cast %add3A_465 : i32 to index
        %get3A_467 = arith.constant 48 : index
        %get3A_468 = tpu.vector_load %arg7[%get3A_466, %get3A_467] {strides = array<i32>} : memref<128x64xf32, #tpu.memory_space<vmem>>, vector<1x16xf32>,
        %get3A_469 = vector.shape_cast %get3A_468 : vector<1x16xf32> to vector<16xf32>
        %mul3A_470 = arith.constant 3.1622777 : f32
        %mul3A_471 = vector.broadcast %mul3A_470 : f32 to vector<16xf32>
        %mul3A_472 = arith.mulf %get3A_469, %mul3A_471 : vector<16xf32>
        %add3A_473 = arith.constant 2 : i32
        %add3A_474 = arith.addi %mul3A_289, %add3A_473 : i32
        %swap3A_475 = arith.index_cast %add3A_474 : i32 to index
        %swap3A_476 = arith.constant 48 : index
        %swap3A_477 = tpu.vector_load %arg7[%swap3A_475, %swap3A_476] {strides = array<i32>} : memref<128x64xf32, #tpu.memory_space<vmem>>, vector<1x16xf32>,
        %swap3A_478 = vector.shape_cast %swap3A_477 : vector<1x16xf32> to vector<16xf32>
        %swap3A_479 = vector.shape_cast %mul3A_472 : vector<16xf32> to vector<1x16xf32>
        tpu.vector_store %arg7[%swap3A_475, %swap3A_476], %swap3A_479 {strides = array<i32>} : memref<128x64xf32, #tpu.memory_space<vmem>>, vector<1x16xf32>,
        %add3A_480 = arith.constant 3 : i32
        %add3A_481 = arith.addi %mul3A_289, %add3A_480 : i32
        %get3A_482 = arith.index_cast %add3A_481 : i32 to index
        %get3A_483 = arith.constant 0 : index
        %get3A_484 = tpu.vector_load %arg7[%get3A_482, %get3A_483] {strides = array<i32>} : memref<128x64xf32, #tpu.memory_space<vmem>>, vector<1x16xf32>,
        %get3A_485 = vector.shape_cast %get3A_484 : vector<1x16xf32> to vector<16xf32>
        %mul3A_486 = arith.constant 3.1622777 : f32
        %mul3A_487 = vector.broadcast %mul3A_486 : f32 to vector<16xf32>
        %mul3A_488 = arith.mulf %get3A_485, %mul3A_487 : vector<16xf32>
        %add3A_489 = arith.constant 3 : i32
        %add3A_490 = arith.addi %mul3A_289, %add3A_489 : i32
        %swap3A_491 = arith.index_cast %add3A_490 : i32 to index
        %swap3A_492 = arith.constant 0 : index
        %swap3A_493 = tpu.vector_load %arg7[%swap3A_491, %swap3A_492] {strides = array<i32>} : memref<128x64xf32, #tpu.memory_space<vmem>>, vector<1x16xf32>,
        %swap3A_494 = vector.shape_cast %swap3A_493 : vector<1x16xf32> to vector<16xf32>
        %swap3A_495 = vector.shape_cast %mul3A_488 : vector<16xf32> to vector<1x16xf32>
        tpu.vector_store %arg7[%swap3A_491, %swap3A_492], %swap3A_495 {strides = array<i32>} : memref<128x64xf32, #tpu.memory_space<vmem>>, vector<1x16xf32>,
        %add3A_496 = arith.constant 3 : i32
        %add3A_497 = arith.addi %mul3A_289, %add3A_496 : i32
        %get3A_498 = arith.index_cast %add3A_497 : i32 to index
        %get3A_499 = arith.constant 16 : index
        %get3A_500 = tpu.vector_load %arg7[%get3A_498, %get3A_499] {strides = array<i32>} : memref<128x64xf32, #tpu.memory_space<vmem>>, vector<1x16xf32>,
        %get3A_501 = vector.shape_cast %get3A_500 : vector<1x16xf32> to vector<16xf32>
        %mul3A_502 = arith.constant 3.1622777 : f32
        %mul3A_503 = vector.broadcast %mul3A_502 : f32 to vector<16xf32>
        %mul3A_504 = arith.mulf %get3A_501, %mul3A_503 : vector<16xf32>
        %add3A_505 = arith.constant 3 : i32
        %add3A_506 = arith.addi %mul3A_289, %add3A_505 : i32
        %swap3A_507 = arith.index_cast %add3A_506 : i32 to index
        %swap3A_508 = arith.constant 16 : index
        %swap3A_509 = tpu.vector_load %arg7[%swap3A_507, %swap3A_508] {strides = array<i32>} : memref<128x64xf32, #tpu.memory_space<vmem>>, vector<1x16xf32>,
        %swap3A_510 = vector.shape_cast %swap3A_509 : vector<1x16xf32> to vector<16xf32>
        %swap3A_511 = vector.shape_cast %mul3A_504 : vector<16xf32> to vector<1x16xf32>
        tpu.vector_store %arg7[%swap3A_507, %swap3A_508], %swap3A_511 {strides = array<i32>} : memref<128x64xf32, #tpu.memory_space<vmem>>, vector<1x16xf32>,
        %add3A_512 = arith.constant 3 : i32
        %add3A_513 = arith.addi %mul3A_289, %add3A_512 : i32
        %get3A_514 = arith.index_cast %add3A_513 : i32 to index
        %get3A_515 = arith.constant 32 : index
        %get3A_516 = tpu.vector_load %arg7[%get3A_514, %get3A_515] {strides = array<i32>} : memref<128x64xf32, #tpu.memory_space<vmem>>, vector<1x16xf32>,
        %get3A_517 = vector.shape_cast %get3A_516 : vector<1x16xf32> to vector<16xf32>
        %mul3A_518 = arith.constant 3.1622777 : f32
        %mul3A_519 = vector.broadcast %mul3A_518 : f32 to vector<16xf32>
        %mul3A_520 = arith.mulf %get3A_517, %mul3A_519 : vector<16xf32>
        %add3A_521 = arith.constant 3 : i32
        %add3A_522 = arith.addi %mul3A_289, %add3A_521 : i32
        %swap3A_523 = arith.index_cast %add3A_522 : i32 to index
        %swap3A_524 = arith.constant 32 : index
        %swap3A_525 = tpu.vector_load %arg7[%swap3A_523, %swap3A_524] {strides = array<i32>} : memref<128x64xf32, #tpu.memory_space<vmem>>, vector<1x16xf32>,
        %swap3A_526 = vector.shape_cast %swap3A_525 : vector<1x16xf32> to vector<16xf32>
        %swap3A_527 = vector.shape_cast %mul3A_520 : vector<16xf32> to vector<1x16xf32>
        tpu.vector_store %arg7[%swap3A_523, %swap3A_524], %swap3A_527 {strides = array<i32>} : memref<128x64xf32, #tpu.memory_space<vmem>>, vector<1x16xf32>,
        %add3A_528 = arith.constant 3 : i32
        %add3A_529 = arith.addi %mul3A_289, %add3A_528 : i32
        %get3A_530 = arith.index_cast %add3A_529 : i32 to index
        %get3A_531 = arith.constant 48 : index
        %get3A_532 = tpu.vector_load %arg7[%get3A_530, %get3A_531] {strides = array<i32>} : memref<128x64xf32, #tpu.memory_space<vmem>>, vector<1x16xf32>,
        %get3A_533 = vector.shape_cast %get3A_532 : vector<1x16xf32> to vector<16xf32>
        %mul3A_534 = arith.constant 3.1622777 : f32
        %mul3A_535 = vector.broadcast %mul3A_534 : f32 to vector<16xf32>
        %mul3A_536 = arith.mulf %get3A_533, %mul3A_535 : vector<16xf32>
        %add3A_537 = arith.constant 3 : i32
        %add3A_538 = arith.addi %mul3A_289, %add3A_537 : i32
        %swap3A_539 = arith.index_cast %add3A_538 : i32 to index
        %swap3A_540 = arith.constant 48 : index
        %swap3A_541 = tpu.vector_load %arg7[%swap3A_539, %swap3A_540] {strides = array<i32>} : memref<128x64xf32, #tpu.memory_space<vmem>>, vector<1x16xf32>,
        %swap3A_542 = vector.shape_cast %swap3A_541 : vector<1x16xf32> to vector<16xf32>
        %swap3A_543 = vector.shape_cast %mul3A_536 : vector<16xf32> to vector<1x16xf32>
        tpu.vector_store %arg7[%swap3A_539, %swap3A_540], %swap3A_543 {strides = array<i32>} : memref<128x64xf32, #tpu.memory_space<vmem>>, vector<1x16xf32>,
        %add3A_544 = arith.constant 4 : i32
        %add3A_545 = arith.addi %mul3A_289, %add3A_544 : i32
        %get3A_546 = arith.index_cast %add3A_545 : i32 to index
        %get3A_547 = arith.constant 0 : index
        %get3A_548 = tpu.vector_load %arg7[%get3A_546, %get3A_547] {strides = array<i32>} : memref<128x64xf32, #tpu.memory_space<vmem>>, vector<1x16xf32>,
        %get3A_549 = vector.shape_cast %get3A_548 : vector<1x16xf32> to vector<16xf32>
        %mul3A_550 = arith.constant 3.1622777 : f32
        %mul3A_551 = vector.broadcast %mul3A_550 : f32 to vector<16xf32>
        %mul3A_552 = arith.mulf %get3A_549, %mul3A_551 : vector<16xf32>
        %add3A_553 = arith.constant 4 : i32
        %add3A_554 = arith.addi %mul3A_289, %add3A_553 : i32
        %swap3A_555 = arith.index_cast %add3A_554 : i32 to index
        %swap3A_556 = arith.constant 0 : index
        %swap3A_557 = tpu.vector_load %arg7[%swap3A_555, %swap3A_556] {strides = array<i32>} : memref<128x64xf32, #tpu.memory_space<vmem>>, vector<1x16xf32>,
        %swap3A_558 = vector.shape_cast %swap3A_557 : vector<1x16xf32> to vector<16xf32>
        %swap3A_559 = vector.shape_cast %mul3A_552 : vector<16xf32> to vector<1x16xf32>
        tpu.vector_store %arg7[%swap3A_555, %swap3A_556], %swap3A_559 {strides = array<i32>} : memref<128x64xf32, #tpu.memory_space<vmem>>, vector<1x16xf32>,
        %add3A_560 = arith.constant 4 : i32
        %add3A_561 = arith.addi %mul3A_289, %add3A_560 : i32
        %get3A_562 = arith.index_cast %add3A_561 : i32 to index
        %get3A_563 = arith.constant 16 : index
        %get3A_564 = tpu.vector_load %arg7[%get3A_562, %get3A_563] {strides = array<i32>} : memref<128x64xf32, #tpu.memory_space<vmem>>, vector<1x16xf32>,
        %get3A_565 = vector.shape_cast %get3A_564 : vector<1x16xf32> to vector<16xf32>
        %mul3A_566 = arith.constant 3.1622777 : f32
        %mul3A_567 = vector.broadcast %mul3A_566 : f32 to vector<16xf32>
        %mul3A_568 = arith.mulf %get3A_565, %mul3A_567 : vector<16xf32>
        %add3A_569 = arith.constant 4 : i32
        %add3A_570 = arith.addi %mul3A_289, %add3A_569 : i32
        %swap3A_571 = arith.index_cast %add3A_570 : i32 to index
        %swap3A_572 = arith.constant 16 : index
        %swap3A_573 = tpu.vector_load %arg7[%swap3A_571, %swap3A_572] {strides = array<i32>} : memref<128x64xf32, #tpu.memory_space<vmem>>, vector<1x16xf32>,
        %swap3A_574 = vector.shape_cast %swap3A_573 : vector<1x16xf32> to vector<16xf32>
        %swap3A_575 = vector.shape_cast %mul3A_568 : vector<16xf32> to vector<1x16xf32>
        tpu.vector_store %arg7[%swap3A_571, %swap3A_572], %swap3A_575 {strides = array<i32>} : memref<128x64xf32, #tpu.memory_space<vmem>>, vector<1x16xf32>,
        %add3A_576 = arith.constant 4 : i32
        %add3A_577 = arith.addi %mul3A_289, %add3A_576 : i32
        %get3A_578 = arith.index_cast %add3A_577 : i32 to index
        %get3A_579 = arith.constant 32 : index
        %get3A_580 = tpu.vector_load %arg7[%get3A_578, %get3A_579] {strides = array<i32>} : memref<128x64xf32, #tpu.memory_space<vmem>>, vector<1x16xf32>,
        %get3A_581 = vector.shape_cast %get3A_580 : vector<1x16xf32> to vector<16xf32>
        %mul3A_582 = arith.constant 3.1622777 : f32
        %mul3A_583 = vector.broadcast %mul3A_582 : f32 to vector<16xf32>
        %mul3A_584 = arith.mulf %get3A_581, %mul3A_583 : vector<16xf32>
        %add3A_585 = arith.constant 4 : i32
        %add3A_586 = arith.addi %mul3A_289, %add3A_585 : i32
        %swap3A_587 = arith.index_cast %add3A_586 : i32 to index
        %swap3A_588 = arith.constant 32 : index
        %swap3A_589 = tpu.vector_load %arg7[%swap3A_587, %swap3A_588] {strides = array<i32>} : memref<128x64xf32, #tpu.memory_space<vmem>>, vector<1x16xf32>,
        %swap3A_590 = vector.shape_cast %swap3A_589 : vector<1x16xf32> to vector<16xf32>
        %swap3A_591 = vector.shape_cast %mul3A_584 : vector<16xf32> to vector<1x16xf32>
        tpu.vector_store %arg7[%swap3A_587, %swap3A_588], %swap3A_591 {strides = array<i32>} : memref<128x64xf32, #tpu.memory_space<vmem>>, vector<1x16xf32>,
        %add3A_592 = arith.constant 4 : i32
        %add3A_593 = arith.addi %mul3A_289, %add3A_592 : i32
        %get3A_594 = arith.index_cast %add3A_593 : i32 to index
        %get3A_595 = arith.constant 48 : index
        %get3A_596 = tpu.vector_load %arg7[%get3A_594, %get3A_595] {strides = array<i32>} : memref<128x64xf32, #tpu.memory_space<vmem>>, vector<1x16xf32>,
        %get3A_597 = vector.shape_cast %get3A_596 : vector<1x16xf32> to vector<16xf32>
        %mul3A_598 = arith.constant 3.1622777 : f32
        %mul3A_599 = vector.broadcast %mul3A_598 : f32 to vector<16xf32>
        %mul3A_600 = arith.mulf %get3A_597, %mul3A_599 : vector<16xf32>
        %add3A_601 = arith.constant 4 : i32
        %add3A_602 = arith.addi %mul3A_289, %add3A_601 : i32
        %swap3A_603 = arith.index_cast %add3A_602 : i32 to index
        %swap3A_604 = arith.constant 48 : index
        %swap3A_605 = tpu.vector_load %arg7[%swap3A_603, %swap3A_604] {strides = array<i32>} : memref<128x64xf32, #tpu.memory_space<vmem>>, vector<1x16xf32>,
        %swap3A_606 = vector.shape_cast %swap3A_605 : vector<1x16xf32> to vector<16xf32>
        %swap3A_607 = vector.shape_cast %mul3A_600 : vector<16xf32> to vector<1x16xf32>
        tpu.vector_store %arg7[%swap3A_603, %swap3A_604], %swap3A_607 {strides = array<i32>} : memref<128x64xf32, #tpu.memory_space<vmem>>, vector<1x16xf32>,
        %add3A_608 = arith.constant 5 : i32
        %add3A_609 = arith.addi %mul3A_289, %add3A_608 : i32
        %get3A_610 = arith.index_cast %add3A_609 : i32 to index
        %get3A_611 = arith.constant 0 : index
        %get3A_612 = tpu.vector_load %arg7[%get3A_610, %get3A_611] {strides = array<i32>} : memref<128x64xf32, #tpu.memory_space<vmem>>, vector<1x16xf32>,
        %get3A_613 = vector.shape_cast %get3A_612 : vector<1x16xf32> to vector<16xf32>
        %mul3A_614 = arith.constant 3.1622777 : f32
        %mul3A_615 = vector.broadcast %mul3A_614 : f32 to vector<16xf32>
        %mul3A_616 = arith.mulf %get3A_613, %mul3A_615 : vector<16xf32>
        %add3A_617 = arith.constant 5 : i32
        %add3A_618 = arith.addi %mul3A_289, %add3A_617 : i32
        %swap3A_619 = arith.index_cast %add3A_618 : i32 to index
        %swap3A_620 = arith.constant 0 : index
        %swap3A_621 = tpu.vector_load %arg7[%swap3A_619, %swap3A_620] {strides = array<i32>} : memref<128x64xf32, #tpu.memory_space<vmem>>, vector<1x16xf32>,
        %swap3A_622 = vector.shape_cast %swap3A_621 : vector<1x16xf32> to vector<16xf32>
        %swap3A_623 = vector.shape_cast %mul3A_616 : vector<16xf32> to vector<1x16xf32>
        tpu.vector_store %arg7[%swap3A_619, %swap3A_620], %swap3A_623 {strides = array<i32>} : memref<128x64xf32, #tpu.memory_space<vmem>>, vector<1x16xf32>,
        %add3A_624 = arith.constant 5 : i32
        %add3A_625 = arith.addi %mul3A_289, %add3A_624 : i32
        %get3A_626 = arith.index_cast %add3A_625 : i32 to index
        %get3A_627 = arith.constant 16 : index
        %get3A_628 = tpu.vector_load %arg7[%get3A_626, %get3A_627] {strides = array<i32>} : memref<128x64xf32, #tpu.memory_space<vmem>>, vector<1x16xf32>,
        %get3A_629 = vector.shape_cast %get3A_628 : vector<1x16xf32> to vector<16xf32>
        %mul3A_630 = arith.constant 3.1622777 : f32
        %mul3A_631 = vector.broadcast %mul3A_630 : f32 to vector<16xf32>
        %mul3A_632 = arith.mulf %get3A_629, %mul3A_631 : vector<16xf32>
        %add3A_633 = arith.constant 5 : i32
        %add3A_634 = arith.addi %mul3A_289, %add3A_633 : i32
        %swap3A_635 = arith.index_cast %add3A_634 : i32 to index
        %swap3A_636 = arith.constant 16 : index
        %swap3A_637 = tpu.vector_load %arg7[%swap3A_635, %swap3A_636] {strides = array<i32>} : memref<128x64xf32, #tpu.memory_space<vmem>>, vector<1x16xf32>,
        %swap3A_638 = vector.shape_cast %swap3A_637 : vector<1x16xf32> to vector<16xf32>
        %swap3A_639 = vector.shape_cast %mul3A_632 : vector<16xf32> to vector<1x16xf32>
        tpu.vector_store %arg7[%swap3A_635, %swap3A_636], %swap3A_639 {strides = array<i32>} : memref<128x64xf32, #tpu.memory_space<vmem>>, vector<1x16xf32>,
        %add3A_640 = arith.constant 5 : i32
        %add3A_641 = arith.addi %mul3A_289, %add3A_640 : i32
        %get3A_642 = arith.index_cast %add3A_641 : i32 to index
        %get3A_643 = arith.constant 32 : index
        %get3A_644 = tpu.vector_load %arg7[%get3A_642, %get3A_643] {strides = array<i32>} : memref<128x64xf32, #tpu.memory_space<vmem>>, vector<1x16xf32>,
        %get3A_645 = vector.shape_cast %get3A_644 : vector<1x16xf32> to vector<16xf32>
        %mul3A_646 = arith.constant 3.1622777 : f32
        %mul3A_647 = vector.broadcast %mul3A_646 : f32 to vector<16xf32>
        %mul3A_648 = arith.mulf %get3A_645, %mul3A_647 : vector<16xf32>
        %add3A_649 = arith.constant 5 : i32
        %add3A_650 = arith.addi %mul3A_289, %add3A_649 : i32
        %swap3A_651 = arith.index_cast %add3A_650 : i32 to index
        %swap3A_652 = arith.constant 32 : index
        %swap3A_653 = tpu.vector_load %arg7[%swap3A_651, %swap3A_652] {strides = array<i32>} : memref<128x64xf32, #tpu.memory_space<vmem>>, vector<1x16xf32>,
        %swap3A_654 = vector.shape_cast %swap3A_653 : vector<1x16xf32> to vector<16xf32>
        %swap3A_655 = vector.shape_cast %mul3A_648 : vector<16xf32> to vector<1x16xf32>
        tpu.vector_store %arg7[%swap3A_651, %swap3A_652], %swap3A_655 {strides = array<i32>} : memref<128x64xf32, #tpu.memory_space<vmem>>, vector<1x16xf32>,
        %add3A_656 = arith.constant 5 : i32
        %add3A_657 = arith.addi %mul3A_289, %add3A_656 : i32
        %get3A_658 = arith.index_cast %add3A_657 : i32 to index
        %get3A_659 = arith.constant 48 : index
        %get3A_660 = tpu.vector_load %arg7[%get3A_658, %get3A_659] {strides = array<i32>} : memref<128x64xf32, #tpu.memory_space<vmem>>, vector<1x16xf32>,
        %get3A_661 = vector.shape_cast %get3A_660 : vector<1x16xf32> to vector<16xf32>
        %mul3A_662 = arith.constant 3.1622777 : f32
        %mul3A_663 = vector.broadcast %mul3A_662 : f32 to vector<16xf32>
        %mul3A_664 = arith.mulf %get3A_661, %mul3A_663 : vector<16xf32>
        %add3A_665 = arith.constant 5 : i32
        %add3A_666 = arith.addi %mul3A_289, %add3A_665 : i32
        %swap3A_667 = arith.index_cast %add3A_666 : i32 to index
        %swap3A_668 = arith.constant 48 : index
        %swap3A_669 = tpu.vector_load %arg7[%swap3A_667, %swap3A_668] {strides = array<i32>} : memref<128x64xf32, #tpu.memory_space<vmem>>, vector<1x16xf32>,
        %swap3A_670 = vector.shape_cast %swap3A_669 : vector<1x16xf32> to vector<16xf32>
        %swap3A_671 = vector.shape_cast %mul3A_664 : vector<16xf32> to vector<1x16xf32>
        tpu.vector_store %arg7[%swap3A_667, %swap3A_668], %swap3A_671 {strides = array<i32>} : memref<128x64xf32, #tpu.memory_space<vmem>>, vector<1x16xf32>,
        %add3A_672 = arith.constant 6 : i32
        %add3A_673 = arith.addi %mul3A_289, %add3A_672 : i32
        %get3A_674 = arith.index_cast %add3A_673 : i32 to index
        %get3A_675 = arith.constant 0 : index
        %get3A_676 = tpu.vector_load %arg7[%get3A_674, %get3A_675] {strides = array<i32>} : memref<128x64xf32, #tpu.memory_space<vmem>>, vector<1x16xf32>,
        %get3A_677 = vector.shape_cast %get3A_676 : vector<1x16xf32> to vector<16xf32>
        %mul3A_678 = arith.constant 3.1622777 : f32
        %mul3A_679 = vector.broadcast %mul3A_678 : f32 to vector<16xf32>
        %mul3A_680 = arith.mulf %get3A_677, %mul3A_679 : vector<16xf32>
        %add3A_681 = arith.constant 6 : i32
        %add3A_682 = arith.addi %mul3A_289, %add3A_681 : i32
        %swap3A_683 = arith.index_cast %add3A_682 : i32 to index
        %swap3A_684 = arith.constant 0 : index
        %swap3A_685 = tpu.vector_load %arg7[%swap3A_683, %swap3A_684] {strides = array<i32>} : memref<128x64xf32, #tpu.memory_space<vmem>>, vector<1x16xf32>,
        %swap3A_686 = vector.shape_cast %swap3A_685 : vector<1x16xf32> to vector<16xf32>
        %swap3A_687 = vector.shape_cast %mul3A_680 : vector<16xf32> to vector<1x16xf32>
        tpu.vector_store %arg7[%swap3A_683, %swap3A_684], %swap3A_687 {strides = array<i32>} : memref<128x64xf32, #tpu.memory_space<vmem>>, vector<1x16xf32>,
        %add3A_688 = arith.constant 6 : i32
        %add3A_689 = arith.addi %mul3A_289, %add3A_688 : i32
        %get3A_690 = arith.index_cast %add3A_689 : i32 to index
        %get3A_691 = arith.constant 16 : index
        %get3A_692 = tpu.vector_load %arg7[%get3A_690, %get3A_691] {strides = array<i32>} : memref<128x64xf32, #tpu.memory_space<vmem>>, vector<1x16xf32>,
        %get3A_693 = vector.shape_cast %get3A_692 : vector<1x16xf32> to vector<16xf32>
        %mul3A_694 = arith.constant 3.1622777 : f32
        %mul3A_695 = vector.broadcast %mul3A_694 : f32 to vector<16xf32>
        %mul3A_696 = arith.mulf %get3A_693, %mul3A_695 : vector<16xf32>
        %add3A_697 = arith.constant 6 : i32
        %add3A_698 = arith.addi %mul3A_289, %add3A_697 : i32
        %swap3A_699 = arith.index_cast %add3A_698 : i32 to index
        %swap3A_700 = arith.constant 16 : index
        %swap3A_701 = tpu.vector_load %arg7[%swap3A_699, %swap3A_700] {strides = array<i32>} : memref<128x64xf32, #tpu.memory_space<vmem>>, vector<1x16xf32>,
        %swap3A_702 = vector.shape_cast %swap3A_701 : vector<1x16xf32> to vector<16xf32>
        %swap3A_703 = vector.shape_cast %mul3A_696 : vector<16xf32> to vector<1x16xf32>
        tpu.vector_store %arg7[%swap3A_699, %swap3A_700], %swap3A_703 {strides = array<i32>} : memref<128x64xf32, #tpu.memory_space<vmem>>, vector<1x16xf32>,
        %add3A_704 = arith.constant 6 : i32
        %add3A_705 = arith.addi %mul3A_289, %add3A_704 : i32
        %get3A_706 = arith.index_cast %add3A_705 : i32 to index
        %get3A_707 = arith.constant 32 : index
        %get3A_708 = tpu.vector_load %arg7[%get3A_706, %get3A_707] {strides = array<i32>} : memref<128x64xf32, #tpu.memory_space<vmem>>, vector<1x16xf32>,
        %get3A_709 = vector.shape_cast %get3A_708 : vector<1x16xf32> to vector<16xf32>
        %mul3A_710 = arith.constant 3.1622777 : f32
        %mul3A_711 = vector.broadcast %mul3A_710 : f32 to vector<16xf32>
        %mul3A_712 = arith.mulf %get3A_709, %mul3A_711 : vector<16xf32>
        %add3A_713 = arith.constant 6 : i32
        %add3A_714 = arith.addi %mul3A_289, %add3A_713 : i32
        %swap3A_715 = arith.index_cast %add3A_714 : i32 to index
        %swap3A_716 = arith.constant 32 : index
        %swap3A_717 = tpu.vector_load %arg7[%swap3A_715, %swap3A_716] {strides = array<i32>} : memref<128x64xf32, #tpu.memory_space<vmem>>, vector<1x16xf32>,
        %swap3A_718 = vector.shape_cast %swap3A_717 : vector<1x16xf32> to vector<16xf32>
        %swap3A_719 = vector.shape_cast %mul3A_712 : vector<16xf32> to vector<1x16xf32>
        tpu.vector_store %arg7[%swap3A_715, %swap3A_716], %swap3A_719 {strides = array<i32>} : memref<128x64xf32, #tpu.memory_space<vmem>>, vector<1x16xf32>,
        %add3A_720 = arith.constant 6 : i32
        %add3A_721 = arith.addi %mul3A_289, %add3A_720 : i32
        %get3A_722 = arith.index_cast %add3A_721 : i32 to index
        %get3A_723 = arith.constant 48 : index
        %get3A_724 = tpu.vector_load %arg7[%get3A_722, %get3A_723] {strides = array<i32>} : memref<128x64xf32, #tpu.memory_space<vmem>>, vector<1x16xf32>,
        %get3A_725 = vector.shape_cast %get3A_724 : vector<1x16xf32> to vector<16xf32>
        %mul3A_726 = arith.constant 3.1622777 : f32
        %mul3A_727 = vector.broadcast %mul3A_726 : f32 to vector<16xf32>
        %mul3A_728 = arith.mulf %get3A_725, %mul3A_727 : vector<16xf32>
        %add3A_729 = arith.constant 6 : i32
        %add3A_730 = arith.addi %mul3A_289, %add3A_729 : i32
        %swap3A_731 = arith.index_cast %add3A_730 : i32 to index
        %swap3A_732 = arith.constant 48 : index
        %swap3A_733 = tpu.vector_load %arg7[%swap3A_731, %swap3A_732] {strides = array<i32>} : memref<128x64xf32, #tpu.memory_space<vmem>>, vector<1x16xf32>,
        %swap3A_734 = vector.shape_cast %swap3A_733 : vector<1x16xf32> to vector<16xf32>
        %swap3A_735 = vector.shape_cast %mul3A_728 : vector<16xf32> to vector<1x16xf32>
        tpu.vector_store %arg7[%swap3A_731, %swap3A_732], %swap3A_735 {strides = array<i32>} : memref<128x64xf32, #tpu.memory_space<vmem>>, vector<1x16xf32>,
        %add3A_736 = arith.constant 7 : i32
        %add3A_737 = arith.addi %mul3A_289, %add3A_736 : i32
        %get3A_738 = arith.index_cast %add3A_737 : i32 to index
        %get3A_739 = arith.constant 0 : index
        %get3A_740 = tpu.vector_load %arg7[%get3A_738, %get3A_739] {strides = array<i32>} : memref<128x64xf32, #tpu.memory_space<vmem>>, vector<1x16xf32>,
        %get3A_741 = vector.shape_cast %get3A_740 : vector<1x16xf32> to vector<16xf32>
        %mul3A_742 = arith.constant 3.1622777 : f32
        %mul3A_743 = vector.broadcast %mul3A_742 : f32 to vector<16xf32>
        %mul3A_744 = arith.mulf %get3A_741, %mul3A_743 : vector<16xf32>
        %add3A_745 = arith.constant 7 : i32
        %add3A_746 = arith.addi %mul3A_289, %add3A_745 : i32
        %swap3A_747 = arith.index_cast %add3A_746 : i32 to index
        %swap3A_748 = arith.constant 0 : index
        %swap3A_749 = tpu.vector_load %arg7[%swap3A_747, %swap3A_748] {strides = array<i32>} : memref<128x64xf32, #tpu.memory_space<vmem>>, vector<1x16xf32>,
        %swap3A_750 = vector.shape_cast %swap3A_749 : vector<1x16xf32> to vector<16xf32>
        %swap3A_751 = vector.shape_cast %mul3A_744 : vector<16xf32> to vector<1x16xf32>
        tpu.vector_store %arg7[%swap3A_747, %swap3A_748], %swap3A_751 {strides = array<i32>} : memref<128x64xf32, #tpu.memory_space<vmem>>, vector<1x16xf32>,
        %add3A_752 = arith.constant 7 : i32
        %add3A_753 = arith.addi %mul3A_289, %add3A_752 : i32
        %get3A_754 = arith.index_cast %add3A_753 : i32 to index
        %get3A_755 = arith.constant 16 : index
        %get3A_756 = tpu.vector_load %arg7[%get3A_754, %get3A_755] {strides = array<i32>} : memref<128x64xf32, #tpu.memory_space<vmem>>, vector<1x16xf32>,
        %get3A_757 = vector.shape_cast %get3A_756 : vector<1x16xf32> to vector<16xf32>
        %mul3A_758 = arith.constant 3.1622777 : f32
        %mul3A_759 = vector.broadcast %mul3A_758 : f32 to vector<16xf32>
        %mul3A_760 = arith.mulf %get3A_757, %mul3A_759 : vector<16xf32>
        %add3A_761 = arith.constant 7 : i32
        %add3A_762 = arith.addi %mul3A_289, %add3A_761 : i32
        %swap3A_763 = arith.index_cast %add3A_762 : i32 to index
        %swap3A_764 = arith.constant 16 : index
        %swap3A_765 = tpu.vector_load %arg7[%swap3A_763, %swap3A_764] {strides = array<i32>} : memref<128x64xf32, #tpu.memory_space<vmem>>, vector<1x16xf32>,
        %swap3A_766 = vector.shape_cast %swap3A_765 : vector<1x16xf32> to vector<16xf32>
        %swap3A_767 = vector.shape_cast %mul3A_760 : vector<16xf32> to vector<1x16xf32>
        tpu.vector_store %arg7[%swap3A_763, %swap3A_764], %swap3A_767 {strides = array<i32>} : memref<128x64xf32, #tpu.memory_space<vmem>>, vector<1x16xf32>,
        %add3A_768 = arith.constant 7 : i32
        %add3A_769 = arith.addi %mul3A_289, %add3A_768 : i32
        %get3A_770 = arith.index_cast %add3A_769 : i32 to index
        %get3A_771 = arith.constant 32 : index
        %get3A_772 = tpu.vector_load %arg7[%get3A_770, %get3A_771] {strides = array<i32>} : memref<128x64xf32, #tpu.memory_space<vmem>>, vector<1x16xf32>,
        %get3A_773 = vector.shape_cast %get3A_772 : vector<1x16xf32> to vector<16xf32>
        %mul3A_774 = arith.constant 3.1622777 : f32
        %mul3A_775 = vector.broadcast %mul3A_774 : f32 to vector<16xf32>
        %mul3A_776 = arith.mulf %get3A_773, %mul3A_775 : vector<16xf32>
        %add3A_777 = arith.constant 7 : i32
        %add3A_778 = arith.addi %mul3A_289, %add3A_777 : i32
        %swap3A_779 = arith.index_cast %add3A_778 : i32 to index
        %swap3A_780 = arith.constant 32 : index
        %swap3A_781 = tpu.vector_load %arg7[%swap3A_779, %swap3A_780] {strides = array<i32>} : memref<128x64xf32, #tpu.memory_space<vmem>>, vector<1x16xf32>,
        %swap3A_782 = vector.shape_cast %swap3A_781 : vector<1x16xf32> to vector<16xf32>
        %swap3A_783 = vector.shape_cast %mul3A_776 : vector<16xf32> to vector<1x16xf32>
        tpu.vector_store %arg7[%swap3A_779, %swap3A_780], %swap3A_783 {strides = array<i32>} : memref<128x64xf32, #tpu.memory_space<vmem>>, vector<1x16xf32>,
        %add3A_784 = arith.constant 7 : i32
        %add3A_785 = arith.addi %mul3A_289, %add3A_784 : i32
        %get3A_786 = arith.index_cast %add3A_785 : i32 to index
        %get3A_787 = arith.constant 48 : index
        %get3A_788 = tpu.vector_load %arg7[%get3A_786, %get3A_787] {strides = array<i32>} : memref<128x64xf32, #tpu.memory_space<vmem>>, vector<1x16xf32>,
        %get3A_789 = vector.shape_cast %get3A_788 : vector<1x16xf32> to vector<16xf32>
        %mul3A_790 = arith.constant 3.1622777 : f32
        %mul3A_791 = vector.broadcast %mul3A_790 : f32 to vector<16xf32>
        %mul3A_792 = arith.mulf %get3A_789, %mul3A_791 : vector<16xf32>
        %add3A_793 = arith.constant 7 : i32
        %add3A_794 = arith.addi %mul3A_289, %add3A_793 : i32
        %swap3A_795 = arith.index_cast %add3A_794 : i32 to index
        %swap3A_796 = arith.constant 48 : index
        %swap3A_797 = tpu.vector_load %arg7[%swap3A_795, %swap3A_796] {strides = array<i32>} : memref<128x64xf32, #tpu.memory_space<vmem>>, vector<1x16xf32>,
        %swap3A_798 = vector.shape_cast %swap3A_797 : vector<1x16xf32> to vector<16xf32>
        %swap3A_799 = vector.shape_cast %mul3A_792 : vector<16xf32> to vector<1x16xf32>
        tpu.vector_store %arg7[%swap3A_795, %swap3A_796], %swap3A_799 {strides = array<i32>} : memref<128x64xf32, #tpu.memory_space<vmem>>, vector<1x16xf32>,
      }
      %scan3A_279 = arith.constant 16 : i32
      %add3A_280 = arith.addi %mul3A_2, %add3A_253 : i32
      %mul3A_281 = arith.constant 128 : i32
      %mul3A_282 = arith.muli %add3A_280, %mul3A_281 : i32
      %dma_start3A_283 = arith.constant 0 : i32
      %dma_start3A_284 = tpu.memref_slice %arg4[%mul3A_282, %dma_start3A_283] : memref<819200x64xf32, #tpu.memory_space<hbm>> -> memref<128x64xf32, #tpu.memory_space<hbm>>
      %dma_start3A_285 = arith.constant 0 : i32
      %dma_start3A_286 = tpu.memref_slice %arg4[%mul3A_282, %dma_start3A_285] : memref<819200x64xf32, #tpu.memory_space<hbm>> -> memref<128x64xf32, #tpu.memory_space<hbm>>
      tpu.enqueue_dma source(%arg7 : memref<128x64xf32, #tpu.memory_space<vmem>>) target(%dma_start3A_286 : memref<128x64xf32, #tpu.memory_space<hbm>>) target_semaphore(%arg15 : memref<!tpu.dma_semaphore, #tpu.memory_space<semaphore_mem>>)
    }
    %scan3A_75 = arith.constant 49 : i32
    %dma_wait3A_76 = arith.constant 198 : i32
    %dma_wait3A_77 = arith.constant 0 : i32
    %dma_wait3A_78 = tpu.memref_slice %arg5[%dma_wait3A_76, %dma_wait3A_77] : memref<200x128xi32, #tpu.memory_space<vmem>> -> memref<1x128xi32, #tpu.memory_space<vmem>>
    %dma_wait3A_79 = tpu.memref_squeeze %dma_wait3A_78 : memref<1x128xi32, #tpu.memory_space<vmem>> -> memref<128xi32, #tpu.memory_space<vmem>>
    %dma_wait3A_80 = arith.constant 0 : i32
    %dma_wait3A_81 = arith.constant 0 : i32
    %dma_wait3A_82 = tpu.memref_slice %arg3[%dma_wait3A_80, %dma_wait3A_81] : memref<1000000x64xf32, #tpu.memory_space<hbm>> -> memref<1000000x64xf32, #tpu.memory_space<hbm>>
    tpu.wait_indirect_dma semaphore(%arg12 : memref<!tpu.dma_semaphore, #tpu.memory_space<semaphore_mem>>) src(%dma_wait3A_82 : memref<1000000x64xf32, #tpu.memory_space<hbm>>) dst(%arg8 : memref<128x64xf32, #tpu.memory_space<vmem>>)
    %scan3A_83 = arith.constant 0 : i32
    %scan3A_84 = arith.constant 0 : i32
    %scan3A_85 = arith.constant 16 : i32
    %scan3A_86 = arith.addi %scan3A_84, %scan3A_85 : i32
    %scan3A_87 = arith.constant 1 : i32
    scf.for %scan3A_142 = %scan3A_84 to %scan3A_86 step %scan3A_87  : i32 {
      %mul3A_143 = arith.constant 8 : i32
      %mul3A_144 = arith.muli %scan3A_142, %mul3A_143 : i32
      %add3A_145 = arith.constant 0 : i32
      %add3A_146 = arith.addi %mul3A_144, %add3A_145 : i32
      %get3A = arith.index_cast %add3A_146 : i32 to index
      %get3A_147 = arith.constant 0 : index
      %get3A_148 = tpu.vector_load %arg8[%get3A, %get3A_147] {strides = array<i32>} : memref<128x64xf32, #tpu.memory_space<vmem>>, vector<1x16xf32>,
      %get3A_149 = vector.shape_cast %get3A_148 : vector<1x16xf32> to vector<16xf32>
      %mul3A_150 = arith.constant 3.1622777 : f32
      %mul3A_151 = vector.broadcast %mul3A_150 : f32 to vector<16xf32>
      %mul3A_152 = arith.mulf %get3A_149, %mul3A_151 : vector<16xf32>
      %add3A_153 = arith.constant 0 : i32
      %add3A_154 = arith.addi %mul3A_144, %add3A_153 : i32
      %swap3A = arith.index_cast %add3A_154 : i32 to index
      %swap3A_155 = arith.constant 0 : index
      %swap3A_156 = tpu.vector_load %arg8[%swap3A, %swap3A_155] {strides = array<i32>} : memref<128x64xf32, #tpu.memory_space<vmem>>, vector<1x16xf32>,
      %swap3A_157 = vector.shape_cast %swap3A_156 : vector<1x16xf32> to vector<16xf32>
      %swap3A_158 = vector.shape_cast %mul3A_152 : vector<16xf32> to vector<1x16xf32>
      tpu.vector_store %arg8[%swap3A, %swap3A_155], %swap3A_158 {strides = array<i32>} : memref<128x64xf32, #tpu.memory_space<vmem>>, vector<1x16xf32>,
      %add3A_159 = arith.constant 0 : i32
      %add3A_160 = arith.addi %mul3A_144, %add3A_159 : i32
      %get3A_161 = arith.index_cast %add3A_160 : i32 to index
      %get3A_162 = arith.constant 16 : index
      %get3A_163 = tpu.vector_load %arg8[%get3A_161, %get3A_162] {strides = array<i32>} : memref<128x64xf32, #tpu.memory_space<vmem>>, vector<1x16xf32>,
      %get3A_164 = vector.shape_cast %get3A_163 : vector<1x16xf32> to vector<16xf32>
      %mul3A_165 = arith.constant 3.1622777 : f32
      %mul3A_166 = vector.broadcast %mul3A_165 : f32 to vector<16xf32>
      %mul3A_167 = arith.mulf %get3A_164, %mul3A_166 : vector<16xf32>
      %add3A_168 = arith.constant 0 : i32
      %add3A_169 = arith.addi %mul3A_144, %add3A_168 : i32
      %swap3A_170 = arith.index_cast %add3A_169 : i32 to index
      %swap3A_171 = arith.constant 16 : index
      %swap3A_172 = tpu.vector_load %arg8[%swap3A_170, %swap3A_171] {strides = array<i32>} : memref<128x64xf32, #tpu.memory_space<vmem>>, vector<1x16xf32>,
      %swap3A_173 = vector.shape_cast %swap3A_172 : vector<1x16xf32> to vector<16xf32>
      %swap3A_174 = vector.shape_cast %mul3A_167 : vector<16xf32> to vector<1x16xf32>
      tpu.vector_store %arg8[%swap3A_170, %swap3A_171], %swap3A_174 {strides = array<i32>} : memref<128x64xf32, #tpu.memory_space<vmem>>, vector<1x16xf32>,
      %add3A_175 = arith.constant 0 : i32
      %add3A_176 = arith.addi %mul3A_144, %add3A_175 : i32
      %get3A_177 = arith.index_cast %add3A_176 : i32 to index
      %get3A_178 = arith.constant 32 : index
      %get3A_179 = tpu.vector_load %arg8[%get3A_177, %get3A_178] {strides = array<i32>} : memref<128x64xf32, #tpu.memory_space<vmem>>, vector<1x16xf32>,
      %get3A_180 = vector.shape_cast %get3A_179 : vector<1x16xf32> to vector<16xf32>
      %mul3A_181 = arith.constant 3.1622777 : f32
      %mul3A_182 = vector.broadcast %mul3A_181 : f32 to vector<16xf32>
      %mul3A_183 = arith.mulf %get3A_180, %mul3A_182 : vector<16xf32>
      %add3A_184 = arith.constant 0 : i32
      %add3A_185 = arith.addi %mul3A_144, %add3A_184 : i32
      %swap3A_186 = arith.index_cast %add3A_185 : i32 to index
      %swap3A_187 = arith.constant 32 : index
      %swap3A_188 = tpu.vector_load %arg8[%swap3A_186, %swap3A_187] {strides = array<i32>} : memref<128x64xf32, #tpu.memory_space<vmem>>, vector<1x16xf32>,
      %swap3A_189 = vector.shape_cast %swap3A_188 : vector<1x16xf32> to vector<16xf32>
      %swap3A_190 = vector.shape_cast %mul3A_183 : vector<16xf32> to vector<1x16xf32>
      tpu.vector_store %arg8[%swap3A_186, %swap3A_187], %swap3A_190 {strides = array<i32>} : memref<128x64xf32, #tpu.memory_space<vmem>>, vector<1x16xf32>,
      %add3A_191 = arith.constant 0 : i32
      %add3A_192 = arith.addi %mul3A_144, %add3A_191 : i32
      %get3A_193 = arith.index_cast %add3A_192 : i32 to index
      %get3A_194 = arith.constant 48 : index
      %get3A_195 = tpu.vector_load %arg8[%get3A_193, %get3A_194] {strides = array<i32>} : memref<128x64xf32, #tpu.memory_space<vmem>>, vector<1x16xf32>,
      %get3A_196 = vector.shape_cast %get3A_195 : vector<1x16xf32> to vector<16xf32>
      %mul3A_197 = arith.constant 3.1622777 : f32
      %mul3A_198 = vector.broadcast %mul3A_197 : f32 to vector<16xf32>
      %mul3A_199 = arith.mulf %get3A_196, %mul3A_198 : vector<16xf32>
      %add3A_200 = arith.constant 0 : i32
      %add3A_201 = arith.addi %mul3A_144, %add3A_200 : i32
      %swap3A_202 = arith.index_cast %add3A_201 : i32 to index
      %swap3A_203 = arith.constant 48 : index
      %swap3A_204 = tpu.vector_load %arg8[%swap3A_202, %swap3A_203] {strides = array<i32>} : memref<128x64xf32, #tpu.memory_space<vmem>>, vector<1x16xf32>,
      %swap3A_205 = vector.shape_cast %swap3A_204 : vector<1x16xf32> to vector<16xf32>
      %swap3A_206 = vector.shape_cast %mul3A_199 : vector<16xf32> to vector<1x16xf32>
      tpu.vector_store %arg8[%swap3A_202, %swap3A_203], %swap3A_206 {strides = array<i32>} : memref<128x64xf32, #tpu.memory_space<vmem>>, vector<1x16xf32>,
      %add3A_207 = arith.constant 1 : i32
      %add3A_208 = arith.addi %mul3A_144, %add3A_207 : i32
      %get3A_209 = arith.index_cast %add3A_208 : i32 to index
      %get3A_210 = arith.constant 0 : index
      %get3A_211 = tpu.vector_load %arg8[%get3A_209, %get3A_210] {strides = array<i32>} : memref<128x64xf32, #tpu.memory_space<vmem>>, vector<1x16xf32>,
      %get3A_212 = vector.shape_cast %get3A_211 : vector<1x16xf32> to vector<16xf32>
      %mul3A_213 = arith.constant 3.1622777 : f32
      %mul3A_214 = vector.broadcast %mul3A_213 : f32 to vector<16xf32>
      %mul3A_215 = arith.mulf %get3A_212, %mul3A_214 : vector<16xf32>
      %add3A_216 = arith.constant 1 : i32
      %add3A_217 = arith.addi %mul3A_144, %add3A_216 : i32
      %swap3A_218 = arith.index_cast %add3A_217 : i32 to index
      %swap3A_219 = arith.constant 0 : index
      %swap3A_220 = tpu.vector_load %arg8[%swap3A_218, %swap3A_219] {strides = array<i32>} : memref<128x64xf32, #tpu.memory_space<vmem>>, vector<1x16xf32>,
      %swap3A_221 = vector.shape_cast %swap3A_220 : vector<1x16xf32> to vector<16xf32>
      %swap3A_222 = vector.shape_cast %mul3A_215 : vector<16xf32> to vector<1x16xf32>
      tpu.vector_store %arg8[%swap3A_218, %swap3A_219], %swap3A_222 {strides = array<i32>} : memref<128x64xf32, #tpu.memory_space<vmem>>, vector<1x16xf32>,
      %add3A_223 = arith.constant 1 : i32
      %add3A_224 = arith.addi %mul3A_144, %add3A_223 : i32
      %get3A_225 = arith.index_cast %add3A_224 : i32 to index
      %get3A_226 = arith.constant 16 : index
      %get3A_227 = tpu.vector_load %arg8[%get3A_225, %get3A_226] {strides = array<i32>} : memref<128x64xf32, #tpu.memory_space<vmem>>, vector<1x16xf32>,
      %get3A_228 = vector.shape_cast %get3A_227 : vector<1x16xf32> to vector<16xf32>
      %mul3A_229 = arith.constant 3.1622777 : f32
      %mul3A_230 = vector.broadcast %mul3A_229 : f32 to vector<16xf32>
      %mul3A_231 = arith.mulf %get3A_228, %mul3A_230 : vector<16xf32>
      %add3A_232 = arith.constant 1 : i32
      %add3A_233 = arith.addi %mul3A_144, %add3A_232 : i32
      %swap3A_234 = arith.index_cast %add3A_233 : i32 to index
      %swap3A_235 = arith.constant 16 : index
      %swap3A_236 = tpu.vector_load %arg8[%swap3A_234, %swap3A_235] {strides = array<i32>} : memref<128x64xf32, #tpu.memory_space<vmem>>, vector<1x16xf32>,
      %swap3A_237 = vector.shape_cast %swap3A_236 : vector<1x16xf32> to vector<16xf32>
      %swap3A_238 = vector.shape_cast %mul3A_231 : vector<16xf32> to vector<1x16xf32>
      tpu.vector_store %arg8[%swap3A_234, %swap3A_235], %swap3A_238 {strides = array<i32>} : memref<128x64xf32, #tpu.memory_space<vmem>>, vector<1x16xf32>,
      %add3A_239 = arith.constant 1 : i32
      %add3A_240 = arith.addi %mul3A_144, %add3A_239 : i32
      %get3A_241 = arith.index_cast %add3A_240 : i32 to index
      %get3A_242 = arith.constant 32 : index
      %get3A_243 = tpu.vector_load %arg8[%get3A_241, %get3A_242] {strides = array<i32>} : memref<128x64xf32, #tpu.memory_space<vmem>>, vector<1x16xf32>,
      %get3A_244 = vector.shape_cast %get3A_243 : vector<1x16xf32> to vector<16xf32>
      %mul3A_245 = arith.constant 3.1622777 : f32
      %mul3A_246 = vector.broadcast %mul3A_245 : f32 to vector<16xf32>
      %mul3A_247 = arith.mulf %get3A_244, %mul3A_246 : vector<16xf32>
      %add3A_248 = arith.constant 1 : i32
      %add3A_249 = arith.addi %mul3A_144, %add3A_248 : i32
      %swap3A_250 = arith.index_cast %add3A_249 : i32 to index
      %swap3A_251 = arith.constant 32 : index
      %swap3A_252 = tpu.vector_load %arg8[%swap3A_250, %swap3A_251] {strides = array<i32>} : memref<128x64xf32, #tpu.memory_space<vmem>>, vector<1x16xf32>,
      %swap3A_253 = vector.shape_cast %swap3A_252 : vector<1x16xf32> to vector<16xf32>
      %swap3A_254 = vector.shape_cast %mul3A_247 : vector<16xf32> to vector<1x16xf32>
      tpu.vector_store %arg8[%swap3A_250, %swap3A_251], %swap3A_254 {strides = array<i32>} : memref<128x64xf32, #tpu.memory_space<vmem>>, vector<1x16xf32>,
      %add3A_255 = arith.constant 1 : i32
      %add3A_256 = arith.addi %mul3A_144, %add3A_255 : i32
      %get3A_257 = arith.index_cast %add3A_256 : i32 to index
      %get3A_258 = arith.constant 48 : index
      %get3A_259 = tpu.vector_load %arg8[%get3A_257, %get3A_258] {strides = array<i32>} : memref<128x64xf32, #tpu.memory_space<vmem>>, vector<1x16xf32>,
      %get3A_260 = vector.shape_cast %get3A_259 : vector<1x16xf32> to vector<16xf32>
      %mul3A_261 = arith.constant 3.1622777 : f32
      %mul3A_262 = vector.broadcast %mul3A_261 : f32 to vector<16xf32>
      %mul3A_263 = arith.mulf %get3A_260, %mul3A_262 : vector<16xf32>
      %add3A_264 = arith.constant 1 : i32
      %add3A_265 = arith.addi %mul3A_144, %add3A_264 : i32
      %swap3A_266 = arith.index_cast %add3A_265 : i32 to index
      %swap3A_267 = arith.constant 48 : index
      %swap3A_268 = tpu.vector_load %arg8[%swap3A_266, %swap3A_267] {strides = array<i32>} : memref<128x64xf32, #tpu.memory_space<vmem>>, vector<1x16xf32>,
      %swap3A_269 = vector.shape_cast %swap3A_268 : vector<1x16xf32> to vector<16xf32>
      %swap3A_270 = vector.shape_cast %mul3A_263 : vector<16xf32> to vector<1x16xf32>
      tpu.vector_store %arg8[%swap3A_266, %swap3A_267], %swap3A_270 {strides = array<i32>} : memref<128x64xf32, #tpu.memory_space<vmem>>, vector<1x16xf32>,
      %add3A_271 = arith.constant 2 : i32
      %add3A_272 = arith.addi %mul3A_144, %add3A_271 : i32
      %get3A_273 = arith.index_cast %add3A_272 : i32 to index
      %get3A_274 = arith.constant 0 : index
      %get3A_275 = tpu.vector_load %arg8[%get3A_273, %get3A_274] {strides = array<i32>} : memref<128x64xf32, #tpu.memory_space<vmem>>, vector<1x16xf32>,
      %get3A_276 = vector.shape_cast %get3A_275 : vector<1x16xf32> to vector<16xf32>
      %mul3A_277 = arith.constant 3.1622777 : f32
      %mul3A_278 = vector.broadcast %mul3A_277 : f32 to vector<16xf32>
      %mul3A_279 = arith.mulf %get3A_276, %mul3A_278 : vector<16xf32>
      %add3A_280 = arith.constant 2 : i32
      %add3A_281 = arith.addi %mul3A_144, %add3A_280 : i32
      %swap3A_282 = arith.index_cast %add3A_281 : i32 to index
      %swap3A_283 = arith.constant 0 : index
      %swap3A_284 = tpu.vector_load %arg8[%swap3A_282, %swap3A_283] {strides = array<i32>} : memref<128x64xf32, #tpu.memory_space<vmem>>, vector<1x16xf32>,
      %swap3A_285 = vector.shape_cast %swap3A_284 : vector<1x16xf32> to vector<16xf32>
      %swap3A_286 = vector.shape_cast %mul3A_279 : vector<16xf32> to vector<1x16xf32>
      tpu.vector_store %arg8[%swap3A_282, %swap3A_283], %swap3A_286 {strides = array<i32>} : memref<128x64xf32, #tpu.memory_space<vmem>>, vector<1x16xf32>,
      %add3A_287 = arith.constant 2 : i32
      %add3A_288 = arith.addi %mul3A_144, %add3A_287 : i32
      %get3A_289 = arith.index_cast %add3A_288 : i32 to index
      %get3A_290 = arith.constant 16 : index
      %get3A_291 = tpu.vector_load %arg8[%get3A_289, %get3A_290] {strides = array<i32>} : memref<128x64xf32, #tpu.memory_space<vmem>>, vector<1x16xf32>,
      %get3A_292 = vector.shape_cast %get3A_291 : vector<1x16xf32> to vector<16xf32>
      %mul3A_293 = arith.constant 3.1622777 : f32
      %mul3A_294 = vector.broadcast %mul3A_293 : f32 to vector<16xf32>
      %mul3A_295 = arith.mulf %get3A_292, %mul3A_294 : vector<16xf32>
      %add3A_296 = arith.constant 2 : i32
      %add3A_297 = arith.addi %mul3A_144, %add3A_296 : i32
      %swap3A_298 = arith.index_cast %add3A_297 : i32 to index
      %swap3A_299 = arith.constant 16 : index
      %swap3A_300 = tpu.vector_load %arg8[%swap3A_298, %swap3A_299] {strides = array<i32>} : memref<128x64xf32, #tpu.memory_space<vmem>>, vector<1x16xf32>,
      %swap3A_301 = vector.shape_cast %swap3A_300 : vector<1x16xf32> to vector<16xf32>
      %swap3A_302 = vector.shape_cast %mul3A_295 : vector<16xf32> to vector<1x16xf32>
      tpu.vector_store %arg8[%swap3A_298, %swap3A_299], %swap3A_302 {strides = array<i32>} : memref<128x64xf32, #tpu.memory_space<vmem>>, vector<1x16xf32>,
      %add3A_303 = arith.constant 2 : i32
      %add3A_304 = arith.addi %mul3A_144, %add3A_303 : i32
      %get3A_305 = arith.index_cast %add3A_304 : i32 to index
      %get3A_306 = arith.constant 32 : index
      %get3A_307 = tpu.vector_load %arg8[%get3A_305, %get3A_306] {strides = array<i32>} : memref<128x64xf32, #tpu.memory_space<vmem>>, vector<1x16xf32>,
      %get3A_308 = vector.shape_cast %get3A_307 : vector<1x16xf32> to vector<16xf32>
      %mul3A_309 = arith.constant 3.1622777 : f32
      %mul3A_310 = vector.broadcast %mul3A_309 : f32 to vector<16xf32>
      %mul3A_311 = arith.mulf %get3A_308, %mul3A_310 : vector<16xf32>
      %add3A_312 = arith.constant 2 : i32
      %add3A_313 = arith.addi %mul3A_144, %add3A_312 : i32
      %swap3A_314 = arith.index_cast %add3A_313 : i32 to index
      %swap3A_315 = arith.constant 32 : index
      %swap3A_316 = tpu.vector_load %arg8[%swap3A_314, %swap3A_315] {strides = array<i32>} : memref<128x64xf32, #tpu.memory_space<vmem>>, vector<1x16xf32>,
      %swap3A_317 = vector.shape_cast %swap3A_316 : vector<1x16xf32> to vector<16xf32>
      %swap3A_318 = vector.shape_cast %mul3A_311 : vector<16xf32> to vector<1x16xf32>
      tpu.vector_store %arg8[%swap3A_314, %swap3A_315], %swap3A_318 {strides = array<i32>} : memref<128x64xf32, #tpu.memory_space<vmem>>, vector<1x16xf32>,
      %add3A_319 = arith.constant 2 : i32
      %add3A_320 = arith.addi %mul3A_144, %add3A_319 : i32
      %get3A_321 = arith.index_cast %add3A_320 : i32 to index
      %get3A_322 = arith.constant 48 : index
      %get3A_323 = tpu.vector_load %arg8[%get3A_321, %get3A_322] {strides = array<i32>} : memref<128x64xf32, #tpu.memory_space<vmem>>, vector<1x16xf32>,
      %get3A_324 = vector.shape_cast %get3A_323 : vector<1x16xf32> to vector<16xf32>
      %mul3A_325 = arith.constant 3.1622777 : f32
      %mul3A_326 = vector.broadcast %mul3A_325 : f32 to vector<16xf32>
      %mul3A_327 = arith.mulf %get3A_324, %mul3A_326 : vector<16xf32>
      %add3A_328 = arith.constant 2 : i32
      %add3A_329 = arith.addi %mul3A_144, %add3A_328 : i32
      %swap3A_330 = arith.index_cast %add3A_329 : i32 to index
      %swap3A_331 = arith.constant 48 : index
      %swap3A_332 = tpu.vector_load %arg8[%swap3A_330, %swap3A_331] {strides = array<i32>} : memref<128x64xf32, #tpu.memory_space<vmem>>, vector<1x16xf32>,
      %swap3A_333 = vector.shape_cast %swap3A_332 : vector<1x16xf32> to vector<16xf32>
      %swap3A_334 = vector.shape_cast %mul3A_327 : vector<16xf32> to vector<1x16xf32>
      tpu.vector_store %arg8[%swap3A_330, %swap3A_331], %swap3A_334 {strides = array<i32>} : memref<128x64xf32, #tpu.memory_space<vmem>>, vector<1x16xf32>,
      %add3A_335 = arith.constant 3 : i32
      %add3A_336 = arith.addi %mul3A_144, %add3A_335 : i32
      %get3A_337 = arith.index_cast %add3A_336 : i32 to index
      %get3A_338 = arith.constant 0 : index
      %get3A_339 = tpu.vector_load %arg8[%get3A_337, %get3A_338] {strides = array<i32>} : memref<128x64xf32, #tpu.memory_space<vmem>>, vector<1x16xf32>,
      %get3A_340 = vector.shape_cast %get3A_339 : vector<1x16xf32> to vector<16xf32>
      %mul3A_341 = arith.constant 3.1622777 : f32
      %mul3A_342 = vector.broadcast %mul3A_341 : f32 to vector<16xf32>
      %mul3A_343 = arith.mulf %get3A_340, %mul3A_342 : vector<16xf32>
      %add3A_344 = arith.constant 3 : i32
      %add3A_345 = arith.addi %mul3A_144, %add3A_344 : i32
      %swap3A_346 = arith.index_cast %add3A_345 : i32 to index
      %swap3A_347 = arith.constant 0 : index
      %swap3A_348 = tpu.vector_load %arg8[%swap3A_346, %swap3A_347] {strides = array<i32>} : memref<128x64xf32, #tpu.memory_space<vmem>>, vector<1x16xf32>,
      %swap3A_349 = vector.shape_cast %swap3A_348 : vector<1x16xf32> to vector<16xf32>
      %swap3A_350 = vector.shape_cast %mul3A_343 : vector<16xf32> to vector<1x16xf32>
      tpu.vector_store %arg8[%swap3A_346, %swap3A_347], %swap3A_350 {strides = array<i32>} : memref<128x64xf32, #tpu.memory_space<vmem>>, vector<1x16xf32>,
      %add3A_351 = arith.constant 3 : i32
      %add3A_352 = arith.addi %mul3A_144, %add3A_351 : i32
      %get3A_353 = arith.index_cast %add3A_352 : i32 to index
      %get3A_354 = arith.constant 16 : index
      %get3A_355 = tpu.vector_load %arg8[%get3A_353, %get3A_354] {strides = array<i32>} : memref<128x64xf32, #tpu.memory_space<vmem>>, vector<1x16xf32>,
      %get3A_356 = vector.shape_cast %get3A_355 : vector<1x16xf32> to vector<16xf32>
      %mul3A_357 = arith.constant 3.1622777 : f32
      %mul3A_358 = vector.broadcast %mul3A_357 : f32 to vector<16xf32>
      %mul3A_359 = arith.mulf %get3A_356, %mul3A_358 : vector<16xf32>
      %add3A_360 = arith.constant 3 : i32
      %add3A_361 = arith.addi %mul3A_144, %add3A_360 : i32
      %swap3A_362 = arith.index_cast %add3A_361 : i32 to index
      %swap3A_363 = arith.constant 16 : index
      %swap3A_364 = tpu.vector_load %arg8[%swap3A_362, %swap3A_363] {strides = array<i32>} : memref<128x64xf32, #tpu.memory_space<vmem>>, vector<1x16xf32>,
      %swap3A_365 = vector.shape_cast %swap3A_364 : vector<1x16xf32> to vector<16xf32>
      %swap3A_366 = vector.shape_cast %mul3A_359 : vector<16xf32> to vector<1x16xf32>
      tpu.vector_store %arg8[%swap3A_362, %swap3A_363], %swap3A_366 {strides = array<i32>} : memref<128x64xf32, #tpu.memory_space<vmem>>, vector<1x16xf32>,
      %add3A_367 = arith.constant 3 : i32
      %add3A_368 = arith.addi %mul3A_144, %add3A_367 : i32
      %get3A_369 = arith.index_cast %add3A_368 : i32 to index
      %get3A_370 = arith.constant 32 : index
      %get3A_371 = tpu.vector_load %arg8[%get3A_369, %get3A_370] {strides = array<i32>} : memref<128x64xf32, #tpu.memory_space<vmem>>, vector<1x16xf32>,
      %get3A_372 = vector.shape_cast %get3A_371 : vector<1x16xf32> to vector<16xf32>
      %mul3A_373 = arith.constant 3.1622777 : f32
      %mul3A_374 = vector.broadcast %mul3A_373 : f32 to vector<16xf32>
      %mul3A_375 = arith.mulf %get3A_372, %mul3A_374 : vector<16xf32>
      %add3A_376 = arith.constant 3 : i32
      %add3A_377 = arith.addi %mul3A_144, %add3A_376 : i32
      %swap3A_378 = arith.index_cast %add3A_377 : i32 to index
      %swap3A_379 = arith.constant 32 : index
      %swap3A_380 = tpu.vector_load %arg8[%swap3A_378, %swap3A_379] {strides = array<i32>} : memref<128x64xf32, #tpu.memory_space<vmem>>, vector<1x16xf32>,
      %swap3A_381 = vector.shape_cast %swap3A_380 : vector<1x16xf32> to vector<16xf32>
      %swap3A_382 = vector.shape_cast %mul3A_375 : vector<16xf32> to vector<1x16xf32>
      tpu.vector_store %arg8[%swap3A_378, %swap3A_379], %swap3A_382 {strides = array<i32>} : memref<128x64xf32, #tpu.memory_space<vmem>>, vector<1x16xf32>,
      %add3A_383 = arith.constant 3 : i32
      %add3A_384 = arith.addi %mul3A_144, %add3A_383 : i32
      %get3A_385 = arith.index_cast %add3A_384 : i32 to index
      %get3A_386 = arith.constant 48 : index
      %get3A_387 = tpu.vector_load %arg8[%get3A_385, %get3A_386] {strides = array<i32>} : memref<128x64xf32, #tpu.memory_space<vmem>>, vector<1x16xf32>,
      %get3A_388 = vector.shape_cast %get3A_387 : vector<1x16xf32> to vector<16xf32>
      %mul3A_389 = arith.constant 3.1622777 : f32
      %mul3A_390 = vector.broadcast %mul3A_389 : f32 to vector<16xf32>
      %mul3A_391 = arith.mulf %get3A_388, %mul3A_390 : vector<16xf32>
      %add3A_392 = arith.constant 3 : i32
      %add3A_393 = arith.addi %mul3A_144, %add3A_392 : i32
      %swap3A_394 = arith.index_cast %add3A_393 : i32 to index
      %swap3A_395 = arith.constant 48 : index
      %swap3A_396 = tpu.vector_load %arg8[%swap3A_394, %swap3A_395] {strides = array<i32>} : memref<128x64xf32, #tpu.memory_space<vmem>>, vector<1x16xf32>,
      %swap3A_397 = vector.shape_cast %swap3A_396 : vector<1x16xf32> to vector<16xf32>
      %swap3A_398 = vector.shape_cast %mul3A_391 : vector<16xf32> to vector<1x16xf32>
      tpu.vector_store %arg8[%swap3A_394, %swap3A_395], %swap3A_398 {strides = array<i32>} : memref<128x64xf32, #tpu.memory_space<vmem>>, vector<1x16xf32>,
      %add3A_399 = arith.constant 4 : i32
      %add3A_400 = arith.addi %mul3A_144, %add3A_399 : i32
      %get3A_401 = arith.index_cast %add3A_400 : i32 to index
      %get3A_402 = arith.constant 0 : index
      %get3A_403 = tpu.vector_load %arg8[%get3A_401, %get3A_402] {strides = array<i32>} : memref<128x64xf32, #tpu.memory_space<vmem>>, vector<1x16xf32>,
      %get3A_404 = vector.shape_cast %get3A_403 : vector<1x16xf32> to vector<16xf32>
      %mul3A_405 = arith.constant 3.1622777 : f32
      %mul3A_406 = vector.broadcast %mul3A_405 : f32 to vector<16xf32>
      %mul3A_407 = arith.mulf %get3A_404, %mul3A_406 : vector<16xf32>
      %add3A_408 = arith.constant 4 : i32
      %add3A_409 = arith.addi %mul3A_144, %add3A_408 : i32
      %swap3A_410 = arith.index_cast %add3A_409 : i32 to index
      %swap3A_411 = arith.constant 0 : index
      %swap3A_412 = tpu.vector_load %arg8[%swap3A_410, %swap3A_411] {strides = array<i32>} : memref<128x64xf32, #tpu.memory_space<vmem>>, vector<1x16xf32>,
      %swap3A_413 = vector.shape_cast %swap3A_412 : vector<1x16xf32> to vector<16xf32>
      %swap3A_414 = vector.shape_cast %mul3A_407 : vector<16xf32> to vector<1x16xf32>
      tpu.vector_store %arg8[%swap3A_410, %swap3A_411], %swap3A_414 {strides = array<i32>} : memref<128x64xf32, #tpu.memory_space<vmem>>, vector<1x16xf32>,
      %add3A_415 = arith.constant 4 : i32
      %add3A_416 = arith.addi %mul3A_144, %add3A_415 : i32
      %get3A_417 = arith.index_cast %add3A_416 : i32 to index
      %get3A_418 = arith.constant 16 : index
      %get3A_419 = tpu.vector_load %arg8[%get3A_417, %get3A_418] {strides = array<i32>} : memref<128x64xf32, #tpu.memory_space<vmem>>, vector<1x16xf32>,
      %get3A_420 = vector.shape_cast %get3A_419 : vector<1x16xf32> to vector<16xf32>
      %mul3A_421 = arith.constant 3.1622777 : f32
      %mul3A_422 = vector.broadcast %mul3A_421 : f32 to vector<16xf32>
      %mul3A_423 = arith.mulf %get3A_420, %mul3A_422 : vector<16xf32>
      %add3A_424 = arith.constant 4 : i32
      %add3A_425 = arith.addi %mul3A_144, %add3A_424 : i32
      %swap3A_426 = arith.index_cast %add3A_425 : i32 to index
      %swap3A_427 = arith.constant 16 : index
      %swap3A_428 = tpu.vector_load %arg8[%swap3A_426, %swap3A_427] {strides = array<i32>} : memref<128x64xf32, #tpu.memory_space<vmem>>, vector<1x16xf32>,
      %swap3A_429 = vector.shape_cast %swap3A_428 : vector<1x16xf32> to vector<16xf32>
      %swap3A_430 = vector.shape_cast %mul3A_423 : vector<16xf32> to vector<1x16xf32>
      tpu.vector_store %arg8[%swap3A_426, %swap3A_427], %swap3A_430 {strides = array<i32>} : memref<128x64xf32, #tpu.memory_space<vmem>>, vector<1x16xf32>,
      %add3A_431 = arith.constant 4 : i32
      %add3A_432 = arith.addi %mul3A_144, %add3A_431 : i32
      %get3A_433 = arith.index_cast %add3A_432 : i32 to index
      %get3A_434 = arith.constant 32 : index
      %get3A_435 = tpu.vector_load %arg8[%get3A_433, %get3A_434] {strides = array<i32>} : memref<128x64xf32, #tpu.memory_space<vmem>>, vector<1x16xf32>,
      %get3A_436 = vector.shape_cast %get3A_435 : vector<1x16xf32> to vector<16xf32>
      %mul3A_437 = arith.constant 3.1622777 : f32
      %mul3A_438 = vector.broadcast %mul3A_437 : f32 to vector<16xf32>
      %mul3A_439 = arith.mulf %get3A_436, %mul3A_438 : vector<16xf32>
      %add3A_440 = arith.constant 4 : i32
      %add3A_441 = arith.addi %mul3A_144, %add3A_440 : i32
      %swap3A_442 = arith.index_cast %add3A_441 : i32 to index
      %swap3A_443 = arith.constant 32 : index
      %swap3A_444 = tpu.vector_load %arg8[%swap3A_442, %swap3A_443] {strides = array<i32>} : memref<128x64xf32, #tpu.memory_space<vmem>>, vector<1x16xf32>,
      %swap3A_445 = vector.shape_cast %swap3A_444 : vector<1x16xf32> to vector<16xf32>
      %swap3A_446 = vector.shape_cast %mul3A_439 : vector<16xf32> to vector<1x16xf32>
      tpu.vector_store %arg8[%swap3A_442, %swap3A_443], %swap3A_446 {strides = array<i32>} : memref<128x64xf32, #tpu.memory_space<vmem>>, vector<1x16xf32>,
      %add3A_447 = arith.constant 4 : i32
      %add3A_448 = arith.addi %mul3A_144, %add3A_447 : i32
      %get3A_449 = arith.index_cast %add3A_448 : i32 to index
      %get3A_450 = arith.constant 48 : index
      %get3A_451 = tpu.vector_load %arg8[%get3A_449, %get3A_450] {strides = array<i32>} : memref<128x64xf32, #tpu.memory_space<vmem>>, vector<1x16xf32>,
      %get3A_452 = vector.shape_cast %get3A_451 : vector<1x16xf32> to vector<16xf32>
      %mul3A_453 = arith.constant 3.1622777 : f32
      %mul3A_454 = vector.broadcast %mul3A_453 : f32 to vector<16xf32>
      %mul3A_455 = arith.mulf %get3A_452, %mul3A_454 : vector<16xf32>
      %add3A_456 = arith.constant 4 : i32
      %add3A_457 = arith.addi %mul3A_144, %add3A_456 : i32
      %swap3A_458 = arith.index_cast %add3A_457 : i32 to index
      %swap3A_459 = arith.constant 48 : index
      %swap3A_460 = tpu.vector_load %arg8[%swap3A_458, %swap3A_459] {strides = array<i32>} : memref<128x64xf32, #tpu.memory_space<vmem>>, vector<1x16xf32>,
      %swap3A_461 = vector.shape_cast %swap3A_460 : vector<1x16xf32> to vector<16xf32>
      %swap3A_462 = vector.shape_cast %mul3A_455 : vector<16xf32> to vector<1x16xf32>
      tpu.vector_store %arg8[%swap3A_458, %swap3A_459], %swap3A_462 {strides = array<i32>} : memref<128x64xf32, #tpu.memory_space<vmem>>, vector<1x16xf32>,
      %add3A_463 = arith.constant 5 : i32
      %add3A_464 = arith.addi %mul3A_144, %add3A_463 : i32
      %get3A_465 = arith.index_cast %add3A_464 : i32 to index
      %get3A_466 = arith.constant 0 : index
      %get3A_467 = tpu.vector_load %arg8[%get3A_465, %get3A_466] {strides = array<i32>} : memref<128x64xf32, #tpu.memory_space<vmem>>, vector<1x16xf32>,
      %get3A_468 = vector.shape_cast %get3A_467 : vector<1x16xf32> to vector<16xf32>
      %mul3A_469 = arith.constant 3.1622777 : f32
      %mul3A_470 = vector.broadcast %mul3A_469 : f32 to vector<16xf32>
      %mul3A_471 = arith.mulf %get3A_468, %mul3A_470 : vector<16xf32>
      %add3A_472 = arith.constant 5 : i32
      %add3A_473 = arith.addi %mul3A_144, %add3A_472 : i32
      %swap3A_474 = arith.index_cast %add3A_473 : i32 to index
      %swap3A_475 = arith.constant 0 : index
      %swap3A_476 = tpu.vector_load %arg8[%swap3A_474, %swap3A_475] {strides = array<i32>} : memref<128x64xf32, #tpu.memory_space<vmem>>, vector<1x16xf32>,
      %swap3A_477 = vector.shape_cast %swap3A_476 : vector<1x16xf32> to vector<16xf32>
      %swap3A_478 = vector.shape_cast %mul3A_471 : vector<16xf32> to vector<1x16xf32>
      tpu.vector_store %arg8[%swap3A_474, %swap3A_475], %swap3A_478 {strides = array<i32>} : memref<128x64xf32, #tpu.memory_space<vmem>>, vector<1x16xf32>,
      %add3A_479 = arith.constant 5 : i32
      %add3A_480 = arith.addi %mul3A_144, %add3A_479 : i32
      %get3A_481 = arith.index_cast %add3A_480 : i32 to index
      %get3A_482 = arith.constant 16 : index
      %get3A_483 = tpu.vector_load %arg8[%get3A_481, %get3A_482] {strides = array<i32>} : memref<128x64xf32, #tpu.memory_space<vmem>>, vector<1x16xf32>,
      %get3A_484 = vector.shape_cast %get3A_483 : vector<1x16xf32> to vector<16xf32>
      %mul3A_485 = arith.constant 3.1622777 : f32
      %mul3A_486 = vector.broadcast %mul3A_485 : f32 to vector<16xf32>
      %mul3A_487 = arith.mulf %get3A_484, %mul3A_486 : vector<16xf32>
      %add3A_488 = arith.constant 5 : i32
      %add3A_489 = arith.addi %mul3A_144, %add3A_488 : i32
      %swap3A_490 = arith.index_cast %add3A_489 : i32 to index
      %swap3A_491 = arith.constant 16 : index
      %swap3A_492 = tpu.vector_load %arg8[%swap3A_490, %swap3A_491] {strides = array<i32>} : memref<128x64xf32, #tpu.memory_space<vmem>>, vector<1x16xf32>,
      %swap3A_493 = vector.shape_cast %swap3A_492 : vector<1x16xf32> to vector<16xf32>
      %swap3A_494 = vector.shape_cast %mul3A_487 : vector<16xf32> to vector<1x16xf32>
      tpu.vector_store %arg8[%swap3A_490, %swap3A_491], %swap3A_494 {strides = array<i32>} : memref<128x64xf32, #tpu.memory_space<vmem>>, vector<1x16xf32>,
      %add3A_495 = arith.constant 5 : i32
      %add3A_496 = arith.addi %mul3A_144, %add3A_495 : i32
      %get3A_497 = arith.index_cast %add3A_496 : i32 to index
      %get3A_498 = arith.constant 32 : index
      %get3A_499 = tpu.vector_load %arg8[%get3A_497, %get3A_498] {strides = array<i32>} : memref<128x64xf32, #tpu.memory_space<vmem>>, vector<1x16xf32>,
      %get3A_500 = vector.shape_cast %get3A_499 : vector<1x16xf32> to vector<16xf32>
      %mul3A_501 = arith.constant 3.1622777 : f32
      %mul3A_502 = vector.broadcast %mul3A_501 : f32 to vector<16xf32>
      %mul3A_503 = arith.mulf %get3A_500, %mul3A_502 : vector<16xf32>
      %add3A_504 = arith.constant 5 : i32
      %add3A_505 = arith.addi %mul3A_144, %add3A_504 : i32
      %swap3A_506 = arith.index_cast %add3A_505 : i32 to index
      %swap3A_507 = arith.constant 32 : index
      %swap3A_508 = tpu.vector_load %arg8[%swap3A_506, %swap3A_507] {strides = array<i32>} : memref<128x64xf32, #tpu.memory_space<vmem>>, vector<1x16xf32>,
      %swap3A_509 = vector.shape_cast %swap3A_508 : vector<1x16xf32> to vector<16xf32>
      %swap3A_510 = vector.shape_cast %mul3A_503 : vector<16xf32> to vector<1x16xf32>
      tpu.vector_store %arg8[%swap3A_506, %swap3A_507], %swap3A_510 {strides = array<i32>} : memref<128x64xf32, #tpu.memory_space<vmem>>, vector<1x16xf32>,
      %add3A_511 = arith.constant 5 : i32
      %add3A_512 = arith.addi %mul3A_144, %add3A_511 : i32
      %get3A_513 = arith.index_cast %add3A_512 : i32 to index
      %get3A_514 = arith.constant 48 : index
      %get3A_515 = tpu.vector_load %arg8[%get3A_513, %get3A_514] {strides = array<i32>} : memref<128x64xf32, #tpu.memory_space<vmem>>, vector<1x16xf32>,
      %get3A_516 = vector.shape_cast %get3A_515 : vector<1x16xf32> to vector<16xf32>
      %mul3A_517 = arith.constant 3.1622777 : f32
      %mul3A_518 = vector.broadcast %mul3A_517 : f32 to vector<16xf32>
      %mul3A_519 = arith.mulf %get3A_516, %mul3A_518 : vector<16xf32>
      %add3A_520 = arith.constant 5 : i32
      %add3A_521 = arith.addi %mul3A_144, %add3A_520 : i32
      %swap3A_522 = arith.index_cast %add3A_521 : i32 to index
      %swap3A_523 = arith.constant 48 : index
      %swap3A_524 = tpu.vector_load %arg8[%swap3A_522, %swap3A_523] {strides = array<i32>} : memref<128x64xf32, #tpu.memory_space<vmem>>, vector<1x16xf32>,
      %swap3A_525 = vector.shape_cast %swap3A_524 : vector<1x16xf32> to vector<16xf32>
      %swap3A_526 = vector.shape_cast %mul3A_519 : vector<16xf32> to vector<1x16xf32>
      tpu.vector_store %arg8[%swap3A_522, %swap3A_523], %swap3A_526 {strides = array<i32>} : memref<128x64xf32, #tpu.memory_space<vmem>>, vector<1x16xf32>,
      %add3A_527 = arith.constant 6 : i32
      %add3A_528 = arith.addi %mul3A_144, %add3A_527 : i32
      %get3A_529 = arith.index_cast %add3A_528 : i32 to index
      %get3A_530 = arith.constant 0 : index
      %get3A_531 = tpu.vector_load %arg8[%get3A_529, %get3A_530] {strides = array<i32>} : memref<128x64xf32, #tpu.memory_space<vmem>>, vector<1x16xf32>,
      %get3A_532 = vector.shape_cast %get3A_531 : vector<1x16xf32> to vector<16xf32>
      %mul3A_533 = arith.constant 3.1622777 : f32
      %mul3A_534 = vector.broadcast %mul3A_533 : f32 to vector<16xf32>
      %mul3A_535 = arith.mulf %get3A_532, %mul3A_534 : vector<16xf32>
      %add3A_536 = arith.constant 6 : i32
      %add3A_537 = arith.addi %mul3A_144, %add3A_536 : i32
      %swap3A_538 = arith.index_cast %add3A_537 : i32 to index
      %swap3A_539 = arith.constant 0 : index
      %swap3A_540 = tpu.vector_load %arg8[%swap3A_538, %swap3A_539] {strides = array<i32>} : memref<128x64xf32, #tpu.memory_space<vmem>>, vector<1x16xf32>,
      %swap3A_541 = vector.shape_cast %swap3A_540 : vector<1x16xf32> to vector<16xf32>
      %swap3A_542 = vector.shape_cast %mul3A_535 : vector<16xf32> to vector<1x16xf32>
      tpu.vector_store %arg8[%swap3A_538, %swap3A_539], %swap3A_542 {strides = array<i32>} : memref<128x64xf32, #tpu.memory_space<vmem>>, vector<1x16xf32>,
      %add3A_543 = arith.constant 6 : i32
      %add3A_544 = arith.addi %mul3A_144, %add3A_543 : i32
      %get3A_545 = arith.index_cast %add3A_544 : i32 to index
      %get3A_546 = arith.constant 16 : index
      %get3A_547 = tpu.vector_load %arg8[%get3A_545, %get3A_546] {strides = array<i32>} : memref<128x64xf32, #tpu.memory_space<vmem>>, vector<1x16xf32>,
      %get3A_548 = vector.shape_cast %get3A_547 : vector<1x16xf32> to vector<16xf32>
      %mul3A_549 = arith.constant 3.1622777 : f32
      %mul3A_550 = vector.broadcast %mul3A_549 : f32 to vector<16xf32>
      %mul3A_551 = arith.mulf %get3A_548, %mul3A_550 : vector<16xf32>
      %add3A_552 = arith.constant 6 : i32
      %add3A_553 = arith.addi %mul3A_144, %add3A_552 : i32
      %swap3A_554 = arith.index_cast %add3A_553 : i32 to index
      %swap3A_555 = arith.constant 16 : index
      %swap3A_556 = tpu.vector_load %arg8[%swap3A_554, %swap3A_555] {strides = array<i32>} : memref<128x64xf32, #tpu.memory_space<vmem>>, vector<1x16xf32>,
      %swap3A_557 = vector.shape_cast %swap3A_556 : vector<1x16xf32> to vector<16xf32>
      %swap3A_558 = vector.shape_cast %mul3A_551 : vector<16xf32> to vector<1x16xf32>
      tpu.vector_store %arg8[%swap3A_554, %swap3A_555], %swap3A_558 {strides = array<i32>} : memref<128x64xf32, #tpu.memory_space<vmem>>, vector<1x16xf32>,
      %add3A_559 = arith.constant 6 : i32
      %add3A_560 = arith.addi %mul3A_144, %add3A_559 : i32
      %get3A_561 = arith.index_cast %add3A_560 : i32 to index
      %get3A_562 = arith.constant 32 : index
      %get3A_563 = tpu.vector_load %arg8[%get3A_561, %get3A_562] {strides = array<i32>} : memref<128x64xf32, #tpu.memory_space<vmem>>, vector<1x16xf32>,
      %get3A_564 = vector.shape_cast %get3A_563 : vector<1x16xf32> to vector<16xf32>
      %mul3A_565 = arith.constant 3.1622777 : f32
      %mul3A_566 = vector.broadcast %mul3A_565 : f32 to vector<16xf32>
      %mul3A_567 = arith.mulf %get3A_564, %mul3A_566 : vector<16xf32>
      %add3A_568 = arith.constant 6 : i32
      %add3A_569 = arith.addi %mul3A_144, %add3A_568 : i32
      %swap3A_570 = arith.index_cast %add3A_569 : i32 to index
      %swap3A_571 = arith.constant 32 : index
      %swap3A_572 = tpu.vector_load %arg8[%swap3A_570, %swap3A_571] {strides = array<i32>} : memref<128x64xf32, #tpu.memory_space<vmem>>, vector<1x16xf32>,
      %swap3A_573 = vector.shape_cast %swap3A_572 : vector<1x16xf32> to vector<16xf32>
      %swap3A_574 = vector.shape_cast %mul3A_567 : vector<16xf32> to vector<1x16xf32>
      tpu.vector_store %arg8[%swap3A_570, %swap3A_571], %swap3A_574 {strides = array<i32>} : memref<128x64xf32, #tpu.memory_space<vmem>>, vector<1x16xf32>,
      %add3A_575 = arith.constant 6 : i32
      %add3A_576 = arith.addi %mul3A_144, %add3A_575 : i32
      %get3A_577 = arith.index_cast %add3A_576 : i32 to index
      %get3A_578 = arith.constant 48 : index
      %get3A_579 = tpu.vector_load %arg8[%get3A_577, %get3A_578] {strides = array<i32>} : memref<128x64xf32, #tpu.memory_space<vmem>>, vector<1x16xf32>,
      %get3A_580 = vector.shape_cast %get3A_579 : vector<1x16xf32> to vector<16xf32>
      %mul3A_581 = arith.constant 3.1622777 : f32
      %mul3A_582 = vector.broadcast %mul3A_581 : f32 to vector<16xf32>
      %mul3A_583 = arith.mulf %get3A_580, %mul3A_582 : vector<16xf32>
      %add3A_584 = arith.constant 6 : i32
      %add3A_585 = arith.addi %mul3A_144, %add3A_584 : i32
      %swap3A_586 = arith.index_cast %add3A_585 : i32 to index
      %swap3A_587 = arith.constant 48 : index
      %swap3A_588 = tpu.vector_load %arg8[%swap3A_586, %swap3A_587] {strides = array<i32>} : memref<128x64xf32, #tpu.memory_space<vmem>>, vector<1x16xf32>,
      %swap3A_589 = vector.shape_cast %swap3A_588 : vector<1x16xf32> to vector<16xf32>
      %swap3A_590 = vector.shape_cast %mul3A_583 : vector<16xf32> to vector<1x16xf32>
      tpu.vector_store %arg8[%swap3A_586, %swap3A_587], %swap3A_590 {strides = array<i32>} : memref<128x64xf32, #tpu.memory_space<vmem>>, vector<1x16xf32>,
      %add3A_591 = arith.constant 7 : i32
      %add3A_592 = arith.addi %mul3A_144, %add3A_591 : i32
      %get3A_593 = arith.index_cast %add3A_592 : i32 to index
      %get3A_594 = arith.constant 0 : index
      %get3A_595 = tpu.vector_load %arg8[%get3A_593, %get3A_594] {strides = array<i32>} : memref<128x64xf32, #tpu.memory_space<vmem>>, vector<1x16xf32>,
      %get3A_596 = vector.shape_cast %get3A_595 : vector<1x16xf32> to vector<16xf32>
      %mul3A_597 = arith.constant 3.1622777 : f32
      %mul3A_598 = vector.broadcast %mul3A_597 : f32 to vector<16xf32>
      %mul3A_599 = arith.mulf %get3A_596, %mul3A_598 : vector<16xf32>
      %add3A_600 = arith.constant 7 : i32
      %add3A_601 = arith.addi %mul3A_144, %add3A_600 : i32
      %swap3A_602 = arith.index_cast %add3A_601 : i32 to index
      %swap3A_603 = arith.constant 0 : index
      %swap3A_604 = tpu.vector_load %arg8[%swap3A_602, %swap3A_603] {strides = array<i32>} : memref<128x64xf32, #tpu.memory_space<vmem>>, vector<1x16xf32>,
      %swap3A_605 = vector.shape_cast %swap3A_604 : vector<1x16xf32> to vector<16xf32>
      %swap3A_606 = vector.shape_cast %mul3A_599 : vector<16xf32> to vector<1x16xf32>
      tpu.vector_store %arg8[%swap3A_602, %swap3A_603], %swap3A_606 {strides = array<i32>} : memref<128x64xf32, #tpu.memory_space<vmem>>, vector<1x16xf32>,
      %add3A_607 = arith.constant 7 : i32
      %add3A_608 = arith.addi %mul3A_144, %add3A_607 : i32
      %get3A_609 = arith.index_cast %add3A_608 : i32 to index
      %get3A_610 = arith.constant 16 : index
      %get3A_611 = tpu.vector_load %arg8[%get3A_609, %get3A_610] {strides = array<i32>} : memref<128x64xf32, #tpu.memory_space<vmem>>, vector<1x16xf32>,
      %get3A_612 = vector.shape_cast %get3A_611 : vector<1x16xf32> to vector<16xf32>
      %mul3A_613 = arith.constant 3.1622777 : f32
      %mul3A_614 = vector.broadcast %mul3A_613 : f32 to vector<16xf32>
      %mul3A_615 = arith.mulf %get3A_612, %mul3A_614 : vector<16xf32>
      %add3A_616 = arith.constant 7 : i32
      %add3A_617 = arith.addi %mul3A_144, %add3A_616 : i32
      %swap3A_618 = arith.index_cast %add3A_617 : i32 to index
      %swap3A_619 = arith.constant 16 : index
      %swap3A_620 = tpu.vector_load %arg8[%swap3A_618, %swap3A_619] {strides = array<i32>} : memref<128x64xf32, #tpu.memory_space<vmem>>, vector<1x16xf32>,
      %swap3A_621 = vector.shape_cast %swap3A_620 : vector<1x16xf32> to vector<16xf32>
      %swap3A_622 = vector.shape_cast %mul3A_615 : vector<16xf32> to vector<1x16xf32>
      tpu.vector_store %arg8[%swap3A_618, %swap3A_619], %swap3A_622 {strides = array<i32>} : memref<128x64xf32, #tpu.memory_space<vmem>>, vector<1x16xf32>,
      %add3A_623 = arith.constant 7 : i32
      %add3A_624 = arith.addi %mul3A_144, %add3A_623 : i32
      %get3A_625 = arith.index_cast %add3A_624 : i32 to index
      %get3A_626 = arith.constant 32 : index
      %get3A_627 = tpu.vector_load %arg8[%get3A_625, %get3A_626] {strides = array<i32>} : memref<128x64xf32, #tpu.memory_space<vmem>>, vector<1x16xf32>,
      %get3A_628 = vector.shape_cast %get3A_627 : vector<1x16xf32> to vector<16xf32>
      %mul3A_629 = arith.constant 3.1622777 : f32
      %mul3A_630 = vector.broadcast %mul3A_629 : f32 to vector<16xf32>
      %mul3A_631 = arith.mulf %get3A_628, %mul3A_630 : vector<16xf32>
      %add3A_632 = arith.constant 7 : i32
      %add3A_633 = arith.addi %mul3A_144, %add3A_632 : i32
      %swap3A_634 = arith.index_cast %add3A_633 : i32 to index
      %swap3A_635 = arith.constant 32 : index
      %swap3A_636 = tpu.vector_load %arg8[%swap3A_634, %swap3A_635] {strides = array<i32>} : memref<128x64xf32, #tpu.memory_space<vmem>>, vector<1x16xf32>,
      %swap3A_637 = vector.shape_cast %swap3A_636 : vector<1x16xf32> to vector<16xf32>
      %swap3A_638 = vector.shape_cast %mul3A_631 : vector<16xf32> to vector<1x16xf32>
      tpu.vector_store %arg8[%swap3A_634, %swap3A_635], %swap3A_638 {strides = array<i32>} : memref<128x64xf32, #tpu.memory_space<vmem>>, vector<1x16xf32>,
      %add3A_639 = arith.constant 7 : i32
      %add3A_640 = arith.addi %mul3A_144, %add3A_639 : i32
      %get3A_641 = arith.index_cast %add3A_640 : i32 to index
      %get3A_642 = arith.constant 48 : index
      %get3A_643 = tpu.vector_load %arg8[%get3A_641, %get3A_642] {strides = array<i32>} : memref<128x64xf32, #tpu.memory_space<vmem>>, vector<1x16xf32>,
      %get3A_644 = vector.shape_cast %get3A_643 : vector<1x16xf32> to vector<16xf32>
      %mul3A_645 = arith.constant 3.1622777 : f32
      %mul3A_646 = vector.broadcast %mul3A_645 : f32 to vector<16xf32>
      %mul3A_647 = arith.mulf %get3A_644, %mul3A_646 : vector<16xf32>
      %add3A_648 = arith.constant 7 : i32
      %add3A_649 = arith.addi %mul3A_144, %add3A_648 : i32
      %swap3A_650 = arith.index_cast %add3A_649 : i32 to index
      %swap3A_651 = arith.constant 48 : index
      %swap3A_652 = tpu.vector_load %arg8[%swap3A_650, %swap3A_651] {strides = array<i32>} : memref<128x64xf32, #tpu.memory_space<vmem>>, vector<1x16xf32>,
      %swap3A_653 = vector.shape_cast %swap3A_652 : vector<1x16xf32> to vector<16xf32>
      %swap3A_654 = vector.shape_cast %mul3A_647 : vector<16xf32> to vector<1x16xf32>
      tpu.vector_store %arg8[%swap3A_650, %swap3A_651], %swap3A_654 {strides = array<i32>} : memref<128x64xf32, #tpu.memory_space<vmem>>, vector<1x16xf32>,
    }
    %scan3A_88 = arith.constant 16 : i32
    %add3A_89 = arith.constant 198 : i32
    %add3A_90 = arith.addi %mul3A_2, %add3A_89 : i32
    %mul3A_91 = arith.constant 128 : i32
    %mul3A_92 = arith.muli %add3A_90, %mul3A_91 : i32
    %dma_start3A_93 = arith.constant 0 : i32
    %dma_start3A_94 = tpu.memref_slice %arg4[%mul3A_92, %dma_start3A_93] : memref<819200x64xf32, #tpu.memory_space<hbm>> -> memref<128x64xf32, #tpu.memory_space<hbm>>
    %dma_start3A_95 = arith.constant 0 : i32
    %dma_start3A_96 = tpu.memref_slice %arg4[%mul3A_92, %dma_start3A_95] : memref<819200x64xf32, #tpu.memory_space<hbm>> -> memref<128x64xf32, #tpu.memory_space<hbm>>
    tpu.enqueue_dma source(%arg8 : memref<128x64xf32, #tpu.memory_space<vmem>>) target(%dma_start3A_96 : memref<128x64xf32, #tpu.memory_space<hbm>>) target_semaphore(%arg16 : memref<!tpu.dma_semaphore, #tpu.memory_space<semaphore_mem>>)
    %dma_wait3A_97 = arith.constant 199 : i32
    %dma_wait3A_98 = arith.constant 0 : i32
    %dma_wait3A_99 = tpu.memref_slice %arg5[%dma_wait3A_97, %dma_wait3A_98] : memref<200x128xi32, #tpu.memory_space<vmem>> -> memref<1x128xi32, #tpu.memory_space<vmem>>
    %dma_wait3A_100 = tpu.memref_squeeze %dma_wait3A_99 : memref<1x128xi32, #tpu.memory_space<vmem>> -> memref<128xi32, #tpu.memory_space<vmem>>
    %dma_wait3A_101 = arith.constant 0 : i32
    %dma_wait3A_102 = arith.constant 0 : i32
    %dma_wait3A_103 = tpu.memref_slice %arg3[%dma_wait3A_101, %dma_wait3A_102] : memref<1000000x64xf32, #tpu.memory_space<hbm>> -> memref<1000000x64xf32, #tpu.memory_space<hbm>>
    tpu.wait_indirect_dma semaphore(%arg13 : memref<!tpu.dma_semaphore, #tpu.memory_space<semaphore_mem>>) src(%dma_wait3A_103 : memref<1000000x64xf32, #tpu.memory_space<hbm>>) dst(%arg9 : memref<128x64xf32, #tpu.memory_space<vmem>>)
    %scan3A_104 = arith.constant 0 : i32
    %scan3A_105 = arith.constant 0 : i32
    %scan3A_106 = arith.constant 16 : i32
    %scan3A_107 = arith.addi %scan3A_105, %scan3A_106 : i32
    %scan3A_108 = arith.constant 1 : i32
    scf.for %scan3A_142 = %scan3A_105 to %scan3A_107 step %scan3A_108  : i32 {
      %mul3A_143 = arith.constant 8 : i32
      %mul3A_144 = arith.muli %scan3A_142, %mul3A_143 : i32
      %add3A_145 = arith.constant 0 : i32
      %add3A_146 = arith.addi %mul3A_144, %add3A_145 : i32
      %get3A = arith.index_cast %add3A_146 : i32 to index
      %get3A_147 = arith.constant 0 : index
      %get3A_148 = tpu.vector_load %arg9[%get3A, %get3A_147] {strides = array<i32>} : memref<128x64xf32, #tpu.memory_space<vmem>>, vector<1x16xf32>,
      %get3A_149 = vector.shape_cast %get3A_148 : vector<1x16xf32> to vector<16xf32>
      %mul3A_150 = arith.constant 3.1622777 : f32
      %mul3A_151 = vector.broadcast %mul3A_150 : f32 to vector<16xf32>
      %mul3A_152 = arith.mulf %get3A_149, %mul3A_151 : vector<16xf32>
      %add3A_153 = arith.constant 0 : i32
      %add3A_154 = arith.addi %mul3A_144, %add3A_153 : i32
      %swap3A = arith.index_cast %add3A_154 : i32 to index
      %swap3A_155 = arith.constant 0 : index
      %swap3A_156 = tpu.vector_load %arg9[%swap3A, %swap3A_155] {strides = array<i32>} : memref<128x64xf32, #tpu.memory_space<vmem>>, vector<1x16xf32>,
      %swap3A_157 = vector.shape_cast %swap3A_156 : vector<1x16xf32> to vector<16xf32>
      %swap3A_158 = vector.shape_cast %mul3A_152 : vector<16xf32> to vector<1x16xf32>
      tpu.vector_store %arg9[%swap3A, %swap3A_155], %swap3A_158 {strides = array<i32>} : memref<128x64xf32, #tpu.memory_space<vmem>>, vector<1x16xf32>,
      %add3A_159 = arith.constant 0 : i32
      %add3A_160 = arith.addi %mul3A_144, %add3A_159 : i32
      %get3A_161 = arith.index_cast %add3A_160 : i32 to index
      %get3A_162 = arith.constant 16 : index
      %get3A_163 = tpu.vector_load %arg9[%get3A_161, %get3A_162] {strides = array<i32>} : memref<128x64xf32, #tpu.memory_space<vmem>>, vector<1x16xf32>,
      %get3A_164 = vector.shape_cast %get3A_163 : vector<1x16xf32> to vector<16xf32>
      %mul3A_165 = arith.constant 3.1622777 : f32
      %mul3A_166 = vector.broadcast %mul3A_165 : f32 to vector<16xf32>
      %mul3A_167 = arith.mulf %get3A_164, %mul3A_166 : vector<16xf32>
      %add3A_168 = arith.constant 0 : i32
      %add3A_169 = arith.addi %mul3A_144, %add3A_168 : i32
      %swap3A_170 = arith.index_cast %add3A_169 : i32 to index
      %swap3A_171 = arith.constant 16 : index
      %swap3A_172 = tpu.vector_load %arg9[%swap3A_170, %swap3A_171] {strides = array<i32>} : memref<128x64xf32, #tpu.memory_space<vmem>>, vector<1x16xf32>,
      %swap3A_173 = vector.shape_cast %swap3A_172 : vector<1x16xf32> to vector<16xf32>
      %swap3A_174 = vector.shape_cast %mul3A_167 : vector<16xf32> to vector<1x16xf32>
      tpu.vector_store %arg9[%swap3A_170, %swap3A_171], %swap3A_174 {strides = array<i32>} : memref<128x64xf32, #tpu.memory_space<vmem>>, vector<1x16xf32>,
      %add3A_175 = arith.constant 0 : i32
      %add3A_176 = arith.addi %mul3A_144, %add3A_175 : i32
      %get3A_177 = arith.index_cast %add3A_176 : i32 to index
      %get3A_178 = arith.constant 32 : index
      %get3A_179 = tpu.vector_load %arg9[%get3A_177, %get3A_178] {strides = array<i32>} : memref<128x64xf32, #tpu.memory_space<vmem>>, vector<1x16xf32>,
      %get3A_180 = vector.shape_cast %get3A_179 : vector<1x16xf32> to vector<16xf32>
      %mul3A_181 = arith.constant 3.1622777 : f32
      %mul3A_182 = vector.broadcast %mul3A_181 : f32 to vector<16xf32>
      %mul3A_183 = arith.mulf %get3A_180, %mul3A_182 : vector<16xf32>
      %add3A_184 = arith.constant 0 : i32
      %add3A_185 = arith.addi %mul3A_144, %add3A_184 : i32
      %swap3A_186 = arith.index_cast %add3A_185 : i32 to index
      %swap3A_187 = arith.constant 32 : index
      %swap3A_188 = tpu.vector_load %arg9[%swap3A_186, %swap3A_187] {strides = array<i32>} : memref<128x64xf32, #tpu.memory_space<vmem>>, vector<1x16xf32>,
      %swap3A_189 = vector.shape_cast %swap3A_188 : vector<1x16xf32> to vector<16xf32>
      %swap3A_190 = vector.shape_cast %mul3A_183 : vector<16xf32> to vector<1x16xf32>
      tpu.vector_store %arg9[%swap3A_186, %swap3A_187], %swap3A_190 {strides = array<i32>} : memref<128x64xf32, #tpu.memory_space<vmem>>, vector<1x16xf32>,
      %add3A_191 = arith.constant 0 : i32
      %add3A_192 = arith.addi %mul3A_144, %add3A_191 : i32
      %get3A_193 = arith.index_cast %add3A_192 : i32 to index
      %get3A_194 = arith.constant 48 : index
      %get3A_195 = tpu.vector_load %arg9[%get3A_193, %get3A_194] {strides = array<i32>} : memref<128x64xf32, #tpu.memory_space<vmem>>, vector<1x16xf32>,
      %get3A_196 = vector.shape_cast %get3A_195 : vector<1x16xf32> to vector<16xf32>
      %mul3A_197 = arith.constant 3.1622777 : f32
      %mul3A_198 = vector.broadcast %mul3A_197 : f32 to vector<16xf32>
      %mul3A_199 = arith.mulf %get3A_196, %mul3A_198 : vector<16xf32>
      %add3A_200 = arith.constant 0 : i32
      %add3A_201 = arith.addi %mul3A_144, %add3A_200 : i32
      %swap3A_202 = arith.index_cast %add3A_201 : i32 to index
      %swap3A_203 = arith.constant 48 : index
      %swap3A_204 = tpu.vector_load %arg9[%swap3A_202, %swap3A_203] {strides = array<i32>} : memref<128x64xf32, #tpu.memory_space<vmem>>, vector<1x16xf32>,
      %swap3A_205 = vector.shape_cast %swap3A_204 : vector<1x16xf32> to vector<16xf32>
      %swap3A_206 = vector.shape_cast %mul3A_199 : vector<16xf32> to vector<1x16xf32>
      tpu.vector_store %arg9[%swap3A_202, %swap3A_203], %swap3A_206 {strides = array<i32>} : memref<128x64xf32, #tpu.memory_space<vmem>>, vector<1x16xf32>,
      %add3A_207 = arith.constant 1 : i32
      %add3A_208 = arith.addi %mul3A_144, %add3A_207 : i32
      %get3A_209 = arith.index_cast %add3A_208 : i32 to index
      %get3A_210 = arith.constant 0 : index
      %get3A_211 = tpu.vector_load %arg9[%get3A_209, %get3A_210] {strides = array<i32>} : memref<128x64xf32, #tpu.memory_space<vmem>>, vector<1x16xf32>,
      %get3A_212 = vector.shape_cast %get3A_211 : vector<1x16xf32> to vector<16xf32>
      %mul3A_213 = arith.constant 3.1622777 : f32
      %mul3A_214 = vector.broadcast %mul3A_213 : f32 to vector<16xf32>
      %mul3A_215 = arith.mulf %get3A_212, %mul3A_214 : vector<16xf32>
      %add3A_216 = arith.constant 1 : i32
      %add3A_217 = arith.addi %mul3A_144, %add3A_216 : i32
      %swap3A_218 = arith.index_cast %add3A_217 : i32 to index
      %swap3A_219 = arith.constant 0 : index
      %swap3A_220 = tpu.vector_load %arg9[%swap3A_218, %swap3A_219] {strides = array<i32>} : memref<128x64xf32, #tpu.memory_space<vmem>>, vector<1x16xf32>,
      %swap3A_221 = vector.shape_cast %swap3A_220 : vector<1x16xf32> to vector<16xf32>
      %swap3A_222 = vector.shape_cast %mul3A_215 : vector<16xf32> to vector<1x16xf32>
      tpu.vector_store %arg9[%swap3A_218, %swap3A_219], %swap3A_222 {strides = array<i32>} : memref<128x64xf32, #tpu.memory_space<vmem>>, vector<1x16xf32>,
      %add3A_223 = arith.constant 1 : i32
      %add3A_224 = arith.addi %mul3A_144, %add3A_223 : i32
      %get3A_225 = arith.index_cast %add3A_224 : i32 to index
      %get3A_226 = arith.constant 16 : index
      %get3A_227 = tpu.vector_load %arg9[%get3A_225, %get3A_226] {strides = array<i32>} : memref<128x64xf32, #tpu.memory_space<vmem>>, vector<1x16xf32>,
      %get3A_228 = vector.shape_cast %get3A_227 : vector<1x16xf32> to vector<16xf32>
      %mul3A_229 = arith.constant 3.1622777 : f32
      %mul3A_230 = vector.broadcast %mul3A_229 : f32 to vector<16xf32>
      %mul3A_231 = arith.mulf %get3A_228, %mul3A_230 : vector<16xf32>
      %add3A_232 = arith.constant 1 : i32
      %add3A_233 = arith.addi %mul3A_144, %add3A_232 : i32
      %swap3A_234 = arith.index_cast %add3A_233 : i32 to index
      %swap3A_235 = arith.constant 16 : index
      %swap3A_236 = tpu.vector_load %arg9[%swap3A_234, %swap3A_235] {strides = array<i32>} : memref<128x64xf32, #tpu.memory_space<vmem>>, vector<1x16xf32>,
      %swap3A_237 = vector.shape_cast %swap3A_236 : vector<1x16xf32> to vector<16xf32>
      %swap3A_238 = vector.shape_cast %mul3A_231 : vector<16xf32> to vector<1x16xf32>
      tpu.vector_store %arg9[%swap3A_234, %swap3A_235], %swap3A_238 {strides = array<i32>} : memref<128x64xf32, #tpu.memory_space<vmem>>, vector<1x16xf32>,
      %add3A_239 = arith.constant 1 : i32
      %add3A_240 = arith.addi %mul3A_144, %add3A_239 : i32
      %get3A_241 = arith.index_cast %add3A_240 : i32 to index
      %get3A_242 = arith.constant 32 : index
      %get3A_243 = tpu.vector_load %arg9[%get3A_241, %get3A_242] {strides = array<i32>} : memref<128x64xf32, #tpu.memory_space<vmem>>, vector<1x16xf32>,
      %get3A_244 = vector.shape_cast %get3A_243 : vector<1x16xf32> to vector<16xf32>
      %mul3A_245 = arith.constant 3.1622777 : f32
      %mul3A_246 = vector.broadcast %mul3A_245 : f32 to vector<16xf32>
      %mul3A_247 = arith.mulf %get3A_244, %mul3A_246 : vector<16xf32>
      %add3A_248 = arith.constant 1 : i32
      %add3A_249 = arith.addi %mul3A_144, %add3A_248 : i32
      %swap3A_250 = arith.index_cast %add3A_249 : i32 to index
      %swap3A_251 = arith.constant 32 : index
      %swap3A_252 = tpu.vector_load %arg9[%swap3A_250, %swap3A_251] {strides = array<i32>} : memref<128x64xf32, #tpu.memory_space<vmem>>, vector<1x16xf32>,
      %swap3A_253 = vector.shape_cast %swap3A_252 : vector<1x16xf32> to vector<16xf32>
      %swap3A_254 = vector.shape_cast %mul3A_247 : vector<16xf32> to vector<1x16xf32>
      tpu.vector_store %arg9[%swap3A_250, %swap3A_251], %swap3A_254 {strides = array<i32>} : memref<128x64xf32, #tpu.memory_space<vmem>>, vector<1x16xf32>,
      %add3A_255 = arith.constant 1 : i32
      %add3A_256 = arith.addi %mul3A_144, %add3A_255 : i32
      %get3A_257 = arith.index_cast %add3A_256 : i32 to index
      %get3A_258 = arith.constant 48 : index
      %get3A_259 = tpu.vector_load %arg9[%get3A_257, %get3A_258] {strides = array<i32>} : memref<128x64xf32, #tpu.memory_space<vmem>>, vector<1x16xf32>,
      %get3A_260 = vector.shape_cast %get3A_259 : vector<1x16xf32> to vector<16xf32>
      %mul3A_261 = arith.constant 3.1622777 : f32
      %mul3A_262 = vector.broadcast %mul3A_261 : f32 to vector<16xf32>
      %mul3A_263 = arith.mulf %get3A_260, %mul3A_262 : vector<16xf32>
      %add3A_264 = arith.constant 1 : i32
      %add3A_265 = arith.addi %mul3A_144, %add3A_264 : i32
      %swap3A_266 = arith.index_cast %add3A_265 : i32 to index
      %swap3A_267 = arith.constant 48 : index
      %swap3A_268 = tpu.vector_load %arg9[%swap3A_266, %swap3A_267] {strides = array<i32>} : memref<128x64xf32, #tpu.memory_space<vmem>>, vector<1x16xf32>,
      %swap3A_269 = vector.shape_cast %swap3A_268 : vector<1x16xf32> to vector<16xf32>
      %swap3A_270 = vector.shape_cast %mul3A_263 : vector<16xf32> to vector<1x16xf32>
      tpu.vector_store %arg9[%swap3A_266, %swap3A_267], %swap3A_270 {strides = array<i32>} : memref<128x64xf32, #tpu.memory_space<vmem>>, vector<1x16xf32>,
      %add3A_271 = arith.constant 2 : i32
      %add3A_272 = arith.addi %mul3A_144, %add3A_271 : i32
      %get3A_273 = arith.index_cast %add3A_272 : i32 to index
      %get3A_274 = arith.constant 0 : index
      %get3A_275 = tpu.vector_load %arg9[%get3A_273, %get3A_274] {strides = array<i32>} : memref<128x64xf32, #tpu.memory_space<vmem>>, vector<1x16xf32>,
      %get3A_276 = vector.shape_cast %get3A_275 : vector<1x16xf32> to vector<16xf32>
      %mul3A_277 = arith.constant 3.1622777 : f32
      %mul3A_278 = vector.broadcast %mul3A_277 : f32 to vector<16xf32>
      %mul3A_279 = arith.mulf %get3A_276, %mul3A_278 : vector<16xf32>
      %add3A_280 = arith.constant 2 : i32
      %add3A_281 = arith.addi %mul3A_144, %add3A_280 : i32
      %swap3A_282 = arith.index_cast %add3A_281 : i32 to index
      %swap3A_283 = arith.constant 0 : index
      %swap3A_284 = tpu.vector_load %arg9[%swap3A_282, %swap3A_283] {strides = array<i32>} : memref<128x64xf32, #tpu.memory_space<vmem>>, vector<1x16xf32>,
      %swap3A_285 = vector.shape_cast %swap3A_284 : vector<1x16xf32> to vector<16xf32>
      %swap3A_286 = vector.shape_cast %mul3A_279 : vector<16xf32> to vector<1x16xf32>
      tpu.vector_store %arg9[%swap3A_282, %swap3A_283], %swap3A_286 {strides = array<i32>} : memref<128x64xf32, #tpu.memory_space<vmem>>, vector<1x16xf32>,
      %add3A_287 = arith.constant 2 : i32
      %add3A_288 = arith.addi %mul3A_144, %add3A_287 : i32
      %get3A_289 = arith.index_cast %add3A_288 : i32 to index
      %get3A_290 = arith.constant 16 : index
      %get3A_291 = tpu.vector_load %arg9[%get3A_289, %get3A_290] {strides = array<i32>} : memref<128x64xf32, #tpu.memory_space<vmem>>, vector<1x16xf32>,
      %get3A_292 = vector.shape_cast %get3A_291 : vector<1x16xf32> to vector<16xf32>
      %mul3A_293 = arith.constant 3.1622777 : f32
      %mul3A_294 = vector.broadcast %mul3A_293 : f32 to vector<16xf32>
      %mul3A_295 = arith.mulf %get3A_292, %mul3A_294 : vector<16xf32>
      %add3A_296 = arith.constant 2 : i32
      %add3A_297 = arith.addi %mul3A_144, %add3A_296 : i32
      %swap3A_298 = arith.index_cast %add3A_297 : i32 to index
      %swap3A_299 = arith.constant 16 : index
      %swap3A_300 = tpu.vector_load %arg9[%swap3A_298, %swap3A_299] {strides = array<i32>} : memref<128x64xf32, #tpu.memory_space<vmem>>, vector<1x16xf32>,
      %swap3A_301 = vector.shape_cast %swap3A_300 : vector<1x16xf32> to vector<16xf32>
      %swap3A_302 = vector.shape_cast %mul3A_295 : vector<16xf32> to vector<1x16xf32>
      tpu.vector_store %arg9[%swap3A_298, %swap3A_299], %swap3A_302 {strides = array<i32>} : memref<128x64xf32, #tpu.memory_space<vmem>>, vector<1x16xf32>,
      %add3A_303 = arith.constant 2 : i32
      %add3A_304 = arith.addi %mul3A_144, %add3A_303 : i32
      %get3A_305 = arith.index_cast %add3A_304 : i32 to index
      %get3A_306 = arith.constant 32 : index
      %get3A_307 = tpu.vector_load %arg9[%get3A_305, %get3A_306] {strides = array<i32>} : memref<128x64xf32, #tpu.memory_space<vmem>>, vector<1x16xf32>,
      %get3A_308 = vector.shape_cast %get3A_307 : vector<1x16xf32> to vector<16xf32>
      %mul3A_309 = arith.constant 3.1622777 : f32
      %mul3A_310 = vector.broadcast %mul3A_309 : f32 to vector<16xf32>
      %mul3A_311 = arith.mulf %get3A_308, %mul3A_310 : vector<16xf32>
      %add3A_312 = arith.constant 2 : i32
      %add3A_313 = arith.addi %mul3A_144, %add3A_312 : i32
      %swap3A_314 = arith.index_cast %add3A_313 : i32 to index
      %swap3A_315 = arith.constant 32 : index
      %swap3A_316 = tpu.vector_load %arg9[%swap3A_314, %swap3A_315] {strides = array<i32>} : memref<128x64xf32, #tpu.memory_space<vmem>>, vector<1x16xf32>,
      %swap3A_317 = vector.shape_cast %swap3A_316 : vector<1x16xf32> to vector<16xf32>
      %swap3A_318 = vector.shape_cast %mul3A_311 : vector<16xf32> to vector<1x16xf32>
      tpu.vector_store %arg9[%swap3A_314, %swap3A_315], %swap3A_318 {strides = array<i32>} : memref<128x64xf32, #tpu.memory_space<vmem>>, vector<1x16xf32>,
      %add3A_319 = arith.constant 2 : i32
      %add3A_320 = arith.addi %mul3A_144, %add3A_319 : i32
      %get3A_321 = arith.index_cast %add3A_320 : i32 to index
      %get3A_322 = arith.constant 48 : index
      %get3A_323 = tpu.vector_load %arg9[%get3A_321, %get3A_322] {strides = array<i32>} : memref<128x64xf32, #tpu.memory_space<vmem>>, vector<1x16xf32>,
      %get3A_324 = vector.shape_cast %get3A_323 : vector<1x16xf32> to vector<16xf32>
      %mul3A_325 = arith.constant 3.1622777 : f32
      %mul3A_326 = vector.broadcast %mul3A_325 : f32 to vector<16xf32>
      %mul3A_327 = arith.mulf %get3A_324, %mul3A_326 : vector<16xf32>
      %add3A_328 = arith.constant 2 : i32
      %add3A_329 = arith.addi %mul3A_144, %add3A_328 : i32
      %swap3A_330 = arith.index_cast %add3A_329 : i32 to index
      %swap3A_331 = arith.constant 48 : index
      %swap3A_332 = tpu.vector_load %arg9[%swap3A_330, %swap3A_331] {strides = array<i32>} : memref<128x64xf32, #tpu.memory_space<vmem>>, vector<1x16xf32>,
      %swap3A_333 = vector.shape_cast %swap3A_332 : vector<1x16xf32> to vector<16xf32>
      %swap3A_334 = vector.shape_cast %mul3A_327 : vector<16xf32> to vector<1x16xf32>
      tpu.vector_store %arg9[%swap3A_330, %swap3A_331], %swap3A_334 {strides = array<i32>} : memref<128x64xf32, #tpu.memory_space<vmem>>, vector<1x16xf32>,
      %add3A_335 = arith.constant 3 : i32
      %add3A_336 = arith.addi %mul3A_144, %add3A_335 : i32
      %get3A_337 = arith.index_cast %add3A_336 : i32 to index
      %get3A_338 = arith.constant 0 : index
      %get3A_339 = tpu.vector_load %arg9[%get3A_337, %get3A_338] {strides = array<i32>} : memref<128x64xf32, #tpu.memory_space<vmem>>, vector<1x16xf32>,
      %get3A_340 = vector.shape_cast %get3A_339 : vector<1x16xf32> to vector<16xf32>
      %mul3A_341 = arith.constant 3.1622777 : f32
      %mul3A_342 = vector.broadcast %mul3A_341 : f32 to vector<16xf32>
      %mul3A_343 = arith.mulf %get3A_340, %mul3A_342 : vector<16xf32>
      %add3A_344 = arith.constant 3 : i32
      %add3A_345 = arith.addi %mul3A_144, %add3A_344 : i32
      %swap3A_346 = arith.index_cast %add3A_345 : i32 to index
      %swap3A_347 = arith.constant 0 : index
      %swap3A_348 = tpu.vector_load %arg9[%swap3A_346, %swap3A_347] {strides = array<i32>} : memref<128x64xf32, #tpu.memory_space<vmem>>, vector<1x16xf32>,
      %swap3A_349 = vector.shape_cast %swap3A_348 : vector<1x16xf32> to vector<16xf32>
      %swap3A_350 = vector.shape_cast %mul3A_343 : vector<16xf32> to vector<1x16xf32>
      tpu.vector_store %arg9[%swap3A_346, %swap3A_347], %swap3A_350 {strides = array<i32>} : memref<128x64xf32, #tpu.memory_space<vmem>>, vector<1x16xf32>,
      %add3A_351 = arith.constant 3 : i32
      %add3A_352 = arith.addi %mul3A_144, %add3A_351 : i32
      %get3A_353 = arith.index_cast %add3A_352 : i32 to index
      %get3A_354 = arith.constant 16 : index
      %get3A_355 = tpu.vector_load %arg9[%get3A_353, %get3A_354] {strides = array<i32>} : memref<128x64xf32, #tpu.memory_space<vmem>>, vector<1x16xf32>,
      %get3A_356 = vector.shape_cast %get3A_355 : vector<1x16xf32> to vector<16xf32>
      %mul3A_357 = arith.constant 3.1622777 : f32
      %mul3A_358 = vector.broadcast %mul3A_357 : f32 to vector<16xf32>
      %mul3A_359 = arith.mulf %get3A_356, %mul3A_358 : vector<16xf32>
      %add3A_360 = arith.constant 3 : i32
      %add3A_361 = arith.addi %mul3A_144, %add3A_360 : i32
      %swap3A_362 = arith.index_cast %add3A_361 : i32 to index
      %swap3A_363 = arith.constant 16 : index
      %swap3A_364 = tpu.vector_load %arg9[%swap3A_362, %swap3A_363] {strides = array<i32>} : memref<128x64xf32, #tpu.memory_space<vmem>>, vector<1x16xf32>,
      %swap3A_365 = vector.shape_cast %swap3A_364 : vector<1x16xf32> to vector<16xf32>
      %swap3A_366 = vector.shape_cast %mul3A_359 : vector<16xf32> to vector<1x16xf32>
      tpu.vector_store %arg9[%swap3A_362, %swap3A_363], %swap3A_366 {strides = array<i32>} : memref<128x64xf32, #tpu.memory_space<vmem>>, vector<1x16xf32>,
      %add3A_367 = arith.constant 3 : i32
      %add3A_368 = arith.addi %mul3A_144, %add3A_367 : i32
      %get3A_369 = arith.index_cast %add3A_368 : i32 to index
      %get3A_370 = arith.constant 32 : index
      %get3A_371 = tpu.vector_load %arg9[%get3A_369, %get3A_370] {strides = array<i32>} : memref<128x64xf32, #tpu.memory_space<vmem>>, vector<1x16xf32>,
      %get3A_372 = vector.shape_cast %get3A_371 : vector<1x16xf32> to vector<16xf32>
      %mul3A_373 = arith.constant 3.1622777 : f32
      %mul3A_374 = vector.broadcast %mul3A_373 : f32 to vector<16xf32>
      %mul3A_375 = arith.mulf %get3A_372, %mul3A_374 : vector<16xf32>
      %add3A_376 = arith.constant 3 : i32
      %add3A_377 = arith.addi %mul3A_144, %add3A_376 : i32
      %swap3A_378 = arith.index_cast %add3A_377 : i32 to index
      %swap3A_379 = arith.constant 32 : index
      %swap3A_380 = tpu.vector_load %arg9[%swap3A_378, %swap3A_379] {strides = array<i32>} : memref<128x64xf32, #tpu.memory_space<vmem>>, vector<1x16xf32>,
      %swap3A_381 = vector.shape_cast %swap3A_380 : vector<1x16xf32> to vector<16xf32>
      %swap3A_382 = vector.shape_cast %mul3A_375 : vector<16xf32> to vector<1x16xf32>
      tpu.vector_store %arg9[%swap3A_378, %swap3A_379], %swap3A_382 {strides = array<i32>} : memref<128x64xf32, #tpu.memory_space<vmem>>, vector<1x16xf32>,
      %add3A_383 = arith.constant 3 : i32
      %add3A_384 = arith.addi %mul3A_144, %add3A_383 : i32
      %get3A_385 = arith.index_cast %add3A_384 : i32 to index
      %get3A_386 = arith.constant 48 : index
      %get3A_387 = tpu.vector_load %arg9[%get3A_385, %get3A_386] {strides = array<i32>} : memref<128x64xf32, #tpu.memory_space<vmem>>, vector<1x16xf32>,
      %get3A_388 = vector.shape_cast %get3A_387 : vector<1x16xf32> to vector<16xf32>
      %mul3A_389 = arith.constant 3.1622777 : f32
      %mul3A_390 = vector.broadcast %mul3A_389 : f32 to vector<16xf32>
      %mul3A_391 = arith.mulf %get3A_388, %mul3A_390 : vector<16xf32>
      %add3A_392 = arith.constant 3 : i32
      %add3A_393 = arith.addi %mul3A_144, %add3A_392 : i32
      %swap3A_394 = arith.index_cast %add3A_393 : i32 to index
      %swap3A_395 = arith.constant 48 : index
      %swap3A_396 = tpu.vector_load %arg9[%swap3A_394, %swap3A_395] {strides = array<i32>} : memref<128x64xf32, #tpu.memory_space<vmem>>, vector<1x16xf32>,
      %swap3A_397 = vector.shape_cast %swap3A_396 : vector<1x16xf32> to vector<16xf32>
      %swap3A_398 = vector.shape_cast %mul3A_391 : vector<16xf32> to vector<1x16xf32>
      tpu.vector_store %arg9[%swap3A_394, %swap3A_395], %swap3A_398 {strides = array<i32>} : memref<128x64xf32, #tpu.memory_space<vmem>>, vector<1x16xf32>,
      %add3A_399 = arith.constant 4 : i32
      %add3A_400 = arith.addi %mul3A_144, %add3A_399 : i32
      %get3A_401 = arith.index_cast %add3A_400 : i32 to index
      %get3A_402 = arith.constant 0 : index
      %get3A_403 = tpu.vector_load %arg9[%get3A_401, %get3A_402] {strides = array<i32>} : memref<128x64xf32, #tpu.memory_space<vmem>>, vector<1x16xf32>,
      %get3A_404 = vector.shape_cast %get3A_403 : vector<1x16xf32> to vector<16xf32>
      %mul3A_405 = arith.constant 3.1622777 : f32
      %mul3A_406 = vector.broadcast %mul3A_405 : f32 to vector<16xf32>
      %mul3A_407 = arith.mulf %get3A_404, %mul3A_406 : vector<16xf32>
      %add3A_408 = arith.constant 4 : i32
      %add3A_409 = arith.addi %mul3A_144, %add3A_408 : i32
      %swap3A_410 = arith.index_cast %add3A_409 : i32 to index
      %swap3A_411 = arith.constant 0 : index
      %swap3A_412 = tpu.vector_load %arg9[%swap3A_410, %swap3A_411] {strides = array<i32>} : memref<128x64xf32, #tpu.memory_space<vmem>>, vector<1x16xf32>,
      %swap3A_413 = vector.shape_cast %swap3A_412 : vector<1x16xf32> to vector<16xf32>
      %swap3A_414 = vector.shape_cast %mul3A_407 : vector<16xf32> to vector<1x16xf32>
      tpu.vector_store %arg9[%swap3A_410, %swap3A_411], %swap3A_414 {strides = array<i32>} : memref<128x64xf32, #tpu.memory_space<vmem>>, vector<1x16xf32>,
      %add3A_415 = arith.constant 4 : i32
      %add3A_416 = arith.addi %mul3A_144, %add3A_415 : i32
      %get3A_417 = arith.index_cast %add3A_416 : i32 to index
      %get3A_418 = arith.constant 16 : index
      %get3A_419 = tpu.vector_load %arg9[%get3A_417, %get3A_418] {strides = array<i32>} : memref<128x64xf32, #tpu.memory_space<vmem>>, vector<1x16xf32>,
      %get3A_420 = vector.shape_cast %get3A_419 : vector<1x16xf32> to vector<16xf32>
      %mul3A_421 = arith.constant 3.1622777 : f32
      %mul3A_422 = vector.broadcast %mul3A_421 : f32 to vector<16xf32>
      %mul3A_423 = arith.mulf %get3A_420, %mul3A_422 : vector<16xf32>
      %add3A_424 = arith.constant 4 : i32
      %add3A_425 = arith.addi %mul3A_144, %add3A_424 : i32
      %swap3A_426 = arith.index_cast %add3A_425 : i32 to index
      %swap3A_427 = arith.constant 16 : index
      %swap3A_428 = tpu.vector_load %arg9[%swap3A_426, %swap3A_427] {strides = array<i32>} : memref<128x64xf32, #tpu.memory_space<vmem>>, vector<1x16xf32>,
      %swap3A_429 = vector.shape_cast %swap3A_428 : vector<1x16xf32> to vector<16xf32>
      %swap3A_430 = vector.shape_cast %mul3A_423 : vector<16xf32> to vector<1x16xf32>
      tpu.vector_store %arg9[%swap3A_426, %swap3A_427], %swap3A_430 {strides = array<i32>} : memref<128x64xf32, #tpu.memory_space<vmem>>, vector<1x16xf32>,
      %add3A_431 = arith.constant 4 : i32
      %add3A_432 = arith.addi %mul3A_144, %add3A_431 : i32
      %get3A_433 = arith.index_cast %add3A_432 : i32 to index
      %get3A_434 = arith.constant 32 : index
      %get3A_435 = tpu.vector_load %arg9[%get3A_433, %get3A_434] {strides = array<i32>} : memref<128x64xf32, #tpu.memory_space<vmem>>, vector<1x16xf32>,
      %get3A_436 = vector.shape_cast %get3A_435 : vector<1x16xf32> to vector<16xf32>
      %mul3A_437 = arith.constant 3.1622777 : f32
      %mul3A_438 = vector.broadcast %mul3A_437 : f32 to vector<16xf32>
      %mul3A_439 = arith.mulf %get3A_436, %mul3A_438 : vector<16xf32>
      %add3A_440 = arith.constant 4 : i32
      %add3A_441 = arith.addi %mul3A_144, %add3A_440 : i32
      %swap3A_442 = arith.index_cast %add3A_441 : i32 to index
      %swap3A_443 = arith.constant 32 : index
      %swap3A_444 = tpu.vector_load %arg9[%swap3A_442, %swap3A_443] {strides = array<i32>} : memref<128x64xf32, #tpu.memory_space<vmem>>, vector<1x16xf32>,
      %swap3A_445 = vector.shape_cast %swap3A_444 : vector<1x16xf32> to vector<16xf32>
      %swap3A_446 = vector.shape_cast %mul3A_439 : vector<16xf32> to vector<1x16xf32>
      tpu.vector_store %arg9[%swap3A_442, %swap3A_443], %swap3A_446 {strides = array<i32>} : memref<128x64xf32, #tpu.memory_space<vmem>>, vector<1x16xf32>,
      %add3A_447 = arith.constant 4 : i32
      %add3A_448 = arith.addi %mul3A_144, %add3A_447 : i32
      %get3A_449 = arith.index_cast %add3A_448 : i32 to index
      %get3A_450 = arith.constant 48 : index
      %get3A_451 = tpu.vector_load %arg9[%get3A_449, %get3A_450] {strides = array<i32>} : memref<128x64xf32, #tpu.memory_space<vmem>>, vector<1x16xf32>,
      %get3A_452 = vector.shape_cast %get3A_451 : vector<1x16xf32> to vector<16xf32>
      %mul3A_453 = arith.constant 3.1622777 : f32
      %mul3A_454 = vector.broadcast %mul3A_453 : f32 to vector<16xf32>
      %mul3A_455 = arith.mulf %get3A_452, %mul3A_454 : vector<16xf32>
      %add3A_456 = arith.constant 4 : i32
      %add3A_457 = arith.addi %mul3A_144, %add3A_456 : i32
      %swap3A_458 = arith.index_cast %add3A_457 : i32 to index
      %swap3A_459 = arith.constant 48 : index
      %swap3A_460 = tpu.vector_load %arg9[%swap3A_458, %swap3A_459] {strides = array<i32>} : memref<128x64xf32, #tpu.memory_space<vmem>>, vector<1x16xf32>,
      %swap3A_461 = vector.shape_cast %swap3A_460 : vector<1x16xf32> to vector<16xf32>
      %swap3A_462 = vector.shape_cast %mul3A_455 : vector<16xf32> to vector<1x16xf32>
      tpu.vector_store %arg9[%swap3A_458, %swap3A_459], %swap3A_462 {strides = array<i32>} : memref<128x64xf32, #tpu.memory_space<vmem>>, vector<1x16xf32>,
      %add3A_463 = arith.constant 5 : i32
      %add3A_464 = arith.addi %mul3A_144, %add3A_463 : i32
      %get3A_465 = arith.index_cast %add3A_464 : i32 to index
      %get3A_466 = arith.constant 0 : index
      %get3A_467 = tpu.vector_load %arg9[%get3A_465, %get3A_466] {strides = array<i32>} : memref<128x64xf32, #tpu.memory_space<vmem>>, vector<1x16xf32>,
      %get3A_468 = vector.shape_cast %get3A_467 : vector<1x16xf32> to vector<16xf32>
      %mul3A_469 = arith.constant 3.1622777 : f32
      %mul3A_470 = vector.broadcast %mul3A_469 : f32 to vector<16xf32>
      %mul3A_471 = arith.mulf %get3A_468, %mul3A_470 : vector<16xf32>
      %add3A_472 = arith.constant 5 : i32
      %add3A_473 = arith.addi %mul3A_144, %add3A_472 : i32
      %swap3A_474 = arith.index_cast %add3A_473 : i32 to index
      %swap3A_475 = arith.constant 0 : index
      %swap3A_476 = tpu.vector_load %arg9[%swap3A_474, %swap3A_475] {strides = array<i32>} : memref<128x64xf32, #tpu.memory_space<vmem>>, vector<1x16xf32>,
      %swap3A_477 = vector.shape_cast %swap3A_476 : vector<1x16xf32> to vector<16xf32>
      %swap3A_478 = vector.shape_cast %mul3A_471 : vector<16xf32> to vector<1x16xf32>
      tpu.vector_store %arg9[%swap3A_474, %swap3A_475], %swap3A_478 {strides = array<i32>} : memref<128x64xf32, #tpu.memory_space<vmem>>, vector<1x16xf32>,
      %add3A_479 = arith.constant 5 : i32
      %add3A_480 = arith.addi %mul3A_144, %add3A_479 : i32
      %get3A_481 = arith.index_cast %add3A_480 : i32 to index
      %get3A_482 = arith.constant 16 : index
      %get3A_483 = tpu.vector_load %arg9[%get3A_481, %get3A_482] {strides = array<i32>} : memref<128x64xf32, #tpu.memory_space<vmem>>, vector<1x16xf32>,
      %get3A_484 = vector.shape_cast %get3A_483 : vector<1x16xf32> to vector<16xf32>
      %mul3A_485 = arith.constant 3.1622777 : f32
      %mul3A_486 = vector.broadcast %mul3A_485 : f32 to vector<16xf32>
      %mul3A_487 = arith.mulf %get3A_484, %mul3A_486 : vector<16xf32>
      %add3A_488 = arith.constant 5 : i32
      %add3A_489 = arith.addi %mul3A_144, %add3A_488 : i32
      %swap3A_490 = arith.index_cast %add3A_489 : i32 to index
      %swap3A_491 = arith.constant 16 : index
      %swap3A_492 = tpu.vector_load %arg9[%swap3A_490, %swap3A_491] {strides = array<i32>} : memref<128x64xf32, #tpu.memory_space<vmem>>, vector<1x16xf32>,
      %swap3A_493 = vector.shape_cast %swap3A_492 : vector<1x16xf32> to vector<16xf32>
      %swap3A_494 = vector.shape_cast %mul3A_487 : vector<16xf32> to vector<1x16xf32>
      tpu.vector_store %arg9[%swap3A_490, %swap3A_491], %swap3A_494 {strides = array<i32>} : memref<128x64xf32, #tpu.memory_space<vmem>>, vector<1x16xf32>,
      %add3A_495 = arith.constant 5 : i32
      %add3A_496 = arith.addi %mul3A_144, %add3A_495 : i32
      %get3A_497 = arith.index_cast %add3A_496 : i32 to index
      %get3A_498 = arith.constant 32 : index
      %get3A_499 = tpu.vector_load %arg9[%get3A_497, %get3A_498] {strides = array<i32>} : memref<128x64xf32, #tpu.memory_space<vmem>>, vector<1x16xf32>,
      %get3A_500 = vector.shape_cast %get3A_499 : vector<1x16xf32> to vector<16xf32>
      %mul3A_501 = arith.constant 3.1622777 : f32
      %mul3A_502 = vector.broadcast %mul3A_501 : f32 to vector<16xf32>
      %mul3A_503 = arith.mulf %get3A_500, %mul3A_502 : vector<16xf32>
      %add3A_504 = arith.constant 5 : i32
      %add3A_505 = arith.addi %mul3A_144, %add3A_504 : i32
      %swap3A_506 = arith.index_cast %add3A_505 : i32 to index
      %swap3A_507 = arith.constant 32 : index
      %swap3A_508 = tpu.vector_load %arg9[%swap3A_506, %swap3A_507] {strides = array<i32>} : memref<128x64xf32, #tpu.memory_space<vmem>>, vector<1x16xf32>,
      %swap3A_509 = vector.shape_cast %swap3A_508 : vector<1x16xf32> to vector<16xf32>
      %swap3A_510 = vector.shape_cast %mul3A_503 : vector<16xf32> to vector<1x16xf32>
      tpu.vector_store %arg9[%swap3A_506, %swap3A_507], %swap3A_510 {strides = array<i32>} : memref<128x64xf32, #tpu.memory_space<vmem>>, vector<1x16xf32>,
      %add3A_511 = arith.constant 5 : i32
      %add3A_512 = arith.addi %mul3A_144, %add3A_511 : i32
      %get3A_513 = arith.index_cast %add3A_512 : i32 to index
      %get3A_514 = arith.constant 48 : index
      %get3A_515 = tpu.vector_load %arg9[%get3A_513, %get3A_514] {strides = array<i32>} : memref<128x64xf32, #tpu.memory_space<vmem>>, vector<1x16xf32>,
      %get3A_516 = vector.shape_cast %get3A_515 : vector<1x16xf32> to vector<16xf32>
      %mul3A_517 = arith.constant 3.1622777 : f32
      %mul3A_518 = vector.broadcast %mul3A_517 : f32 to vector<16xf32>
      %mul3A_519 = arith.mulf %get3A_516, %mul3A_518 : vector<16xf32>
      %add3A_520 = arith.constant 5 : i32
      %add3A_521 = arith.addi %mul3A_144, %add3A_520 : i32
      %swap3A_522 = arith.index_cast %add3A_521 : i32 to index
      %swap3A_523 = arith.constant 48 : index
      %swap3A_524 = tpu.vector_load %arg9[%swap3A_522, %swap3A_523] {strides = array<i32>} : memref<128x64xf32, #tpu.memory_space<vmem>>, vector<1x16xf32>,
      %swap3A_525 = vector.shape_cast %swap3A_524 : vector<1x16xf32> to vector<16xf32>
      %swap3A_526 = vector.shape_cast %mul3A_519 : vector<16xf32> to vector<1x16xf32>
      tpu.vector_store %arg9[%swap3A_522, %swap3A_523], %swap3A_526 {strides = array<i32>} : memref<128x64xf32, #tpu.memory_space<vmem>>, vector<1x16xf32>,
      %add3A_527 = arith.constant 6 : i32
      %add3A_528 = arith.addi %mul3A_144, %add3A_527 : i32
      %get3A_529 = arith.index_cast %add3A_528 : i32 to index
      %get3A_530 = arith.constant 0 : index
      %get3A_531 = tpu.vector_load %arg9[%get3A_529, %get3A_530] {strides = array<i32>} : memref<128x64xf32, #tpu.memory_space<vmem>>, vector<1x16xf32>,
      %get3A_532 = vector.shape_cast %get3A_531 : vector<1x16xf32> to vector<16xf32>
      %mul3A_533 = arith.constant 3.1622777 : f32
      %mul3A_534 = vector.broadcast %mul3A_533 : f32 to vector<16xf32>
      %mul3A_535 = arith.mulf %get3A_532, %mul3A_534 : vector<16xf32>
      %add3A_536 = arith.constant 6 : i32
      %add3A_537 = arith.addi %mul3A_144, %add3A_536 : i32
      %swap3A_538 = arith.index_cast %add3A_537 : i32 to index
      %swap3A_539 = arith.constant 0 : index
      %swap3A_540 = tpu.vector_load %arg9[%swap3A_538, %swap3A_539] {strides = array<i32>} : memref<128x64xf32, #tpu.memory_space<vmem>>, vector<1x16xf32>,
      %swap3A_541 = vector.shape_cast %swap3A_540 : vector<1x16xf32> to vector<16xf32>
      %swap3A_542 = vector.shape_cast %mul3A_535 : vector<16xf32> to vector<1x16xf32>
      tpu.vector_store %arg9[%swap3A_538, %swap3A_539], %swap3A_542 {strides = array<i32>} : memref<128x64xf32, #tpu.memory_space<vmem>>, vector<1x16xf32>,
      %add3A_543 = arith.constant 6 : i32
      %add3A_544 = arith.addi %mul3A_144, %add3A_543 : i32
      %get3A_545 = arith.index_cast %add3A_544 : i32 to index
      %get3A_546 = arith.constant 16 : index
      %get3A_547 = tpu.vector_load %arg9[%get3A_545, %get3A_546] {strides = array<i32>} : memref<128x64xf32, #tpu.memory_space<vmem>>, vector<1x16xf32>,
      %get3A_548 = vector.shape_cast %get3A_547 : vector<1x16xf32> to vector<16xf32>
      %mul3A_549 = arith.constant 3.1622777 : f32
      %mul3A_550 = vector.broadcast %mul3A_549 : f32 to vector<16xf32>
      %mul3A_551 = arith.mulf %get3A_548, %mul3A_550 : vector<16xf32>
      %add3A_552 = arith.constant 6 : i32
      %add3A_553 = arith.addi %mul3A_144, %add3A_552 : i32
      %swap3A_554 = arith.index_cast %add3A_553 : i32 to index
      %swap3A_555 = arith.constant 16 : index
      %swap3A_556 = tpu.vector_load %arg9[%swap3A_554, %swap3A_555] {strides = array<i32>} : memref<128x64xf32, #tpu.memory_space<vmem>>, vector<1x16xf32>,
      %swap3A_557 = vector.shape_cast %swap3A_556 : vector<1x16xf32> to vector<16xf32>
      %swap3A_558 = vector.shape_cast %mul3A_551 : vector<16xf32> to vector<1x16xf32>
      tpu.vector_store %arg9[%swap3A_554, %swap3A_555], %swap3A_558 {strides = array<i32>} : memref<128x64xf32, #tpu.memory_space<vmem>>, vector<1x16xf32>,
      %add3A_559 = arith.constant 6 : i32
      %add3A_560 = arith.addi %mul3A_144, %add3A_559 : i32
      %get3A_561 = arith.index_cast %add3A_560 : i32 to index
      %get3A_562 = arith.constant 32 : index
      %get3A_563 = tpu.vector_load %arg9[%get3A_561, %get3A_562] {strides = array<i32>} : memref<128x64xf32, #tpu.memory_space<vmem>>, vector<1x16xf32>,
      %get3A_564 = vector.shape_cast %get3A_563 : vector<1x16xf32> to vector<16xf32>
      %mul3A_565 = arith.constant 3.1622777 : f32
      %mul3A_566 = vector.broadcast %mul3A_565 : f32 to vector<16xf32>
      %mul3A_567 = arith.mulf %get3A_564, %mul3A_566 : vector<16xf32>
      %add3A_568 = arith.constant 6 : i32
      %add3A_569 = arith.addi %mul3A_144, %add3A_568 : i32
      %swap3A_570 = arith.index_cast %add3A_569 : i32 to index
      %swap3A_571 = arith.constant 32 : index
      %swap3A_572 = tpu.vector_load %arg9[%swap3A_570, %swap3A_571] {strides = array<i32>} : memref<128x64xf32, #tpu.memory_space<vmem>>, vector<1x16xf32>,
      %swap3A_573 = vector.shape_cast %swap3A_572 : vector<1x16xf32> to vector<16xf32>
      %swap3A_574 = vector.shape_cast %mul3A_567 : vector<16xf32> to vector<1x16xf32>
      tpu.vector_store %arg9[%swap3A_570, %swap3A_571], %swap3A_574 {strides = array<i32>} : memref<128x64xf32, #tpu.memory_space<vmem>>, vector<1x16xf32>,
      %add3A_575 = arith.constant 6 : i32
      %add3A_576 = arith.addi %mul3A_144, %add3A_575 : i32
      %get3A_577 = arith.index_cast %add3A_576 : i32 to index
      %get3A_578 = arith.constant 48 : index
      %get3A_579 = tpu.vector_load %arg9[%get3A_577, %get3A_578] {strides = array<i32>} : memref<128x64xf32, #tpu.memory_space<vmem>>, vector<1x16xf32>,
      %get3A_580 = vector.shape_cast %get3A_579 : vector<1x16xf32> to vector<16xf32>
      %mul3A_581 = arith.constant 3.1622777 : f32
      %mul3A_582 = vector.broadcast %mul3A_581 : f32 to vector<16xf32>
      %mul3A_583 = arith.mulf %get3A_580, %mul3A_582 : vector<16xf32>
      %add3A_584 = arith.constant 6 : i32
      %add3A_585 = arith.addi %mul3A_144, %add3A_584 : i32
      %swap3A_586 = arith.index_cast %add3A_585 : i32 to index
      %swap3A_587 = arith.constant 48 : index
      %swap3A_588 = tpu.vector_load %arg9[%swap3A_586, %swap3A_587] {strides = array<i32>} : memref<128x64xf32, #tpu.memory_space<vmem>>, vector<1x16xf32>,
      %swap3A_589 = vector.shape_cast %swap3A_588 : vector<1x16xf32> to vector<16xf32>
      %swap3A_590 = vector.shape_cast %mul3A_583 : vector<16xf32> to vector<1x16xf32>
      tpu.vector_store %arg9[%swap3A_586, %swap3A_587], %swap3A_590 {strides = array<i32>} : memref<128x64xf32, #tpu.memory_space<vmem>>, vector<1x16xf32>,
      %add3A_591 = arith.constant 7 : i32
      %add3A_592 = arith.addi %mul3A_144, %add3A_591 : i32
      %get3A_593 = arith.index_cast %add3A_592 : i32 to index
      %get3A_594 = arith.constant 0 : index
      %get3A_595 = tpu.vector_load %arg9[%get3A_593, %get3A_594] {strides = array<i32>} : memref<128x64xf32, #tpu.memory_space<vmem>>, vector<1x16xf32>,
      %get3A_596 = vector.shape_cast %get3A_595 : vector<1x16xf32> to vector<16xf32>
      %mul3A_597 = arith.constant 3.1622777 : f32
      %mul3A_598 = vector.broadcast %mul3A_597 : f32 to vector<16xf32>
      %mul3A_599 = arith.mulf %get3A_596, %mul3A_598 : vector<16xf32>
      %add3A_600 = arith.constant 7 : i32
      %add3A_601 = arith.addi %mul3A_144, %add3A_600 : i32
      %swap3A_602 = arith.index_cast %add3A_601 : i32 to index
      %swap3A_603 = arith.constant 0 : index
      %swap3A_604 = tpu.vector_load %arg9[%swap3A_602, %swap3A_603] {strides = array<i32>} : memref<128x64xf32, #tpu.memory_space<vmem>>, vector<1x16xf32>,
      %swap3A_605 = vector.shape_cast %swap3A_604 : vector<1x16xf32> to vector<16xf32>
      %swap3A_606 = vector.shape_cast %mul3A_599 : vector<16xf32> to vector<1x16xf32>
      tpu.vector_store %arg9[%swap3A_602, %swap3A_603], %swap3A_606 {strides = array<i32>} : memref<128x64xf32, #tpu.memory_space<vmem>>, vector<1x16xf32>,
      %add3A_607 = arith.constant 7 : i32
      %add3A_608 = arith.addi %mul3A_144, %add3A_607 : i32
      %get3A_609 = arith.index_cast %add3A_608 : i32 to index
      %get3A_610 = arith.constant 16 : index
      %get3A_611 = tpu.vector_load %arg9[%get3A_609, %get3A_610] {strides = array<i32>} : memref<128x64xf32, #tpu.memory_space<vmem>>, vector<1x16xf32>,
      %get3A_612 = vector.shape_cast %get3A_611 : vector<1x16xf32> to vector<16xf32>
      %mul3A_613 = arith.constant 3.1622777 : f32
      %mul3A_614 = vector.broadcast %mul3A_613 : f32 to vector<16xf32>
      %mul3A_615 = arith.mulf %get3A_612, %mul3A_614 : vector<16xf32>
      %add3A_616 = arith.constant 7 : i32
      %add3A_617 = arith.addi %mul3A_144, %add3A_616 : i32
      %swap3A_618 = arith.index_cast %add3A_617 : i32 to index
      %swap3A_619 = arith.constant 16 : index
      %swap3A_620 = tpu.vector_load %arg9[%swap3A_618, %swap3A_619] {strides = array<i32>} : memref<128x64xf32, #tpu.memory_space<vmem>>, vector<1x16xf32>,
      %swap3A_621 = vector.shape_cast %swap3A_620 : vector<1x16xf32> to vector<16xf32>
      %swap3A_622 = vector.shape_cast %mul3A_615 : vector<16xf32> to vector<1x16xf32>
      tpu.vector_store %arg9[%swap3A_618, %swap3A_619], %swap3A_622 {strides = array<i32>} : memref<128x64xf32, #tpu.memory_space<vmem>>, vector<1x16xf32>,
      %add3A_623 = arith.constant 7 : i32
      %add3A_624 = arith.addi %mul3A_144, %add3A_623 : i32
      %get3A_625 = arith.index_cast %add3A_624 : i32 to index
      %get3A_626 = arith.constant 32 : index
      %get3A_627 = tpu.vector_load %arg9[%get3A_625, %get3A_626] {strides = array<i32>} : memref<128x64xf32, #tpu.memory_space<vmem>>, vector<1x16xf32>,
      %get3A_628 = vector.shape_cast %get3A_627 : vector<1x16xf32> to vector<16xf32>
      %mul3A_629 = arith.constant 3.1622777 : f32
      %mul3A_630 = vector.broadcast %mul3A_629 : f32 to vector<16xf32>
      %mul3A_631 = arith.mulf %get3A_628, %mul3A_630 : vector<16xf32>
      %add3A_632 = arith.constant 7 : i32
      %add3A_633 = arith.addi %mul3A_144, %add3A_632 : i32
      %swap3A_634 = arith.index_cast %add3A_633 : i32 to index
      %swap3A_635 = arith.constant 32 : index
      %swap3A_636 = tpu.vector_load %arg9[%swap3A_634, %swap3A_635] {strides = array<i32>} : memref<128x64xf32, #tpu.memory_space<vmem>>, vector<1x16xf32>,
      %swap3A_637 = vector.shape_cast %swap3A_636 : vector<1x16xf32> to vector<16xf32>
      %swap3A_638 = vector.shape_cast %mul3A_631 : vector<16xf32> to vector<1x16xf32>
      tpu.vector_store %arg9[%swap3A_634, %swap3A_635], %swap3A_638 {strides = array<i32>} : memref<128x64xf32, #tpu.memory_space<vmem>>, vector<1x16xf32>,
      %add3A_639 = arith.constant 7 : i32
      %add3A_640 = arith.addi %mul3A_144, %add3A_639 : i32
      %get3A_641 = arith.index_cast %add3A_640 : i32 to index
      %get3A_642 = arith.constant 48 : index
      %get3A_643 = tpu.vector_load %arg9[%get3A_641, %get3A_642] {strides = array<i32>} : memref<128x64xf32, #tpu.memory_space<vmem>>, vector<1x16xf32>,
      %get3A_644 = vector.shape_cast %get3A_643 : vector<1x16xf32> to vector<16xf32>
      %mul3A_645 = arith.constant 3.1622777 : f32
      %mul3A_646 = vector.broadcast %mul3A_645 : f32 to vector<16xf32>
      %mul3A_647 = arith.mulf %get3A_644, %mul3A_646 : vector<16xf32>
      %add3A_648 = arith.constant 7 : i32
      %add3A_649 = arith.addi %mul3A_144, %add3A_648 : i32
      %swap3A_650 = arith.index_cast %add3A_649 : i32 to index
      %swap3A_651 = arith.constant 48 : index
      %swap3A_652 = tpu.vector_load %arg9[%swap3A_650, %swap3A_651] {strides = array<i32>} : memref<128x64xf32, #tpu.memory_space<vmem>>, vector<1x16xf32>,
      %swap3A_653 = vector.shape_cast %swap3A_652 : vector<1x16xf32> to vector<16xf32>
      %swap3A_654 = vector.shape_cast %mul3A_647 : vector<16xf32> to vector<1x16xf32>
      tpu.vector_store %arg9[%swap3A_650, %swap3A_651], %swap3A_654 {strides = array<i32>} : memref<128x64xf32, #tpu.memory_space<vmem>>, vector<1x16xf32>,
    }
    %scan3A_109 = arith.constant 16 : i32
    %add3A_110 = arith.constant 199 : i32
    %add3A_111 = arith.addi %mul3A_2, %add3A_110 : i32
    %mul3A_112 = arith.constant 128 : i32
    %mul3A_113 = arith.muli %add3A_111, %mul3A_112 : i32
    %dma_start3A_114 = arith.constant 0 : i32
    %dma_start3A_115 = tpu.memref_slice %arg4[%mul3A_113, %dma_start3A_114] : memref<819200x64xf32, #tpu.memory_space<hbm>> -> memref<128x64xf32, #tpu.memory_space<hbm>>
    %dma_start3A_116 = arith.constant 0 : i32
    %dma_start3A_117 = tpu.memref_slice %arg4[%mul3A_113, %dma_start3A_116] : memref<819200x64xf32, #tpu.memory_space<hbm>> -> memref<128x64xf32, #tpu.memory_space<hbm>>
    tpu.enqueue_dma source(%arg9 : memref<128x64xf32, #tpu.memory_space<vmem>>) target(%dma_start3A_117 : memref<128x64xf32, #tpu.memory_space<hbm>>) target_semaphore(%arg17 : memref<!tpu.dma_semaphore, #tpu.memory_space<semaphore_mem>>)
    %mul3A_118 = arith.constant 128 : i32
    %mul3A_119 = arith.muli %mul3A_2, %mul3A_118 : i32
    %dma_wait3A_120 = arith.constant 0 : i32
    %dma_wait3A_121 = tpu.memref_slice %arg4[%mul3A_119, %dma_wait3A_120] : memref<819200x64xf32, #tpu.memory_space<hbm>> -> memref<128x64xf32, #tpu.memory_space<hbm>>
    %dma_wait3A_122 = arith.constant 0 : i32
    %dma_wait3A_123 = tpu.memref_slice %arg4[%mul3A_119, %dma_wait3A_122] : memref<819200x64xf32, #tpu.memory_space<hbm>> -> memref<128x64xf32, #tpu.memory_space<hbm>>
    tpu.wait_dma2 semaphore(%arg14 : memref<!tpu.dma_semaphore, #tpu.memory_space<semaphore_mem>>) src(%arg6 : memref<128x64xf32, #tpu.memory_space<vmem>>) dst(%dma_wait3A_123 : memref<128x64xf32, #tpu.memory_space<hbm>>)
    %mul3A_124 = arith.constant 128 : i32
    %mul3A_125 = arith.muli %mul3A_2, %mul3A_124 : i32
    %dma_wait3A_126 = arith.constant 0 : i32
    %dma_wait3A_127 = tpu.memref_slice %arg4[%mul3A_125, %dma_wait3A_126] : memref<819200x64xf32, #tpu.memory_space<hbm>> -> memref<128x64xf32, #tpu.memory_space<hbm>>
    %dma_wait3A_128 = arith.constant 0 : i32
    %dma_wait3A_129 = tpu.memref_slice %arg4[%mul3A_125, %dma_wait3A_128] : memref<819200x64xf32, #tpu.memory_space<hbm>> -> memref<128x64xf32, #tpu.memory_space<hbm>>
    tpu.wait_dma2 semaphore(%arg15 : memref<!tpu.dma_semaphore, #tpu.memory_space<semaphore_mem>>) src(%arg7 : memref<128x64xf32, #tpu.memory_space<vmem>>) dst(%dma_wait3A_129 : memref<128x64xf32, #tpu.memory_space<hbm>>)
    %mul3A_130 = arith.constant 128 : i32
    %mul3A_131 = arith.muli %mul3A_2, %mul3A_130 : i32
    %dma_wait3A_132 = arith.constant 0 : i32
    %dma_wait3A_133 = tpu.memref_slice %arg4[%mul3A_131, %dma_wait3A_132] : memref<819200x64xf32, #tpu.memory_space<hbm>> -> memref<128x64xf32, #tpu.memory_space<hbm>>
    %dma_wait3A_134 = arith.constant 0 : i32
    %dma_wait3A_135 = tpu.memref_slice %arg4[%mul3A_131, %dma_wait3A_134] : memref<819200x64xf32, #tpu.memory_space<hbm>> -> memref<128x64xf32, #tpu.memory_space<hbm>>
    tpu.wait_dma2 semaphore(%arg16 : memref<!tpu.dma_semaphore, #tpu.memory_space<semaphore_mem>>) src(%arg8 : memref<128x64xf32, #tpu.memory_space<vmem>>) dst(%dma_wait3A_135 : memref<128x64xf32, #tpu.memory_space<hbm>>)
    %mul3A_136 = arith.constant 128 : i32
    %mul3A_137 = arith.muli %mul3A_2, %mul3A_136 : i32
    %dma_wait3A_138 = arith.constant 0 : i32
    %dma_wait3A_139 = tpu.memref_slice %arg4[%mul3A_137, %dma_wait3A_138] : memref<819200x64xf32, #tpu.memory_space<hbm>> -> memref<128x64xf32, #tpu.memory_space<hbm>>
    %dma_wait3A_140 = arith.constant 0 : i32
    %dma_wait3A_141 = tpu.memref_slice %arg4[%mul3A_137, %dma_wait3A_140] : memref<819200x64xf32, #tpu.memory_space<hbm>> -> memref<128x64xf32, #tpu.memory_space<hbm>>
    tpu.wait_dma2 semaphore(%arg17 : memref<!tpu.dma_semaphore, #tpu.memory_space<semaphore_mem>>) src(%arg9 : memref<128x64xf32, #tpu.memory_space<vmem>>) dst(%dma_wait3A_141 : memref<128x64xf32, #tpu.memory_space<hbm>>)
    return
  }
}

</mosaic_0001>

<sc_bundles>
// kernel: kernel.3.cloned.1.call-start
scs
__scs_entry_jumppad:
0x0: {  	(pc) =	sbr.rel $0x88, $3  }
0x1: {  	(tag) =	ssettag $0x0;
	lr =	simm.s32 $0x1  }
0x2: {  	[smem:$0x3F9F] =	sst lr;
	_ =	strace $0xD0000000  }
0x3: {  	_ = 	snop  }
0x4: {  	_ = 	snop  }
0x5: {  	_ = 	snop  }
0x6: {  	_ = 	snop  }
0x7: {  	_ = 	snop  }
__scs_overlays_trampoline_lowered:
0x8: {  	[smem:$0x3FAE] =	sst s0  }
0x9: {  	[smem:$0x3FAF] =	sst s1  }
0xa: {  	[smem:$0x3FB0] =	sst s2  }
0xb: {  	[smem:$0x3FB1] =	sst s3  }
0xc: {  	[smem:$0x3FB2] =	sst s4  }
0xd: {  	[smem:$0x3FB3] =	sst s5  }
0xe: {  	[smem:$0x3FB4] =	sst s6  }
0xf: {  	[smem:$0x3FB5] =	sst s7  }
0x10: {  	[smem:$0x3FB6] =	sst s8  }
0x11: {  	[smem:$0x3FB7] =	sst s9;
	s0 =	simm.s32 @!p0 $0x0  }
0x12: {  	s1 =	sld [smem:$0x3F9D];
	s0 =	simm.s32 @p0 $0x1  }
0x13: {  	[smem:$0x3FB8] =	sst s0;
	s0 =	simm.s32 @!p1 $0x0  }
0x14: {  	s2 =	sld [smem:$0x3F9C];
	s0 =	simm.s32 @p1 $0x1  }
0x15: {  	[smem:$0x3FB9] =	sst s0;
	s0 =	simm.s32 @!p2 $0x0  }
0x16: {  	s3 =	sld [smem:$0x3FDB];
	s0 =	simm.s32 @p2 $0x1  }
0x17: {  	s4 =	simm.s32 $0x1BF5;
	[smem:$0x3FBB] =	sst s0  }
0x18: {  	s0 =	sld [smem:$0x3F9E];
	_ =	swait.ge [sflag:s4], $0x0  }
0x19: {  	s7 =	sld [smem:$0x3F9F]  }
0x1a: {  	s8 =	sadd.s32 $0xFFFFE003, lr  }
0x1b: {  	s9 =	sadd.s32 $0xFFFFFEF7, lr;
	s5 =	simm.s32 $0xFFFFFFFF;
	p2 =	slt.u32 s8, $0xFFFFF086  }
0x1c: {  	p1 =	slt.u32 s9, $0xF7A;
	s5 =	simm.s32 @!p2 $0x0  }
0x1d: {  	s5 =	simm.s32 @p1 $0x1;
	p0 =	seq.s32 s7, s2  }
0x1e: {  	s7 =	smul.u32 @!p0 $0xF7A, s2;
	p2 =	seq.s32 @!p0 s5, $0x0  }
0x1f: {  	s9 =	smul.u32 $0xF7A, s1;
	s8 =	simm.s32 @!p0 $0x1BF5;
	p2 =	por !p2, p0  }
0x20: {  	[sflag:s8] =	ssyncset.s32 @!p0 $0xFFFFF086;
	s6 =	sadd.s32 @!p0 s3, s7;
	s7 =	simm.s32 @!p0 $0x108  }
0x21: {  	s3 =	sadd.s32 s3, s9;
	s6 =	sadd.s32 @!p0 $0x88, s6;
	s7 =	simm.s32 @p2 $0x1082  }
0x22: {  	[simem:s7], [sflag:s8] =	dma.local @!p0 [hbm:s6], $0xF7A  }
0x23: {  	s9 =	sor.u32 $0xD0000000, s2;
	s6 =	simm.s32 $0x108;
	_ =	swait.ge @!p0 [sflag:s8], $0x0  }
0x24: {  	s3 =	sadd.s32 $0x88, s3;
	s6 =	simm.s32 @!p1 $0x1082;
	[sflag:s4] =	ssyncset.s32 $0xFFFFF086  }
0x25: {  	[simem:s6], [sflag:s4] =	dma.local [hbm:s3], $0xF7A  }
0x26: {  	[smem:$0x3F9F] =	sst s1;
	(tag) =	ssettag s2;
	_ =	strace s9  }
0x27: {  	s1 =	sld [smem:$0x3FAF]  }
0x28: {  	s2 =	sld [smem:$0x3FB0]  }
0x29: {  	s4 =	sld [smem:$0x3FB2]  }
0x2a: {  	p0 =	seq.s32 s5, $0x0;
	s5 =	sld [smem:$0x3FB3]  }
0x2b: {  	s6 =	sld [smem:$0x3FB4]  }
0x2c: {  	s7 =	sld [smem:$0x3FB5]  }
0x2d: {  	s3 =	simm.s32 $0x108;
	s8 =	sld [smem:$0x3FB6]  }
0x2e: {  	s3 =	simm.s32 @!p0 $0x1082;
	s9 =	sld [smem:$0x3FB7]  }
0x2f: {  	lr =	sadd.s32 s0, s3;
	s0 =	sld [smem:$0x3FAE]  }
0x30: {  	s3 =	sld [smem:$0x3FB1]  }
0x31: {  	[smem:$0x3FBA] =	sst s10  }
0x32: {  	s10 =	sld [smem:$0x3FB8];
	_ =	sdelay $0x3  }
0x33: {  	p0 =	seq.s32 s10, $0x1;
	s10 =	sld [smem:$0x3FBA];
	_ =	sdelay $0x3  }
0x34: {  	[smem:$0x3FBA] =	sst s10  }
0x35: {  	s10 =	sld [smem:$0x3FB9];
	_ =	sdelay $0x3  }
0x36: {  	p1 =	seq.s32 s10, $0x1;
	s10 =	sld [smem:$0x3FBA];
	_ =	sdelay $0x3  }
0x37: {  	[smem:$0x3FBA] =	sst s10  }
0x38: {  	s10 =	sld [smem:$0x3FBB]  }
0x39: {  	_ = 	snop;
	(pc) =	sbr.ind lr, $3  }
0x3a: {  	_ = 	snop  }
0x3b: {  	_ = 	snop  }
0x3c: {  	p2 =	seq.s32 s10, $0x1;
	s10 =	sld [smem:$0x3FBA]  }
0x3d: {  	_ =	shalt  }
0x3e: {  	_ =	shalt  }
0x3f: {  	_ =	shalt  }
0x40: {  	_ =	shalt  }
0x41: {  	_ =	shalt  }
0x42: {  	_ =	shalt  }
0x43: {  	_ =	shalt  }
0x44: {  	_ =	shalt  }
0x45: {  	_ =	shalt  }
0x46: {  	_ =	shalt  }
0x47: {  	_ =	shalt  }
0x48: {  	_ =	shalt  }
0x49: {  	_ =	shalt  }
0x4a: {  	_ =	shalt  }
0x4b: {  	_ =	shalt  }
0x4c: {  	_ =	shalt  }
0x4d: {  	_ =	shalt  }
0x4e: {  	_ =	shalt  }
0x4f: {  	_ =	shalt  }
0x50: {  	_ =	shalt  }
0x51: {  	_ =	shalt  }
0x52: {  	_ =	shalt  }
0x53: {  	_ =	shalt  }
0x54: {  	_ =	shalt  }
0x55: {  	_ =	shalt  }
0x56: {  	_ =	shalt  }
0x57: {  	_ =	shalt  }
0x58: {  	_ =	shalt  }
0x59: {  	_ =	shalt  }
0x5a: {  	_ =	shalt  }
0x5b: {  	_ =	shalt  }
0x5c: {  	_ =	shalt  }
0x5d: {  	_ =	shalt  }
0x5e: {  	_ =	shalt  }
0x5f: {  	_ =	shalt  }
0x60: {  	_ =	shalt  }
0x61: {  	_ =	shalt  }
0x62: {  	_ =	shalt  }
0x63: {  	_ =	shalt  }
0x64: {  	_ =	shalt  }
0x65: {  	_ =	shalt  }
0x66: {  	_ =	shalt  }
0x67: {  	_ =	shalt  }
0x68: {  	_ =	shalt  }
0x69: {  	_ =	shalt  }
0x6a: {  	_ =	shalt  }
0x6b: {  	_ =	shalt  }
0x6c: {  	_ =	shalt  }
0x6d: {  	_ =	shalt  }
0x6e: {  	_ =	shalt  }
0x6f: {  	_ =	shalt  }
0x70: {  	_ =	shalt  }
0x71: {  	_ =	shalt  }
0x72: {  	_ =	shalt  }
0x73: {  	_ =	shalt  }
0x74: {  	_ =	shalt  }
0x75: {  	_ =	shalt  }
0x76: {  	_ =	shalt  }
0x77: {  	_ =	shalt  }
0x78: {  	_ =	shalt  }
0x79: {  	_ =	shalt  }
0x7a: {  	_ =	shalt  }
0x7b: {  	_ =	shalt  }
0x7c: {  	_ =	shalt  }
0x7d: {  	_ =	shalt  }
0x7e: {  	_ =	shalt  }
0x7f: {  	_ =	shalt  }
0x80: {  	_ =	shalt  }
0x81: {  	_ =	shalt  }
0x82: {  	_ =	shalt  }
0x83: {  	_ =	shalt  }
0x84: {  	_ =	shalt  }
0x85: {  	_ =	shalt  }
0x86: {  	_ =	shalt  }
0x87: {  	_ =	shalt  }
.Lfunc_end0:
.L_simem_size_0:
called_computation.1_lowered:
.L_overlay_start_0:
0x88: {  	s2 =	sld [smem:$0x3FD9]  }
0x89: {  	s3 =	sld [smem:$0x3FFE];
	_ =	sdelay $0x1  }
0x8a: {  	s1 =	srdreg.scid  }
0x8b: {  	s0 =	sand.u32 $0x1, s1  }
0x8c: {  	s17 =	sshll.u32 s0, $0xA;
	s2 =	sadd.s32 s3, s2  }
0x8d: {  	s2 =	sadd.s32 s2, s17  }
0x8e: {  	[smem:$0x3FC6] =	sst s2  }
0x8f: {  	_ = 	snop  }
0x90: {  	s2 =	sld [smem:$0x3FD0];
	(tm) =	ssettm $0x1  }
0x91: {  	s18 =	sld [smem:$0x3FFB];
	_ =	sdelay $0x3  }
0x92: {  	_ =	strace s18  }
0x93: {  	s3 =	sld [smem:$0x3FFC];
	_ =	sdelay $0x3  }
0x94: {  	_ =	strace s3  }
0x95: {  	s3 =	sld [smem:$0x3FFD];
	_ =	sdelay $0x3  }
0x96: {  	_ =	strace s3  }
0x97: {  	_ =	strace $0x8FFFFFFF  }
0x98: {  	s19 =	sld [smem:$0x3FDB];
	_ =	sdelay $0x1  }
0x99: {  	s4 =	simm.s32 $_scs_section_size  }
0x9a: {  	s5 =	simm.s32 $_size__tile_overlayer_lowered;
	s6 =	simm.s32 $_tile_overlayer_lowered  }
0x9b: {  	s22 =	simm.s32 $0x1BFF;
	s21 =	sshll.u32 s6, $0x1;
	s3 =	sadd.s32 s4, s19  }
0x9c: {  	s7 =	simm.s32 $0x0;
	s20 =	sshll.u32 s5, $0x1;
	s5 =	sadd.s32 s21, s3  }
0x9d: {  	[timem:s7], [sflag:s22] =	dma.local [hbm:s5], s20  }
0x9e: {  	_ =	swait.ge [sflag:s22], s20  }
0x9f: {  	s4 =	ssub.s32 $0x0, s20;
	[sflag:s22] =	ssyncset.done $0x0  }
0xa0: {  	[sflag:s22] =	ssyncadd.s32 s4;
	_ =	sdelay $0x1  }
0xa1: {  	s23 =	simm.s32 $0x1B8B  }
0xa2: {  	_ =	swait.ge [sflag:s23], $0x1  }
0xa3: {  	[sflag:s23] =	ssyncset.done $0x0  }
0xa4: {  	s25 =	simm.s32 $0x1B8E;
	s24 =	sld [smem:$0x3FFE];
	[sflag:s23] =	ssyncadd.s32 $0xFFFFFFFF  }
0xa5: {  	s26 =	simm.s32 $execute0_lowered;
	[smem:$0x3FD2] =	sst s25  }
0xa6: {  	s5 =	sshll.u32 s26, $0x1;
	_ =	strace $0x80000046;
	[dreg:$0x1] =	wrdreg $0xFFFFFFFF  }
0xa7: {  	s28 =	simm.s32 $_size_execute0_lowered;
	s3 =	sadd.s32 s3, s5;
	[dreg:$0x0] =	wrdreg $0x0  }
0xa8: {  	s5 =	sshll.u32 s28, $0x1;
	[dreg:$0x2] =	wrdreg s3  }
0xa9: {  	[dreg:$0x3] =	wrdreg s5  }
0xaa: {  	[dreg:$0x4] =	wrdreg $0xC0  }
0xab: {  	_ =	task [dreg:s7], $0x5FFFF  }
0xac: {  	[dreg:$0x1] =	wrdreg $0xFFFFFFFF  }
0xad: {  	[dreg:$0x0] =	wrdreg $0x60  }
0xae: {  	[dreg:$0x2] =	wrdreg s24  }
0xaf: {  	[dreg:$0x3] =	wrdreg s2  }
0xb0: {  	[dreg:$0x4] =	wrdreg $0x9  }
0xb1: {  	_ =	task.clear_ibuf [dreg:s7], $0x5FFFF;
	_ =	strace $0x90000046  }
0xb2: {  	s29 =	simm.s32 $0x9;
	_ =	strace $0x80000048  }
0xb3: {  	_ =	swait.ge [sflag:s29], $0x1  }
0xb4: {  	[sflag:s29] =	ssyncadd.s32 $0xFFFFFFFF  }
0xb5: {  	_ =	strace $0x90000048  }
0xb6: {  	_ =	sfence  }
0xb7: {  	s30 =	sld [smem:$0x0];
	_ =	sdelay $0x2  }
0xb8: {  	s31 =	sshll.u32 s1, $0xD;
	s1 =	sshrl.u32 s1, $0x2  }
0xb9: {  	s3 =	sand.u32 $0x4000, s31;
	s1 =	sadd.s32 s1, s30  }
0xba: {  	s0 =	sor.u32 s3, s0;
	s1 =	sshll.u32 s1, $0x11  }
0xbb: {  	s0 =	sor.u32 s1, s0  }
0xbc: {  	s0 =	sadd.s32 $0x8F2B, s0  }
0xbd: {  	[sflag:s0] =	ssyncadd.remote.s32 $0x1  }
0xbe: {  	_ =	sfence.sel $0xFFFF  }
0xbf: {  	[dreg:$0x0] =	wrdreg $0xFFFFFFFF;
	(pc) =	sbr.abs _section_cstart, $3  }
0xc0: {  	[dreg:$0x1] =	wrdreg $0xFFFFFFFF  }
0xc1: {  	_ =	task.clear_ibuf [dreg:s7], $0x2FFFF;
	_ =	strace $0x9FFFFFFF  }
0xc2: {  	(tm) =	ssettm $0x7FFFFFFF  }
0xc3: {  	_ =	shalt  }
tec
execute0_lowered:
.L_overlay_start_1:
0x0: {  	(tag) =	ssettag $0x1  }
0x1: {  	s0 =	rddreg [dreg:$0x0];
	s1 =	srdreg.scid  }
0x2: {  	s3 =	stileid.u32;
	s2 =	rddreg [dreg:$0x1];
	s14 =	simm.s32 $0x9  }
0x3: {  	s15 =	simm.s32 $0x80;
	s16 =	simm.s32 $0x6400;
	s17 =	simm.s32 $0x8400  }
0x4: {  	s19 =	simm.s32 $0xA400;
	s1 =	sand.u32 $0x1, s1;
	s4 =	sshll.u32 s3, $0x1  }
0x5: {  	s20 =	simm.s32 $0x1;
	s22 =	simm.s32 $0xC400;
	s5 =	sor.u32 s1, s4  }
0x6: {  	s28 =	simm.s32 $0x4;
	s29 =	simm.s32 $0x7;
	s4 =	smul.u32 $0xC80, s5  }
0x7: {  	s30 =	simm.s32 $0x8;
	s31 =	simm.s32 $0x0;
	s6 =	smul.u32 $0x32000, s5  }
0x8: {  	s3 =	simm.s32 $0x0;
	s1 =	ssub.s32 $0x2, s1;
	s9 =	smul.u32 $0x190000, s5  }
0x9: {  	[smem:$0x7FF] =	sst s3;
	s8 =	sshrl.u32 s1, $0x1;
	s5 =	smul.u32 $0xC8, s5  }
0xa: {  	_ =	strace $0x80000047;
	s23 =	ssub.s32 s1, s8;
	s7 =	sadd.s32 s4, s0  }
0xb: {  	s4 =	sadd.s32 $0xF42E00, s0;
	s25 =	sshrl.u32 s9, $0x3;
	s9 =	sor.u32 $0x2, s5  }
0xc: {  	s10 =	sor.u32 $0x3, s5;
	s13 =	smax.u32 s23, $0x1;
	s23 =	simm.s32 $0x2  }
0xd: {  	s24 =	sadd.s32 $0xA00, s7;
	s7 =	sadd.s32 s2, s6;
	s1 =	sadd.s32 s2, s25  }
0xe: {  	s25 =	simm.s32 $0x3;
	[dreg:$0x3] =	wrdreg s24;
	s6 =	sadd.s32 $0x400, s7  }
0xf: {  	s26 =	sadd.s32 $0x31800, s1;
	s12 =	sadd.s32 $0x31C00, s1;
	[dreg:$0x4] =	wrdreg s6  }
0x10: {  	s24 =	simm.s32 $0x5;
	[dreg:$0x5] =	wrdreg s26;
	s26 =	simm.s32 $0x6  }
.LBB2_1:
0x11: {  	s0 =	rddreg [dreg:$0x3]  }
0x12: {  	[tilespmem:s3], [sflag:$0x9] =	stream.linear.gather [hbm4b:s0+s3], $0x6400, $0x38;
	[tilespmem:$0xE400] =	vst v63  }
0x13: {  	_ =	swait.ge [sflag:s14], $0x6400  }
0x14: {  	[sflag:s14] =	ssyncset.done $0x0  }
0x15: {  	[sflag:s14] =	ssyncadd.s32 $0xFFFF9C00  }
0x16: {  	[tilespmem:s16], [sflag:$0x1] =	stream.indirect.gather [hbm4b:s4+s15], $0x40, s3, s15, $0xb8;
	[tilespmem:$0xE400] =	vst v63  }
0x17: {  	_ = 	snop  }
0x18: {  	[tilespmem:s17], [sflag:$0x2] =	stream.indirect.gather [hbm4b:s4+s15], $0x40, s15, s15, $0xb8;
	[tilespmem:$0xE400] =	vst v63  }
0x19: {  	s21 =	simm.s32 $0x100  }
0x1a: {  	[tilespmem:s19], [sflag:$0x3] =	stream.indirect.gather [hbm4b:s4+s15], $0x40, s21, s15, $0xb8;
	[tilespmem:$0xE400] =	vst v63  }
0x1b: {  	_ =	swait.ge [sflag:s20], $0x2000  }
0x1c: {  	[sflag:s20] =	ssyncset.done $0x0  }
0x1d: {  	s0 =	simm.s32 $0x0;
	[sflag:s20] =	ssyncadd.s32 $0xFFFFE000  }
0x1e: {  	v0 =	vld [tilespmem:s0+$0x6400]  }
0x1f: {  	v1 =	vld [tilespmem:s0+$0x6410]  }
0x20: {  	v2 =	vld [tilespmem:s0+$0x6420]  }
0x21: {  	v3 =	vld [tilespmem:s0+$0x6430]  }
0x22: {  	v4 =	vld [tilespmem:s0+$0x6440]  }
0x23: {  	v5 =	vld [tilespmem:s0+$0x6450];
	v0 =	vmul.f32 $3.162277700e+00, v0  }
0x24: {  	v6 =	vld [tilespmem:s0+$0x6460];
	v1 =	vmul.f32 $3.162277700e+00, v1  }
0x25: {  	v2 =	vmul.f32 $3.162277700e+00, v2;
	[tilespmem:s0+$0x6400] =	vst v0;
	v0 =	vld [tilespmem:s0+$0x6470]  }
0x26: {  	v3 =	vmul.f32 $3.162277700e+00, v3;
	[tilespmem:s0+$0x6410] =	vst v1;
	v1 =	vld [tilespmem:s0+$0x6480]  }
0x27: {  	v4 =	vmul.f32 $3.162277700e+00, v4;
	[tilespmem:s0+$0x6420] =	vst v2;
	v2 =	vld [tilespmem:s0+$0x6490]  }
0x28: {  	v5 =	vmul.f32 $3.162277700e+00, v5;
	[tilespmem:s0+$0x6430] =	vst v3;
	v3 =	vld [tilespmem:s0+$0x64A0]  }
0x29: {  	v6 =	vmul.f32 $3.162277700e+00, v6;
	[tilespmem:s0+$0x6440] =	vst v4;
	v4 =	vld [tilespmem:s0+$0x64B0]  }
0x2a: {  	[tilespmem:s0+$0x6450] =	vst v5;
	v5 =	vld [tilespmem:s0+$0x64C0];
	v0 =	vmul.f32 $3.162277700e+00, v0  }
0x2b: {  	[tilespmem:s0+$0x6460] =	vst v6;
	v6 =	vld [tilespmem:s0+$0x64D0];
	v1 =	vmul.f32 $3.162277700e+00, v1  }
0x2c: {  	v2 =	vmul.f32 $3.162277700e+00, v2;
	[tilespmem:s0+$0x6470] =	vst v0;
	v0 =	vld [tilespmem:s0+$0x64E0]  }
0x2d: {  	v3 =	vmul.f32 $3.162277700e+00, v3;
	[tilespmem:s0+$0x6480] =	vst v1;
	v1 =	vld [tilespmem:s0+$0x64F0]  }
0x2e: {  	v4 =	vmul.f32 $3.162277700e+00, v4;
	[tilespmem:s0+$0x6490] =	vst v2;
	v2 =	vld [tilespmem:s0+$0x6500]  }
0x2f: {  	v5 =	vmul.f32 $3.162277700e+00, v5;
	[tilespmem:s0+$0x64A0] =	vst v3;
	v3 =	vld [tilespmem:s0+$0x6510]  }
0x30: {  	v6 =	vmul.f32 $3.162277700e+00, v6;
	[tilespmem:s0+$0x64B0] =	vst v4;
	v4 =	vld [tilespmem:s0+$0x6520]  }
0x31: {  	[tilespmem:s0+$0x64C0] =	vst v5;
	v5 =	vld [tilespmem:s0+$0x6530];
	v0 =	vmul.f32 $3.162277700e+00, v0  }
0x32: {  	[tilespmem:s0+$0x64D0] =	vst v6;
	v6 =	vld [tilespmem:s0+$0x6540]  }
0x33: {  	v1 =	vmul.f32 $3.162277700e+00, v1;
	[tilespmem:s0+$0x64E0] =	vst v0;
	v0 =	vld [tilespmem:s0+$0x6550]  }
0x34: {  	v2 =	vmul.f32 $3.162277700e+00, v2  }
0x35: {  	[tilespmem:s0+$0x64F0] =	vst v1;
	v1 =	vmul.f32 $3.162277700e+00, v3;
	v3 =	vld [tilespmem:s0+$0x6570]  }
0x36: {  	v7 =	vld [tilespmem:s0+$0x6560];
	[tilespmem:s0+$0x6500] =	vst v2;
	v2 =	vmul.f32 $3.162277700e+00, v4  }
0x37: {  	v4 =	vld [tilespmem:s0+$0x6580];
	[tilespmem:s0+$0x6510] =	vst v1;
	v1 =	vmul.f32 $3.162277700e+00, v5  }
0x38: {  	[tilespmem:s0+$0x6520] =	vst v2;
	v5 =	vld [tilespmem:s0+$0x6590];
	v2 =	vmul.f32 $3.162277700e+00, v6;
	v6 =	vmul.f32 $3.162277700e+00, v0  }
0x39: {  	[tilespmem:s0+$0x6530] =	vst v1;
	v1 =	vld [tilespmem:s0+$0x65A0]  }
0x3a: {  	v0 =	vld [tilespmem:s0+$0x65B0];
	[tilespmem:s0+$0x6550] =	vst v6;
	v6 =	vmul.f32 $3.162277700e+00, v3  }
0x3b: {  	v7 =	vmul.f32 $3.162277700e+00, v7;
	[tilespmem:s0+$0x6540] =	vst v2;
	v2 =	vld [tilespmem:s0+$0x65C0]  }
0x3c: {  	v3 =	vld [tilespmem:s0+$0x65D0];
	[tilespmem:s0+$0x6570] =	vst v6;
	v6 =	vmul.f32 $3.162277700e+00, v4  }
0x3d: {  	s1 =	simm.s32 $0x800;
	[tilespmem:s0+$0x6560] =	vst v7;
	v5 =	vmul.f32 $3.162277700e+00, v5;
	v4 =	vld [tilespmem:s0+$0x65E0]  }
.LBB2_2:
0x3e: {  	s6 =	sshra.s32 s1, $0x2;
	p0 =	sne.s32 s1, $0x7800;
	[tilespmem:s0+$0x6580] =	vst v6;
	v1 =	vmul.f32 $3.162277700e+00, v1;
	v6 =	vld [tilespmem:s0+$0x65F0]  }
0x3f: {  	v7 =	vld [tilespmem:s6+$0x6400];
	[tilespmem:s0+$0x6590] =	vst v5;
	v0 =	vmul.f32 $3.162277700e+00, v0  }
0x40: {  	v5 =	vld [tilespmem:s6+$0x6410];
	[tilespmem:s0+$0x65A0] =	vst v1;
	v1 =	vmul.f32 $3.162277700e+00, v2  }
0x41: {  	v2 =	vld [tilespmem:s6+$0x6420];
	[tilespmem:s0+$0x65B0] =	vst v0;
	v0 =	vmul.f32 $3.162277700e+00, v3  }
0x42: {  	v3 =	vld [tilespmem:s6+$0x6430];
	[tilespmem:s0+$0x65C0] =	vst v1;
	v1 =	vmul.f32 $3.162277700e+00, v4  }
0x43: {  	v4 =	vld [tilespmem:s6+$0x6440];
	[tilespmem:s0+$0x65D0] =	vst v0;
	v0 =	vmul.f32 $3.162277700e+00, v6  }
0x44: {  	v6 =	vmul.f32 $3.162277700e+00, v7;
	v7 =	vld [tilespmem:s6+$0x6450];
	[tilespmem:s0+$0x65E0] =	vst v1  }
0x45: {  	v1 =	vmul.f32 $3.162277700e+00, v5;
	v5 =	vld [tilespmem:s6+$0x6460];
	[tilespmem:s0+$0x65F0] =	vst v0;
	s0 =	smov.u32 s6  }
0x46: {  	[tilespmem:s0+$0x6400] =	vst v6;
	v0 =	vmul.f32 $3.162277700e+00, v2;
	v2 =	vld [tilespmem:s0+$0x6470]  }
0x47: {  	[tilespmem:s0+$0x6410] =	vst v1;
	v1 =	vmul.f32 $3.162277700e+00, v3;
	v3 =	vld [tilespmem:s0+$0x6480]  }
0x48: {  	[tilespmem:s0+$0x6420] =	vst v0;
	v0 =	vmul.f32 $3.162277700e+00, v4;
	v4 =	vld [tilespmem:s0+$0x6490]  }
0x49: {  	[tilespmem:s0+$0x6430] =	vst v1;
	v1 =	vmul.f32 $3.162277700e+00, v7;
	v6 =	vld [tilespmem:s0+$0x64A0]  }
0x4a: {  	[tilespmem:s0+$0x6440] =	vst v0;
	v0 =	vmul.f32 $3.162277700e+00, v5;
	v5 =	vld [tilespmem:s0+$0x64B0]  }
0x4b: {  	[tilespmem:s0+$0x6450] =	vst v1;
	v1 =	vmul.f32 $3.162277700e+00, v2;
	v2 =	vld [tilespmem:s0+$0x64C0]  }
0x4c: {  	[tilespmem:s0+$0x6460] =	vst v0;
	v0 =	vmul.f32 $3.162277700e+00, v3;
	v3 =	vld [tilespmem:s0+$0x64D0]  }
0x4d: {  	[tilespmem:s0+$0x6470] =	vst v1;
	v1 =	vmul.f32 $3.162277700e+00, v4;
	v4 =	vld [tilespmem:s0+$0x64E0]  }
0x4e: {  	[tilespmem:s0+$0x6480] =	vst v0;
	v0 =	vmul.f32 $3.162277700e+00, v6;
	v6 =	vld [tilespmem:s0+$0x64F0]  }
0x4f: {  	[tilespmem:s0+$0x6490] =	vst v1;
	v1 =	vmul.f32 $3.162277700e+00, v5;
	v5 =	vld [tilespmem:s0+$0x6500]  }
0x50: {  	[tilespmem:s0+$0x64A0] =	vst v0;
	v0 =	vmul.f32 $3.162277700e+00, v2;
	v2 =	vld [tilespmem:s0+$0x6510]  }
0x51: {  	[tilespmem:s0+$0x64B0] =	vst v1;
	v1 =	vmul.f32 $3.162277700e+00, v3;
	v3 =	vld [tilespmem:s0+$0x6520]  }
0x52: {  	[tilespmem:s0+$0x64C0] =	vst v0;
	v0 =	vmul.f32 $3.162277700e+00, v4;
	v4 =	vld [tilespmem:s0+$0x6530]  }
0x53: {  	[tilespmem:s0+$0x64D0] =	vst v1;
	v1 =	vmul.f32 $3.162277700e+00, v6;
	v6 =	vld [tilespmem:s0+$0x6540]  }
0x54: {  	[tilespmem:s0+$0x64E0] =	vst v0;
	v0 =	vmul.f32 $3.162277700e+00, v5;
	v5 =	vld [tilespmem:s0+$0x6550]  }
0x55: {  	[tilespmem:s0+$0x64F0] =	vst v1;
	v1 =	vmul.f32 $3.162277700e+00, v2;
	v2 =	vld [tilespmem:s0+$0x6560]  }
0x56: {  	[tilespmem:s0+$0x6500] =	vst v0;
	v0 =	vmul.f32 $3.162277700e+00, v3;
	v3 =	vld [tilespmem:s0+$0x6570]  }
0x57: {  	[tilespmem:s0+$0x6510] =	vst v1;
	v1 =	vmul.f32 $3.162277700e+00, v4;
	v4 =	vld [tilespmem:s0+$0x6580]  }
0x58: {  	[tilespmem:s0+$0x6520] =	vst v0;
	v0 =	vmul.f32 $3.162277700e+00, v6;
	v7 =	vld [tilespmem:s0+$0x6590]  }
.Ltmp0:
0x59: {  	[tilespmem:s0+$0x6530] =	vst v1;
	v5 =	vmul.f32 $3.162277700e+00, v5;
	v1 =	vld [tilespmem:s0+$0x65A0];
	(pc) =	sbr.rel @p0 .LBB2_2-.Ltmp0, $4  }
0x5a: {  	[tilespmem:s0+$0x6540] =	vst v0;
	v6 =	vmul.f32 $3.162277700e+00, v2;
	v0 =	vld [tilespmem:s0+$0x65B0]  }
0x5b: {  	[tilespmem:s0+$0x6550] =	vst v5;
	v5 =	vmul.f32 $3.162277700e+00, v3;
	v2 =	vld [tilespmem:s0+$0x65C0]  }
0x5c: {  	[tilespmem:s0+$0x6560] =	vst v6;
	v6 =	vmul.f32 $3.162277700e+00, v4;
	v3 =	vld [tilespmem:s0+$0x65D0]  }
0x5d: {  	s1 =	sadd.s32 $0x800, s1;
	[tilespmem:s0+$0x6570] =	vst v5;
	v5 =	vmul.f32 $3.162277700e+00, v7;
	v4 =	vld [tilespmem:s0+$0x65E0]  }
0x5e: {  	[tilespmem:s0+$0x6580] =	vst v6;
	v1 =	vmul.f32 $3.162277700e+00, v1;
	v6 =	vld [tilespmem:s0+$0x65F0]  }
0x5f: {  	[tilespmem:s0+$0x6590] =	vst v5;
	v0 =	vmul.f32 $3.162277700e+00, v0  }
0x60: {  	[tilespmem:s0+$0x65A0] =	vst v1;
	v1 =	vmul.f32 $3.162277700e+00, v2  }
0x61: {  	[tilespmem:s0+$0x65B0] =	vst v0;
	v0 =	vmul.f32 $3.162277700e+00, v3  }
0x62: {  	[tilespmem:s0+$0x65C0] =	vst v1;
	v1 =	vmul.f32 $3.162277700e+00, v4  }
0x63: {  	[tilespmem:s0+$0x65D0] =	vst v0;
	v0 =	vmul.f32 $3.162277700e+00, v6  }
0x64: {  	[tilespmem:s0+$0x65E0] =	vst v1  }
0x65: {  	s18 =	simm.s32 $0x0;
	[tilespmem:s0+$0x65F0] =	vst v0  }
0x66: {  	[hbm4b:s7+s18] =	stream.linear.scatter [tilespmem:s16], [sflag:$0x5], $0x2000, $0x38;
	[tilespmem:$0xE400] =	vst v63  }
0x67: {  	s21 =	simm.s32 $0x180  }
0x68: {  	[tilespmem:s22], [sflag:$0x4] =	stream.indirect.gather [hbm4b:s4+s15], $0x40, s21, s15, $0xb8;
	[tilespmem:$0xE400] =	vst v63  }
0x69: {  	_ =	swait.ge [sflag:s23], $0x2000  }
0x6a: {  	[sflag:s23] =	ssyncset.done $0x0  }
0x6b: {  	s0 =	simm.s32 $0x0;
	[sflag:s23] =	ssyncadd.s32 $0xFFFFE000  }
0x6c: {  	v0 =	vld [tilespmem:s0+$0x8400]  }
0x6d: {  	v1 =	vld [tilespmem:s0+$0x8410]  }
0x6e: {  	v2 =	vld [tilespmem:s0+$0x8420]  }
0x6f: {  	v3 =	vld [tilespmem:s0+$0x8430]  }
0x70: {  	v4 =	vld [tilespmem:s0+$0x8440]  }
0x71: {  	v5 =	vld [tilespmem:s0+$0x8450];
	v0 =	vmul.f32 $3.162277700e+00, v0  }
0x72: {  	v6 =	vld [tilespmem:s0+$0x8460];
	v1 =	vmul.f32 $3.162277700e+00, v1  }
0x73: {  	v2 =	vmul.f32 $3.162277700e+00, v2;
	[tilespmem:s0+$0x8400] =	vst v0;
	v0 =	vld [tilespmem:s0+$0x8470]  }
0x74: {  	v3 =	vmul.f32 $3.162277700e+00, v3;
	[tilespmem:s0+$0x8410] =	vst v1;
	v1 =	vld [tilespmem:s0+$0x8480]  }
0x75: {  	v4 =	vmul.f32 $3.162277700e+00, v4;
	[tilespmem:s0+$0x8420] =	vst v2;
	v2 =	vld [tilespmem:s0+$0x8490]  }
0x76: {  	v5 =	vmul.f32 $3.162277700e+00, v5;
	[tilespmem:s0+$0x8430] =	vst v3;
	v3 =	vld [tilespmem:s0+$0x84A0]  }
0x77: {  	v6 =	vmul.f32 $3.162277700e+00, v6;
	[tilespmem:s0+$0x8440] =	vst v4;
	v4 =	vld [tilespmem:s0+$0x84B0]  }
0x78: {  	[tilespmem:s0+$0x8450] =	vst v5;
	v5 =	vld [tilespmem:s0+$0x84C0];
	v0 =	vmul.f32 $3.162277700e+00, v0  }
0x79: {  	[tilespmem:s0+$0x8460] =	vst v6;
	v6 =	vld [tilespmem:s0+$0x84D0];
	v1 =	vmul.f32 $3.162277700e+00, v1  }
0x7a: {  	v2 =	vmul.f32 $3.162277700e+00, v2;
	[tilespmem:s0+$0x8470] =	vst v0;
	v0 =	vld [tilespmem:s0+$0x84E0]  }
0x7b: {  	v3 =	vmul.f32 $3.162277700e+00, v3;
	[tilespmem:s0+$0x8480] =	vst v1;
	v1 =	vld [tilespmem:s0+$0x84F0]  }
0x7c: {  	v4 =	vmul.f32 $3.162277700e+00, v4;
	[tilespmem:s0+$0x8490] =	vst v2;
	v2 =	vld [tilespmem:s0+$0x8500]  }
0x7d: {  	v5 =	vmul.f32 $3.162277700e+00, v5;
	[tilespmem:s0+$0x84A0] =	vst v3;
	v3 =	vld [tilespmem:s0+$0x8510]  }
0x7e: {  	v6 =	vmul.f32 $3.162277700e+00, v6;
	[tilespmem:s0+$0x84B0] =	vst v4;
	v4 =	vld [tilespmem:s0+$0x8520]  }
0x7f: {  	[tilespmem:s0+$0x84C0] =	vst v5;
	v5 =	vld [tilespmem:s0+$0x8530];
	v0 =	vmul.f32 $3.162277700e+00, v0  }
0x80: {  	[tilespmem:s0+$0x84D0] =	vst v6;
	v6 =	vld [tilespmem:s0+$0x8540]  }
0x81: {  	v1 =	vmul.f32 $3.162277700e+00, v1;
	[tilespmem:s0+$0x84E0] =	vst v0;
	v0 =	vld [tilespmem:s0+$0x8550]  }
0x82: {  	v2 =	vmul.f32 $3.162277700e+00, v2  }
0x83: {  	[tilespmem:s0+$0x84F0] =	vst v1;
	v1 =	vmul.f32 $3.162277700e+00, v3;
	v3 =	vld [tilespmem:s0+$0x8570]  }
0x84: {  	v7 =	vld [tilespmem:s0+$0x8560];
	[tilespmem:s0+$0x8500] =	vst v2;
	v2 =	vmul.f32 $3.162277700e+00, v4  }
0x85: {  	v4 =	vld [tilespmem:s0+$0x8580];
	[tilespmem:s0+$0x8510] =	vst v1;
	v1 =	vmul.f32 $3.162277700e+00, v5  }
0x86: {  	[tilespmem:s0+$0x8520] =	vst v2;
	v5 =	vld [tilespmem:s0+$0x8590];
	v2 =	vmul.f32 $3.162277700e+00, v6;
	v6 =	vmul.f32 $3.162277700e+00, v0  }
0x87: {  	[tilespmem:s0+$0x8530] =	vst v1;
	v1 =	vld [tilespmem:s0+$0x85A0]  }
0x88: {  	v0 =	vld [tilespmem:s0+$0x85B0];
	[tilespmem:s0+$0x8550] =	vst v6;
	v6 =	vmul.f32 $3.162277700e+00, v3  }
0x89: {  	v7 =	vmul.f32 $3.162277700e+00, v7;
	[tilespmem:s0+$0x8540] =	vst v2;
	v2 =	vld [tilespmem:s0+$0x85C0]  }
0x8a: {  	v3 =	vld [tilespmem:s0+$0x85D0];
	[tilespmem:s0+$0x8570] =	vst v6;
	v6 =	vmul.f32 $3.162277700e+00, v4  }
0x8b: {  	s1 =	simm.s32 $0x800;
	[tilespmem:s0+$0x8560] =	vst v7;
	v5 =	vmul.f32 $3.162277700e+00, v5;
	v4 =	vld [tilespmem:s0+$0x85E0]  }
.LBB2_4:
0x8c: {  	s6 =	sshra.s32 s1, $0x2;
	p0 =	sne.s32 s1, $0x7800;
	[tilespmem:s0+$0x8580] =	vst v6;
	v1 =	vmul.f32 $3.162277700e+00, v1;
	v6 =	vld [tilespmem:s0+$0x85F0]  }
0x8d: {  	v7 =	vld [tilespmem:s6+$0x8400];
	[tilespmem:s0+$0x8590] =	vst v5;
	v0 =	vmul.f32 $3.162277700e+00, v0  }
0x8e: {  	v5 =	vld [tilespmem:s6+$0x8410];
	[tilespmem:s0+$0x85A0] =	vst v1;
	v1 =	vmul.f32 $3.162277700e+00, v2  }
0x8f: {  	v2 =	vld [tilespmem:s6+$0x8420];
	[tilespmem:s0+$0x85B0] =	vst v0;
	v0 =	vmul.f32 $3.162277700e+00, v3  }
0x90: {  	v3 =	vld [tilespmem:s6+$0x8430];
	[tilespmem:s0+$0x85C0] =	vst v1;
	v1 =	vmul.f32 $3.162277700e+00, v4  }
0x91: {  	v4 =	vld [tilespmem:s6+$0x8440];
	[tilespmem:s0+$0x85D0] =	vst v0;
	v0 =	vmul.f32 $3.162277700e+00, v6  }
0x92: {  	v6 =	vmul.f32 $3.162277700e+00, v7;
	v7 =	vld [tilespmem:s6+$0x8450];
	[tilespmem:s0+$0x85E0] =	vst v1  }
0x93: {  	v1 =	vmul.f32 $3.162277700e+00, v5;
	v5 =	vld [tilespmem:s6+$0x8460];
	[tilespmem:s0+$0x85F0] =	vst v0;
	s0 =	smov.u32 s6  }
0x94: {  	[tilespmem:s0+$0x8400] =	vst v6;
	v0 =	vmul.f32 $3.162277700e+00, v2;
	v2 =	vld [tilespmem:s0+$0x8470]  }
0x95: {  	[tilespmem:s0+$0x8410] =	vst v1;
	v1 =	vmul.f32 $3.162277700e+00, v3;
	v3 =	vld [tilespmem:s0+$0x8480]  }
0x96: {  	[tilespmem:s0+$0x8420] =	vst v0;
	v0 =	vmul.f32 $3.162277700e+00, v4;
	v4 =	vld [tilespmem:s0+$0x8490]  }
0x97: {  	[tilespmem:s0+$0x8430] =	vst v1;
	v1 =	vmul.f32 $3.162277700e+00, v7;
	v6 =	vld [tilespmem:s0+$0x84A0]  }
0x98: {  	[tilespmem:s0+$0x8440] =	vst v0;
	v0 =	vmul.f32 $3.162277700e+00, v5;
	v5 =	vld [tilespmem:s0+$0x84B0]  }
0x99: {  	[tilespmem:s0+$0x8450] =	vst v1;
	v1 =	vmul.f32 $3.162277700e+00, v2;
	v2 =	vld [tilespmem:s0+$0x84C0]  }
0x9a: {  	[tilespmem:s0+$0x8460] =	vst v0;
	v0 =	vmul.f32 $3.162277700e+00, v3;
	v3 =	vld [tilespmem:s0+$0x84D0]  }
0x9b: {  	[tilespmem:s0+$0x8470] =	vst v1;
	v1 =	vmul.f32 $3.162277700e+00, v4;
	v4 =	vld [tilespmem:s0+$0x84E0]  }
0x9c: {  	[tilespmem:s0+$0x8480] =	vst v0;
	v0 =	vmul.f32 $3.162277700e+00, v6;
	v6 =	vld [tilespmem:s0+$0x84F0]  }
0x9d: {  	[tilespmem:s0+$0x8490] =	vst v1;
	v1 =	vmul.f32 $3.162277700e+00, v5;
	v5 =	vld [tilespmem:s0+$0x8500]  }
0x9e: {  	[tilespmem:s0+$0x84A0] =	vst v0;
	v0 =	vmul.f32 $3.162277700e+00, v2;
	v2 =	vld [tilespmem:s0+$0x8510]  }
0x9f: {  	[tilespmem:s0+$0x84B0] =	vst v1;
	v1 =	vmul.f32 $3.162277700e+00, v3;
	v3 =	vld [tilespmem:s0+$0x8520]  }
0xa0: {  	[tilespmem:s0+$0x84C0] =	vst v0;
	v0 =	vmul.f32 $3.162277700e+00, v4;
	v4 =	vld [tilespmem:s0+$0x8530]  }
0xa1: {  	[tilespmem:s0+$0x84D0] =	vst v1;
	v1 =	vmul.f32 $3.162277700e+00, v6;
	v6 =	vld [tilespmem:s0+$0x8540]  }
0xa2: {  	[tilespmem:s0+$0x84E0] =	vst v0;
	v0 =	vmul.f32 $3.162277700e+00, v5;
	v5 =	vld [tilespmem:s0+$0x8550]  }
0xa3: {  	[tilespmem:s0+$0x84F0] =	vst v1;
	v1 =	vmul.f32 $3.162277700e+00, v2;
	v2 =	vld [tilespmem:s0+$0x8560]  }
0xa4: {  	[tilespmem:s0+$0x8500] =	vst v0;
	v0 =	vmul.f32 $3.162277700e+00, v3;
	v3 =	vld [tilespmem:s0+$0x8570]  }
0xa5: {  	[tilespmem:s0+$0x8510] =	vst v1;
	v1 =	vmul.f32 $3.162277700e+00, v4;
	v4 =	vld [tilespmem:s0+$0x8580]  }
0xa6: {  	[tilespmem:s0+$0x8520] =	vst v0;
	v0 =	vmul.f32 $3.162277700e+00, v6;
	v7 =	vld [tilespmem:s0+$0x8590]  }
.Ltmp1:
0xa7: {  	[tilespmem:s0+$0x8530] =	vst v1;
	v5 =	vmul.f32 $3.162277700e+00, v5;
	v1 =	vld [tilespmem:s0+$0x85A0];
	(pc) =	sbr.rel @p0 .LBB2_4-.Ltmp1, $4  }
0xa8: {  	[tilespmem:s0+$0x8540] =	vst v0;
	v6 =	vmul.f32 $3.162277700e+00, v2;
	v0 =	vld [tilespmem:s0+$0x85B0]  }
0xa9: {  	[tilespmem:s0+$0x8550] =	vst v5;
	v5 =	vmul.f32 $3.162277700e+00, v3;
	v2 =	vld [tilespmem:s0+$0x85C0]  }
0xaa: {  	[tilespmem:s0+$0x8560] =	vst v6;
	v6 =	vmul.f32 $3.162277700e+00, v4;
	v3 =	vld [tilespmem:s0+$0x85D0]  }
0xab: {  	s1 =	sadd.s32 $0x800, s1;
	[tilespmem:s0+$0x8570] =	vst v5;
	v5 =	vmul.f32 $3.162277700e+00, v7;
	v4 =	vld [tilespmem:s0+$0x85E0]  }
0xac: {  	[tilespmem:s0+$0x8580] =	vst v6;
	v1 =	vmul.f32 $3.162277700e+00, v1;
	v59 =	vld [tilespmem:s0+$0x85F0]  }
0xad: {  	[tilespmem:s0+$0x8590] =	vst v5;
	v0 =	vmul.f32 $3.162277700e+00, v0  }
0xae: {  	[tilespmem:s0+$0x85A0] =	vst v1;
	v60 =	vmul.f32 $3.162277700e+00, v2  }
0xaf: {  	[tilespmem:s0+$0x85B0] =	vst v0;
	v61 =	vmul.f32 $3.162277700e+00, v3  }
0xb0: {  	[tilespmem:s0+$0x85C0] =	vst v60;
	v62 =	vmul.f32 $3.162277700e+00, v4  }
0xb1: {  	[tilespmem:s0+$0x85D0] =	vst v61;
	v63 =	vmul.f32 $3.162277700e+00, v59  }
0xb2: {  	[tilespmem:s0+$0x85E0] =	vst v62  }
0xb3: {  	s1 =	simm.s32 $0x0;
	s21 =	rddreg [dreg:$0x4];
	[tilespmem:s0+$0x85F0] =	vst v63  }
0xb4: {  	[hbm4b:s21+s1] =	stream.linear.scatter [tilespmem:s17], [sflag:$0x6], $0x2000, $0x38;
	[tilespmem:$0xE400] =	vst v63  }
.LBB2_6:
0xb5: {  	s21 =	sshll.u32 s1, $0x2  }
0xb6: {  	_ =	swait.ge [sflag:s24], $0x2000;
	s0 =	sadd.s32 $0x4, s21  }
0xb7: {  	[sflag:s24] =	ssyncset.done $0x0;
	s6 =	sshll.u32 s0, $0x7  }
0xb8: {  	[sflag:s24] =	ssyncadd.s32 $0xFFFFE000;
	s6 =	sand.u32 $0x3FFFFE00, s6  }
0xb9: {  	[tilespmem:s16], [sflag:$0x1] =	stream.indirect.gather [hbm4b:s4+s15], $0x40, s6, s15, $0xb8;
	[tilespmem:$0xE400] =	vst v63  }
0xba: {  	_ =	swait.ge [sflag:s25], $0x2000  }
0xbb: {  	[sflag:s25] =	ssyncset.done $0x0  }
0xbc: {  	s18 =	simm.s32 $0x0;
	[sflag:s25] =	ssyncadd.s32 $0xFFFFE000  }
0xbd: {  	v0 =	vld [tilespmem:s18+$0xA400]  }
0xbe: {  	v1 =	vld [tilespmem:s18+$0xA410]  }
0xbf: {  	v2 =	vld [tilespmem:s18+$0xA420]  }
0xc0: {  	v3 =	vld [tilespmem:s18+$0xA430]  }
0xc1: {  	v4 =	vld [tilespmem:s18+$0xA440]  }
0xc2: {  	v5 =	vld [tilespmem:s18+$0xA450];
	v0 =	vmul.f32 $3.162277700e+00, v0  }
0xc3: {  	v6 =	vld [tilespmem:s18+$0xA460];
	v1 =	vmul.f32 $3.162277700e+00, v1  }
0xc4: {  	v2 =	vmul.f32 $3.162277700e+00, v2;
	[tilespmem:s18+$0xA400] =	vst v0;
	v0 =	vld [tilespmem:s18+$0xA470]  }
0xc5: {  	v3 =	vmul.f32 $3.162277700e+00, v3;
	[tilespmem:s18+$0xA410] =	vst v1;
	v1 =	vld [tilespmem:s18+$0xA480]  }
0xc6: {  	v4 =	vmul.f32 $3.162277700e+00, v4;
	[tilespmem:s18+$0xA420] =	vst v2;
	v2 =	vld [tilespmem:s18+$0xA490]  }
0xc7: {  	v5 =	vmul.f32 $3.162277700e+00, v5;
	[tilespmem:s18+$0xA430] =	vst v3;
	v3 =	vld [tilespmem:s18+$0xA4A0]  }
0xc8: {  	v6 =	vmul.f32 $3.162277700e+00, v6;
	[tilespmem:s18+$0xA440] =	vst v4;
	v4 =	vld [tilespmem:s18+$0xA4B0]  }
0xc9: {  	[tilespmem:s18+$0xA450] =	vst v5;
	v5 =	vld [tilespmem:s18+$0xA4C0];
	v0 =	vmul.f32 $3.162277700e+00, v0  }
0xca: {  	[tilespmem:s18+$0xA460] =	vst v6;
	v6 =	vld [tilespmem:s18+$0xA4D0];
	v1 =	vmul.f32 $3.162277700e+00, v1  }
0xcb: {  	v2 =	vmul.f32 $3.162277700e+00, v2;
	[tilespmem:s18+$0xA470] =	vst v0;
	v0 =	vld [tilespmem:s18+$0xA4E0]  }
0xcc: {  	v3 =	vmul.f32 $3.162277700e+00, v3;
	[tilespmem:s18+$0xA480] =	vst v1;
	v1 =	vld [tilespmem:s18+$0xA4F0]  }
0xcd: {  	v4 =	vmul.f32 $3.162277700e+00, v4;
	[tilespmem:s18+$0xA490] =	vst v2;
	v2 =	vld [tilespmem:s18+$0xA500]  }
0xce: {  	v5 =	vmul.f32 $3.162277700e+00, v5;
	[tilespmem:s18+$0xA4A0] =	vst v3;
	v3 =	vld [tilespmem:s18+$0xA510]  }
0xcf: {  	v6 =	vmul.f32 $3.162277700e+00, v6;
	[tilespmem:s18+$0xA4B0] =	vst v4;
	v4 =	vld [tilespmem:s18+$0xA520]  }
0xd0: {  	[tilespmem:s18+$0xA4C0] =	vst v5;
	v5 =	vld [tilespmem:s18+$0xA530];
	v0 =	vmul.f32 $3.162277700e+00, v0  }
0xd1: {  	[tilespmem:s18+$0xA4D0] =	vst v6;
	v6 =	vld [tilespmem:s18+$0xA540]  }
0xd2: {  	v1 =	vmul.f32 $3.162277700e+00, v1;
	[tilespmem:s18+$0xA4E0] =	vst v0;
	v0 =	vld [tilespmem:s18+$0xA550]  }
0xd3: {  	v2 =	vmul.f32 $3.162277700e+00, v2  }
0xd4: {  	[tilespmem:s18+$0xA4F0] =	vst v1;
	v1 =	vmul.f32 $3.162277700e+00, v3;
	v3 =	vld [tilespmem:s18+$0xA570]  }
0xd5: {  	v7 =	vld [tilespmem:s18+$0xA560];
	[tilespmem:s18+$0xA500] =	vst v2;
	v2 =	vmul.f32 $3.162277700e+00, v4  }
0xd6: {  	v4 =	vld [tilespmem:s18+$0xA580];
	[tilespmem:s18+$0xA510] =	vst v1;
	v1 =	vmul.f32 $3.162277700e+00, v5  }
0xd7: {  	[tilespmem:s18+$0xA520] =	vst v2;
	v5 =	vld [tilespmem:s18+$0xA590];
	v2 =	vmul.f32 $3.162277700e+00, v6;
	v6 =	vmul.f32 $3.162277700e+00, v0  }
0xd8: {  	[tilespmem:s18+$0xA530] =	vst v1;
	v1 =	vld [tilespmem:s18+$0xA5A0]  }
0xd9: {  	v0 =	vld [tilespmem:s18+$0xA5B0];
	[tilespmem:s18+$0xA550] =	vst v6;
	v6 =	vmul.f32 $3.162277700e+00, v3  }
0xda: {  	v7 =	vmul.f32 $3.162277700e+00, v7;
	[tilespmem:s18+$0xA540] =	vst v2;
	v2 =	vld [tilespmem:s18+$0xA5C0]  }
0xdb: {  	v3 =	vld [tilespmem:s18+$0xA5D0];
	[tilespmem:s18+$0xA570] =	vst v6;
	v6 =	vmul.f32 $3.162277700e+00, v4  }
0xdc: {  	s6 =	simm.s32 $0x800;
	[tilespmem:s18+$0xA560] =	vst v7;
	v5 =	vmul.f32 $3.162277700e+00, v5;
	v4 =	vld [tilespmem:s18+$0xA5E0]  }
.LBB2_7:
0xdd: {  	s8 =	sshra.s32 s6, $0x2;
	p0 =	sne.s32 s6, $0x7800;
	[tilespmem:s18+$0xA580] =	vst v6;
	v1 =	vmul.f32 $3.162277700e+00, v1;
	v6 =	vld [tilespmem:s18+$0xA5F0]  }
0xde: {  	v7 =	vld [tilespmem:s8+$0xA400];
	[tilespmem:s18+$0xA590] =	vst v5;
	v0 =	vmul.f32 $3.162277700e+00, v0  }
0xdf: {  	v5 =	vld [tilespmem:s8+$0xA410];
	[tilespmem:s18+$0xA5A0] =	vst v1;
	v1 =	vmul.f32 $3.162277700e+00, v2  }
0xe0: {  	v2 =	vld [tilespmem:s8+$0xA420];
	[tilespmem:s18+$0xA5B0] =	vst v0;
	v0 =	vmul.f32 $3.162277700e+00, v3  }
0xe1: {  	v3 =	vld [tilespmem:s8+$0xA430];
	[tilespmem:s18+$0xA5C0] =	vst v1;
	v1 =	vmul.f32 $3.162277700e+00, v4  }
0xe2: {  	v4 =	vld [tilespmem:s8+$0xA440];
	[tilespmem:s18+$0xA5D0] =	vst v0;
	v0 =	vmul.f32 $3.162277700e+00, v6  }
0xe3: {  	v6 =	vmul.f32 $3.162277700e+00, v7;
	v7 =	vld [tilespmem:s8+$0xA450];
	[tilespmem:s18+$0xA5E0] =	vst v1  }
0xe4: {  	v1 =	vmul.f32 $3.162277700e+00, v5;
	v5 =	vld [tilespmem:s8+$0xA460];
	[tilespmem:s18+$0xA5F0] =	vst v0;
	s18 =	smov.u32 s8  }
0xe5: {  	[tilespmem:s18+$0xA400] =	vst v6;
	v0 =	vmul.f32 $3.162277700e+00, v2;
	v2 =	vld [tilespmem:s18+$0xA470]  }
0xe6: {  	[tilespmem:s18+$0xA410] =	vst v1;
	v1 =	vmul.f32 $3.162277700e+00, v3;
	v3 =	vld [tilespmem:s18+$0xA480]  }
0xe7: {  	[tilespmem:s18+$0xA420] =	vst v0;
	v0 =	vmul.f32 $3.162277700e+00, v4;
	v4 =	vld [tilespmem:s18+$0xA490]  }
0xe8: {  	[tilespmem:s18+$0xA430] =	vst v1;
	v1 =	vmul.f32 $3.162277700e+00, v7;
	v6 =	vld [tilespmem:s18+$0xA4A0]  }
0xe9: {  	[tilespmem:s18+$0xA440] =	vst v0;
	v0 =	vmul.f32 $3.162277700e+00, v5;
	v5 =	vld [tilespmem:s18+$0xA4B0]  }
0xea: {  	[tilespmem:s18+$0xA450] =	vst v1;
	v1 =	vmul.f32 $3.162277700e+00, v2;
	v2 =	vld [tilespmem:s18+$0xA4C0]  }
0xeb: {  	[tilespmem:s18+$0xA460] =	vst v0;
	v0 =	vmul.f32 $3.162277700e+00, v3;
	v3 =	vld [tilespmem:s18+$0xA4D0]  }
0xec: {  	[tilespmem:s18+$0xA470] =	vst v1;
	v1 =	vmul.f32 $3.162277700e+00, v4;
	v4 =	vld [tilespmem:s18+$0xA4E0]  }
0xed: {  	[tilespmem:s18+$0xA480] =	vst v0;
	v0 =	vmul.f32 $3.162277700e+00, v6;
	v6 =	vld [tilespmem:s18+$0xA4F0]  }
0xee: {  	[tilespmem:s18+$0xA490] =	vst v1;
	v1 =	vmul.f32 $3.162277700e+00, v5;
	v5 =	vld [tilespmem:s18+$0xA500]  }
0xef: {  	[tilespmem:s18+$0xA4A0] =	vst v0;
	v0 =	vmul.f32 $3.162277700e+00, v2;
	v2 =	vld [tilespmem:s18+$0xA510]  }
0xf0: {  	[tilespmem:s18+$0xA4B0] =	vst v1;
	v1 =	vmul.f32 $3.162277700e+00, v3;
	v3 =	vld [tilespmem:s18+$0xA520]  }
0xf1: {  	[tilespmem:s18+$0xA4C0] =	vst v0;
	v0 =	vmul.f32 $3.162277700e+00, v4;
	v4 =	vld [tilespmem:s18+$0xA530]  }
0xf2: {  	[tilespmem:s18+$0xA4D0] =	vst v1;
	v1 =	vmul.f32 $3.162277700e+00, v6;
	v6 =	vld [tilespmem:s18+$0xA540]  }
0xf3: {  	[tilespmem:s18+$0xA4E0] =	vst v0;
	v0 =	vmul.f32 $3.162277700e+00, v5;
	v5 =	vld [tilespmem:s18+$0xA550]  }
0xf4: {  	[tilespmem:s18+$0xA4F0] =	vst v1;
	v1 =	vmul.f32 $3.162277700e+00, v2;
	v2 =	vld [tilespmem:s18+$0xA560]  }
0xf5: {  	[tilespmem:s18+$0xA500] =	vst v0;
	v0 =	vmul.f32 $3.162277700e+00, v3;
	v3 =	vld [tilespmem:s18+$0xA570]  }
0xf6: {  	[tilespmem:s18+$0xA510] =	vst v1;
	v1 =	vmul.f32 $3.162277700e+00, v4;
	v4 =	vld [tilespmem:s18+$0xA580]  }
0xf7: {  	[tilespmem:s18+$0xA520] =	vst v0;
	v0 =	vmul.f32 $3.162277700e+00, v6;
	v7 =	vld [tilespmem:s18+$0xA590]  }
.Ltmp2:
0xf8: {  	[tilespmem:s18+$0xA530] =	vst v1;
	v5 =	vmul.f32 $3.162277700e+00, v5;
	v1 =	vld [tilespmem:s18+$0xA5A0];
	(pc) =	sbr.rel @p0 .LBB2_7-.Ltmp2, $4  }
0xf9: {  	[tilespmem:s18+$0xA540] =	vst v0;
	v6 =	vmul.f32 $3.162277700e+00, v2;
	v0 =	vld [tilespmem:s18+$0xA5B0]  }
0xfa: {  	[tilespmem:s18+$0xA550] =	vst v5;
	v5 =	vmul.f32 $3.162277700e+00, v3;
	v2 =	vld [tilespmem:s18+$0xA5C0]  }
0xfb: {  	[tilespmem:s18+$0xA560] =	vst v6;
	v6 =	vmul.f32 $3.162277700e+00, v4;
	v3 =	vld [tilespmem:s18+$0xA5D0]  }
0xfc: {  	s6 =	sadd.s32 $0x800, s6;
	[tilespmem:s18+$0xA570] =	vst v5;
	v5 =	vmul.f32 $3.162277700e+00, v7;
	v4 =	vld [tilespmem:s18+$0xA5E0]  }
0xfd: {  	[tilespmem:s18+$0xA580] =	vst v6;
	v1 =	vmul.f32 $3.162277700e+00, v1;
	v6 =	vld [tilespmem:s18+$0xA5F0]  }
0xfe: {  	[tilespmem:s18+$0xA590] =	vst v5;
	v0 =	vmul.f32 $3.162277700e+00, v0  }
0xff: {  	[tilespmem:s18+$0xA5A0] =	vst v1;
	v1 =	vmul.f32 $3.162277700e+00, v2  }
0x100: {  	[tilespmem:s18+$0xA5B0] =	vst v0;
	v0 =	vmul.f32 $3.162277700e+00, v3  }
0x101: {  	s6 =	sadd.s32 s21, s9;
	[tilespmem:s18+$0xA5C0] =	vst v1;
	v1 =	vmul.f32 $3.162277700e+00, v4  }
0x102: {  	s6 =	sshll.u32 s6, $0xA;
	[tilespmem:s18+$0xA5D0] =	vst v0;
	v0 =	vmul.f32 $3.162277700e+00, v6  }
0x103: {  	s6 =	sand.u32 $0x1FFFF800, s6;
	[tilespmem:s18+$0xA5E0] =	vst v1  }
0x104: {  	s8 =	simm.s32 $0x0;
	s6 =	sadd.s32 s2, s6;
	[tilespmem:s18+$0xA5F0] =	vst v0  }
0x105: {  	[hbm4b:s6+s8] =	stream.linear.scatter [tilespmem:s19], [sflag:$0x7], $0x2000, $0x38;
	[tilespmem:$0xE400] =	vst v63  }
0x106: {  	s18 =	sadd.s32 $0x5, s21;
	_ =	swait.ge [sflag:s26], $0x2000  }
0x107: {  	s11 =	sshll.u32 s18, $0x7;
	[sflag:s26] =	ssyncset.done $0x0  }
0x108: {  	s6 =	sand.u32 $0x3FFFFF80, s11;
	[sflag:s26] =	ssyncadd.s32 $0xFFFFE000  }
0x109: {  	[tilespmem:s17], [sflag:$0x2] =	stream.indirect.gather [hbm4b:s4+s15], $0x40, s6, s15, $0xb8;
	[tilespmem:$0xE400] =	vst v63  }
0x10a: {  	_ =	swait.ge [sflag:s28], $0x2000  }
0x10b: {  	[sflag:s28] =	ssyncset.done $0x0  }
0x10c: {  	s6 =	simm.s32 $0x0;
	[sflag:s28] =	ssyncadd.s32 $0xFFFFE000  }
0x10d: {  	v0 =	vld [tilespmem:s6+$0xC400]  }
0x10e: {  	v1 =	vld [tilespmem:s6+$0xC410]  }
0x10f: {  	v2 =	vld [tilespmem:s6+$0xC420]  }
0x110: {  	v3 =	vld [tilespmem:s6+$0xC430]  }
0x111: {  	v4 =	vld [tilespmem:s6+$0xC440]  }
0x112: {  	v5 =	vld [tilespmem:s6+$0xC450];
	v0 =	vmul.f32 $3.162277700e+00, v0  }
0x113: {  	v6 =	vld [tilespmem:s6+$0xC460];
	v1 =	vmul.f32 $3.162277700e+00, v1  }
0x114: {  	v2 =	vmul.f32 $3.162277700e+00, v2;
	[tilespmem:s6+$0xC400] =	vst v0;
	v0 =	vld [tilespmem:s6+$0xC470]  }
0x115: {  	v3 =	vmul.f32 $3.162277700e+00, v3;
	[tilespmem:s6+$0xC410] =	vst v1;
	v1 =	vld [tilespmem:s6+$0xC480]  }
0x116: {  	v4 =	vmul.f32 $3.162277700e+00, v4;
	[tilespmem:s6+$0xC420] =	vst v2;
	v2 =	vld [tilespmem:s6+$0xC490]  }
0x117: {  	v5 =	vmul.f32 $3.162277700e+00, v5;
	[tilespmem:s6+$0xC430] =	vst v3;
	v3 =	vld [tilespmem:s6+$0xC4A0]  }
0x118: {  	v6 =	vmul.f32 $3.162277700e+00, v6;
	[tilespmem:s6+$0xC440] =	vst v4;
	v4 =	vld [tilespmem:s6+$0xC4B0]  }
0x119: {  	[tilespmem:s6+$0xC450] =	vst v5;
	v5 =	vld [tilespmem:s6+$0xC4C0];
	v0 =	vmul.f32 $3.162277700e+00, v0  }
0x11a: {  	[tilespmem:s6+$0xC460] =	vst v6;
	v6 =	vld [tilespmem:s6+$0xC4D0];
	v1 =	vmul.f32 $3.162277700e+00, v1  }
0x11b: {  	v2 =	vmul.f32 $3.162277700e+00, v2;
	[tilespmem:s6+$0xC470] =	vst v0;
	v0 =	vld [tilespmem:s6+$0xC4E0]  }
0x11c: {  	v3 =	vmul.f32 $3.162277700e+00, v3;
	[tilespmem:s6+$0xC480] =	vst v1;
	v1 =	vld [tilespmem:s6+$0xC4F0]  }
0x11d: {  	v4 =	vmul.f32 $3.162277700e+00, v4;
	[tilespmem:s6+$0xC490] =	vst v2;
	v2 =	vld [tilespmem:s6+$0xC500]  }
0x11e: {  	v5 =	vmul.f32 $3.162277700e+00, v5;
	[tilespmem:s6+$0xC4A0] =	vst v3;
	v3 =	vld [tilespmem:s6+$0xC510]  }
0x11f: {  	v6 =	vmul.f32 $3.162277700e+00, v6;
	[tilespmem:s6+$0xC4B0] =	vst v4;
	v4 =	vld [tilespmem:s6+$0xC520]  }
0x120: {  	[tilespmem:s6+$0xC4C0] =	vst v5;
	v5 =	vld [tilespmem:s6+$0xC530];
	v0 =	vmul.f32 $3.162277700e+00, v0  }
0x121: {  	[tilespmem:s6+$0xC4D0] =	vst v6;
	v6 =	vld [tilespmem:s6+$0xC540]  }
0x122: {  	v1 =	vmul.f32 $3.162277700e+00, v1;
	[tilespmem:s6+$0xC4E0] =	vst v0;
	v0 =	vld [tilespmem:s6+$0xC550]  }
0x123: {  	v2 =	vmul.f32 $3.162277700e+00, v2  }
0x124: {  	[tilespmem:s6+$0xC4F0] =	vst v1;
	v1 =	vmul.f32 $3.162277700e+00, v3;
	v3 =	vld [tilespmem:s6+$0xC570]  }
0x125: {  	v7 =	vld [tilespmem:s6+$0xC560];
	[tilespmem:s6+$0xC500] =	vst v2;
	v2 =	vmul.f32 $3.162277700e+00, v4  }
0x126: {  	v4 =	vld [tilespmem:s6+$0xC580];
	[tilespmem:s6+$0xC510] =	vst v1;
	v1 =	vmul.f32 $3.162277700e+00, v5  }
0x127: {  	[tilespmem:s6+$0xC520] =	vst v2;
	v5 =	vld [tilespmem:s6+$0xC590];
	v2 =	vmul.f32 $3.162277700e+00, v6;
	v6 =	vmul.f32 $3.162277700e+00, v0  }
0x128: {  	[tilespmem:s6+$0xC530] =	vst v1;
	v1 =	vld [tilespmem:s6+$0xC5A0]  }
0x129: {  	v0 =	vld [tilespmem:s6+$0xC5B0];
	[tilespmem:s6+$0xC550] =	vst v6;
	v6 =	vmul.f32 $3.162277700e+00, v3  }
0x12a: {  	v7 =	vmul.f32 $3.162277700e+00, v7;
	[tilespmem:s6+$0xC540] =	vst v2;
	v2 =	vld [tilespmem:s6+$0xC5C0]  }
0x12b: {  	v3 =	vld [tilespmem:s6+$0xC5D0];
	[tilespmem:s6+$0xC570] =	vst v6;
	v6 =	vmul.f32 $3.162277700e+00, v4  }
0x12c: {  	s8 =	simm.s32 $0x800;
	[tilespmem:s6+$0xC560] =	vst v7;
	v5 =	vmul.f32 $3.162277700e+00, v5;
	v4 =	vld [tilespmem:s6+$0xC5E0]  }
.LBB2_9:
0x12d: {  	s11 =	sshra.s32 s8, $0x2;
	p0 =	sne.s32 s8, $0x7800;
	[tilespmem:s6+$0xC580] =	vst v6;
	v1 =	vmul.f32 $3.162277700e+00, v1;
	v6 =	vld [tilespmem:s6+$0xC5F0]  }
0x12e: {  	v7 =	vld [tilespmem:s11+$0xC400];
	[tilespmem:s6+$0xC590] =	vst v5;
	v0 =	vmul.f32 $3.162277700e+00, v0  }
0x12f: {  	v5 =	vld [tilespmem:s11+$0xC410];
	[tilespmem:s6+$0xC5A0] =	vst v1;
	v1 =	vmul.f32 $3.162277700e+00, v2  }
0x130: {  	v2 =	vld [tilespmem:s11+$0xC420];
	[tilespmem:s6+$0xC5B0] =	vst v0;
	v0 =	vmul.f32 $3.162277700e+00, v3  }
0x131: {  	v3 =	vld [tilespmem:s11+$0xC430];
	[tilespmem:s6+$0xC5C0] =	vst v1;
	v1 =	vmul.f32 $3.162277700e+00, v4  }
0x132: {  	v4 =	vld [tilespmem:s11+$0xC440];
	[tilespmem:s6+$0xC5D0] =	vst v0;
	v0 =	vmul.f32 $3.162277700e+00, v6  }
0x133: {  	v6 =	vmul.f32 $3.162277700e+00, v7;
	v7 =	vld [tilespmem:s11+$0xC450];
	[tilespmem:s6+$0xC5E0] =	vst v1  }
0x134: {  	v1 =	vmul.f32 $3.162277700e+00, v5;
	v5 =	vld [tilespmem:s11+$0xC460];
	[tilespmem:s6+$0xC5F0] =	vst v0;
	s6 =	smov.u32 s11  }
0x135: {  	[tilespmem:s6+$0xC400] =	vst v6;
	v0 =	vmul.f32 $3.162277700e+00, v2;
	v2 =	vld [tilespmem:s6+$0xC470]  }
0x136: {  	[tilespmem:s6+$0xC410] =	vst v1;
	v1 =	vmul.f32 $3.162277700e+00, v3;
	v3 =	vld [tilespmem:s6+$0xC480]  }
0x137: {  	[tilespmem:s6+$0xC420] =	vst v0;
	v0 =	vmul.f32 $3.162277700e+00, v4;
	v4 =	vld [tilespmem:s6+$0xC490]  }
0x138: {  	[tilespmem:s6+$0xC430] =	vst v1;
	v1 =	vmul.f32 $3.162277700e+00, v7;
	v6 =	vld [tilespmem:s6+$0xC4A0]  }
0x139: {  	[tilespmem:s6+$0xC440] =	vst v0;
	v0 =	vmul.f32 $3.162277700e+00, v5;
	v5 =	vld [tilespmem:s6+$0xC4B0]  }
0x13a: {  	[tilespmem:s6+$0xC450] =	vst v1;
	v1 =	vmul.f32 $3.162277700e+00, v2;
	v2 =	vld [tilespmem:s6+$0xC4C0]  }
0x13b: {  	[tilespmem:s6+$0xC460] =	vst v0;
	v0 =	vmul.f32 $3.162277700e+00, v3;
	v3 =	vld [tilespmem:s6+$0xC4D0]  }
0x13c: {  	[tilespmem:s6+$0xC470] =	vst v1;
	v1 =	vmul.f32 $3.162277700e+00, v4;
	v4 =	vld [tilespmem:s6+$0xC4E0]  }
0x13d: {  	[tilespmem:s6+$0xC480] =	vst v0;
	v0 =	vmul.f32 $3.162277700e+00, v6;
	v6 =	vld [tilespmem:s6+$0xC4F0]  }
0x13e: {  	[tilespmem:s6+$0xC490] =	vst v1;
	v1 =	vmul.f32 $3.162277700e+00, v5;
	v5 =	vld [tilespmem:s6+$0xC500]  }
0x13f: {  	[tilespmem:s6+$0xC4A0] =	vst v0;
	v0 =	vmul.f32 $3.162277700e+00, v2;
	v2 =	vld [tilespmem:s6+$0xC510]  }
0x140: {  	[tilespmem:s6+$0xC4B0] =	vst v1;
	v1 =	vmul.f32 $3.162277700e+00, v3;
	v3 =	vld [tilespmem:s6+$0xC520]  }
0x141: {  	[tilespmem:s6+$0xC4C0] =	vst v0;
	v0 =	vmul.f32 $3.162277700e+00, v4;
	v4 =	vld [tilespmem:s6+$0xC530]  }
0x142: {  	[tilespmem:s6+$0xC4D0] =	vst v1;
	v1 =	vmul.f32 $3.162277700e+00, v6;
	v6 =	vld [tilespmem:s6+$0xC540]  }
0x143: {  	[tilespmem:s6+$0xC4E0] =	vst v0;
	v0 =	vmul.f32 $3.162277700e+00, v5;
	v5 =	vld [tilespmem:s6+$0xC550]  }
0x144: {  	[tilespmem:s6+$0xC4F0] =	vst v1;
	v1 =	vmul.f32 $3.162277700e+00, v2;
	v2 =	vld [tilespmem:s6+$0xC560]  }
0x145: {  	[tilespmem:s6+$0xC500] =	vst v0;
	v0 =	vmul.f32 $3.162277700e+00, v3;
	v3 =	vld [tilespmem:s6+$0xC570]  }
0x146: {  	[tilespmem:s6+$0xC510] =	vst v1;
	v1 =	vmul.f32 $3.162277700e+00, v4;
	v4 =	vld [tilespmem:s6+$0xC580]  }
0x147: {  	[tilespmem:s6+$0xC520] =	vst v0;
	v0 =	vmul.f32 $3.162277700e+00, v6;
	v7 =	vld [tilespmem:s6+$0xC590]  }
.Ltmp3:
0x148: {  	[tilespmem:s6+$0xC530] =	vst v1;
	v5 =	vmul.f32 $3.162277700e+00, v5;
	v1 =	vld [tilespmem:s6+$0xC5A0];
	(pc) =	sbr.rel @p0 .LBB2_9-.Ltmp3, $4  }
0x149: {  	[tilespmem:s6+$0xC540] =	vst v0;
	v6 =	vmul.f32 $3.162277700e+00, v2;
	v0 =	vld [tilespmem:s6+$0xC5B0]  }
0x14a: {  	[tilespmem:s6+$0xC550] =	vst v5;
	v5 =	vmul.f32 $3.162277700e+00, v3;
	v2 =	vld [tilespmem:s6+$0xC5C0]  }
0x14b: {  	[tilespmem:s6+$0xC560] =	vst v6;
	v6 =	vmul.f32 $3.162277700e+00, v4;
	v3 =	vld [tilespmem:s6+$0xC5D0]  }
0x14c: {  	s8 =	sadd.s32 $0x800, s8;
	[tilespmem:s6+$0xC570] =	vst v5;
	v5 =	vmul.f32 $3.162277700e+00, v7;
	v4 =	vld [tilespmem:s6+$0xC5E0]  }
0x14d: {  	[tilespmem:s6+$0xC580] =	vst v6;
	v1 =	vmul.f32 $3.162277700e+00, v1;
	v6 =	vld [tilespmem:s6+$0xC5F0]  }
0x14e: {  	[tilespmem:s6+$0xC590] =	vst v5;
	v0 =	vmul.f32 $3.162277700e+00, v0  }
0x14f: {  	[tilespmem:s6+$0xC5A0] =	vst v1;
	v1 =	vmul.f32 $3.162277700e+00, v2  }
0x150: {  	[tilespmem:s6+$0xC5B0] =	vst v0;
	v0 =	vmul.f32 $3.162277700e+00, v3  }
0x151: {  	s8 =	sadd.s32 s21, s10;
	[tilespmem:s6+$0xC5C0] =	vst v1;
	v1 =	vmul.f32 $3.162277700e+00, v4  }
0x152: {  	s8 =	sshll.u32 s8, $0xA;
	[tilespmem:s6+$0xC5D0] =	vst v0;
	v0 =	vmul.f32 $3.162277700e+00, v6  }
0x153: {  	s8 =	sand.u32 $0x1FFFFC00, s8;
	[tilespmem:s6+$0xC5E0] =	vst v1  }
0x154: {  	s11 =	simm.s32 $0x0;
	s8 =	sadd.s32 s2, s8;
	[tilespmem:s6+$0xC5F0] =	vst v0  }
0x155: {  	[hbm4b:s8+s11] =	stream.linear.scatter [tilespmem:s22], [sflag:$0x8], $0x2000, $0x38;
	[tilespmem:$0xE400] =	vst v63  }
0x156: {  	s21 =	sshll.u32 s1, $0x9;
	_ =	swait.ge [sflag:s29], $0x2000  }
0x157: {  	s21 =	sand.u32 $0x3FFFFE00, s21;
	[sflag:s29] =	ssyncset.done $0x0  }
0x158: {  	s6 =	sadd.s32 $0x300, s21;
	[sflag:s29] =	ssyncadd.s32 $0xFFFFE000  }
0x159: {  	[tilespmem:s19], [sflag:$0x3] =	stream.indirect.gather [hbm4b:s4+s15], $0x40, s6, s15, $0xb8;
	[tilespmem:$0xE400] =	vst v63  }
0x15a: {  	_ =	swait.ge [sflag:s20], $0x2000  }
0x15b: {  	[sflag:s20] =	ssyncset.done $0x0  }
0x15c: {  	s6 =	simm.s32 $0x0;
	[sflag:s20] =	ssyncadd.s32 $0xFFFFE000  }
0x15d: {  	v0 =	vld [tilespmem:s6+$0x6400]  }
0x15e: {  	v1 =	vld [tilespmem:s6+$0x6410]  }
0x15f: {  	v2 =	vld [tilespmem:s6+$0x6420]  }
0x160: {  	v3 =	vld [tilespmem:s6+$0x6430]  }
0x161: {  	v4 =	vld [tilespmem:s6+$0x6440]  }
0x162: {  	v5 =	vld [tilespmem:s6+$0x6450];
	v0 =	vmul.f32 $3.162277700e+00, v0  }
0x163: {  	v6 =	vld [tilespmem:s6+$0x6460];
	v1 =	vmul.f32 $3.162277700e+00, v1  }
0x164: {  	v2 =	vmul.f32 $3.162277700e+00, v2;
	[tilespmem:s6+$0x6400] =	vst v0;
	v0 =	vld [tilespmem:s6+$0x6470]  }
0x165: {  	v3 =	vmul.f32 $3.162277700e+00, v3;
	[tilespmem:s6+$0x6410] =	vst v1;
	v1 =	vld [tilespmem:s6+$0x6480]  }
0x166: {  	v4 =	vmul.f32 $3.162277700e+00, v4;
	[tilespmem:s6+$0x6420] =	vst v2;
	v2 =	vld [tilespmem:s6+$0x6490]  }
0x167: {  	v5 =	vmul.f32 $3.162277700e+00, v5;
	[tilespmem:s6+$0x6430] =	vst v3;
	v3 =	vld [tilespmem:s6+$0x64A0]  }
0x168: {  	v6 =	vmul.f32 $3.162277700e+00, v6;
	[tilespmem:s6+$0x6440] =	vst v4;
	v4 =	vld [tilespmem:s6+$0x64B0]  }
0x169: {  	[tilespmem:s6+$0x6450] =	vst v5;
	v5 =	vld [tilespmem:s6+$0x64C0];
	v0 =	vmul.f32 $3.162277700e+00, v0  }
0x16a: {  	[tilespmem:s6+$0x6460] =	vst v6;
	v6 =	vld [tilespmem:s6+$0x64D0];
	v1 =	vmul.f32 $3.162277700e+00, v1  }
0x16b: {  	v2 =	vmul.f32 $3.162277700e+00, v2;
	[tilespmem:s6+$0x6470] =	vst v0;
	v0 =	vld [tilespmem:s6+$0x64E0]  }
0x16c: {  	v3 =	vmul.f32 $3.162277700e+00, v3;
	[tilespmem:s6+$0x6480] =	vst v1;
	v1 =	vld [tilespmem:s6+$0x64F0]  }
0x16d: {  	v4 =	vmul.f32 $3.162277700e+00, v4;
	[tilespmem:s6+$0x6490] =	vst v2;
	v2 =	vld [tilespmem:s6+$0x6500]  }
0x16e: {  	v5 =	vmul.f32 $3.162277700e+00, v5;
	[tilespmem:s6+$0x64A0] =	vst v3;
	v3 =	vld [tilespmem:s6+$0x6510]  }
0x16f: {  	v6 =	vmul.f32 $3.162277700e+00, v6;
	[tilespmem:s6+$0x64B0] =	vst v4;
	v4 =	vld [tilespmem:s6+$0x6520]  }
0x170: {  	[tilespmem:s6+$0x64C0] =	vst v5;
	v5 =	vld [tilespmem:s6+$0x6530];
	v0 =	vmul.f32 $3.162277700e+00, v0  }
0x171: {  	[tilespmem:s6+$0x64D0] =	vst v6;
	v6 =	vld [tilespmem:s6+$0x6540]  }
0x172: {  	v1 =	vmul.f32 $3.162277700e+00, v1;
	[tilespmem:s6+$0x64E0] =	vst v0;
	v0 =	vld [tilespmem:s6+$0x6550]  }
0x173: {  	v2 =	vmul.f32 $3.162277700e+00, v2  }
0x174: {  	[tilespmem:s6+$0x64F0] =	vst v1;
	v1 =	vmul.f32 $3.162277700e+00, v3;
	v3 =	vld [tilespmem:s6+$0x6570]  }
0x175: {  	v7 =	vld [tilespmem:s6+$0x6560];
	[tilespmem:s6+$0x6500] =	vst v2;
	v2 =	vmul.f32 $3.162277700e+00, v4  }
0x176: {  	v4 =	vld [tilespmem:s6+$0x6580];
	[tilespmem:s6+$0x6510] =	vst v1;
	v1 =	vmul.f32 $3.162277700e+00, v5  }
0x177: {  	[tilespmem:s6+$0x6520] =	vst v2;
	v5 =	vld [tilespmem:s6+$0x6590];
	v2 =	vmul.f32 $3.162277700e+00, v6;
	v6 =	vmul.f32 $3.162277700e+00, v0  }
0x178: {  	[tilespmem:s6+$0x6530] =	vst v1;
	v1 =	vld [tilespmem:s6+$0x65A0]  }
0x179: {  	v0 =	vld [tilespmem:s6+$0x65B0];
	[tilespmem:s6+$0x6550] =	vst v6;
	v6 =	vmul.f32 $3.162277700e+00, v3  }
0x17a: {  	v7 =	vmul.f32 $3.162277700e+00, v7;
	[tilespmem:s6+$0x6540] =	vst v2;
	v2 =	vld [tilespmem:s6+$0x65C0]  }
0x17b: {  	v3 =	vld [tilespmem:s6+$0x65D0];
	[tilespmem:s6+$0x6570] =	vst v6;
	v6 =	vmul.f32 $3.162277700e+00, v4  }
0x17c: {  	s8 =	simm.s32 $0x800;
	[tilespmem:s6+$0x6560] =	vst v7;
	v5 =	vmul.f32 $3.162277700e+00, v5;
	v4 =	vld [tilespmem:s6+$0x65E0]  }
.LBB2_11:
0x17d: {  	s11 =	sshra.s32 s8, $0x2;
	p0 =	sne.s32 s8, $0x7800;
	[tilespmem:s6+$0x6580] =	vst v6;
	v1 =	vmul.f32 $3.162277700e+00, v1;
	v6 =	vld [tilespmem:s6+$0x65F0]  }
0x17e: {  	v7 =	vld [tilespmem:s11+$0x6400];
	[tilespmem:s6+$0x6590] =	vst v5;
	v0 =	vmul.f32 $3.162277700e+00, v0  }
0x17f: {  	v5 =	vld [tilespmem:s11+$0x6410];
	[tilespmem:s6+$0x65A0] =	vst v1;
	v1 =	vmul.f32 $3.162277700e+00, v2  }
0x180: {  	v2 =	vld [tilespmem:s11+$0x6420];
	[tilespmem:s6+$0x65B0] =	vst v0;
	v0 =	vmul.f32 $3.162277700e+00, v3  }
0x181: {  	v3 =	vld [tilespmem:s11+$0x6430];
	[tilespmem:s6+$0x65C0] =	vst v1;
	v1 =	vmul.f32 $3.162277700e+00, v4  }
0x182: {  	v4 =	vld [tilespmem:s11+$0x6440];
	[tilespmem:s6+$0x65D0] =	vst v0;
	v0 =	vmul.f32 $3.162277700e+00, v6  }
0x183: {  	v6 =	vmul.f32 $3.162277700e+00, v7;
	v7 =	vld [tilespmem:s11+$0x6450];
	[tilespmem:s6+$0x65E0] =	vst v1  }
0x184: {  	v1 =	vmul.f32 $3.162277700e+00, v5;
	v5 =	vld [tilespmem:s11+$0x6460];
	[tilespmem:s6+$0x65F0] =	vst v0;
	s6 =	smov.u32 s11  }
0x185: {  	[tilespmem:s6+$0x6400] =	vst v6;
	v0 =	vmul.f32 $3.162277700e+00, v2;
	v2 =	vld [tilespmem:s6+$0x6470]  }
0x186: {  	[tilespmem:s6+$0x6410] =	vst v1;
	v1 =	vmul.f32 $3.162277700e+00, v3;
	v3 =	vld [tilespmem:s6+$0x6480]  }
0x187: {  	[tilespmem:s6+$0x6420] =	vst v0;
	v0 =	vmul.f32 $3.162277700e+00, v4;
	v4 =	vld [tilespmem:s6+$0x6490]  }
0x188: {  	[tilespmem:s6+$0x6430] =	vst v1;
	v1 =	vmul.f32 $3.162277700e+00, v7;
	v6 =	vld [tilespmem:s6+$0x64A0]  }
0x189: {  	[tilespmem:s6+$0x6440] =	vst v0;
	v0 =	vmul.f32 $3.162277700e+00, v5;
	v5 =	vld [tilespmem:s6+$0x64B0]  }
0x18a: {  	[tilespmem:s6+$0x6450] =	vst v1;
	v1 =	vmul.f32 $3.162277700e+00, v2;
	v2 =	vld [tilespmem:s6+$0x64C0]  }
0x18b: {  	[tilespmem:s6+$0x6460] =	vst v0;
	v0 =	vmul.f32 $3.162277700e+00, v3;
	v3 =	vld [tilespmem:s6+$0x64D0]  }
0x18c: {  	[tilespmem:s6+$0x6470] =	vst v1;
	v1 =	vmul.f32 $3.162277700e+00, v4;
	v4 =	vld [tilespmem:s6+$0x64E0]  }
0x18d: {  	[tilespmem:s6+$0x6480] =	vst v0;
	v0 =	vmul.f32 $3.162277700e+00, v6;
	v6 =	vld [tilespmem:s6+$0x64F0]  }
0x18e: {  	[tilespmem:s6+$0x6490] =	vst v1;
	v1 =	vmul.f32 $3.162277700e+00, v5;
	v5 =	vld [tilespmem:s6+$0x6500]  }
0x18f: {  	[tilespmem:s6+$0x64A0] =	vst v0;
	v0 =	vmul.f32 $3.162277700e+00, v2;
	v2 =	vld [tilespmem:s6+$0x6510]  }
0x190: {  	[tilespmem:s6+$0x64B0] =	vst v1;
	v1 =	vmul.f32 $3.162277700e+00, v3;
	v3 =	vld [tilespmem:s6+$0x6520]  }
0x191: {  	[tilespmem:s6+$0x64C0] =	vst v0;
	v0 =	vmul.f32 $3.162277700e+00, v4;
	v4 =	vld [tilespmem:s6+$0x6530]  }
0x192: {  	[tilespmem:s6+$0x64D0] =	vst v1;
	v1 =	vmul.f32 $3.162277700e+00, v6;
	v6 =	vld [tilespmem:s6+$0x6540]  }
0x193: {  	[tilespmem:s6+$0x64E0] =	vst v0;
	v0 =	vmul.f32 $3.162277700e+00, v5;
	v5 =	vld [tilespmem:s6+$0x6550]  }
0x194: {  	[tilespmem:s6+$0x64F0] =	vst v1;
	v1 =	vmul.f32 $3.162277700e+00, v2;
	v2 =	vld [tilespmem:s6+$0x6560]  }
0x195: {  	[tilespmem:s6+$0x6500] =	vst v0;
	v0 =	vmul.f32 $3.162277700e+00, v3;
	v3 =	vld [tilespmem:s6+$0x6570]  }
0x196: {  	[tilespmem:s6+$0x6510] =	vst v1;
	v1 =	vmul.f32 $3.162277700e+00, v4;
	v4 =	vld [tilespmem:s6+$0x6580]  }
0x197: {  	[tilespmem:s6+$0x6520] =	vst v0;
	v0 =	vmul.f32 $3.162277700e+00, v6;
	v7 =	vld [tilespmem:s6+$0x6590]  }
.Ltmp4:
0x198: {  	[tilespmem:s6+$0x6530] =	vst v1;
	v5 =	vmul.f32 $3.162277700e+00, v5;
	v1 =	vld [tilespmem:s6+$0x65A0];
	(pc) =	sbr.rel @p0 .LBB2_11-.Ltmp4, $4  }
0x199: {  	[tilespmem:s6+$0x6540] =	vst v0;
	v6 =	vmul.f32 $3.162277700e+00, v2;
	v0 =	vld [tilespmem:s6+$0x65B0]  }
0x19a: {  	[tilespmem:s6+$0x6550] =	vst v5;
	v5 =	vmul.f32 $3.162277700e+00, v3;
	v2 =	vld [tilespmem:s6+$0x65C0]  }
0x19b: {  	[tilespmem:s6+$0x6560] =	vst v6;
	v6 =	vmul.f32 $3.162277700e+00, v4;
	v3 =	vld [tilespmem:s6+$0x65D0]  }
0x19c: {  	s8 =	sadd.s32 $0x800, s8;
	[tilespmem:s6+$0x6570] =	vst v5;
	v5 =	vmul.f32 $3.162277700e+00, v7;
	v4 =	vld [tilespmem:s6+$0x65E0]  }
0x19d: {  	[tilespmem:s6+$0x6580] =	vst v6;
	v1 =	vmul.f32 $3.162277700e+00, v1;
	v6 =	vld [tilespmem:s6+$0x65F0]  }
0x19e: {  	[tilespmem:s6+$0x6590] =	vst v5;
	v0 =	vmul.f32 $3.162277700e+00, v0  }
0x19f: {  	[tilespmem:s6+$0x65A0] =	vst v1;
	v1 =	vmul.f32 $3.162277700e+00, v2  }
0x1a0: {  	[tilespmem:s6+$0x65B0] =	vst v0;
	v0 =	vmul.f32 $3.162277700e+00, v3  }
0x1a1: {  	s0 =	sadd.s32 s5, s0;
	[tilespmem:s6+$0x65C0] =	vst v1;
	v1 =	vmul.f32 $3.162277700e+00, v4  }
0x1a2: {  	s0 =	sshll.u32 s0, $0xA;
	[tilespmem:s6+$0x65D0] =	vst v0;
	v0 =	vmul.f32 $3.162277700e+00, v6  }
0x1a3: {  	s0 =	sand.u32 $0x1FFFF000, s0;
	[tilespmem:s6+$0x65E0] =	vst v1  }
0x1a4: {  	s11 =	simm.s32 $0x0;
	s0 =	sadd.s32 s2, s0;
	[tilespmem:s6+$0x65F0] =	vst v0  }
0x1a5: {  	[hbm4b:s0+s11] =	stream.linear.scatter [tilespmem:s16], [sflag:$0x5], $0x2000, $0x38;
	[tilespmem:$0xE400] =	vst v63  }
0x1a6: {  	_ =	swait.ge [sflag:s30], $0x2000  }
0x1a7: {  	[sflag:s30] =	ssyncset.done $0x0  }
0x1a8: {  	s21 =	sadd.s32 $0x380, s21;
	[sflag:s30] =	ssyncadd.s32 $0xFFFFE000  }
0x1a9: {  	[tilespmem:s22], [sflag:$0x4] =	stream.indirect.gather [hbm4b:s4+s15], $0x40, s21, s15, $0xb8;
	[tilespmem:$0xE400] =	vst v63  }
0x1aa: {  	_ =	swait.ge [sflag:s23], $0x2000  }
0x1ab: {  	[sflag:s23] =	ssyncset.done $0x0  }
0x1ac: {  	s0 =	simm.s32 $0x0;
	[sflag:s23] =	ssyncadd.s32 $0xFFFFE000  }
0x1ad: {  	v0 =	vld [tilespmem:s0+$0x8400]  }
0x1ae: {  	v1 =	vld [tilespmem:s0+$0x8410]  }
0x1af: {  	v2 =	vld [tilespmem:s0+$0x8420]  }
0x1b0: {  	v3 =	vld [tilespmem:s0+$0x8430]  }
0x1b1: {  	v4 =	vld [tilespmem:s0+$0x8440]  }
0x1b2: {  	v5 =	vld [tilespmem:s0+$0x8450];
	v0 =	vmul.f32 $3.162277700e+00, v0  }
0x1b3: {  	v6 =	vld [tilespmem:s0+$0x8460];
	v1 =	vmul.f32 $3.162277700e+00, v1  }
0x1b4: {  	v2 =	vmul.f32 $3.162277700e+00, v2;
	[tilespmem:s0+$0x8400] =	vst v0;
	v0 =	vld [tilespmem:s0+$0x8470]  }
0x1b5: {  	v3 =	vmul.f32 $3.162277700e+00, v3;
	[tilespmem:s0+$0x8410] =	vst v1;
	v1 =	vld [tilespmem:s0+$0x8480]  }
0x1b6: {  	v4 =	vmul.f32 $3.162277700e+00, v4;
	[tilespmem:s0+$0x8420] =	vst v2;
	v2 =	vld [tilespmem:s0+$0x8490]  }
0x1b7: {  	v5 =	vmul.f32 $3.162277700e+00, v5;
	[tilespmem:s0+$0x8430] =	vst v3;
	v3 =	vld [tilespmem:s0+$0x84A0]  }
0x1b8: {  	v6 =	vmul.f32 $3.162277700e+00, v6;
	[tilespmem:s0+$0x8440] =	vst v4;
	v4 =	vld [tilespmem:s0+$0x84B0]  }
0x1b9: {  	[tilespmem:s0+$0x8450] =	vst v5;
	v5 =	vld [tilespmem:s0+$0x84C0];
	v0 =	vmul.f32 $3.162277700e+00, v0  }
0x1ba: {  	[tilespmem:s0+$0x8460] =	vst v6;
	v6 =	vld [tilespmem:s0+$0x84D0];
	v1 =	vmul.f32 $3.162277700e+00, v1  }
0x1bb: {  	v2 =	vmul.f32 $3.162277700e+00, v2;
	[tilespmem:s0+$0x8470] =	vst v0;
	v0 =	vld [tilespmem:s0+$0x84E0]  }
0x1bc: {  	v3 =	vmul.f32 $3.162277700e+00, v3;
	[tilespmem:s0+$0x8480] =	vst v1;
	v1 =	vld [tilespmem:s0+$0x84F0]  }
0x1bd: {  	v4 =	vmul.f32 $3.162277700e+00, v4;
	[tilespmem:s0+$0x8490] =	vst v2;
	v2 =	vld [tilespmem:s0+$0x8500]  }
0x1be: {  	v5 =	vmul.f32 $3.162277700e+00, v5;
	[tilespmem:s0+$0x84A0] =	vst v3;
	v3 =	vld [tilespmem:s0+$0x8510]  }
0x1bf: {  	v6 =	vmul.f32 $3.162277700e+00, v6;
	[tilespmem:s0+$0x84B0] =	vst v4;
	v4 =	vld [tilespmem:s0+$0x8520]  }
0x1c0: {  	[tilespmem:s0+$0x84C0] =	vst v5;
	v5 =	vld [tilespmem:s0+$0x8530];
	v0 =	vmul.f32 $3.162277700e+00, v0  }
0x1c1: {  	[tilespmem:s0+$0x84D0] =	vst v6;
	v6 =	vld [tilespmem:s0+$0x8540]  }
0x1c2: {  	v1 =	vmul.f32 $3.162277700e+00, v1;
	[tilespmem:s0+$0x84E0] =	vst v0;
	v0 =	vld [tilespmem:s0+$0x8550]  }
0x1c3: {  	v2 =	vmul.f32 $3.162277700e+00, v2  }
0x1c4: {  	[tilespmem:s0+$0x84F0] =	vst v1;
	v1 =	vmul.f32 $3.162277700e+00, v3;
	v3 =	vld [tilespmem:s0+$0x8570]  }
0x1c5: {  	v7 =	vld [tilespmem:s0+$0x8560];
	[tilespmem:s0+$0x8500] =	vst v2;
	v2 =	vmul.f32 $3.162277700e+00, v4  }
0x1c6: {  	v4 =	vld [tilespmem:s0+$0x8580];
	[tilespmem:s0+$0x8510] =	vst v1;
	v1 =	vmul.f32 $3.162277700e+00, v5  }
0x1c7: {  	[tilespmem:s0+$0x8520] =	vst v2;
	v5 =	vld [tilespmem:s0+$0x8590];
	v2 =	vmul.f32 $3.162277700e+00, v6;
	v6 =	vmul.f32 $3.162277700e+00, v0  }
0x1c8: {  	[tilespmem:s0+$0x8530] =	vst v1;
	v1 =	vld [tilespmem:s0+$0x85A0]  }
0x1c9: {  	v0 =	vld [tilespmem:s0+$0x85B0];
	[tilespmem:s0+$0x8550] =	vst v6;
	v6 =	vmul.f32 $3.162277700e+00, v3  }
0x1ca: {  	v7 =	vmul.f32 $3.162277700e+00, v7;
	[tilespmem:s0+$0x8540] =	vst v2;
	v2 =	vld [tilespmem:s0+$0x85C0]  }
0x1cb: {  	v3 =	vld [tilespmem:s0+$0x85D0];
	[tilespmem:s0+$0x8570] =	vst v6;
	v6 =	vmul.f32 $3.162277700e+00, v4  }
0x1cc: {  	s6 =	simm.s32 $0x800;
	[tilespmem:s0+$0x8560] =	vst v7;
	v5 =	vmul.f32 $3.162277700e+00, v5;
	v4 =	vld [tilespmem:s0+$0x85E0]  }
.LBB2_13:
0x1cd: {  	s8 =	sshra.s32 s6, $0x2;
	p0 =	sne.s32 s6, $0x7800;
	[tilespmem:s0+$0x8580] =	vst v6;
	v1 =	vmul.f32 $3.162277700e+00, v1;
	v6 =	vld [tilespmem:s0+$0x85F0]  }
0x1ce: {  	v7 =	vld [tilespmem:s8+$0x8400];
	[tilespmem:s0+$0x8590] =	vst v5;
	v0 =	vmul.f32 $3.162277700e+00, v0  }
0x1cf: {  	v5 =	vld [tilespmem:s8+$0x8410];
	[tilespmem:s0+$0x85A0] =	vst v1;
	v1 =	vmul.f32 $3.162277700e+00, v2  }
0x1d0: {  	v2 =	vld [tilespmem:s8+$0x8420];
	[tilespmem:s0+$0x85B0] =	vst v0;
	v0 =	vmul.f32 $3.162277700e+00, v3  }
0x1d1: {  	v3 =	vld [tilespmem:s8+$0x8430];
	[tilespmem:s0+$0x85C0] =	vst v1;
	v1 =	vmul.f32 $3.162277700e+00, v4  }
0x1d2: {  	v4 =	vld [tilespmem:s8+$0x8440];
	[tilespmem:s0+$0x85D0] =	vst v0;
	v0 =	vmul.f32 $3.162277700e+00, v6  }
0x1d3: {  	v6 =	vmul.f32 $3.162277700e+00, v7;
	v7 =	vld [tilespmem:s8+$0x8450];
	[tilespmem:s0+$0x85E0] =	vst v1  }
0x1d4: {  	v1 =	vmul.f32 $3.162277700e+00, v5;
	v5 =	vld [tilespmem:s8+$0x8460];
	[tilespmem:s0+$0x85F0] =	vst v0;
	s0 =	smov.u32 s8  }
0x1d5: {  	[tilespmem:s0+$0x8400] =	vst v6;
	v0 =	vmul.f32 $3.162277700e+00, v2;
	v2 =	vld [tilespmem:s0+$0x8470]  }
0x1d6: {  	[tilespmem:s0+$0x8410] =	vst v1;
	v1 =	vmul.f32 $3.162277700e+00, v3;
	v3 =	vld [tilespmem:s0+$0x8480]  }
0x1d7: {  	[tilespmem:s0+$0x8420] =	vst v0;
	v0 =	vmul.f32 $3.162277700e+00, v4;
	v4 =	vld [tilespmem:s0+$0x8490]  }
0x1d8: {  	[tilespmem:s0+$0x8430] =	vst v1;
	v1 =	vmul.f32 $3.162277700e+00, v7;
	v6 =	vld [tilespmem:s0+$0x84A0]  }
0x1d9: {  	[tilespmem:s0+$0x8440] =	vst v0;
	v0 =	vmul.f32 $3.162277700e+00, v5;
	v5 =	vld [tilespmem:s0+$0x84B0]  }
0x1da: {  	[tilespmem:s0+$0x8450] =	vst v1;
	v1 =	vmul.f32 $3.162277700e+00, v2;
	v2 =	vld [tilespmem:s0+$0x84C0]  }
0x1db: {  	[tilespmem:s0+$0x8460] =	vst v0;
	v0 =	vmul.f32 $3.162277700e+00, v3;
	v3 =	vld [tilespmem:s0+$0x84D0]  }
0x1dc: {  	[tilespmem:s0+$0x8470] =	vst v1;
	v1 =	vmul.f32 $3.162277700e+00, v4;
	v4 =	vld [tilespmem:s0+$0x84E0]  }
0x1dd: {  	[tilespmem:s0+$0x8480] =	vst v0;
	v0 =	vmul.f32 $3.162277700e+00, v6;
	v6 =	vld [tilespmem:s0+$0x84F0]  }
0x1de: {  	[tilespmem:s0+$0x8490] =	vst v1;
	v1 =	vmul.f32 $3.162277700e+00, v5;
	v5 =	vld [tilespmem:s0+$0x8500]  }
0x1df: {  	[tilespmem:s0+$0x84A0] =	vst v0;
	v0 =	vmul.f32 $3.162277700e+00, v2;
	v2 =	vld [tilespmem:s0+$0x8510]  }
0x1e0: {  	[tilespmem:s0+$0x84B0] =	vst v1;
	v1 =	vmul.f32 $3.162277700e+00, v3;
	v3 =	vld [tilespmem:s0+$0x8520]  }
0x1e1: {  	[tilespmem:s0+$0x84C0] =	vst v0;
	v0 =	vmul.f32 $3.162277700e+00, v4;
	v4 =	vld [tilespmem:s0+$0x8530]  }
0x1e2: {  	[tilespmem:s0+$0x84D0] =	vst v1;
	v1 =	vmul.f32 $3.162277700e+00, v6;
	v6 =	vld [tilespmem:s0+$0x8540]  }
0x1e3: {  	[tilespmem:s0+$0x84E0] =	vst v0;
	v0 =	vmul.f32 $3.162277700e+00, v5;
	v5 =	vld [tilespmem:s0+$0x8550]  }
0x1e4: {  	[tilespmem:s0+$0x84F0] =	vst v1;
	v1 =	vmul.f32 $3.162277700e+00, v2;
	v2 =	vld [tilespmem:s0+$0x8560]  }
0x1e5: {  	[tilespmem:s0+$0x8500] =	vst v0;
	v0 =	vmul.f32 $3.162277700e+00, v3;
	v3 =	vld [tilespmem:s0+$0x8570]  }
0x1e6: {  	[tilespmem:s0+$0x8510] =	vst v1;
	v1 =	vmul.f32 $3.162277700e+00, v4;
	v4 =	vld [tilespmem:s0+$0x8580]  }
0x1e7: {  	[tilespmem:s0+$0x8520] =	vst v0;
	v0 =	vmul.f32 $3.162277700e+00, v6;
	v7 =	vld [tilespmem:s0+$0x8590]  }
.Ltmp5:
0x1e8: {  	[tilespmem:s0+$0x8530] =	vst v1;
	v5 =	vmul.f32 $3.162277700e+00, v5;
	v1 =	vld [tilespmem:s0+$0x85A0];
	(pc) =	sbr.rel @p0 .LBB2_13-.Ltmp5, $4  }
0x1e9: {  	[tilespmem:s0+$0x8540] =	vst v0;
	v6 =	vmul.f32 $3.162277700e+00, v2;
	v0 =	vld [tilespmem:s0+$0x85B0]  }
0x1ea: {  	[tilespmem:s0+$0x8550] =	vst v5;
	v5 =	vmul.f32 $3.162277700e+00, v3;
	v2 =	vld [tilespmem:s0+$0x85C0]  }
0x1eb: {  	[tilespmem:s0+$0x8560] =	vst v6;
	v6 =	vmul.f32 $3.162277700e+00, v4;
	v3 =	vld [tilespmem:s0+$0x85D0]  }
0x1ec: {  	s6 =	sadd.s32 $0x800, s6;
	[tilespmem:s0+$0x8570] =	vst v5;
	v5 =	vmul.f32 $3.162277700e+00, v7;
	v4 =	vld [tilespmem:s0+$0x85E0]  }
0x1ed: {  	[tilespmem:s0+$0x8580] =	vst v6;
	v1 =	vmul.f32 $3.162277700e+00, v1;
	v59 =	vld [tilespmem:s0+$0x85F0]  }
0x1ee: {  	[tilespmem:s0+$0x8590] =	vst v5;
	v0 =	vmul.f32 $3.162277700e+00, v0  }
0x1ef: {  	s1 =	sadd.s32 $0x1, s1;
	[tilespmem:s0+$0x85A0] =	vst v1;
	v60 =	vmul.f32 $3.162277700e+00, v2  }
0x1f0: {  	p0 =	sne.s32 s1, $0x31;
	[tilespmem:s0+$0x85B0] =	vst v0;
	v61 =	vmul.f32 $3.162277700e+00, v3  }
.Ltmp6:
0x1f1: {  	s6 =	sadd.s32 s5, s18;
	[tilespmem:s0+$0x85C0] =	vst v60;
	v62 =	vmul.f32 $3.162277700e+00, v4;
	(pc) =	sbr.rel @p0 .LBB2_6-.Ltmp6, $4  }
0x1f2: {  	s6 =	sshll.u32 s6, $0xA;
	[tilespmem:s0+$0x85D0] =	vst v61;
	v63 =	vmul.f32 $3.162277700e+00, v59  }
0x1f3: {  	s6 =	sand.u32 $0x1FFFF400, s6;
	[tilespmem:s0+$0x85E0] =	vst v62  }
0x1f4: {  	s21 =	sadd.s32 s2, s6;
	[tilespmem:s0+$0x85F0] =	vst v63  }
0x1f5: {  	[hbm4b:s21+s3] =	stream.linear.scatter [tilespmem:s17], [sflag:$0x6], $0x2000, $0x38;
	[tilespmem:$0xE400] =	vst v63  }
0x1f6: {  	_ =	swait.ge [sflag:s25], $0x2000  }
0x1f7: {  	[sflag:s25] =	ssyncset.done $0x0  }
0x1f8: {  	s0 =	simm.s32 $0x0;
	[sflag:s25] =	ssyncadd.s32 $0xFFFFE000  }
0x1f9: {  	v0 =	vld [tilespmem:s0+$0xA400]  }
0x1fa: {  	v1 =	vld [tilespmem:s0+$0xA410]  }
0x1fb: {  	v2 =	vld [tilespmem:s0+$0xA420]  }
0x1fc: {  	v3 =	vld [tilespmem:s0+$0xA430]  }
0x1fd: {  	v4 =	vld [tilespmem:s0+$0xA440]  }
0x1fe: {  	v5 =	vld [tilespmem:s0+$0xA450];
	v0 =	vmul.f32 $3.162277700e+00, v0  }
0x1ff: {  	v6 =	vld [tilespmem:s0+$0xA460];
	v1 =	vmul.f32 $3.162277700e+00, v1  }
0x200: {  	v2 =	vmul.f32 $3.162277700e+00, v2;
	[tilespmem:s0+$0xA400] =	vst v0;
	v0 =	vld [tilespmem:s0+$0xA470]  }
0x201: {  	v3 =	vmul.f32 $3.162277700e+00, v3;
	[tilespmem:s0+$0xA410] =	vst v1;
	v1 =	vld [tilespmem:s0+$0xA480]  }
0x202: {  	v4 =	vmul.f32 $3.162277700e+00, v4;
	[tilespmem:s0+$0xA420] =	vst v2;
	v2 =	vld [tilespmem:s0+$0xA490]  }
0x203: {  	v5 =	vmul.f32 $3.162277700e+00, v5;
	[tilespmem:s0+$0xA430] =	vst v3;
	v3 =	vld [tilespmem:s0+$0xA4A0]  }
0x204: {  	v6 =	vmul.f32 $3.162277700e+00, v6;
	[tilespmem:s0+$0xA440] =	vst v4;
	v4 =	vld [tilespmem:s0+$0xA4B0]  }
0x205: {  	[tilespmem:s0+$0xA450] =	vst v5;
	v5 =	vld [tilespmem:s0+$0xA4C0];
	v0 =	vmul.f32 $3.162277700e+00, v0  }
0x206: {  	[tilespmem:s0+$0xA460] =	vst v6;
	v6 =	vld [tilespmem:s0+$0xA4D0];
	v1 =	vmul.f32 $3.162277700e+00, v1  }
0x207: {  	v2 =	vmul.f32 $3.162277700e+00, v2;
	[tilespmem:s0+$0xA470] =	vst v0;
	v0 =	vld [tilespmem:s0+$0xA4E0]  }
0x208: {  	v3 =	vmul.f32 $3.162277700e+00, v3;
	[tilespmem:s0+$0xA480] =	vst v1;
	v1 =	vld [tilespmem:s0+$0xA4F0]  }
0x209: {  	v4 =	vmul.f32 $3.162277700e+00, v4;
	[tilespmem:s0+$0xA490] =	vst v2;
	v2 =	vld [tilespmem:s0+$0xA500]  }
0x20a: {  	v5 =	vmul.f32 $3.162277700e+00, v5;
	[tilespmem:s0+$0xA4A0] =	vst v3;
	v3 =	vld [tilespmem:s0+$0xA510]  }
0x20b: {  	v6 =	vmul.f32 $3.162277700e+00, v6;
	[tilespmem:s0+$0xA4B0] =	vst v4;
	v4 =	vld [tilespmem:s0+$0xA520]  }
0x20c: {  	[tilespmem:s0+$0xA4C0] =	vst v5;
	v5 =	vld [tilespmem:s0+$0xA530];
	v0 =	vmul.f32 $3.162277700e+00, v0  }
0x20d: {  	[tilespmem:s0+$0xA4D0] =	vst v6;
	v6 =	vld [tilespmem:s0+$0xA540]  }
0x20e: {  	v1 =	vmul.f32 $3.162277700e+00, v1;
	[tilespmem:s0+$0xA4E0] =	vst v0;
	v0 =	vld [tilespmem:s0+$0xA550]  }
0x20f: {  	v2 =	vmul.f32 $3.162277700e+00, v2  }
0x210: {  	[tilespmem:s0+$0xA4F0] =	vst v1;
	v1 =	vmul.f32 $3.162277700e+00, v3;
	v3 =	vld [tilespmem:s0+$0xA570]  }
0x211: {  	v7 =	vld [tilespmem:s0+$0xA560];
	[tilespmem:s0+$0xA500] =	vst v2;
	v2 =	vmul.f32 $3.162277700e+00, v4  }
0x212: {  	v4 =	vld [tilespmem:s0+$0xA580];
	[tilespmem:s0+$0xA510] =	vst v1;
	v1 =	vmul.f32 $3.162277700e+00, v5  }
0x213: {  	[tilespmem:s0+$0xA520] =	vst v2;
	v5 =	vld [tilespmem:s0+$0xA590];
	v2 =	vmul.f32 $3.162277700e+00, v6;
	v6 =	vmul.f32 $3.162277700e+00, v0  }
0x214: {  	[tilespmem:s0+$0xA530] =	vst v1;
	v1 =	vld [tilespmem:s0+$0xA5A0]  }
0x215: {  	v0 =	vld [tilespmem:s0+$0xA5B0];
	[tilespmem:s0+$0xA550] =	vst v6;
	v6 =	vmul.f32 $3.162277700e+00, v3  }
0x216: {  	v7 =	vmul.f32 $3.162277700e+00, v7;
	[tilespmem:s0+$0xA540] =	vst v2;
	v2 =	vld [tilespmem:s0+$0xA5C0]  }
0x217: {  	v3 =	vld [tilespmem:s0+$0xA5D0];
	[tilespmem:s0+$0xA570] =	vst v6;
	v6 =	vmul.f32 $3.162277700e+00, v4  }
0x218: {  	s1 =	simm.s32 $0x800;
	[tilespmem:s0+$0xA560] =	vst v7;
	v5 =	vmul.f32 $3.162277700e+00, v5;
	v4 =	vld [tilespmem:s0+$0xA5E0]  }
.LBB2_16:
0x219: {  	s6 =	sshra.s32 s1, $0x2;
	p0 =	sne.s32 s1, $0x7800;
	[tilespmem:s0+$0xA580] =	vst v6;
	v1 =	vmul.f32 $3.162277700e+00, v1;
	v6 =	vld [tilespmem:s0+$0xA5F0]  }
0x21a: {  	v7 =	vld [tilespmem:s6+$0xA400];
	[tilespmem:s0+$0xA590] =	vst v5;
	v0 =	vmul.f32 $3.162277700e+00, v0  }
0x21b: {  	v5 =	vld [tilespmem:s6+$0xA410];
	[tilespmem:s0+$0xA5A0] =	vst v1;
	v1 =	vmul.f32 $3.162277700e+00, v2  }
0x21c: {  	v2 =	vld [tilespmem:s6+$0xA420];
	[tilespmem:s0+$0xA5B0] =	vst v0;
	v0 =	vmul.f32 $3.162277700e+00, v3  }
0x21d: {  	v3 =	vld [tilespmem:s6+$0xA430];
	[tilespmem:s0+$0xA5C0] =	vst v1;
	v1 =	vmul.f32 $3.162277700e+00, v4  }
0x21e: {  	v4 =	vld [tilespmem:s6+$0xA440];
	[tilespmem:s0+$0xA5D0] =	vst v0;
	v0 =	vmul.f32 $3.162277700e+00, v6  }
0x21f: {  	v6 =	vmul.f32 $3.162277700e+00, v7;
	v7 =	vld [tilespmem:s6+$0xA450];
	[tilespmem:s0+$0xA5E0] =	vst v1  }
0x220: {  	v1 =	vmul.f32 $3.162277700e+00, v5;
	v5 =	vld [tilespmem:s6+$0xA460];
	[tilespmem:s0+$0xA5F0] =	vst v0;
	s0 =	smov.u32 s6  }
0x221: {  	[tilespmem:s0+$0xA400] =	vst v6;
	v0 =	vmul.f32 $3.162277700e+00, v2;
	v2 =	vld [tilespmem:s0+$0xA470]  }
0x222: {  	[tilespmem:s0+$0xA410] =	vst v1;
	v1 =	vmul.f32 $3.162277700e+00, v3;
	v3 =	vld [tilespmem:s0+$0xA480]  }
0x223: {  	[tilespmem:s0+$0xA420] =	vst v0;
	v0 =	vmul.f32 $3.162277700e+00, v4;
	v4 =	vld [tilespmem:s0+$0xA490]  }
0x224: {  	[tilespmem:s0+$0xA430] =	vst v1;
	v1 =	vmul.f32 $3.162277700e+00, v7;
	v6 =	vld [tilespmem:s0+$0xA4A0]  }
0x225: {  	[tilespmem:s0+$0xA440] =	vst v0;
	v0 =	vmul.f32 $3.162277700e+00, v5;
	v5 =	vld [tilespmem:s0+$0xA4B0]  }
0x226: {  	[tilespmem:s0+$0xA450] =	vst v1;
	v1 =	vmul.f32 $3.162277700e+00, v2;
	v2 =	vld [tilespmem:s0+$0xA4C0]  }
0x227: {  	[tilespmem:s0+$0xA460] =	vst v0;
	v0 =	vmul.f32 $3.162277700e+00, v3;
	v3 =	vld [tilespmem:s0+$0xA4D0]  }
0x228: {  	[tilespmem:s0+$0xA470] =	vst v1;
	v1 =	vmul.f32 $3.162277700e+00, v4;
	v4 =	vld [tilespmem:s0+$0xA4E0]  }
0x229: {  	[tilespmem:s0+$0xA480] =	vst v0;
	v0 =	vmul.f32 $3.162277700e+00, v6;
	v6 =	vld [tilespmem:s0+$0xA4F0]  }
0x22a: {  	[tilespmem:s0+$0xA490] =	vst v1;
	v1 =	vmul.f32 $3.162277700e+00, v5;
	v5 =	vld [tilespmem:s0+$0xA500]  }
0x22b: {  	[tilespmem:s0+$0xA4A0] =	vst v0;
	v0 =	vmul.f32 $3.162277700e+00, v2;
	v2 =	vld [tilespmem:s0+$0xA510]  }
0x22c: {  	[tilespmem:s0+$0xA4B0] =	vst v1;
	v1 =	vmul.f32 $3.162277700e+00, v3;
	v3 =	vld [tilespmem:s0+$0xA520]  }
0x22d: {  	[tilespmem:s0+$0xA4C0] =	vst v0;
	v0 =	vmul.f32 $3.162277700e+00, v4;
	v4 =	vld [tilespmem:s0+$0xA530]  }
0x22e: {  	[tilespmem:s0+$0xA4D0] =	vst v1;
	v1 =	vmul.f32 $3.162277700e+00, v6;
	v6 =	vld [tilespmem:s0+$0xA540]  }
0x22f: {  	[tilespmem:s0+$0xA4E0] =	vst v0;
	v0 =	vmul.f32 $3.162277700e+00, v5;
	v5 =	vld [tilespmem:s0+$0xA550]  }
0x230: {  	[tilespmem:s0+$0xA4F0] =	vst v1;
	v1 =	vmul.f32 $3.162277700e+00, v2;
	v2 =	vld [tilespmem:s0+$0xA560]  }
0x231: {  	[tilespmem:s0+$0xA500] =	vst v0;
	v0 =	vmul.f32 $3.162277700e+00, v3;
	v3 =	vld [tilespmem:s0+$0xA570]  }
0x232: {  	[tilespmem:s0+$0xA510] =	vst v1;
	v1 =	vmul.f32 $3.162277700e+00, v4;
	v4 =	vld [tilespmem:s0+$0xA580]  }
0x233: {  	[tilespmem:s0+$0xA520] =	vst v0;
	v0 =	vmul.f32 $3.162277700e+00, v6;
	v7 =	vld [tilespmem:s0+$0xA590]  }
.Ltmp7:
0x234: {  	[tilespmem:s0+$0xA530] =	vst v1;
	v5 =	vmul.f32 $3.162277700e+00, v5;
	v1 =	vld [tilespmem:s0+$0xA5A0];
	(pc) =	sbr.rel @p0 .LBB2_16-.Ltmp7, $4  }
0x235: {  	[tilespmem:s0+$0xA540] =	vst v0;
	v6 =	vmul.f32 $3.162277700e+00, v2;
	v0 =	vld [tilespmem:s0+$0xA5B0]  }
0x236: {  	[tilespmem:s0+$0xA550] =	vst v5;
	v5 =	vmul.f32 $3.162277700e+00, v3;
	v2 =	vld [tilespmem:s0+$0xA5C0]  }
0x237: {  	[tilespmem:s0+$0xA560] =	vst v6;
	v6 =	vmul.f32 $3.162277700e+00, v4;
	v3 =	vld [tilespmem:s0+$0xA5D0]  }
0x238: {  	s1 =	sadd.s32 $0x800, s1;
	[tilespmem:s0+$0xA570] =	vst v5;
	v5 =	vmul.f32 $3.162277700e+00, v7;
	v4 =	vld [tilespmem:s0+$0xA5E0]  }
0x239: {  	[tilespmem:s0+$0xA580] =	vst v6;
	v1 =	vmul.f32 $3.162277700e+00, v1;
	v6 =	vld [tilespmem:s0+$0xA5F0]  }
0x23a: {  	[tilespmem:s0+$0xA590] =	vst v5;
	v0 =	vmul.f32 $3.162277700e+00, v0  }
0x23b: {  	[tilespmem:s0+$0xA5A0] =	vst v1;
	v1 =	vmul.f32 $3.162277700e+00, v2  }
0x23c: {  	[tilespmem:s0+$0xA5B0] =	vst v0;
	v0 =	vmul.f32 $3.162277700e+00, v3  }
0x23d: {  	[tilespmem:s0+$0xA5C0] =	vst v1;
	v1 =	vmul.f32 $3.162277700e+00, v4  }
0x23e: {  	[tilespmem:s0+$0xA5D0] =	vst v0;
	v0 =	vmul.f32 $3.162277700e+00, v6  }
0x23f: {  	[tilespmem:s0+$0xA5E0] =	vst v1  }
0x240: {  	s21 =	simm.s32 $0x0;
	s1 =	rddreg [dreg:$0x5];
	[tilespmem:s0+$0xA5F0] =	vst v0  }
0x241: {  	[hbm4b:s1+s21] =	stream.linear.scatter [tilespmem:s19], [sflag:$0x7], $0x2000, $0x38;
	[tilespmem:$0xE400] =	vst v63  }
0x242: {  	_ =	swait.ge [sflag:s28], $0x2000  }
0x243: {  	[sflag:s28] =	ssyncset.done $0x0  }
0x244: {  	s0 =	simm.s32 $0x0;
	[sflag:s28] =	ssyncadd.s32 $0xFFFFE000  }
0x245: {  	v0 =	vld [tilespmem:s0+$0xC400]  }
0x246: {  	v1 =	vld [tilespmem:s0+$0xC410]  }
0x247: {  	v2 =	vld [tilespmem:s0+$0xC420]  }
0x248: {  	v3 =	vld [tilespmem:s0+$0xC430]  }
0x249: {  	v4 =	vld [tilespmem:s0+$0xC440]  }
0x24a: {  	v5 =	vld [tilespmem:s0+$0xC450];
	v0 =	vmul.f32 $3.162277700e+00, v0  }
0x24b: {  	v6 =	vld [tilespmem:s0+$0xC460];
	v1 =	vmul.f32 $3.162277700e+00, v1  }
0x24c: {  	v2 =	vmul.f32 $3.162277700e+00, v2;
	[tilespmem:s0+$0xC400] =	vst v0;
	v0 =	vld [tilespmem:s0+$0xC470]  }
0x24d: {  	v3 =	vmul.f32 $3.162277700e+00, v3;
	[tilespmem:s0+$0xC410] =	vst v1;
	v1 =	vld [tilespmem:s0+$0xC480]  }
0x24e: {  	v4 =	vmul.f32 $3.162277700e+00, v4;
	[tilespmem:s0+$0xC420] =	vst v2;
	v2 =	vld [tilespmem:s0+$0xC490]  }
0x24f: {  	v5 =	vmul.f32 $3.162277700e+00, v5;
	[tilespmem:s0+$0xC430] =	vst v3;
	v3 =	vld [tilespmem:s0+$0xC4A0]  }
0x250: {  	v6 =	vmul.f32 $3.162277700e+00, v6;
	[tilespmem:s0+$0xC440] =	vst v4;
	v4 =	vld [tilespmem:s0+$0xC4B0]  }
0x251: {  	[tilespmem:s0+$0xC450] =	vst v5;
	v5 =	vld [tilespmem:s0+$0xC4C0];
	v0 =	vmul.f32 $3.162277700e+00, v0  }
0x252: {  	[tilespmem:s0+$0xC460] =	vst v6;
	v6 =	vld [tilespmem:s0+$0xC4D0];
	v1 =	vmul.f32 $3.162277700e+00, v1  }
0x253: {  	v2 =	vmul.f32 $3.162277700e+00, v2;
	[tilespmem:s0+$0xC470] =	vst v0;
	v0 =	vld [tilespmem:s0+$0xC4E0]  }
0x254: {  	v3 =	vmul.f32 $3.162277700e+00, v3;
	[tilespmem:s0+$0xC480] =	vst v1;
	v1 =	vld [tilespmem:s0+$0xC4F0]  }
0x255: {  	v4 =	vmul.f32 $3.162277700e+00, v4;
	[tilespmem:s0+$0xC490] =	vst v2;
	v2 =	vld [tilespmem:s0+$0xC500]  }
0x256: {  	v5 =	vmul.f32 $3.162277700e+00, v5;
	[tilespmem:s0+$0xC4A0] =	vst v3;
	v3 =	vld [tilespmem:s0+$0xC510]  }
0x257: {  	v6 =	vmul.f32 $3.162277700e+00, v6;
	[tilespmem:s0+$0xC4B0] =	vst v4;
	v4 =	vld [tilespmem:s0+$0xC520]  }
0x258: {  	[tilespmem:s0+$0xC4C0] =	vst v5;
	v5 =	vld [tilespmem:s0+$0xC530];
	v0 =	vmul.f32 $3.162277700e+00, v0  }
0x259: {  	[tilespmem:s0+$0xC4D0] =	vst v6;
	v6 =	vld [tilespmem:s0+$0xC540]  }
0x25a: {  	v1 =	vmul.f32 $3.162277700e+00, v1;
	[tilespmem:s0+$0xC4E0] =	vst v0;
	v0 =	vld [tilespmem:s0+$0xC550]  }
0x25b: {  	v2 =	vmul.f32 $3.162277700e+00, v2  }
0x25c: {  	[tilespmem:s0+$0xC4F0] =	vst v1;
	v1 =	vmul.f32 $3.162277700e+00, v3;
	v3 =	vld [tilespmem:s0+$0xC570]  }
0x25d: {  	v7 =	vld [tilespmem:s0+$0xC560];
	[tilespmem:s0+$0xC500] =	vst v2;
	v2 =	vmul.f32 $3.162277700e+00, v4  }
0x25e: {  	v4 =	vld [tilespmem:s0+$0xC580];
	[tilespmem:s0+$0xC510] =	vst v1;
	v1 =	vmul.f32 $3.162277700e+00, v5  }
0x25f: {  	[tilespmem:s0+$0xC520] =	vst v2;
	v5 =	vld [tilespmem:s0+$0xC590];
	v2 =	vmul.f32 $3.162277700e+00, v6;
	v6 =	vmul.f32 $3.162277700e+00, v0  }
0x260: {  	[tilespmem:s0+$0xC530] =	vst v1;
	v1 =	vld [tilespmem:s0+$0xC5A0]  }
0x261: {  	v0 =	vld [tilespmem:s0+$0xC5B0];
	[tilespmem:s0+$0xC550] =	vst v6;
	v6 =	vmul.f32 $3.162277700e+00, v3  }
0x262: {  	v7 =	vmul.f32 $3.162277700e+00, v7;
	[tilespmem:s0+$0xC540] =	vst v2;
	v2 =	vld [tilespmem:s0+$0xC5C0]  }
0x263: {  	v3 =	vld [tilespmem:s0+$0xC5D0];
	[tilespmem:s0+$0xC570] =	vst v6;
	v6 =	vmul.f32 $3.162277700e+00, v4  }
0x264: {  	s1 =	simm.s32 $0x800;
	[tilespmem:s0+$0xC560] =	vst v7;
	v5 =	vmul.f32 $3.162277700e+00, v5;
	v4 =	vld [tilespmem:s0+$0xC5E0]  }
.LBB2_18:
0x265: {  	s6 =	sshra.s32 s1, $0x2;
	p0 =	sne.s32 s1, $0x7800;
	[tilespmem:s0+$0xC580] =	vst v6;
	v1 =	vmul.f32 $3.162277700e+00, v1;
	v6 =	vld [tilespmem:s0+$0xC5F0]  }
0x266: {  	v7 =	vld [tilespmem:s6+$0xC400];
	[tilespmem:s0+$0xC590] =	vst v5;
	v0 =	vmul.f32 $3.162277700e+00, v0  }
0x267: {  	v5 =	vld [tilespmem:s6+$0xC410];
	[tilespmem:s0+$0xC5A0] =	vst v1;
	v1 =	vmul.f32 $3.162277700e+00, v2  }
0x268: {  	v2 =	vld [tilespmem:s6+$0xC420];
	[tilespmem:s0+$0xC5B0] =	vst v0;
	v0 =	vmul.f32 $3.162277700e+00, v3  }
0x269: {  	v3 =	vld [tilespmem:s6+$0xC430];
	[tilespmem:s0+$0xC5C0] =	vst v1;
	v1 =	vmul.f32 $3.162277700e+00, v4  }
0x26a: {  	v4 =	vld [tilespmem:s6+$0xC440];
	[tilespmem:s0+$0xC5D0] =	vst v0;
	v0 =	vmul.f32 $3.162277700e+00, v6  }
0x26b: {  	v6 =	vmul.f32 $3.162277700e+00, v7;
	v7 =	vld [tilespmem:s6+$0xC450];
	[tilespmem:s0+$0xC5E0] =	vst v1  }
0x26c: {  	v1 =	vmul.f32 $3.162277700e+00, v5;
	v5 =	vld [tilespmem:s6+$0xC460];
	[tilespmem:s0+$0xC5F0] =	vst v0;
	s0 =	smov.u32 s6  }
0x26d: {  	[tilespmem:s0+$0xC400] =	vst v6;
	v0 =	vmul.f32 $3.162277700e+00, v2;
	v2 =	vld [tilespmem:s0+$0xC470]  }
0x26e: {  	[tilespmem:s0+$0xC410] =	vst v1;
	v1 =	vmul.f32 $3.162277700e+00, v3;
	v3 =	vld [tilespmem:s0+$0xC480]  }
0x26f: {  	[tilespmem:s0+$0xC420] =	vst v0;
	v0 =	vmul.f32 $3.162277700e+00, v4;
	v4 =	vld [tilespmem:s0+$0xC490]  }
0x270: {  	[tilespmem:s0+$0xC430] =	vst v1;
	v1 =	vmul.f32 $3.162277700e+00, v7;
	v6 =	vld [tilespmem:s0+$0xC4A0]  }
0x271: {  	[tilespmem:s0+$0xC440] =	vst v0;
	v0 =	vmul.f32 $3.162277700e+00, v5;
	v5 =	vld [tilespmem:s0+$0xC4B0]  }
0x272: {  	[tilespmem:s0+$0xC450] =	vst v1;
	v1 =	vmul.f32 $3.162277700e+00, v2;
	v2 =	vld [tilespmem:s0+$0xC4C0]  }
0x273: {  	[tilespmem:s0+$0xC460] =	vst v0;
	v0 =	vmul.f32 $3.162277700e+00, v3;
	v3 =	vld [tilespmem:s0+$0xC4D0]  }
0x274: {  	[tilespmem:s0+$0xC470] =	vst v1;
	v1 =	vmul.f32 $3.162277700e+00, v4;
	v4 =	vld [tilespmem:s0+$0xC4E0]  }
0x275: {  	[tilespmem:s0+$0xC480] =	vst v0;
	v0 =	vmul.f32 $3.162277700e+00, v6;
	v6 =	vld [tilespmem:s0+$0xC4F0]  }
0x276: {  	[tilespmem:s0+$0xC490] =	vst v1;
	v1 =	vmul.f32 $3.162277700e+00, v5;
	v5 =	vld [tilespmem:s0+$0xC500]  }
0x277: {  	[tilespmem:s0+$0xC4A0] =	vst v0;
	v0 =	vmul.f32 $3.162277700e+00, v2;
	v2 =	vld [tilespmem:s0+$0xC510]  }
0x278: {  	[tilespmem:s0+$0xC4B0] =	vst v1;
	v1 =	vmul.f32 $3.162277700e+00, v3;
	v3 =	vld [tilespmem:s0+$0xC520]  }
0x279: {  	[tilespmem:s0+$0xC4C0] =	vst v0;
	v0 =	vmul.f32 $3.162277700e+00, v4;
	v4 =	vld [tilespmem:s0+$0xC530]  }
0x27a: {  	[tilespmem:s0+$0xC4D0] =	vst v1;
	v1 =	vmul.f32 $3.162277700e+00, v6;
	v6 =	vld [tilespmem:s0+$0xC540]  }
0x27b: {  	[tilespmem:s0+$0xC4E0] =	vst v0;
	v0 =	vmul.f32 $3.162277700e+00, v5;
	v5 =	vld [tilespmem:s0+$0xC550]  }
0x27c: {  	[tilespmem:s0+$0xC4F0] =	vst v1;
	v1 =	vmul.f32 $3.162277700e+00, v2;
	v2 =	vld [tilespmem:s0+$0xC560]  }
0x27d: {  	[tilespmem:s0+$0xC500] =	vst v0;
	v0 =	vmul.f32 $3.162277700e+00, v3;
	v3 =	vld [tilespmem:s0+$0xC570]  }
0x27e: {  	[tilespmem:s0+$0xC510] =	vst v1;
	v1 =	vmul.f32 $3.162277700e+00, v4;
	v4 =	vld [tilespmem:s0+$0xC580]  }
0x27f: {  	[tilespmem:s0+$0xC520] =	vst v0;
	v0 =	vmul.f32 $3.162277700e+00, v6;
	v7 =	vld [tilespmem:s0+$0xC590]  }
.Ltmp8:
0x280: {  	[tilespmem:s0+$0xC530] =	vst v1;
	v5 =	vmul.f32 $3.162277700e+00, v5;
	v1 =	vld [tilespmem:s0+$0xC5A0];
	(pc) =	sbr.rel @p0 .LBB2_18-.Ltmp8, $4  }
0x281: {  	[tilespmem:s0+$0xC540] =	vst v0;
	v6 =	vmul.f32 $3.162277700e+00, v2;
	v0 =	vld [tilespmem:s0+$0xC5B0]  }
0x282: {  	[tilespmem:s0+$0xC550] =	vst v5;
	v5 =	vmul.f32 $3.162277700e+00, v3;
	v2 =	vld [tilespmem:s0+$0xC5C0]  }
0x283: {  	[tilespmem:s0+$0xC560] =	vst v6;
	v6 =	vmul.f32 $3.162277700e+00, v4;
	v3 =	vld [tilespmem:s0+$0xC5D0]  }
0x284: {  	s1 =	sadd.s32 $0x800, s1;
	[tilespmem:s0+$0xC570] =	vst v5;
	v5 =	vmul.f32 $3.162277700e+00, v7;
	v4 =	vld [tilespmem:s0+$0xC5E0]  }
0x285: {  	[tilespmem:s0+$0xC580] =	vst v6;
	v1 =	vmul.f32 $3.162277700e+00, v1;
	v59 =	vld [tilespmem:s0+$0xC5F0]  }
0x286: {  	[tilespmem:s0+$0xC590] =	vst v5;
	v0 =	vmul.f32 $3.162277700e+00, v0  }
0x287: {  	[tilespmem:s0+$0xC5A0] =	vst v1;
	v60 =	vmul.f32 $3.162277700e+00, v2  }
0x288: {  	[tilespmem:s0+$0xC5B0] =	vst v0;
	v61 =	vmul.f32 $3.162277700e+00, v3  }
0x289: {  	[tilespmem:s0+$0xC5C0] =	vst v60;
	v62 =	vmul.f32 $3.162277700e+00, v4  }
0x28a: {  	[tilespmem:s0+$0xC5D0] =	vst v61;
	v63 =	vmul.f32 $3.162277700e+00, v59  }
0x28b: {  	[tilespmem:s0+$0xC5E0] =	vst v62  }
0x28c: {  	[tilespmem:s0+$0xC5F0] =	vst v63  }
0x28d: {  	[hbm4b:s12+s3] =	stream.linear.scatter [tilespmem:s22], [sflag:$0x8], $0x2000, $0x38;
	[tilespmem:$0xE400] =	vst v63  }
0x28e: {  	_ =	swait.ge [sflag:s24], $0x2000  }
0x28f: {  	[sflag:s24] =	ssyncset.done $0x0  }
0x290: {  	[sflag:s24] =	ssyncadd.s32 $0xFFFFE000  }
0x291: {  	_ =	swait.ge [sflag:s26], $0x2000  }
0x292: {  	[sflag:s26] =	ssyncset.done $0x0  }
0x293: {  	s31 =	sadd.s32 $0x1, s31;
	[sflag:s26] =	ssyncadd.s32 $0xFFFFE000  }
0x294: {  	p0 =	sne.s32 s31, s13;
	_ =	swait.ge [sflag:s29], $0x2000  }
.Ltmp9:
0x295: {  	[sflag:s29] =	ssyncset.done $0x0;
	(pc) =	sbr.rel @p0 .LBB2_1-.Ltmp9, $4  }
0x296: {  	[sflag:s29] =	ssyncadd.s32 $0xFFFFE000  }
0x297: {  	_ =	swait.ge [sflag:s30], $0x2000  }
0x298: {  	[sflag:s30] =	ssyncset.done $0x0  }
0x299: {  	[sflag:s30] =	ssyncadd.s32 $0xFFFFE000  }
0x29a: {  	_ =	sfence.sel $0x180000  }
0x29b: {  	[bflag:$0x0] =	sbarrier.arrive $0xFFFF  }
0x29c: {  	_ =	strace $0x90000047  }
0x29d: {  	s0 =	stileid.u32;
	[bflag:$0x2] =	sbarrier.arrive $0xFFFF  }
0x29e: {  	p0 =	sne.s32 s0, $0x0;
	s0 =	rddreg [dreg:$0x2]  }
0x29f: {  	s0 =	sadd.s32 @!p0 $0x100000, s0  }
0x2a0: {  	[sflag:s0] =	ssyncadd.tile.s32 @!p0 $0x1;
	_ =	shalt  }
.Lfunc_end2:
_tile_overlayer_lowered:
.L_overlay_start_2:
0x2a1: {  	(tag) =	ssettag $0x2  }
0x2a2: {  	s0 =	rddreg [dreg:$0x0];
	s2 =	stileid.u32  }
0x2a3: {  	s1 =	rddreg [dreg:$0x1];
	p0 =	sne.s32 s2, $0x0  }
0x2a4: {  	s3 =	rddreg [dreg:$0x2];
	[bflag:$0x3] =	sbarrier.arrive $0xFFFF;
	s2 =	simm.s32 @!p0 $0x1C09  }
0x2a5: {  	[timem:s3], [sflag:s2] =	dma.local @!p0 [hbm:s0], s1  }
0x2a6: {  	s0 =	simm.s32 @!p0 $0x9  }
0x2a7: {  	_ =	swait.ge @!p0 [sflag:s0], s1  }
0x2a8: {  	s1 =	ssub.s32 @!p0 $0x0, s1;
	[sflag:s0] =	ssyncset.done @!p0 $0x0  }
0x2a9: {  	[sflag:s0] =	ssyncadd.s32 @!p0 s1  }
0x2aa: {  	[bflag:$0x3] =	sbarrier.arrive $0xFFFF  }
0x2ab: {  	_ =	shalt  }

// kernel: sparse-core-data-format-call.cloned.1.call-start
scs
called_computation_lowered:
.L_overlay_start_0:
0x0: {  	s2 =	sld [smem:$0x3FD9]  }
0x1: {  	s3 =	sld [smem:$0x3FFE];
	_ =	sdelay $0x1  }
0x2: {  	s1 =	srdreg.scid  }
0x3: {  	s0 =	sand.u32 $0x1, s1  }
0x4: {  	s18 =	sshll.u32 s0, $0xA;
	s2 =	sadd.s32 s3, s2  }
0x5: {  	s2 =	sadd.s32 s2, s18  }
0x6: {  	[smem:$0x3FC6] =	sst s2  }
0x7: {  	_ = 	snop  }
0x8: {  	s2 =	sld [smem:$0x3FD0];
	(tm) =	ssettm $0x1  }
0x9: {  	s19 =	sld [smem:$0x3FFB];
	_ =	sdelay $0x3  }
0xa: {  	_ =	strace s19  }
0xb: {  	s3 =	sld [smem:$0x3FFC];
	_ =	sdelay $0x3  }
0xc: {  	_ =	strace s3  }
0xd: {  	s3 =	sld [smem:$0x3FFD];
	_ =	sdelay $0x3  }
0xe: {  	_ =	strace s3  }
0xf: {  	_ =	strace $0x8FFFFFFF  }
0x10: {  	s20 =	sld [smem:$0x3FDB];
	_ =	sdelay $0x1  }
0x11: {  	s4 =	simm.s32 $_scs_section_size  }
0x12: {  	s5 =	simm.s32 $_size__tile_overlayer_lowered;
	s6 =	simm.s32 $_tile_overlayer_lowered  }
0x13: {  	s23 =	simm.s32 $0x1BFF;
	s22 =	sshll.u32 s6, $0x1;
	s3 =	sadd.s32 s4, s20  }
0x14: {  	s7 =	simm.s32 $0x0;
	s21 =	sshll.u32 s5, $0x1;
	s5 =	sadd.s32 s22, s3  }
0x15: {  	[timem:s7], [sflag:s23] =	dma.local [hbm:s5], s21  }
0x16: {  	_ =	swait.ge [sflag:s23], s21  }
0x17: {  	s4 =	ssub.s32 $0x0, s21;
	[sflag:s23] =	ssyncset.done $0x0  }
0x18: {  	[sflag:s23] =	ssyncadd.s32 s4;
	_ =	sdelay $0x1  }
0x19: {  	s24 =	simm.s32 $0x1B8B  }
0x1a: {  	_ =	swait.ge [sflag:s24], $0x1  }
0x1b: {  	[sflag:s24] =	ssyncset.done $0x0  }
0x1c: {  	s26 =	simm.s32 $0x1B8E;
	s25 =	sld [smem:$0x3FFE];
	[sflag:s24] =	ssyncadd.s32 $0xFFFFFFFF  }
0x1d: {  	s27 =	simm.s32 $execute0_lowered;
	[smem:$0x3FD2] =	sst s26  }
0x1e: {  	s5 =	sshll.u32 s27, $0x1;
	_ =	strace $0x80000049;
	[dreg:$0x1] =	wrdreg $0xFFFFFFFF  }
0x1f: {  	s28 =	simm.s32 $_size_execute0_lowered;
	s3 =	sadd.s32 s3, s5;
	[dreg:$0x0] =	wrdreg $0x0  }
0x20: {  	s5 =	sshll.u32 s28, $0x1;
	[dreg:$0x2] =	wrdreg s3  }
0x21: {  	[dreg:$0x3] =	wrdreg s5  }
0x22: {  	[dreg:$0x4] =	wrdreg $0xC0  }
0x23: {  	_ =	task [dreg:s7], $0x5FFFF  }
0x24: {  	[dreg:$0x1] =	wrdreg $0xFFFFFFFF  }
0x25: {  	[dreg:$0x0] =	wrdreg $0x60  }
0x26: {  	[dreg:$0x2] =	wrdreg s25  }
0x27: {  	[dreg:$0x3] =	wrdreg s2  }
0x28: {  	[dreg:$0x4] =	wrdreg $0x9  }
0x29: {  	_ =	task.clear_ibuf [dreg:s7], $0x5FFFF;
	_ =	strace $0x90000049  }
0x2a: {  	s29 =	simm.s32 $0x9;
	_ =	strace $0x8000004B  }
0x2b: {  	_ =	swait.ge [sflag:s29], $0x1  }
0x2c: {  	[sflag:s29] =	ssyncadd.s32 $0xFFFFFFFF  }
0x2d: {  	_ =	strace $0x9000004B  }
0x2e: {  	_ =	sfence  }
0x2f: {  	s30 =	sld [smem:$0x0];
	_ =	sdelay $0x2  }
0x30: {  	s31 =	sshll.u32 s1, $0xD;
	s1 =	sshrl.u32 s1, $0x2  }
0x31: {  	s3 =	sand.u32 $0x4000, s31;
	s1 =	sadd.s32 s1, s30  }
0x32: {  	s0 =	sor.u32 s3, s0;
	s1 =	sshll.u32 s1, $0x11  }
0x33: {  	s0 =	sor.u32 s1, s0  }
0x34: {  	s0 =	sadd.s32 $0x8F2B, s0  }
0x35: {  	[sflag:s0] =	ssyncadd.remote.s32 $0x1  }
0x36: {  	_ =	sfence.sel $0xFFFF  }
0x37: {  	[dreg:$0x0] =	wrdreg $0xFFFFFFFF;
	(pc) =	sbr.abs _section_cstart, $3  }
0x38: {  	[dreg:$0x1] =	wrdreg $0xFFFFFFFF  }
0x39: {  	_ =	task.clear_ibuf [dreg:s7], $0x2FFFF;
	_ =	strace $0x9FFFFFFF  }
0x3a: {  	(tm) =	ssettm $0x7FFFFFFF  }
0x3b: {  	_ =	shalt  }
tec
execute0_lowered:
.L_overlay_start_1:
0x0: {  	(tag) =	ssettag $0x1  }
0x1: {  	s0 =	srdreg.scid  }
0x2: {  	s1 =	sshll.u32 s0, $0x4  }
0x3: {  	s0 =	stileid.u32;
	s1 =	sand.u32 $0x10, s1  }
0x4: {  	s1 =	sor.u32 s0, s1  }
0x5: {  	s6 =	rddreg [dreg:$0x0];
	s4 =	simm.s32 $0x1;
	s2 =	sshll.u32 s1, $0x7  }
0x6: {  	s7 =	simm.s32 $0x2;
	s12 =	simm.s32 $0x0;
	s1 =	ssub.s32 $0x1000, s2  }
0x7: {  	s8 =	simm.s32 $0x8000;
	s13 =	simm.s32 $0x0;
	s3 =	sand.u32 $0xF80, s1  }
0x8: {  	s9 =	simm.s32 $0x0;
	s5 =	sshrl.u32 s1, $0xC;
	p0 =	sne.s32 s3, $0x0  }
.Ltmp0:
0x9: {  	s1 =	rddreg [dreg:$0x2];
	s4 =	simm.s32 @!p0 $0x0;
	(pc) =	sbr.rel .LBB1_1-.Ltmp0, $4  }
0xa: {  	s11 =	simm.s32 $0x0;
	s3 =	rddreg [dreg:$0x1];
	s5 =	sadd.s32 s4, s5  }
0xb: {  	_ =	strace $0x8000004A;
	s4 =	simm.s32 $0x1;
	s5 =	smul.u32 $0xC8, s5  }
0xc: {  	s6 =	sadd.s32 $0xA00, s6;
	s10 =	smov.u32 s2;
	[sflag:s4] =	ssyncpa.u1 $0x0  }
0xd: {  	p0 =	por $0x0, $0x0;
	[sflag:s7] =	ssyncpa.u1 $0x0;
	s7 =	sor.u32 $0x1, s5  }
.LBB1_4:
0xe: {  	s16 =	sshll.u32 s13, $0x3;
	s17 =	sand.u32 $0x78, s13  }
0xf: {  	s30 =	sand.u32 $0x7E00, s13;
	s12 =	sshll.u32 s12, $0xF;
	s16 =	sand.u32 $0xC00, s16  }
0x10: {  	[tilespmem:s15+$0x810 ss:$0x81] =	vst.msk $0xffff, v2;
	s31 =	sand.u32 $0x7, s13;
	s16 =	sor.u32 s17, s16;
	s17 =	sadd.s32 s3, s30  }
0x11: {  	[tilespmem:s15+$0x1020 ss:$0x81] =	vst.msk $0xffff, v0;
	s13 =	sshll.u32 s31, $0x12;
	s12 =	sadd.s32 s12, s17;
	s16 =	sshrl.u32 s16, $0x3  }
0x12: {  	[tilespmem:s15+$0x0 ss:$0x81] =	vst.msk $0xffff, v1;
	s13 =	sor.u32 $0x400, s13;
	s12 =	sadd.s32 s16, s12  }
0x13: {  	[hbm4b:s12+s13] =	stream.strided.scatter [tilespmem:s14], [sflag:$0x2], $0x2000, s8, s13, $0x20;
	[tilespmem:$0x8080] =	vst v63  }
.LBB1_5:
0x14: {  	s14 =	sadd.s32 $0x1, s9  }
0x15: {  	s12 =	sadd.s32 $0x1000, s10;
	s16 =	smov.u32 s10;
	p2 =	sgt.s32 s14, $0xC7  }
0x16: {  	s16 =	smov.u32 @p2 s12  }
0x17: {  	s14 =	simm.s32 @p2 $0x0;
	p2 =	sgt.s32 s16, $0xFFF  }
0x18: {  	s16 =	smov.u32 @p2 s2;
	p2 =	sne.s32 s11, s7  }
.Ltmp1:
0x19: {  	p1 =	slt.u32 s11, $0x2;
	(pc) =	sbr.rel @!p2 .LBB1_6-.Ltmp1, $4  }
0x1a: {  	s15 =	simm.s32 @!p1 $0x2  }
0x1b: {  	s13 =	smov.u32 s10;
	p0 =	por !p0, !p0;
	_ =	swait.ge @!p1 [sflag:s15], $0x2000  }
0x1c: {  	s12 =	smov.u32 s9;
	[sflag:s15] =	ssyncset.done @!p1 $0x0;
	s9 =	smov.u32 s14  }
0x1d: {  	s11 =	sadd.s32 $0x1, s11;
	[sflag:s15] =	ssyncadd.s32 @!p1 $0xFFFFE000;
	s10 =	smov.u32 s16  }
.LBB1_1:
0x1e: {  	p1 =	sge.u32 s11, s5  }
0x1f: {  	s14 =	sand.u32 @!p1 $0x1FFFFFF, s9  }
0x20: {  	s15 =	smulhi.u32 @!p1 $0x147AE15, s14;
	_ =	sdelay $0x1  }
0x21: {  	s15 =	smul.u32 @!p1 $0xC8, s15  }
0x22: {  	s16 =	sxor.u32 @!p1 $0xFFFFFFFF, s11;
	s17 =	smul.u32 @!p1 $0xC80, s10  }
0x23: {  	s31 =	sadd.s32 $0xFFFFFFFF, s11;
	s16 =	sshll.u32 @!p1 s16, $0xD;
	s14 =	ssub.s32 @!p1 s14, s15  }
0x24: {  	s15 =	sand.u32 @!p1 $0x2000, s16;
	s16 =	sadd.s32 @!p1 s6, s17;
	s14 =	sshll.u32 @!p1 s14, $0x4  }
0x25: {  	s17 =	simm.s32 @!p1 $0x6400;
	s14 =	sadd.s32 @!p1 s14, s16;
	s16 =	simm.s32 @!p1 $0x40  }
0x26: {  	[tilespmem:s15], [sflag:$0x1] =	stream.strided.gather @!p1 [hbm4b:s14+s16], $0x2000, s17, s16, $0x38;
	[tilespmem:$0x8080] =	vst v63  }
0x27: {  	p1 =	sge.u32 s31, s5  }
.Ltmp2:
0x28: {  	_ = 	snop;
	(pc) =	sbr.rel @p1 .LBB1_5-.Ltmp2, $1  }
0x29: {  	_ =	sdelay $0x3  }
0x2a: {  	s14 =	simm.s32 $0x1  }
0x2b: {  	_ =	swait.ge [sflag:s4], $0x2000;
	s14 =	simm.s32 @!p0 $0x0  }
0x2c: {  	[sflag:s4] =	ssyncset.done $0x0;
	s15 =	sshll.u32 s14, $0xD  }
0x2d: {  	[sflag:s4] =	ssyncadd.s32 $0xFFFFE000;
	s18 =	sor.u32 $0x20, s15  }
0x2e: {  	s14 =	smul.u32 $0x8100, s14;
	v3 =	vld [tilespmem:s18+$0x10]  }
0x2f: {  	s30 =	sand.u32 $0x1, s11;
	v2 =	vld [tilespmem:s18+$0xFFFFFFF0]  }
0x30: {  	s15 =	smul.u32 $0x8100, s30;
	s14 =	sshrl.u32 s14, $0x2;
	v0 =	vld [tilespmem:s18+$0x0]  }
0x31: {  	v1 =	vld [tilespmem:s18+$0xFFFFFFE0];
	s16 =	sor.u32 $0x4000, s14  }
0x32: {  	s31 =	sshrl.u32 s15, $0x2;
	s15 =	sadd.s32 $0x0, s16  }
0x33: {  	s17 =	simm.s32 $0x4;
	s18 =	sadd.s32 $0x40, s18;
	s14 =	sor.u32 $0x4000, s31;
	[tilespmem:s15+$0x1830 ss:$0x81] =	vst.msk $0xffff, v3  }
.LBB1_3:
0x34: {  	v3 =	vld [tilespmem:s18+$0x10];
	p1 =	sne.s32 s17, $0x1FC;
	[tilespmem:s15+$0x810 ss:$0x81] =	vst.msk $0xffff, v2;
	s19 =	smov.u32 s17;
	s17 =	sadd.s32 $0x4, s17  }
.Ltmp3:
0x35: {  	v2 =	vld [tilespmem:s18+$0xFFFFFFF0];
	[tilespmem:s15+$0x1020 ss:$0x81] =	vst.msk $0xffff, v0;
	(pc) =	sbr.rel @p1 .LBB1_3-.Ltmp3, $4  }
0x36: {  	v0 =	vld [tilespmem:s18+$0x0];
	[tilespmem:s15+$0x0 ss:$0x81] =	vst.msk $0xffff, v1  }
0x37: {  	s15 =	sshra.s32 s19, $0x2;
	v1 =	vld [tilespmem:s18+$0xFFFFFFE0]  }
0x38: {  	s15 =	sadd.s32 s15, s16  }
0x39: {  	s18 =	sadd.s32 $0x40, s18;
	[tilespmem:s15+$0x1830 ss:$0x81] =	vst.msk $0xffff, v3  }
.Ltmp4:
0x3a: {  	_ = 	snop;
	(pc) =	sbr.rel .LBB1_4-.Ltmp4, $1  }
0x3b: {  	_ =	sdelay $0x3  }
.LBB1_6:
0x3c: {  	_ =	sfence.sel $0x180000  }
0x3d: {  	s2 =	simm.s32 $0x1;
	[bflag:$0x0] =	sbarrier.arrive $0xFFFF  }
0x3e: {  	s31 =	simm.s32 $0x2;
	[sflag:s2] =	ssyncpa.u1 $0x1  }
0x3f: {  	[sflag:s31] =	ssyncpa.u1 $0x1  }
0x40: {  	p0 =	sne.s32 s0, $0x0;
	_ =	strace $0x9000004A  }
0x41: {  	s0 =	sadd.s32 @!p0 $0x100000, s1;
	[bflag:$0x2] =	sbarrier.arrive $0xFFFF  }
0x42: {  	[sflag:s0] =	ssyncadd.tile.s32 @!p0 $0x1;
	_ =	shalt  }
.Lfunc_end1:
_tile_overlayer_lowered:
.L_overlay_start_2:
0x43: {  	(tag) =	ssettag $0x2  }
0x44: {  	s0 =	rddreg [dreg:$0x0];
	s2 =	stileid.u32  }
0x45: {  	s1 =	rddreg [dreg:$0x1];
	p0 =	sne.s32 s2, $0x0  }
0x46: {  	s3 =	rddreg [dreg:$0x2];
	[bflag:$0x3] =	sbarrier.arrive $0xFFFF;
	s2 =	simm.s32 @!p0 $0x1C01  }
0x47: {  	[timem:s3], [sflag:s2] =	dma.local @!p0 [hbm:s0], s1  }
0x48: {  	s0 =	simm.s32 @!p0 $0x1  }
0x49: {  	_ =	swait.ge @!p0 [sflag:s0], s1  }
0x4a: {  	s1 =	ssub.s32 @!p0 $0x0, s1;
	[sflag:s0] =	ssyncset.done @!p0 $0x0  }
0x4b: {  	[sflag:s0] =	ssyncadd.s32 @!p0 s1  }
0x4c: {  	[bflag:$0x3] =	sbarrier.arrive $0xFFFF  }
0x4d: {  	_ =	shalt  }

</sc_bundles>
